<compile_context>
chip_gen: v7x
topology: tpu7x:2x2x1
jax: 0.10.2.dev20260603
libtpu: 0.0.44.dev20260713+nightly
codegen_flags: <defaults>
</compile_context>

<pallas_src>
import functools

import jax
import jax.numpy as jnp
from jax import lax
from jax.experimental import pallas as pl
from jax.experimental.pallas import tpu as pltpu
from jax.experimental.pallas import tpu_sc as plsc

E = 64
K = 6
H = 128
M = 80
MS = 160
N = 2048
P = N * K
T = 128
NB = 160
PADN = NB * T
NW = 32
CPW = P // NW
TPW = N // NW


def _silu(x):
    return x * jax.nn.sigmoid(x)


def _shared_body(x_ref, ws1_ref, ws2_ref, ws3_ref, shared_ref):
    xb = x_ref[...].astype(jnp.bfloat16)
    g = jnp.dot(xb, ws1_ref[...].astype(jnp.bfloat16),
                preferred_element_type=jnp.float32)
    u = jnp.dot(xb, ws2_ref[...].astype(jnp.bfloat16),
                preferred_element_type=jnp.float32)
    shared_ref[...] = jnp.dot(
        (_silu(g) * u).astype(jnp.bfloat16),
        ws3_ref[...].astype(jnp.bfloat16),
        preferred_element_type=jnp.float32)


def _shared(x, Ws1, Ws2, Ws3):
    return pl.pallas_call(
        _shared_body,
        out_shape=jax.ShapeDtypeStruct((N, H), jnp.float32),
    )(x, Ws1, Ws2, Ws3)


def _gate_body(x_ref, wg_ref, wp_ref, dstp_ref, be_ref):
    x = x_ref[...]
    logits = jax.lax.dot_general(
        x, wg_ref[...], (((1,), (1,)), ((), ())),
        preferred_element_type=jnp.float32)
    mx = jnp.max(logits, axis=-1, keepdims=True)
    p = jnp.exp(logits - mx)
    scores = p / jnp.sum(p, axis=-1, keepdims=True)

    lane = jax.lax.broadcasted_iota(jnp.int32, (N, E), 1)
    work = scores
    total = jnp.zeros((N, 1), jnp.float32)
    picks = []
    vals = []
    for _ in range(K):
        mval = jnp.max(work, axis=-1, keepdims=True)
        ismax = work == mval
        first = jnp.min(jnp.where(ismax, lane, E), axis=-1, keepdims=True)
        pick = lane == first
        picks.append(pick)
        vals.append(mval)
        total = total + mval
        work = jnp.where(pick, -1.0, work)
    sel = jnp.where(work < 0.0, 1.0, 0.0)
    inv_total = 1.0 / (total + 1e-20)
    lanes16 = jnp.ones((1, 16), jnp.float32)
    wp_ref[...] = jnp.concatenate(
        [(v * inv_total) * lanes16 for v in vals], axis=1)

    ones_row = jnp.ones((8, N), jnp.float32)
    c_e = jax.lax.dot_general(
        ones_row, sel, (((1,), (0,)), ((), ())),
        preferred_element_type=jnp.float32)[0:1]
    pad_e = jnp.floor((c_e + (T - 1)) * (1.0 / T)) * T
    lane_e = jax.lax.broadcasted_iota(jnp.int32, (E, E), 0)
    lane_f = jax.lax.broadcasted_iota(jnp.int32, (E, E), 1)
    upper = jnp.where(lane_e < lane_f, 1.0, 0.0)
    start = jax.lax.dot_general(
        pad_e, upper, (((1,), (0,)), ((), ())),
        preferred_element_type=jnp.float32)
    cum_incl = start + pad_e

    r = jax.lax.broadcasted_iota(jnp.int32, (T, T), 0)
    c = jax.lax.broadcasted_iota(jnp.int32, (T, T), 1)
    tril = jnp.where(r > c, 1.0, 0.0)
    blocks = []
    carry = jnp.zeros((1, E), jnp.float32)
    for b in range(N // T):
        sblk = sel[b * T:(b + 1) * T, :]
        rblk = jax.lax.dot_general(
            tril, sblk, (((1,), (0,)), ((), ())),
            preferred_element_type=jnp.float32) + carry
        blocks.append(rblk)
        carry = carry + jax.lax.dot_general(
            jnp.ones((1, T), jnp.float32), sblk, (((1,), (0,)), ((), ())),
            preferred_element_type=jnp.float32)
    rank = jnp.concatenate(blocks, axis=0)
    dst_mat = start + rank

    dcols = []
    for k in range(K):
        dcols.append(jnp.sum(jnp.where(picks[k], dst_mat, 0.0), axis=-1,
                             keepdims=True))
    dstp_ref[...] = jnp.concatenate(dcols, axis=1).astype(jnp.int32)

    bidx = (jax.lax.broadcasted_iota(jnp.int32, (8, 128), 0) * 128
            + jax.lax.broadcasted_iota(jnp.int32, (8, 128), 1))
    bpos = bidx.astype(jnp.float32) * float(T)
    be = jnp.zeros((8, 128), jnp.int32)
    for e in range(E):
        be = be + jnp.where(bpos >= cum_incl[0, e], 1, 0)
    nb_used = (cum_incl[0, E - 1] * (1.0 / T)).astype(jnp.int32)
    be_ref[...] = jnp.where(bidx == 1023, nb_used, jnp.minimum(be, E - 1))


def _gate(x, Wg):
    return pl.pallas_call(
        _gate_body,
        out_shape=[
            jax.ShapeDtypeStruct((N, K * 16), jnp.float32),
            jax.ShapeDtypeStruct((N, K), jnp.int32),
            jax.ShapeDtypeStruct((8, 128), jnp.int32),
        ],
    )(x, Wg)


def _dispatch_body(x_hbm, tok_hbm, dst_hbm, xs_hbm,
                   tok_v, dst_v, rows_v, gsem, ssem):
    wid = lax.axis_index("s") * 2 + lax.axis_index("c")
    c1 = pltpu.async_copy(tok_hbm.at[wid], tok_v, ssem)
    c2 = pltpu.async_copy(dst_hbm.at[wid], dst_v, ssem)
    c1.wait()
    c2.wait()
    nj = CPW // 128
    gathers = [pltpu.async_copy(x_hbm.at[tok_v.at[j]],
                                rows_v.at[pl.ds(j * 128, 128)], gsem)
               for j in range(nj)]
    scatters = []
    for j in range(nj):
        gathers[j].wait()
        scatters.append(
            pltpu.async_copy(rows_v.at[pl.ds(j * 128, 128)],
                             xs_hbm.at[dst_v.at[j]], ssem))
    for s in scatters:
        s.wait()


def _dispatch(x, tok3, dst3):
    mesh = plsc.VectorSubcoreMesh(core_axis_name="c", subcore_axis_name="s")
    f = functools.partial(
        pl.kernel, mesh=mesh,
        out_type=jax.ShapeDtypeStruct((PADN, H), jnp.float32),
        scratch_types=[
            pltpu.VMEM((CPW // 128, 128), jnp.int32),
            pltpu.VMEM((CPW // 128, 128), jnp.int32),
            pltpu.VMEM((CPW, H), jnp.float32),
            pltpu.SemaphoreType.DMA,
            pltpu.SemaphoreType.DMA,
        ],
    )(_dispatch_body)
    return f(x, tok3, dst3)


BPG = 8


def _gemm_body(be_ref, xs_ref, w1_ref, w2_ref, w3_ref, ys_ref):
    i = pl.program_id(0)

    @pl.when(i * BPG < be_ref[1023])
    def _():
        xall = xs_ref[...].astype(jnp.bfloat16)
        gs, us, es = [], [], []
        for sub in range(BPG):
            e = be_ref[i * BPG + sub]
            xb = xall[sub * T:(sub + 1) * T, :]
            gs.append(jnp.dot(xb, w1_ref[e],
                              preferred_element_type=jnp.float32))
            us.append(jnp.dot(xb, w2_ref[e],
                              preferred_element_type=jnp.float32))
            es.append(e)
        for sub in range(BPG):
            a = (_silu(gs[sub]) * us[sub]).astype(jnp.bfloat16)
            ys_ref[sub * T:(sub + 1) * T, :] = jnp.dot(
                a, w3_ref[es[sub]], preferred_element_type=jnp.float32)


def _grouped_gemm(be, xs, W1b, W2b, W3b):
    grid_spec = pltpu.PrefetchScalarGridSpec(
        num_scalar_prefetch=1,
        grid=(NB // BPG,),
        in_specs=[
            pl.BlockSpec((BPG * T, H), lambda i, be: (i, 0)),
            pl.BlockSpec((E, H, M), lambda i, be: (0, 0, 0)),
            pl.BlockSpec((E, H, M), lambda i, be: (0, 0, 0)),
            pl.BlockSpec((E, M, H), lambda i, be: (0, 0, 0)),
        ],
        out_specs=pl.BlockSpec((BPG * T, H), lambda i, be: (i, 0)),
    )
    return pl.pallas_call(
        _gemm_body,
        grid_spec=grid_spec,
        out_shape=jax.ShapeDtypeStruct((PADN, H), jnp.float32),
        compiler_params=pltpu.CompilerParams(
            dimension_semantics=("arbitrary",)),
    )(be, xs, W1b, W2b, W3b)


def _combine_body(ys_hbm, dst_hbm, w_hbm, sh_hbm, y_hbm,
                  dst_v, w_v, rows_v, out_v, sem):
    wid = lax.axis_index("s") * 2 + lax.axis_index("c")
    c1 = pltpu.async_copy(dst_hbm.at[wid], dst_v, sem)
    c2 = pltpu.async_copy(w_hbm.at[wid], w_v, sem)
    c3 = pltpu.async_copy(sh_hbm.at[pl.ds(wid * TPW, TPW)], out_v, sem)
    c1.wait()
    c2.wait()
    c3.wait()
    gathers = [pltpu.async_copy(ys_hbm.at[dst_v.at[j]],
                                rows_v.at[pl.ds(j * 128, 128)], sem)
               for j in range(CPW // 128)]

    def tok_body(t, _):
        vs = [out_v[t, pl.ds(16 * j, 16)] for j in range(H // 16)]
        for k in range(K):
            p = t * K + k
            wv = w_v[p, :]
            for j in range(H // 16):
                vs[j] = vs[j] + wv * rows_v[p, pl.ds(16 * j, 16)]
        for j in range(H // 16):
            out_v[t, pl.ds(16 * j, 16)] = vs[j]
        return 0

    bounds = [0, 21, 42, TPW]
    for j in range(CPW // 128):
        gathers[j].wait()
        lax.fori_loop(bounds[j], bounds[j + 1], tok_body, 0)
    pltpu.sync_copy(out_v, y_hbm.at[pl.ds(wid * TPW, TPW)])


def _combine(ys, dst3, wflat, shared):
    mesh = plsc.VectorSubcoreMesh(core_axis_name="c", subcore_axis_name="s")
    f = functools.partial(
        pl.kernel, mesh=mesh,
        out_type=jax.ShapeDtypeStruct((N, H), jnp.float32),
        scratch_types=[
            pltpu.VMEM((CPW // 128, 128), jnp.int32),
            pltpu.VMEM((CPW, 16), jnp.float32),
            pltpu.VMEM((CPW, H), jnp.float32),
            pltpu.VMEM((TPW, H), jnp.float32),
            pltpu.SemaphoreType.DMA,
        ],
    )(_combine_body)
    return f(ys, dst3, wflat, shared)


def kernel(hidden_states, Wg, W1, W2, W3, Ws1, Ws2, Ws3):
    B, S, h = hidden_states.shape
    x = hidden_states.reshape(N, H)
    wp, dstp, be8 = _gate(x, Wg)
    shared = _shared(x, Ws1, Ws2, Ws3)
    tok3 = (jnp.arange(P, dtype=jnp.int32) // K).reshape(NW, CPW // 128, 128)
    dst3 = dstp.reshape(NW, CPW // 128, 128)
    wrows = wp.reshape(NW, CPW, 16)
    be = be8.reshape(1024)
    xs = _dispatch(x, tok3, dst3)
    ys = _grouped_gemm(be, xs, W1.astype(jnp.bfloat16),
                       W2.astype(jnp.bfloat16), W3.astype(jnp.bfloat16))
    y = _combine(ys, dst3, wrows, shared)
    return y.reshape(B, S, h)

# --- scband reference (transcript-rebuilt; emitter-appended) ---
"""Pipeline reference for scband-deepseek-mo-e-63969242906687 (READ-ONLY COPY).

The authoritative reference and input builder live on the scoring server;
editing this copy changes nothing except your own understanding.
"""

import jax, jax.numpy as jnp
import numpy as np

E = 64      # n_routed_experts
K = 6       # num_experts_per_tok
H = 128     # hidden_size (== gating_dim for 'all_agent' mode)
M = 80      # moe_intermediate_size
MS = 160    # shared experts intermediate = 80 * 2
ALPHA = 0.001

def silu(x):
    return x * jax.nn.sigmoid(x)

def setup_inputs(seed: int = 0) -> dict:
    key = jax.random.key(seed)
    ks = jax.random.split(key, 8)
    B, S = 1, 2048
    hidden_states = jax.random.normal(ks[0], (B, S, H), dtype=jnp.float32)
    Wg  = jax.random.normal(ks[1], (E, H), dtype=jnp.float32) * 0.05   # MoEGate.linear.weight [E, gating_dim]
    W1  = jax.random.normal(ks[2], (E, H, M), dtype=jnp.float32) * 0.05  # gate_proj per expert
    W2  = jax.random.normal(ks[3], (E, H, M), dtype=jnp.float32) * 0.05  # up_proj per expert
    W3  = jax.random.normal(ks[4], (E, M, H), dtype=jnp.float32) * 0.05  # down_proj per expert
    Ws1 = jax.random.normal(ks[5], (H, MS), dtype=jnp.float32) * 0.05    # shared gate_proj
    Ws2 = jax.random.normal(ks[6], (H, MS), dtype=jnp.float32) * 0.05    # shared up_proj
    Ws3 = jax.random.normal(ks[7], (MS, H), dtype=jnp.float32) * 0.05    # shared down_proj
    return {"hidden_states": hidden_states, "Wg": Wg, "W1": W1, "W2": W2, "W3": W3,
            "Ws1": Ws1, "Ws2": Ws2, "Ws3": Ws3}

def reference(hidden_states, Wg, W1, W2, W3, Ws1, Ws2, Ws3):
    B, S, h = hidden_states.shape
    identity = hidden_states
    x = hidden_states.reshape(-1, h)  # [N, H]
    # --- MoEGate ('all_agent' mode: gate over full hidden states) ---
    logits = x @ Wg.T                 # [N, E]
    scores = jax.nn.softmax(logits, axis=-1)
    topk_w, topk_idx = jax.lax.top_k(scores, K)   # [N, K]
    # norm_topk_prob
    topk_w = topk_w / (jnp.sum(topk_w, axis=-1, keepdims=True) + 1e-20)
    # aux loss (seq_aux=False path); identity in forward (AddAuxiliaryLoss)
    mask_ce = jax.nn.one_hot(topk_idx.reshape(-1), E, dtype=jnp.float32)
    ce = mask_ce.mean(0)
    Pi = scores.mean(0)
    fi = ce * E
    aux_loss = jnp.sum(Pi * fi) * ALPHA  # noqa: F841 (forward identity)
    # --- routed experts (dense formulation, math-equivalent to masked loop) ---
    g = jnp.einsum('nh,ehm->enm', x, W1)
    u = jnp.einsum('nh,ehm->enm', x, W2)
    a = silu(g) * u
    outs = jnp.einsum('enm,emh->enh', a, W3)             # [E, N, H]
    comb = jnp.sum(jax.nn.one_hot(topk_idx, E, dtype=jnp.float32) * topk_w[..., None], axis=1)  # [N, E]
    y = jnp.einsum('ne,enh->nh', comb, outs).reshape(B, S, h)
    # --- shared experts ---
    shared = (silu(identity @ Ws1) * (identity @ Ws2)) @ Ws3
    return y + shared

if __name__ == "__main__":
    import jax
    _d = setup_inputs()
    print(jax.jit(kernel)(*tuple(_d.values())))

</pallas_src>

<mosaic_0001>
#map = affine_map<(d0, d1) -> (0, 0)>
#map1 = affine_map<(d0, d1) -> (0, 0, 0)>
module attributes {stable_mosaic.version = 14 : i64} {
  func.func @_dispatch_body(%arg0: i32, %arg1: i32, %arg2: memref<2048x128xf32, #tpu.memory_space<hbm>>, %arg3: memref<32x3x128xi32, #tpu.memory_space<hbm>>, %arg4: memref<32x3x128xi32, #tpu.memory_space<hbm>>, %arg5: memref<20480x128xf32, #tpu.memory_space<hbm>>, %arg6: memref<3x128xi32, #tpu.memory_space<vmem>>, %arg7: memref<3x128xi32, #tpu.memory_space<vmem>>, %arg8: memref<384x128xf32, #tpu.memory_space<vmem>>, %arg9: memref<!tpu.dma_semaphore, #tpu.memory_space<semaphore_mem>>, %arg10: memref<!tpu.dma_semaphore, #tpu.memory_space<semaphore_mem>>) attributes {dimension_semantics = [#tpu.dimension_semantics<core_parallel>, #tpu.dimension_semantics<subcore_parallel>], iteration_bounds = array<i64: 2, 16>, scalar_prefetch = 0 : i64, scratch_operands = 5 : i64, tpu.core_type = #tpu.core_type<sc_vector_subcore>, window_params = [{transform_indices = #map}, {transform_indices = #map1}, {transform_indices = #map1}, {transform_indices = #map}]} {
    %mul3A = arith.constant 2 : i32
    %mul3A_0 = arith.muli %arg1, %mul3A : i32
    %add3A = arith.addi %mul3A_0, %arg0 : i32
    %dma_start3A = arith.constant 0 : i32
    %dma_start3A_1 = arith.constant 0 : i32
    %dma_start3A_2 = tpu.memref_slice %arg3[%add3A, %dma_start3A, %dma_start3A_1] : memref<32x3x128xi32, #tpu.memory_space<hbm>> -> memref<1x3x128xi32, #tpu.memory_space<hbm>>
    %dma_start3A_3 = tpu.memref_squeeze %dma_start3A_2 : memref<1x3x128xi32, #tpu.memory_space<hbm>> -> memref<3x128xi32, #tpu.memory_space<hbm>>
    %dma_start3A_4 = arith.constant 0 : i32
    %dma_start3A_5 = arith.constant 0 : i32
    %dma_start3A_6 = tpu.memref_slice %arg3[%add3A, %dma_start3A_4, %dma_start3A_5] : memref<32x3x128xi32, #tpu.memory_space<hbm>> -> memref<1x3x128xi32, #tpu.memory_space<hbm>>
    %dma_start3A_7 = tpu.memref_squeeze %dma_start3A_6 : memref<1x3x128xi32, #tpu.memory_space<hbm>> -> memref<3x128xi32, #tpu.memory_space<hbm>>
    tpu.enqueue_dma source(%dma_start3A_7 : memref<3x128xi32, #tpu.memory_space<hbm>>) target(%arg6 : memref<3x128xi32, #tpu.memory_space<vmem>>) target_semaphore(%arg10 : memref<!tpu.dma_semaphore, #tpu.memory_space<semaphore_mem>>)
    %dma_start3A_8 = arith.constant 0 : i32
    %dma_start3A_9 = arith.constant 0 : i32
    %dma_start3A_10 = tpu.memref_slice %arg4[%add3A, %dma_start3A_8, %dma_start3A_9] : memref<32x3x128xi32, #tpu.memory_space<hbm>> -> memref<1x3x128xi32, #tpu.memory_space<hbm>>
    %dma_start3A_11 = tpu.memref_squeeze %dma_start3A_10 : memref<1x3x128xi32, #tpu.memory_space<hbm>> -> memref<3x128xi32, #tpu.memory_space<hbm>>
    %dma_start3A_12 = arith.constant 0 : i32
    %dma_start3A_13 = arith.constant 0 : i32
    %dma_start3A_14 = tpu.memref_slice %arg4[%add3A, %dma_start3A_12, %dma_start3A_13] : memref<32x3x128xi32, #tpu.memory_space<hbm>> -> memref<1x3x128xi32, #tpu.memory_space<hbm>>
    %dma_start3A_15 = tpu.memref_squeeze %dma_start3A_14 : memref<1x3x128xi32, #tpu.memory_space<hbm>> -> memref<3x128xi32, #tpu.memory_space<hbm>>
    tpu.enqueue_dma source(%dma_start3A_15 : memref<3x128xi32, #tpu.memory_space<hbm>>) target(%arg7 : memref<3x128xi32, #tpu.memory_space<vmem>>) target_semaphore(%arg10 : memref<!tpu.dma_semaphore, #tpu.memory_space<semaphore_mem>>)
    %dma_wait3A = arith.constant 0 : i32
    %dma_wait3A_16 = arith.constant 0 : i32
    %dma_wait3A_17 = tpu.memref_slice %arg3[%add3A, %dma_wait3A, %dma_wait3A_16] : memref<32x3x128xi32, #tpu.memory_space<hbm>> -> memref<1x3x128xi32, #tpu.memory_space<hbm>>
    %dma_wait3A_18 = tpu.memref_squeeze %dma_wait3A_17 : memref<1x3x128xi32, #tpu.memory_space<hbm>> -> memref<3x128xi32, #tpu.memory_space<hbm>>
    %dma_wait3A_19 = arith.constant 0 : i32
    %dma_wait3A_20 = arith.constant 0 : i32
    %dma_wait3A_21 = tpu.memref_slice %arg3[%add3A, %dma_wait3A_19, %dma_wait3A_20] : memref<32x3x128xi32, #tpu.memory_space<hbm>> -> memref<1x3x128xi32, #tpu.memory_space<hbm>>
    %dma_wait3A_22 = tpu.memref_squeeze %dma_wait3A_21 : memref<1x3x128xi32, #tpu.memory_space<hbm>> -> memref<3x128xi32, #tpu.memory_space<hbm>>
    tpu.wait_dma2 semaphore(%arg10 : memref<!tpu.dma_semaphore, #tpu.memory_space<semaphore_mem>>) src(%dma_wait3A_22 : memref<3x128xi32, #tpu.memory_space<hbm>>) dst(%arg6 : memref<3x128xi32, #tpu.memory_space<vmem>>)
    %dma_wait3A_23 = arith.constant 0 : i32
    %dma_wait3A_24 = arith.constant 0 : i32
    %dma_wait3A_25 = tpu.memref_slice %arg4[%add3A, %dma_wait3A_23, %dma_wait3A_24] : memref<32x3x128xi32, #tpu.memory_space<hbm>> -> memref<1x3x128xi32, #tpu.memory_space<hbm>>
    %dma_wait3A_26 = tpu.memref_squeeze %dma_wait3A_25 : memref<1x3x128xi32, #tpu.memory_space<hbm>> -> memref<3x128xi32, #tpu.memory_space<hbm>>
    %dma_wait3A_27 = arith.constant 0 : i32
    %dma_wait3A_28 = arith.constant 0 : i32
    %dma_wait3A_29 = tpu.memref_slice %arg4[%add3A, %dma_wait3A_27, %dma_wait3A_28] : memref<32x3x128xi32, #tpu.memory_space<hbm>> -> memref<1x3x128xi32, #tpu.memory_space<hbm>>
    %dma_wait3A_30 = tpu.memref_squeeze %dma_wait3A_29 : memref<1x3x128xi32, #tpu.memory_space<hbm>> -> memref<3x128xi32, #tpu.memory_space<hbm>>
    tpu.wait_dma2 semaphore(%arg10 : memref<!tpu.dma_semaphore, #tpu.memory_space<semaphore_mem>>) src(%dma_wait3A_30 : memref<3x128xi32, #tpu.memory_space<hbm>>) dst(%arg7 : memref<3x128xi32, #tpu.memory_space<vmem>>)
    %dma_start3A_31 = arith.constant 0 : i32
    %dma_start3A_32 = arith.constant 0 : i32
    %dma_start3A_33 = arith.constant 0 : i32
    %dma_start3A_34 = tpu.memref_slice %arg8[%dma_start3A_32, %dma_start3A_33] : memref<384x128xf32, #tpu.memory_space<vmem>> -> memref<128x128xf32, #tpu.memory_space<vmem>>
    %dma_start3A_35 = arith.constant 0 : i32
    %dma_start3A_36 = tpu.memref_slice %arg6[%dma_start3A_31, %dma_start3A_35] : memref<3x128xi32, #tpu.memory_space<vmem>> -> memref<1x128xi32, #tpu.memory_space<vmem>>
    %dma_start3A_37 = tpu.memref_squeeze %dma_start3A_36 : memref<1x128xi32, #tpu.memory_space<vmem>> -> memref<128xi32, #tpu.memory_space<vmem>>
    %dma_start3A_38 = arith.constant 0 : i32
    %dma_start3A_39 = arith.constant 0 : i32
    %dma_start3A_40 = tpu.memref_slice %arg2[%dma_start3A_38, %dma_start3A_39] : memref<2048x128xf32, #tpu.memory_space<hbm>> -> memref<2048x128xf32, #tpu.memory_space<hbm>>
    tpu.enqueue_indirect_dma source(%dma_start3A_40 : memref<2048x128xf32, #tpu.memory_space<hbm>>) target(%dma_start3A_34 : memref<128x128xf32, #tpu.memory_space<vmem>>) offsets(%dma_start3A_37 : memref<128xi32, #tpu.memory_space<vmem>>) semaphore(%arg9 : memref<!tpu.dma_semaphore, #tpu.memory_space<semaphore_mem>>)
    %dma_start3A_41 = arith.constant 1 : i32
    %dma_start3A_42 = arith.constant 128 : i32
    %dma_start3A_43 = arith.constant 0 : i32
    %dma_start3A_44 = tpu.memref_slice %arg8[%dma_start3A_42, %dma_start3A_43] : memref<384x128xf32, #tpu.memory_space<vmem>> -> memref<128x128xf32, #tpu.memory_space<vmem>>
    %dma_start3A_45 = arith.constant 0 : i32
    %dma_start3A_46 = tpu.memref_slice %arg6[%dma_start3A_41, %dma_start3A_45] : memref<3x128xi32, #tpu.memory_space<vmem>> -> memref<1x128xi32, #tpu.memory_space<vmem>>
    %dma_start3A_47 = tpu.memref_squeeze %dma_start3A_46 : memref<1x128xi32, #tpu.memory_space<vmem>> -> memref<128xi32, #tpu.memory_space<vmem>>
    %dma_start3A_48 = arith.constant 0 : i32
    %dma_start3A_49 = arith.constant 0 : i32
    %dma_start3A_50 = tpu.memref_slice %arg2[%dma_start3A_48, %dma_start3A_49] : memref<2048x128xf32, #tpu.memory_space<hbm>> -> memref<2048x128xf32, #tpu.memory_space<hbm>>
    tpu.enqueue_indirect_dma source(%dma_start3A_50 : memref<2048x128xf32, #tpu.memory_space<hbm>>) target(%dma_start3A_44 : memref<128x128xf32, #tpu.memory_space<vmem>>) offsets(%dma_start3A_47 : memref<128xi32, #tpu.memory_space<vmem>>) semaphore(%arg9 : memref<!tpu.dma_semaphore, #tpu.memory_space<semaphore_mem>>)
    %dma_start3A_51 = arith.constant 2 : i32
    %dma_start3A_52 = arith.constant 256 : i32
    %dma_start3A_53 = arith.constant 0 : i32
    %dma_start3A_54 = tpu.memref_slice %arg8[%dma_start3A_52, %dma_start3A_53] : memref<384x128xf32, #tpu.memory_space<vmem>> -> memref<128x128xf32, #tpu.memory_space<vmem>>
    %dma_start3A_55 = arith.constant 0 : i32
    %dma_start3A_56 = tpu.memref_slice %arg6[%dma_start3A_51, %dma_start3A_55] : memref<3x128xi32, #tpu.memory_space<vmem>> -> memref<1x128xi32, #tpu.memory_space<vmem>>
    %dma_start3A_57 = tpu.memref_squeeze %dma_start3A_56 : memref<1x128xi32, #tpu.memory_space<vmem>> -> memref<128xi32, #tpu.memory_space<vmem>>
    %dma_start3A_58 = arith.constant 0 : i32
    %dma_start3A_59 = arith.constant 0 : i32
    %dma_start3A_60 = tpu.memref_slice %arg2[%dma_start3A_58, %dma_start3A_59] : memref<2048x128xf32, #tpu.memory_space<hbm>> -> memref<2048x128xf32, #tpu.memory_space<hbm>>
    tpu.enqueue_indirect_dma source(%dma_start3A_60 : memref<2048x128xf32, #tpu.memory_space<hbm>>) target(%dma_start3A_54 : memref<128x128xf32, #tpu.memory_space<vmem>>) offsets(%dma_start3A_57 : memref<128xi32, #tpu.memory_space<vmem>>) semaphore(%arg9 : memref<!tpu.dma_semaphore, #tpu.memory_space<semaphore_mem>>)
    %dma_wait3A_61 = arith.constant 0 : i32
    %dma_wait3A_62 = arith.constant 0 : i32
    %dma_wait3A_63 = arith.constant 0 : i32
    %dma_wait3A_64 = tpu.memref_slice %arg8[%dma_wait3A_62, %dma_wait3A_63] : memref<384x128xf32, #tpu.memory_space<vmem>> -> memref<128x128xf32, #tpu.memory_space<vmem>>
    %dma_wait3A_65 = arith.constant 0 : i32
    %dma_wait3A_66 = tpu.memref_slice %arg6[%dma_wait3A_61, %dma_wait3A_65] : memref<3x128xi32, #tpu.memory_space<vmem>> -> memref<1x128xi32, #tpu.memory_space<vmem>>
    %dma_wait3A_67 = tpu.memref_squeeze %dma_wait3A_66 : memref<1x128xi32, #tpu.memory_space<vmem>> -> memref<128xi32, #tpu.memory_space<vmem>>
    %dma_wait3A_68 = arith.constant 0 : i32
    %dma_wait3A_69 = arith.constant 0 : i32
    %dma_wait3A_70 = tpu.memref_slice %arg2[%dma_wait3A_68, %dma_wait3A_69] : memref<2048x128xf32, #tpu.memory_space<hbm>> -> memref<2048x128xf32, #tpu.memory_space<hbm>>
    tpu.wait_indirect_dma semaphore(%arg9 : memref<!tpu.dma_semaphore, #tpu.memory_space<semaphore_mem>>) src(%dma_wait3A_70 : memref<2048x128xf32, #tpu.memory_space<hbm>>) dst(%dma_wait3A_64 : memref<128x128xf32, #tpu.memory_space<vmem>>)
    %dma_start3A_71 = arith.constant 0 : i32
    %dma_start3A_72 = arith.constant 0 : i32
    %dma_start3A_73 = arith.constant 0 : i32
    %dma_start3A_74 = tpu.memref_slice %arg8[%dma_start3A_72, %dma_start3A_73] : memref<384x128xf32, #tpu.memory_space<vmem>> -> memref<128x128xf32, #tpu.memory_space<vmem>>
    %dma_start3A_75 = arith.constant 0 : i32
    %dma_start3A_76 = tpu.memref_slice %arg7[%dma_start3A_71, %dma_start3A_75] : memref<3x128xi32, #tpu.memory_space<vmem>> -> memref<1x128xi32, #tpu.memory_space<vmem>>
    %dma_start3A_77 = tpu.memref_squeeze %dma_start3A_76 : memref<1x128xi32, #tpu.memory_space<vmem>> -> memref<128xi32, #tpu.memory_space<vmem>>
    %dma_start3A_78 = arith.constant 0 : i32
    %dma_start3A_79 = arith.constant 0 : i32
    %dma_start3A_80 = tpu.memref_slice %arg5[%dma_start3A_78, %dma_start3A_79] : memref<20480x128xf32, #tpu.memory_space<hbm>> -> memref<20480x128xf32, #tpu.memory_space<hbm>>
    tpu.enqueue_indirect_dma source(%dma_start3A_74 : memref<128x128xf32, #tpu.memory_space<vmem>>) target(%dma_start3A_80 : memref<20480x128xf32, #tpu.memory_space<hbm>>) offsets(%dma_start3A_77 : memref<128xi32, #tpu.memory_space<vmem>>) semaphore(%arg10 : memref<!tpu.dma_semaphore, #tpu.memory_space<semaphore_mem>>)
    %dma_wait3A_81 = arith.constant 1 : i32
    %dma_wait3A_82 = arith.constant 128 : i32
    %dma_wait3A_83 = arith.constant 0 : i32
    %dma_wait3A_84 = tpu.memref_slice %arg8[%dma_wait3A_82, %dma_wait3A_83] : memref<384x128xf32, #tpu.memory_space<vmem>> -> memref<128x128xf32, #tpu.memory_space<vmem>>
    %dma_wait3A_85 = arith.constant 0 : i32
    %dma_wait3A_86 = tpu.memref_slice %arg6[%dma_wait3A_81, %dma_wait3A_85] : memref<3x128xi32, #tpu.memory_space<vmem>> -> memref<1x128xi32, #tpu.memory_space<vmem>>
    %dma_wait3A_87 = tpu.memref_squeeze %dma_wait3A_86 : memref<1x128xi32, #tpu.memory_space<vmem>> -> memref<128xi32, #tpu.memory_space<vmem>>
    %dma_wait3A_88 = arith.constant 0 : i32
    %dma_wait3A_89 = arith.constant 0 : i32
    %dma_wait3A_90 = tpu.memref_slice %arg2[%dma_wait3A_88, %dma_wait3A_89] : memref<2048x128xf32, #tpu.memory_space<hbm>> -> memref<2048x128xf32, #tpu.memory_space<hbm>>
    tpu.wait_indirect_dma semaphore(%arg9 : memref<!tpu.dma_semaphore, #tpu.memory_space<semaphore_mem>>) src(%dma_wait3A_90 : memref<2048x128xf32, #tpu.memory_space<hbm>>) dst(%dma_wait3A_84 : memref<128x128xf32, #tpu.memory_space<vmem>>)
    %dma_start3A_91 = arith.constant 1 : i32
    %dma_start3A_92 = arith.constant 128 : i32
    %dma_start3A_93 = arith.constant 0 : i32
    %dma_start3A_94 = tpu.memref_slice %arg8[%dma_start3A_92, %dma_start3A_93] : memref<384x128xf32, #tpu.memory_space<vmem>> -> memref<128x128xf32, #tpu.memory_space<vmem>>
    %dma_start3A_95 = arith.constant 0 : i32
    %dma_start3A_96 = tpu.memref_slice %arg7[%dma_start3A_91, %dma_start3A_95] : memref<3x128xi32, #tpu.memory_space<vmem>> -> memref<1x128xi32, #tpu.memory_space<vmem>>
    %dma_start3A_97 = tpu.memref_squeeze %dma_start3A_96 : memref<1x128xi32, #tpu.memory_space<vmem>> -> memref<128xi32, #tpu.memory_space<vmem>>
    %dma_start3A_98 = arith.constant 0 : i32
    %dma_start3A_99 = arith.constant 0 : i32
    %dma_start3A_100 = tpu.memref_slice %arg5[%dma_start3A_98, %dma_start3A_99] : memref<20480x128xf32, #tpu.memory_space<hbm>> -> memref<20480x128xf32, #tpu.memory_space<hbm>>
    tpu.enqueue_indirect_dma source(%dma_start3A_94 : memref<128x128xf32, #tpu.memory_space<vmem>>) target(%dma_start3A_100 : memref<20480x128xf32, #tpu.memory_space<hbm>>) offsets(%dma_start3A_97 : memref<128xi32, #tpu.memory_space<vmem>>) semaphore(%arg10 : memref<!tpu.dma_semaphore, #tpu.memory_space<semaphore_mem>>)
    %dma_wait3A_101 = arith.constant 2 : i32
    %dma_wait3A_102 = arith.constant 256 : i32
    %dma_wait3A_103 = arith.constant 0 : i32
    %dma_wait3A_104 = tpu.memref_slice %arg8[%dma_wait3A_102, %dma_wait3A_103] : memref<384x128xf32, #tpu.memory_space<vmem>> -> memref<128x128xf32, #tpu.memory_space<vmem>>
    %dma_wait3A_105 = arith.constant 0 : i32
    %dma_wait3A_106 = tpu.memref_slice %arg6[%dma_wait3A_101, %dma_wait3A_105] : memref<3x128xi32, #tpu.memory_space<vmem>> -> memref<1x128xi32, #tpu.memory_space<vmem>>
    %dma_wait3A_107 = tpu.memref_squeeze %dma_wait3A_106 : memref<1x128xi32, #tpu.memory_space<vmem>> -> memref<128xi32, #tpu.memory_space<vmem>>
    %dma_wait3A_108 = arith.constant 0 : i32
    %dma_wait3A_109 = arith.constant 0 : i32
    %dma_wait3A_110 = tpu.memref_slice %arg2[%dma_wait3A_108, %dma_wait3A_109] : memref<2048x128xf32, #tpu.memory_space<hbm>> -> memref<2048x128xf32, #tpu.memory_space<hbm>>
    tpu.wait_indirect_dma semaphore(%arg9 : memref<!tpu.dma_semaphore, #tpu.memory_space<semaphore_mem>>) src(%dma_wait3A_110 : memref<2048x128xf32, #tpu.memory_space<hbm>>) dst(%dma_wait3A_104 : memref<128x128xf32, #tpu.memory_space<vmem>>)
    %dma_start3A_111 = arith.constant 2 : i32
    %dma_start3A_112 = arith.constant 256 : i32
    %dma_start3A_113 = arith.constant 0 : i32
    %dma_start3A_114 = tpu.memref_slice %arg8[%dma_start3A_112, %dma_start3A_113] : memref<384x128xf32, #tpu.memory_space<vmem>> -> memref<128x128xf32, #tpu.memory_space<vmem>>
    %dma_start3A_115 = arith.constant 0 : i32
    %dma_start3A_116 = tpu.memref_slice %arg7[%dma_start3A_111, %dma_start3A_115] : memref<3x128xi32, #tpu.memory_space<vmem>> -> memref<1x128xi32, #tpu.memory_space<vmem>>
    %dma_start3A_117 = tpu.memref_squeeze %dma_start3A_116 : memref<1x128xi32, #tpu.memory_space<vmem>> -> memref<128xi32, #tpu.memory_space<vmem>>
    %dma_start3A_118 = arith.constant 0 : i32
    %dma_start3A_119 = arith.constant 0 : i32
    %dma_start3A_120 = tpu.memref_slice %arg5[%dma_start3A_118, %dma_start3A_119] : memref<20480x128xf32, #tpu.memory_space<hbm>> -> memref<20480x128xf32, #tpu.memory_space<hbm>>
    tpu.enqueue_indirect_dma source(%dma_start3A_114 : memref<128x128xf32, #tpu.memory_space<vmem>>) target(%dma_start3A_120 : memref<20480x128xf32, #tpu.memory_space<hbm>>) offsets(%dma_start3A_117 : memref<128xi32, #tpu.memory_space<vmem>>) semaphore(%arg10 : memref<!tpu.dma_semaphore, #tpu.memory_space<semaphore_mem>>)
    %dma_wait3A_121 = arith.constant 0 : i32
    %dma_wait3A_122 = arith.constant 0 : i32
    %dma_wait3A_123 = arith.constant 0 : i32
    %dma_wait3A_124 = tpu.memref_slice %arg8[%dma_wait3A_122, %dma_wait3A_123] : memref<384x128xf32, #tpu.memory_space<vmem>> -> memref<128x128xf32, #tpu.memory_space<vmem>>
    %dma_wait3A_125 = arith.constant 0 : i32
    %dma_wait3A_126 = tpu.memref_slice %arg7[%dma_wait3A_121, %dma_wait3A_125] : memref<3x128xi32, #tpu.memory_space<vmem>> -> memref<1x128xi32, #tpu.memory_space<vmem>>
    %dma_wait3A_127 = tpu.memref_squeeze %dma_wait3A_126 : memref<1x128xi32, #tpu.memory_space<vmem>> -> memref<128xi32, #tpu.memory_space<vmem>>
    %dma_wait3A_128 = arith.constant 0 : i32
    %dma_wait3A_129 = arith.constant 0 : i32
    %dma_wait3A_130 = tpu.memref_slice %arg5[%dma_wait3A_128, %dma_wait3A_129] : memref<20480x128xf32, #tpu.memory_space<hbm>> -> memref<20480x128xf32, #tpu.memory_space<hbm>>
    tpu.wait_indirect_dma semaphore(%arg10 : memref<!tpu.dma_semaphore, #tpu.memory_space<semaphore_mem>>) src(%dma_wait3A_124 : memref<128x128xf32, #tpu.memory_space<vmem>>) dst(%dma_wait3A_130 : memref<20480x128xf32, #tpu.memory_space<hbm>>)
    %dma_wait3A_131 = arith.constant 1 : i32
    %dma_wait3A_132 = arith.constant 128 : i32
    %dma_wait3A_133 = arith.constant 0 : i32
    %dma_wait3A_134 = tpu.memref_slice %arg8[%dma_wait3A_132, %dma_wait3A_133] : memref<384x128xf32, #tpu.memory_space<vmem>> -> memref<128x128xf32, #tpu.memory_space<vmem>>
    %dma_wait3A_135 = arith.constant 0 : i32
    %dma_wait3A_136 = tpu.memref_slice %arg7[%dma_wait3A_131, %dma_wait3A_135] : memref<3x128xi32, #tpu.memory_space<vmem>> -> memref<1x128xi32, #tpu.memory_space<vmem>>
    %dma_wait3A_137 = tpu.memref_squeeze %dma_wait3A_136 : memref<1x128xi32, #tpu.memory_space<vmem>> -> memref<128xi32, #tpu.memory_space<vmem>>
    %dma_wait3A_138 = arith.constant 0 : i32
    %dma_wait3A_139 = arith.constant 0 : i32
    %dma_wait3A_140 = tpu.memref_slice %arg5[%dma_wait3A_138, %dma_wait3A_139] : memref<20480x128xf32, #tpu.memory_space<hbm>> -> memref<20480x128xf32, #tpu.memory_space<hbm>>
    tpu.wait_indirect_dma semaphore(%arg10 : memref<!tpu.dma_semaphore, #tpu.memory_space<semaphore_mem>>) src(%dma_wait3A_134 : memref<128x128xf32, #tpu.memory_space<vmem>>) dst(%dma_wait3A_140 : memref<20480x128xf32, #tpu.memory_space<hbm>>)
    %dma_wait3A_141 = arith.constant 2 : i32
    %dma_wait3A_142 = arith.constant 256 : i32
    %dma_wait3A_143 = arith.constant 0 : i32
    %dma_wait3A_144 = tpu.memref_slice %arg8[%dma_wait3A_142, %dma_wait3A_143] : memref<384x128xf32, #tpu.memory_space<vmem>> -> memref<128x128xf32, #tpu.memory_space<vmem>>
    %dma_wait3A_145 = arith.constant 0 : i32
    %dma_wait3A_146 = tpu.memref_slice %arg7[%dma_wait3A_141, %dma_wait3A_145] : memref<3x128xi32, #tpu.memory_space<vmem>> -> memref<1x128xi32, #tpu.memory_space<vmem>>
    %dma_wait3A_147 = tpu.memref_squeeze %dma_wait3A_146 : memref<1x128xi32, #tpu.memory_space<vmem>> -> memref<128xi32, #tpu.memory_space<vmem>>
    %dma_wait3A_148 = arith.constant 0 : i32
    %dma_wait3A_149 = arith.constant 0 : i32
    %dma_wait3A_150 = tpu.memref_slice %arg5[%dma_wait3A_148, %dma_wait3A_149] : memref<20480x128xf32, #tpu.memory_space<hbm>> -> memref<20480x128xf32, #tpu.memory_space<hbm>>
    tpu.wait_indirect_dma semaphore(%arg10 : memref<!tpu.dma_semaphore, #tpu.memory_space<semaphore_mem>>) src(%dma_wait3A_144 : memref<128x128xf32, #tpu.memory_space<vmem>>) dst(%dma_wait3A_150 : memref<20480x128xf32, #tpu.memory_space<hbm>>)
    return
  }
}

#map = affine_map<(d0, d1) -> (0, 0)>
#map1 = affine_map<(d0, d1) -> (0, 0, 0)>
module attributes {stable_mosaic.version = 14 : i64} {
  func.func @_combine_body(%arg0: i32, %arg1: i32, %arg2: memref<20480x128xf32, #tpu.memory_space<hbm>>, %arg3: memref<32x3x128xi32, #tpu.memory_space<hbm>>, %arg4: memref<32x384x16xf32, #tpu.memory_space<hbm>>, %arg5: memref<2048x128xf32, #tpu.memory_space<hbm>>, %arg6: memref<2048x128xf32, #tpu.memory_space<hbm>>, %arg7: memref<3x128xi32, #tpu.memory_space<vmem>>, %arg8: memref<384x16xf32, #tpu.memory_space<vmem>>, %arg9: memref<384x128xf32, #tpu.memory_space<vmem>>, %arg10: memref<64x128xf32, #tpu.memory_space<vmem>>, %arg11: memref<!tpu.dma_semaphore, #tpu.memory_space<semaphore_mem>>) attributes {dimension_semantics = [#tpu.dimension_semantics<core_parallel>, #tpu.dimension_semantics<subcore_parallel>], iteration_bounds = array<i64: 2, 16>, scalar_prefetch = 0 : i64, scratch_operands = 5 : i64, tpu.core_type = #tpu.core_type<sc_vector_subcore>, window_params = [{transform_indices = #map}, {transform_indices = #map1}, {transform_indices = #map1}, {transform_indices = #map}, {transform_indices = #map}]} {
    %mul3A = arith.constant 2 : i32
    %mul3A_0 = arith.muli %arg1, %mul3A : i32
    %add3A = arith.addi %mul3A_0, %arg0 : i32
    %dma_start3A = arith.constant 0 : i32
    %dma_start3A_1 = arith.constant 0 : i32
    %dma_start3A_2 = tpu.memref_slice %arg3[%add3A, %dma_start3A, %dma_start3A_1] : memref<32x3x128xi32, #tpu.memory_space<hbm>> -> memref<1x3x128xi32, #tpu.memory_space<hbm>>
    %dma_start3A_3 = tpu.memref_squeeze %dma_start3A_2 : memref<1x3x128xi32, #tpu.memory_space<hbm>> -> memref<3x128xi32, #tpu.memory_space<hbm>>
    %dma_start3A_4 = arith.constant 0 : i32
    %dma_start3A_5 = arith.constant 0 : i32
    %dma_start3A_6 = tpu.memref_slice %arg3[%add3A, %dma_start3A_4, %dma_start3A_5] : memref<32x3x128xi32, #tpu.memory_space<hbm>> -> memref<1x3x128xi32, #tpu.memory_space<hbm>>
    %dma_start3A_7 = tpu.memref_squeeze %dma_start3A_6 : memref<1x3x128xi32, #tpu.memory_space<hbm>> -> memref<3x128xi32, #tpu.memory_space<hbm>>
    tpu.enqueue_dma source(%dma_start3A_7 : memref<3x128xi32, #tpu.memory_space<hbm>>) target(%arg7 : memref<3x128xi32, #tpu.memory_space<vmem>>) target_semaphore(%arg11 : memref<!tpu.dma_semaphore, #tpu.memory_space<semaphore_mem>>)
    %dma_start3A_8 = arith.constant 0 : i32
    %dma_start3A_9 = arith.constant 0 : i32
    %dma_start3A_10 = tpu.memref_slice %arg4[%add3A, %dma_start3A_8, %dma_start3A_9] : memref<32x384x16xf32, #tpu.memory_space<hbm>> -> memref<1x384x16xf32, #tpu.memory_space<hbm>>
    %dma_start3A_11 = tpu.memref_squeeze %dma_start3A_10 : memref<1x384x16xf32, #tpu.memory_space<hbm>> -> memref<384x16xf32, #tpu.memory_space<hbm>>
    %dma_start3A_12 = arith.constant 0 : i32
    %dma_start3A_13 = arith.constant 0 : i32
    %dma_start3A_14 = tpu.memref_slice %arg4[%add3A, %dma_start3A_12, %dma_start3A_13] : memref<32x384x16xf32, #tpu.memory_space<hbm>> -> memref<1x384x16xf32, #tpu.memory_space<hbm>>
    %dma_start3A_15 = tpu.memref_squeeze %dma_start3A_14 : memref<1x384x16xf32, #tpu.memory_space<hbm>> -> memref<384x16xf32, #tpu.memory_space<hbm>>
    tpu.enqueue_dma source(%dma_start3A_15 : memref<384x16xf32, #tpu.memory_space<hbm>>) target(%arg8 : memref<384x16xf32, #tpu.memory_space<vmem>>) target_semaphore(%arg11 : memref<!tpu.dma_semaphore, #tpu.memory_space<semaphore_mem>>)
    %mul3A_16 = arith.constant 64 : i32
    %mul3A_17 = arith.muli %add3A, %mul3A_16 : i32
    %dma_start3A_18 = arith.constant 0 : i32
    %dma_start3A_19 = tpu.memref_slice %arg5[%mul3A_17, %dma_start3A_18] : memref<2048x128xf32, #tpu.memory_space<hbm>> -> memref<64x128xf32, #tpu.memory_space<hbm>>
    %dma_start3A_20 = arith.constant 0 : i32
    %dma_start3A_21 = tpu.memref_slice %arg5[%mul3A_17, %dma_start3A_20] : memref<2048x128xf32, #tpu.memory_space<hbm>> -> memref<64x128xf32, #tpu.memory_space<hbm>>
    tpu.enqueue_dma source(%dma_start3A_21 : memref<64x128xf32, #tpu.memory_space<hbm>>) target(%arg10 : memref<64x128xf32, #tpu.memory_space<vmem>>) target_semaphore(%arg11 : memref<!tpu.dma_semaphore, #tpu.memory_space<semaphore_mem>>)
    %dma_wait3A = arith.constant 0 : i32
    %dma_wait3A_22 = arith.constant 0 : i32
    %dma_wait3A_23 = tpu.memref_slice %arg3[%add3A, %dma_wait3A, %dma_wait3A_22] : memref<32x3x128xi32, #tpu.memory_space<hbm>> -> memref<1x3x128xi32, #tpu.memory_space<hbm>>
    %dma_wait3A_24 = tpu.memref_squeeze %dma_wait3A_23 : memref<1x3x128xi32, #tpu.memory_space<hbm>> -> memref<3x128xi32, #tpu.memory_space<hbm>>
    %dma_wait3A_25 = arith.constant 0 : i32
    %dma_wait3A_26 = arith.constant 0 : i32
    %dma_wait3A_27 = tpu.memref_slice %arg3[%add3A, %dma_wait3A_25, %dma_wait3A_26] : memref<32x3x128xi32, #tpu.memory_space<hbm>> -> memref<1x3x128xi32, #tpu.memory_space<hbm>>
    %dma_wait3A_28 = tpu.memref_squeeze %dma_wait3A_27 : memref<1x3x128xi32, #tpu.memory_space<hbm>> -> memref<3x128xi32, #tpu.memory_space<hbm>>
    tpu.wait_dma2 semaphore(%arg11 : memref<!tpu.dma_semaphore, #tpu.memory_space<semaphore_mem>>) src(%dma_wait3A_28 : memref<3x128xi32, #tpu.memory_space<hbm>>) dst(%arg7 : memref<3x128xi32, #tpu.memory_space<vmem>>)
    %dma_wait3A_29 = arith.constant 0 : i32
    %dma_wait3A_30 = arith.constant 0 : i32
    %dma_wait3A_31 = tpu.memref_slice %arg4[%add3A, %dma_wait3A_29, %dma_wait3A_30] : memref<32x384x16xf32, #tpu.memory_space<hbm>> -> memref<1x384x16xf32, #tpu.memory_space<hbm>>
    %dma_wait3A_32 = tpu.memref_squeeze %dma_wait3A_31 : memref<1x384x16xf32, #tpu.memory_space<hbm>> -> memref<384x16xf32, #tpu.memory_space<hbm>>
    %dma_wait3A_33 = arith.constant 0 : i32
    %dma_wait3A_34 = arith.constant 0 : i32
    %dma_wait3A_35 = tpu.memref_slice %arg4[%add3A, %dma_wait3A_33, %dma_wait3A_34] : memref<32x384x16xf32, #tpu.memory_space<hbm>> -> memref<1x384x16xf32, #tpu.memory_space<hbm>>
    %dma_wait3A_36 = tpu.memref_squeeze %dma_wait3A_35 : memref<1x384x16xf32, #tpu.memory_space<hbm>> -> memref<384x16xf32, #tpu.memory_space<hbm>>
    tpu.wait_dma2 semaphore(%arg11 : memref<!tpu.dma_semaphore, #tpu.memory_space<semaphore_mem>>) src(%dma_wait3A_36 : memref<384x16xf32, #tpu.memory_space<hbm>>) dst(%arg8 : memref<384x16xf32, #tpu.memory_space<vmem>>)
    %dma_wait3A_37 = arith.constant 0 : i32
    %dma_wait3A_38 = tpu.memref_slice %arg5[%mul3A_17, %dma_wait3A_37] : memref<2048x128xf32, #tpu.memory_space<hbm>> -> memref<64x128xf32, #tpu.memory_space<hbm>>
    %dma_wait3A_39 = arith.constant 0 : i32
    %dma_wait3A_40 = tpu.memref_slice %arg5[%mul3A_17, %dma_wait3A_39] : memref<2048x128xf32, #tpu.memory_space<hbm>> -> memref<64x128xf32, #tpu.memory_space<hbm>>
    tpu.wait_dma2 semaphore(%arg11 : memref<!tpu.dma_semaphore, #tpu.memory_space<semaphore_mem>>) src(%dma_wait3A_40 : memref<64x128xf32, #tpu.memory_space<hbm>>) dst(%arg10 : memref<64x128xf32, #tpu.memory_space<vmem>>)
    %dma_start3A_41 = arith.constant 0 : i32
    %dma_start3A_42 = arith.constant 0 : i32
    %dma_start3A_43 = arith.constant 0 : i32
    %dma_start3A_44 = tpu.memref_slice %arg9[%dma_start3A_42, %dma_start3A_43] : memref<384x128xf32, #tpu.memory_space<vmem>> -> memref<128x128xf32, #tpu.memory_space<vmem>>
    %dma_start3A_45 = arith.constant 0 : i32
    %dma_start3A_46 = tpu.memref_slice %arg7[%dma_start3A_41, %dma_start3A_45] : memref<3x128xi32, #tpu.memory_space<vmem>> -> memref<1x128xi32, #tpu.memory_space<vmem>>
    %dma_start3A_47 = tpu.memref_squeeze %dma_start3A_46 : memref<1x128xi32, #tpu.memory_space<vmem>> -> memref<128xi32, #tpu.memory_space<vmem>>
    %dma_start3A_48 = arith.constant 0 : i32
    %dma_start3A_49 = arith.constant 0 : i32
    %dma_start3A_50 = tpu.memref_slice %arg2[%dma_start3A_48, %dma_start3A_49] : memref<20480x128xf32, #tpu.memory_space<hbm>> -> memref<20480x128xf32, #tpu.memory_space<hbm>>
    tpu.enqueue_indirect_dma source(%dma_start3A_50 : memref<20480x128xf32, #tpu.memory_space<hbm>>) target(%dma_start3A_44 : memref<128x128xf32, #tpu.memory_space<vmem>>) offsets(%dma_start3A_47 : memref<128xi32, #tpu.memory_space<vmem>>) semaphore(%arg11 : memref<!tpu.dma_semaphore, #tpu.memory_space<semaphore_mem>>)
    %dma_start3A_51 = arith.constant 1 : i32
    %dma_start3A_52 = arith.constant 128 : i32
    %dma_start3A_53 = arith.constant 0 : i32
    %dma_start3A_54 = tpu.memref_slice %arg9[%dma_start3A_52, %dma_start3A_53] : memref<384x128xf32, #tpu.memory_space<vmem>> -> memref<128x128xf32, #tpu.memory_space<vmem>>
    %dma_start3A_55 = arith.constant 0 : i32
    %dma_start3A_56 = tpu.memref_slice %arg7[%dma_start3A_51, %dma_start3A_55] : memref<3x128xi32, #tpu.memory_space<vmem>> -> memref<1x128xi32, #tpu.memory_space<vmem>>
    %dma_start3A_57 = tpu.memref_squeeze %dma_start3A_56 : memref<1x128xi32, #tpu.memory_space<vmem>> -> memref<128xi32, #tpu.memory_space<vmem>>
    %dma_start3A_58 = arith.constant 0 : i32
    %dma_start3A_59 = arith.constant 0 : i32
    %dma_start3A_60 = tpu.memref_slice %arg2[%dma_start3A_58, %dma_start3A_59] : memref<20480x128xf32, #tpu.memory_space<hbm>> -> memref<20480x128xf32, #tpu.memory_space<hbm>>
    tpu.enqueue_indirect_dma source(%dma_start3A_60 : memref<20480x128xf32, #tpu.memory_space<hbm>>) target(%dma_start3A_54 : memref<128x128xf32, #tpu.memory_space<vmem>>) offsets(%dma_start3A_57 : memref<128xi32, #tpu.memory_space<vmem>>) semaphore(%arg11 : memref<!tpu.dma_semaphore, #tpu.memory_space<semaphore_mem>>)
    %dma_start3A_61 = arith.constant 2 : i32
    %dma_start3A_62 = arith.constant 256 : i32
    %dma_start3A_63 = arith.constant 0 : i32
    %dma_start3A_64 = tpu.memref_slice %arg9[%dma_start3A_62, %dma_start3A_63] : memref<384x128xf32, #tpu.memory_space<vmem>> -> memref<128x128xf32, #tpu.memory_space<vmem>>
    %dma_start3A_65 = arith.constant 0 : i32
    %dma_start3A_66 = tpu.memref_slice %arg7[%dma_start3A_61, %dma_start3A_65] : memref<3x128xi32, #tpu.memory_space<vmem>> -> memref<1x128xi32, #tpu.memory_space<vmem>>
    %dma_start3A_67 = tpu.memref_squeeze %dma_start3A_66 : memref<1x128xi32, #tpu.memory_space<vmem>> -> memref<128xi32, #tpu.memory_space<vmem>>
    %dma_start3A_68 = arith.constant 0 : i32
    %dma_start3A_69 = arith.constant 0 : i32
    %dma_start3A_70 = tpu.memref_slice %arg2[%dma_start3A_68, %dma_start3A_69] : memref<20480x128xf32, #tpu.memory_space<hbm>> -> memref<20480x128xf32, #tpu.memory_space<hbm>>
    tpu.enqueue_indirect_dma source(%dma_start3A_70 : memref<20480x128xf32, #tpu.memory_space<hbm>>) target(%dma_start3A_64 : memref<128x128xf32, #tpu.memory_space<vmem>>) offsets(%dma_start3A_67 : memref<128xi32, #tpu.memory_space<vmem>>) semaphore(%arg11 : memref<!tpu.dma_semaphore, #tpu.memory_space<semaphore_mem>>)
    %dma_wait3A_71 = arith.constant 0 : i32
    %dma_wait3A_72 = arith.constant 0 : i32
    %dma_wait3A_73 = arith.constant 0 : i32
    %dma_wait3A_74 = tpu.memref_slice %arg9[%dma_wait3A_72, %dma_wait3A_73] : memref<384x128xf32, #tpu.memory_space<vmem>> -> memref<128x128xf32, #tpu.memory_space<vmem>>
    %dma_wait3A_75 = arith.constant 0 : i32
    %dma_wait3A_76 = tpu.memref_slice %arg7[%dma_wait3A_71, %dma_wait3A_75] : memref<3x128xi32, #tpu.memory_space<vmem>> -> memref<1x128xi32, #tpu.memory_space<vmem>>
    %dma_wait3A_77 = tpu.memref_squeeze %dma_wait3A_76 : memref<1x128xi32, #tpu.memory_space<vmem>> -> memref<128xi32, #tpu.memory_space<vmem>>
    %dma_wait3A_78 = arith.constant 0 : i32
    %dma_wait3A_79 = arith.constant 0 : i32
    %dma_wait3A_80 = tpu.memref_slice %arg2[%dma_wait3A_78, %dma_wait3A_79] : memref<20480x128xf32, #tpu.memory_space<hbm>> -> memref<20480x128xf32, #tpu.memory_space<hbm>>
    tpu.wait_indirect_dma semaphore(%arg11 : memref<!tpu.dma_semaphore, #tpu.memory_space<semaphore_mem>>) src(%dma_wait3A_80 : memref<20480x128xf32, #tpu.memory_space<hbm>>) dst(%dma_wait3A_74 : memref<128x128xf32, #tpu.memory_space<vmem>>)
    %scan3A = arith.constant 0 : i32
    %scan3A_81 = arith.constant 0 : i32
    %scan3A_82 = arith.constant 21 : i32
    %scan3A_83 = arith.addi %scan3A_81, %scan3A_82 : i32
    %scan3A_84 = arith.constant 1 : i32
    %scan3A_85 = scf.for %scan3A_123 = %scan3A_81 to %scan3A_83 step %scan3A_84 iter_args(%scan3A_124 = %scan3A) -> (i32)  : i32 {
      %get3A = arith.index_cast %scan3A_123 : i32 to index
      %get3A_125 = arith.constant 0 : index
      %get3A_126 = tpu.vector_load %arg10[%get3A, %get3A_125] {strides = array<i32>} : memref<64x128xf32, #tpu.memory_space<vmem>>, vector<1x16xf32>,
      %get3A_127 = vector.shape_cast %get3A_126 : vector<1x16xf32> to vector<16xf32>
      %get3A_128 = arith.index_cast %scan3A_123 : i32 to index
      %get3A_129 = arith.constant 16 : index
      %get3A_130 = tpu.vector_load %arg10[%get3A_128, %get3A_129] {strides = array<i32>} : memref<64x128xf32, #tpu.memory_space<vmem>>, vector<1x16xf32>,
      %get3A_131 = vector.shape_cast %get3A_130 : vector<1x16xf32> to vector<16xf32>
      %get3A_132 = arith.index_cast %scan3A_123 : i32 to index
      %get3A_133 = arith.constant 32 : index
      %get3A_134 = tpu.vector_load %arg10[%get3A_132, %get3A_133] {strides = array<i32>} : memref<64x128xf32, #tpu.memory_space<vmem>>, vector<1x16xf32>,
      %get3A_135 = vector.shape_cast %get3A_134 : vector<1x16xf32> to vector<16xf32>
      %get3A_136 = arith.index_cast %scan3A_123 : i32 to index
      %get3A_137 = arith.constant 48 : index
      %get3A_138 = tpu.vector_load %arg10[%get3A_136, %get3A_137] {strides = array<i32>} : memref<64x128xf32, #tpu.memory_space<vmem>>, vector<1x16xf32>,
      %get3A_139 = vector.shape_cast %get3A_138 : vector<1x16xf32> to vector<16xf32>
      %get3A_140 = arith.index_cast %scan3A_123 : i32 to index
      %get3A_141 = arith.constant 64 : index
      %get3A_142 = tpu.vector_load %arg10[%get3A_140, %get3A_141] {strides = array<i32>} : memref<64x128xf32, #tpu.memory_space<vmem>>, vector<1x16xf32>,
      %get3A_143 = vector.shape_cast %get3A_142 : vector<1x16xf32> to vector<16xf32>
      %get3A_144 = arith.index_cast %scan3A_123 : i32 to index
      %get3A_145 = arith.constant 80 : index
      %get3A_146 = tpu.vector_load %arg10[%get3A_144, %get3A_145] {strides = array<i32>} : memref<64x128xf32, #tpu.memory_space<vmem>>, vector<1x16xf32>,
      %get3A_147 = vector.shape_cast %get3A_146 : vector<1x16xf32> to vector<16xf32>
      %get3A_148 = arith.index_cast %scan3A_123 : i32 to index
      %get3A_149 = arith.constant 96 : index
      %get3A_150 = tpu.vector_load %arg10[%get3A_148, %get3A_149] {strides = array<i32>} : memref<64x128xf32, #tpu.memory_space<vmem>>, vector<1x16xf32>,
      %get3A_151 = vector.shape_cast %get3A_150 : vector<1x16xf32> to vector<16xf32>
      %get3A_152 = arith.index_cast %scan3A_123 : i32 to index
      %get3A_153 = arith.constant 112 : index
      %get3A_154 = tpu.vector_load %arg10[%get3A_152, %get3A_153] {strides = array<i32>} : memref<64x128xf32, #tpu.memory_space<vmem>>, vector<1x16xf32>,
      %get3A_155 = vector.shape_cast %get3A_154 : vector<1x16xf32> to vector<16xf32>
      %mul3A_156 = arith.constant 6 : i32
      %mul3A_157 = arith.muli %scan3A_123, %mul3A_156 : i32
      %add3A_158 = arith.constant 0 : i32
      %add3A_159 = arith.addi %mul3A_157, %add3A_158 : i32
      %get3A_160 = arith.index_cast %add3A_159 : i32 to index
      %get3A_161 = arith.constant 0 : index
      %get3A_162 = tpu.vector_load %arg8[%get3A_160, %get3A_161] {strides = array<i32>} : memref<384x16xf32, #tpu.memory_space<vmem>>, vector<1x16xf32>,
      %get3A_163 = vector.shape_cast %get3A_162 : vector<1x16xf32> to vector<16xf32>
      %get3A_164 = arith.index_cast %add3A_159 : i32 to index
      %get3A_165 = arith.constant 0 : index
      %get3A_166 = tpu.vector_load %arg9[%get3A_164, %get3A_165] {strides = array<i32>} : memref<384x128xf32, #tpu.memory_space<vmem>>, vector<1x16xf32>,
      %get3A_167 = vector.shape_cast %get3A_166 : vector<1x16xf32> to vector<16xf32>
      %mul3A_168 = arith.mulf %get3A_163, %get3A_167 : vector<16xf32>
      %add3A_169 = arith.addf %get3A_127, %mul3A_168 : vector<16xf32>
      %get3A_170 = arith.index_cast %add3A_159 : i32 to index
      %get3A_171 = arith.constant 16 : index
      %get3A_172 = tpu.vector_load %arg9[%get3A_170, %get3A_171] {strides = array<i32>} : memref<384x128xf32, #tpu.memory_space<vmem>>, vector<1x16xf32>,
      %get3A_173 = vector.shape_cast %get3A_172 : vector<1x16xf32> to vector<16xf32>
      %mul3A_174 = arith.mulf %get3A_163, %get3A_173 : vector<16xf32>
      %add3A_175 = arith.addf %get3A_131, %mul3A_174 : vector<16xf32>
      %get3A_176 = arith.index_cast %add3A_159 : i32 to index
      %get3A_177 = arith.constant 32 : index
      %get3A_178 = tpu.vector_load %arg9[%get3A_176, %get3A_177] {strides = array<i32>} : memref<384x128xf32, #tpu.memory_space<vmem>>, vector<1x16xf32>,
      %get3A_179 = vector.shape_cast %get3A_178 : vector<1x16xf32> to vector<16xf32>
      %mul3A_180 = arith.mulf %get3A_163, %get3A_179 : vector<16xf32>
      %add3A_181 = arith.addf %get3A_135, %mul3A_180 : vector<16xf32>
      %get3A_182 = arith.index_cast %add3A_159 : i32 to index
      %get3A_183 = arith.constant 48 : index
      %get3A_184 = tpu.vector_load %arg9[%get3A_182, %get3A_183] {strides = array<i32>} : memref<384x128xf32, #tpu.memory_space<vmem>>, vector<1x16xf32>,
      %get3A_185 = vector.shape_cast %get3A_184 : vector<1x16xf32> to vector<16xf32>
      %mul3A_186 = arith.mulf %get3A_163, %get3A_185 : vector<16xf32>
      %add3A_187 = arith.addf %get3A_139, %mul3A_186 : vector<16xf32>
      %get3A_188 = arith.index_cast %add3A_159 : i32 to index
      %get3A_189 = arith.constant 64 : index
      %get3A_190 = tpu.vector_load %arg9[%get3A_188, %get3A_189] {strides = array<i32>} : memref<384x128xf32, #tpu.memory_space<vmem>>, vector<1x16xf32>,
      %get3A_191 = vector.shape_cast %get3A_190 : vector<1x16xf32> to vector<16xf32>
      %mul3A_192 = arith.mulf %get3A_163, %get3A_191 : vector<16xf32>
      %add3A_193 = arith.addf %get3A_143, %mul3A_192 : vector<16xf32>
      %get3A_194 = arith.index_cast %add3A_159 : i32 to index
      %get3A_195 = arith.constant 80 : index
      %get3A_196 = tpu.vector_load %arg9[%get3A_194, %get3A_195] {strides = array<i32>} : memref<384x128xf32, #tpu.memory_space<vmem>>, vector<1x16xf32>,
      %get3A_197 = vector.shape_cast %get3A_196 : vector<1x16xf32> to vector<16xf32>
      %mul3A_198 = arith.mulf %get3A_163, %get3A_197 : vector<16xf32>
      %add3A_199 = arith.addf %get3A_147, %mul3A_198 : vector<16xf32>
      %get3A_200 = arith.index_cast %add3A_159 : i32 to index
      %get3A_201 = arith.constant 96 : index
      %get3A_202 = tpu.vector_load %arg9[%get3A_200, %get3A_201] {strides = array<i32>} : memref<384x128xf32, #tpu.memory_space<vmem>>, vector<1x16xf32>,
      %get3A_203 = vector.shape_cast %get3A_202 : vector<1x16xf32> to vector<16xf32>
      %mul3A_204 = arith.mulf %get3A_163, %get3A_203 : vector<16xf32>
      %add3A_205 = arith.addf %get3A_151, %mul3A_204 : vector<16xf32>
      %get3A_206 = arith.index_cast %add3A_159 : i32 to index
      %get3A_207 = arith.constant 112 : index
      %get3A_208 = tpu.vector_load %arg9[%get3A_206, %get3A_207] {strides = array<i32>} : memref<384x128xf32, #tpu.memory_space<vmem>>, vector<1x16xf32>,
      %get3A_209 = vector.shape_cast %get3A_208 : vector<1x16xf32> to vector<16xf32>
      %mul3A_210 = arith.mulf %get3A_163, %get3A_209 : vector<16xf32>
      %add3A_211 = arith.addf %get3A_155, %mul3A_210 : vector<16xf32>
      %mul3A_212 = arith.constant 6 : i32
      %mul3A_213 = arith.muli %scan3A_123, %mul3A_212 : i32
      %add3A_214 = arith.constant 1 : i32
      %add3A_215 = arith.addi %mul3A_213, %add3A_214 : i32
      %get3A_216 = arith.index_cast %add3A_215 : i32 to index
      %get3A_217 = arith.constant 0 : index
      %get3A_218 = tpu.vector_load %arg8[%get3A_216, %get3A_217] {strides = array<i32>} : memref<384x16xf32, #tpu.memory_space<vmem>>, vector<1x16xf32>,
      %get3A_219 = vector.shape_cast %get3A_218 : vector<1x16xf32> to vector<16xf32>
      %get3A_220 = arith.index_cast %add3A_215 : i32 to index
      %get3A_221 = arith.constant 0 : index
      %get3A_222 = tpu.vector_load %arg9[%get3A_220, %get3A_221] {strides = array<i32>} : memref<384x128xf32, #tpu.memory_space<vmem>>, vector<1x16xf32>,
      %get3A_223 = vector.shape_cast %get3A_222 : vector<1x16xf32> to vector<16xf32>
      %mul3A_224 = arith.mulf %get3A_219, %get3A_223 : vector<16xf32>
      %add3A_225 = arith.addf %add3A_169, %mul3A_224 : vector<16xf32>
      %get3A_226 = arith.index_cast %add3A_215 : i32 to index
      %get3A_227 = arith.constant 16 : index
      %get3A_228 = tpu.vector_load %arg9[%get3A_226, %get3A_227] {strides = array<i32>} : memref<384x128xf32, #tpu.memory_space<vmem>>, vector<1x16xf32>,
      %get3A_229 = vector.shape_cast %get3A_228 : vector<1x16xf32> to vector<16xf32>
      %mul3A_230 = arith.mulf %get3A_219, %get3A_229 : vector<16xf32>
      %add3A_231 = arith.addf %add3A_175, %mul3A_230 : vector<16xf32>
      %get3A_232 = arith.index_cast %add3A_215 : i32 to index
      %get3A_233 = arith.constant 32 : index
      %get3A_234 = tpu.vector_load %arg9[%get3A_232, %get3A_233] {strides = array<i32>} : memref<384x128xf32, #tpu.memory_space<vmem>>, vector<1x16xf32>,
      %get3A_235 = vector.shape_cast %get3A_234 : vector<1x16xf32> to vector<16xf32>
      %mul3A_236 = arith.mulf %get3A_219, %get3A_235 : vector<16xf32>
      %add3A_237 = arith.addf %add3A_181, %mul3A_236 : vector<16xf32>
      %get3A_238 = arith.index_cast %add3A_215 : i32 to index
      %get3A_239 = arith.constant 48 : index
      %get3A_240 = tpu.vector_load %arg9[%get3A_238, %get3A_239] {strides = array<i32>} : memref<384x128xf32, #tpu.memory_space<vmem>>, vector<1x16xf32>,
      %get3A_241 = vector.shape_cast %get3A_240 : vector<1x16xf32> to vector<16xf32>
      %mul3A_242 = arith.mulf %get3A_219, %get3A_241 : vector<16xf32>
      %add3A_243 = arith.addf %add3A_187, %mul3A_242 : vector<16xf32>
      %get3A_244 = arith.index_cast %add3A_215 : i32 to index
      %get3A_245 = arith.constant 64 : index
      %get3A_246 = tpu.vector_load %arg9[%get3A_244, %get3A_245] {strides = array<i32>} : memref<384x128xf32, #tpu.memory_space<vmem>>, vector<1x16xf32>,
      %get3A_247 = vector.shape_cast %get3A_246 : vector<1x16xf32> to vector<16xf32>
      %mul3A_248 = arith.mulf %get3A_219, %get3A_247 : vector<16xf32>
      %add3A_249 = arith.addf %add3A_193, %mul3A_248 : vector<16xf32>
      %get3A_250 = arith.index_cast %add3A_215 : i32 to index
      %get3A_251 = arith.constant 80 : index
      %get3A_252 = tpu.vector_load %arg9[%get3A_250, %get3A_251] {strides = array<i32>} : memref<384x128xf32, #tpu.memory_space<vmem>>, vector<1x16xf32>,
      %get3A_253 = vector.shape_cast %get3A_252 : vector<1x16xf32> to vector<16xf32>
      %mul3A_254 = arith.mulf %get3A_219, %get3A_253 : vector<16xf32>
      %add3A_255 = arith.addf %add3A_199, %mul3A_254 : vector<16xf32>
      %get3A_256 = arith.index_cast %add3A_215 : i32 to index
      %get3A_257 = arith.constant 96 : index
      %get3A_258 = tpu.vector_load %arg9[%get3A_256, %get3A_257] {strides = array<i32>} : memref<384x128xf32, #tpu.memory_space<vmem>>, vector<1x16xf32>,
      %get3A_259 = vector.shape_cast %get3A_258 : vector<1x16xf32> to vector<16xf32>
      %mul3A_260 = arith.mulf %get3A_219, %get3A_259 : vector<16xf32>
      %add3A_261 = arith.addf %add3A_205, %mul3A_260 : vector<16xf32>
      %get3A_262 = arith.index_cast %add3A_215 : i32 to index
      %get3A_263 = arith.constant 112 : index
      %get3A_264 = tpu.vector_load %arg9[%get3A_262, %get3A_263] {strides = array<i32>} : memref<384x128xf32, #tpu.memory_space<vmem>>, vector<1x16xf32>,
      %get3A_265 = vector.shape_cast %get3A_264 : vector<1x16xf32> to vector<16xf32>
      %mul3A_266 = arith.mulf %get3A_219, %get3A_265 : vector<16xf32>
      %add3A_267 = arith.addf %add3A_211, %mul3A_266 : vector<16xf32>
      %mul3A_268 = arith.constant 6 : i32
      %mul3A_269 = arith.muli %scan3A_123, %mul3A_268 : i32
      %add3A_270 = arith.constant 2 : i32
      %add3A_271 = arith.addi %mul3A_269, %add3A_270 : i32
      %get3A_272 = arith.index_cast %add3A_271 : i32 to index
      %get3A_273 = arith.constant 0 : index
      %get3A_274 = tpu.vector_load %arg8[%get3A_272, %get3A_273] {strides = array<i32>} : memref<384x16xf32, #tpu.memory_space<vmem>>, vector<1x16xf32>,
      %get3A_275 = vector.shape_cast %get3A_274 : vector<1x16xf32> to vector<16xf32>
      %get3A_276 = arith.index_cast %add3A_271 : i32 to index
      %get3A_277 = arith.constant 0 : index
      %get3A_278 = tpu.vector_load %arg9[%get3A_276, %get3A_277] {strides = array<i32>} : memref<384x128xf32, #tpu.memory_space<vmem>>, vector<1x16xf32>,
      %get3A_279 = vector.shape_cast %get3A_278 : vector<1x16xf32> to vector<16xf32>
      %mul3A_280 = arith.mulf %get3A_275, %get3A_279 : vector<16xf32>
      %add3A_281 = arith.addf %add3A_225, %mul3A_280 : vector<16xf32>
      %get3A_282 = arith.index_cast %add3A_271 : i32 to index
      %get3A_283 = arith.constant 16 : index
      %get3A_284 = tpu.vector_load %arg9[%get3A_282, %get3A_283] {strides = array<i32>} : memref<384x128xf32, #tpu.memory_space<vmem>>, vector<1x16xf32>,
      %get3A_285 = vector.shape_cast %get3A_284 : vector<1x16xf32> to vector<16xf32>
      %mul3A_286 = arith.mulf %get3A_275, %get3A_285 : vector<16xf32>
      %add3A_287 = arith.addf %add3A_231, %mul3A_286 : vector<16xf32>
      %get3A_288 = arith.index_cast %add3A_271 : i32 to index
      %get3A_289 = arith.constant 32 : index
      %get3A_290 = tpu.vector_load %arg9[%get3A_288, %get3A_289] {strides = array<i32>} : memref<384x128xf32, #tpu.memory_space<vmem>>, vector<1x16xf32>,
      %get3A_291 = vector.shape_cast %get3A_290 : vector<1x16xf32> to vector<16xf32>
      %mul3A_292 = arith.mulf %get3A_275, %get3A_291 : vector<16xf32>
      %add3A_293 = arith.addf %add3A_237, %mul3A_292 : vector<16xf32>
      %get3A_294 = arith.index_cast %add3A_271 : i32 to index
      %get3A_295 = arith.constant 48 : index
      %get3A_296 = tpu.vector_load %arg9[%get3A_294, %get3A_295] {strides = array<i32>} : memref<384x128xf32, #tpu.memory_space<vmem>>, vector<1x16xf32>,
      %get3A_297 = vector.shape_cast %get3A_296 : vector<1x16xf32> to vector<16xf32>
      %mul3A_298 = arith.mulf %get3A_275, %get3A_297 : vector<16xf32>
      %add3A_299 = arith.addf %add3A_243, %mul3A_298 : vector<16xf32>
      %get3A_300 = arith.index_cast %add3A_271 : i32 to index
      %get3A_301 = arith.constant 64 : index
      %get3A_302 = tpu.vector_load %arg9[%get3A_300, %get3A_301] {strides = array<i32>} : memref<384x128xf32, #tpu.memory_space<vmem>>, vector<1x16xf32>,
      %get3A_303 = vector.shape_cast %get3A_302 : vector<1x16xf32> to vector<16xf32>
      %mul3A_304 = arith.mulf %get3A_275, %get3A_303 : vector<16xf32>
      %add3A_305 = arith.addf %add3A_249, %mul3A_304 : vector<16xf32>
      %get3A_306 = arith.index_cast %add3A_271 : i32 to index
      %get3A_307 = arith.constant 80 : index
      %get3A_308 = tpu.vector_load %arg9[%get3A_306, %get3A_307] {strides = array<i32>} : memref<384x128xf32, #tpu.memory_space<vmem>>, vector<1x16xf32>,
      %get3A_309 = vector.shape_cast %get3A_308 : vector<1x16xf32> to vector<16xf32>
      %mul3A_310 = arith.mulf %get3A_275, %get3A_309 : vector<16xf32>
      %add3A_311 = arith.addf %add3A_255, %mul3A_310 : vector<16xf32>
      %get3A_312 = arith.index_cast %add3A_271 : i32 to index
      %get3A_313 = arith.constant 96 : index
      %get3A_314 = tpu.vector_load %arg9[%get3A_312, %get3A_313] {strides = array<i32>} : memref<384x128xf32, #tpu.memory_space<vmem>>, vector<1x16xf32>,
      %get3A_315 = vector.shape_cast %get3A_314 : vector<1x16xf32> to vector<16xf32>
      %mul3A_316 = arith.mulf %get3A_275, %get3A_315 : vector<16xf32>
      %add3A_317 = arith.addf %add3A_261, %mul3A_316 : vector<16xf32>
      %get3A_318 = arith.index_cast %add3A_271 : i32 to index
      %get3A_319 = arith.constant 112 : index
      %get3A_320 = tpu.vector_load %arg9[%get3A_318, %get3A_319] {strides = array<i32>} : memref<384x128xf32, #tpu.memory_space<vmem>>, vector<1x16xf32>,
      %get3A_321 = vector.shape_cast %get3A_320 : vector<1x16xf32> to vector<16xf32>
      %mul3A_322 = arith.mulf %get3A_275, %get3A_321 : vector<16xf32>
      %add3A_323 = arith.addf %add3A_267, %mul3A_322 : vector<16xf32>
      %mul3A_324 = arith.constant 6 : i32
      %mul3A_325 = arith.muli %scan3A_123, %mul3A_324 : i32
      %add3A_326 = arith.constant 3 : i32
      %add3A_327 = arith.addi %mul3A_325, %add3A_326 : i32
      %get3A_328 = arith.index_cast %add3A_327 : i32 to index
      %get3A_329 = arith.constant 0 : index
      %get3A_330 = tpu.vector_load %arg8[%get3A_328, %get3A_329] {strides = array<i32>} : memref<384x16xf32, #tpu.memory_space<vmem>>, vector<1x16xf32>,
      %get3A_331 = vector.shape_cast %get3A_330 : vector<1x16xf32> to vector<16xf32>
      %get3A_332 = arith.index_cast %add3A_327 : i32 to index
      %get3A_333 = arith.constant 0 : index
      %get3A_334 = tpu.vector_load %arg9[%get3A_332, %get3A_333] {strides = array<i32>} : memref<384x128xf32, #tpu.memory_space<vmem>>, vector<1x16xf32>,
      %get3A_335 = vector.shape_cast %get3A_334 : vector<1x16xf32> to vector<16xf32>
      %mul3A_336 = arith.mulf %get3A_331, %get3A_335 : vector<16xf32>
      %add3A_337 = arith.addf %add3A_281, %mul3A_336 : vector<16xf32>
      %get3A_338 = arith.index_cast %add3A_327 : i32 to index
      %get3A_339 = arith.constant 16 : index
      %get3A_340 = tpu.vector_load %arg9[%get3A_338, %get3A_339] {strides = array<i32>} : memref<384x128xf32, #tpu.memory_space<vmem>>, vector<1x16xf32>,
      %get3A_341 = vector.shape_cast %get3A_340 : vector<1x16xf32> to vector<16xf32>
      %mul3A_342 = arith.mulf %get3A_331, %get3A_341 : vector<16xf32>
      %add3A_343 = arith.addf %add3A_287, %mul3A_342 : vector<16xf32>
      %get3A_344 = arith.index_cast %add3A_327 : i32 to index
      %get3A_345 = arith.constant 32 : index
      %get3A_346 = tpu.vector_load %arg9[%get3A_344, %get3A_345] {strides = array<i32>} : memref<384x128xf32, #tpu.memory_space<vmem>>, vector<1x16xf32>,
      %get3A_347 = vector.shape_cast %get3A_346 : vector<1x16xf32> to vector<16xf32>
      %mul3A_348 = arith.mulf %get3A_331, %get3A_347 : vector<16xf32>
      %add3A_349 = arith.addf %add3A_293, %mul3A_348 : vector<16xf32>
      %get3A_350 = arith.index_cast %add3A_327 : i32 to index
      %get3A_351 = arith.constant 48 : index
      %get3A_352 = tpu.vector_load %arg9[%get3A_350, %get3A_351] {strides = array<i32>} : memref<384x128xf32, #tpu.memory_space<vmem>>, vector<1x16xf32>,
      %get3A_353 = vector.shape_cast %get3A_352 : vector<1x16xf32> to vector<16xf32>
      %mul3A_354 = arith.mulf %get3A_331, %get3A_353 : vector<16xf32>
      %add3A_355 = arith.addf %add3A_299, %mul3A_354 : vector<16xf32>
      %get3A_356 = arith.index_cast %add3A_327 : i32 to index
      %get3A_357 = arith.constant 64 : index
      %get3A_358 = tpu.vector_load %arg9[%get3A_356, %get3A_357] {strides = array<i32>} : memref<384x128xf32, #tpu.memory_space<vmem>>, vector<1x16xf32>,
      %get3A_359 = vector.shape_cast %get3A_358 : vector<1x16xf32> to vector<16xf32>
      %mul3A_360 = arith.mulf %get3A_331, %get3A_359 : vector<16xf32>
      %add3A_361 = arith.addf %add3A_305, %mul3A_360 : vector<16xf32>
      %get3A_362 = arith.index_cast %add3A_327 : i32 to index
      %get3A_363 = arith.constant 80 : index
      %get3A_364 = tpu.vector_load %arg9[%get3A_362, %get3A_363] {strides = array<i32>} : memref<384x128xf32, #tpu.memory_space<vmem>>, vector<1x16xf32>,
      %get3A_365 = vector.shape_cast %get3A_364 : vector<1x16xf32> to vector<16xf32>
      %mul3A_366 = arith.mulf %get3A_331, %get3A_365 : vector<16xf32>
      %add3A_367 = arith.addf %add3A_311, %mul3A_366 : vector<16xf32>
      %get3A_368 = arith.index_cast %add3A_327 : i32 to index
      %get3A_369 = arith.constant 96 : index
      %get3A_370 = tpu.vector_load %arg9[%get3A_368, %get3A_369] {strides = array<i32>} : memref<384x128xf32, #tpu.memory_space<vmem>>, vector<1x16xf32>,
      %get3A_371 = vector.shape_cast %get3A_370 : vector<1x16xf32> to vector<16xf32>
      %mul3A_372 = arith.mulf %get3A_331, %get3A_371 : vector<16xf32>
      %add3A_373 = arith.addf %add3A_317, %mul3A_372 : vector<16xf32>
      %get3A_374 = arith.index_cast %add3A_327 : i32 to index
      %get3A_375 = arith.constant 112 : index
      %get3A_376 = tpu.vector_load %arg9[%get3A_374, %get3A_375] {strides = array<i32>} : memref<384x128xf32, #tpu.memory_space<vmem>>, vector<1x16xf32>,
      %get3A_377 = vector.shape_cast %get3A_376 : vector<1x16xf32> to vector<16xf32>
      %mul3A_378 = arith.mulf %get3A_331, %get3A_377 : vector<16xf32>
      %add3A_379 = arith.addf %add3A_323, %mul3A_378 : vector<16xf32>
      %mul3A_380 = arith.constant 6 : i32
      %mul3A_381 = arith.muli %scan3A_123, %mul3A_380 : i32
      %add3A_382 = arith.constant 4 : i32
      %add3A_383 = arith.addi %mul3A_381, %add3A_382 : i32
      %get3A_384 = arith.index_cast %add3A_383 : i32 to index
      %get3A_385 = arith.constant 0 : index
      %get3A_386 = tpu.vector_load %arg8[%get3A_384, %get3A_385] {strides = array<i32>} : memref<384x16xf32, #tpu.memory_space<vmem>>, vector<1x16xf32>,
      %get3A_387 = vector.shape_cast %get3A_386 : vector<1x16xf32> to vector<16xf32>
      %get3A_388 = arith.index_cast %add3A_383 : i32 to index
      %get3A_389 = arith.constant 0 : index
      %get3A_390 = tpu.vector_load %arg9[%get3A_388, %get3A_389] {strides = array<i32>} : memref<384x128xf32, #tpu.memory_space<vmem>>, vector<1x16xf32>,
      %get3A_391 = vector.shape_cast %get3A_390 : vector<1x16xf32> to vector<16xf32>
      %mul3A_392 = arith.mulf %get3A_387, %get3A_391 : vector<16xf32>
      %add3A_393 = arith.addf %add3A_337, %mul3A_392 : vector<16xf32>
      %get3A_394 = arith.index_cast %add3A_383 : i32 to index
      %get3A_395 = arith.constant 16 : index
      %get3A_396 = tpu.vector_load %arg9[%get3A_394, %get3A_395] {strides = array<i32>} : memref<384x128xf32, #tpu.memory_space<vmem>>, vector<1x16xf32>,
      %get3A_397 = vector.shape_cast %get3A_396 : vector<1x16xf32> to vector<16xf32>
      %mul3A_398 = arith.mulf %get3A_387, %get3A_397 : vector<16xf32>
      %add3A_399 = arith.addf %add3A_343, %mul3A_398 : vector<16xf32>
      %get3A_400 = arith.index_cast %add3A_383 : i32 to index
      %get3A_401 = arith.constant 32 : index
      %get3A_402 = tpu.vector_load %arg9[%get3A_400, %get3A_401] {strides = array<i32>} : memref<384x128xf32, #tpu.memory_space<vmem>>, vector<1x16xf32>,
      %get3A_403 = vector.shape_cast %get3A_402 : vector<1x16xf32> to vector<16xf32>
      %mul3A_404 = arith.mulf %get3A_387, %get3A_403 : vector<16xf32>
      %add3A_405 = arith.addf %add3A_349, %mul3A_404 : vector<16xf32>
      %get3A_406 = arith.index_cast %add3A_383 : i32 to index
      %get3A_407 = arith.constant 48 : index
      %get3A_408 = tpu.vector_load %arg9[%get3A_406, %get3A_407] {strides = array<i32>} : memref<384x128xf32, #tpu.memory_space<vmem>>, vector<1x16xf32>,
      %get3A_409 = vector.shape_cast %get3A_408 : vector<1x16xf32> to vector<16xf32>
      %mul3A_410 = arith.mulf %get3A_387, %get3A_409 : vector<16xf32>
      %add3A_411 = arith.addf %add3A_355, %mul3A_410 : vector<16xf32>
      %get3A_412 = arith.index_cast %add3A_383 : i32 to index
      %get3A_413 = arith.constant 64 : index
      %get3A_414 = tpu.vector_load %arg9[%get3A_412, %get3A_413] {strides = array<i32>} : memref<384x128xf32, #tpu.memory_space<vmem>>, vector<1x16xf32>,
      %get3A_415 = vector.shape_cast %get3A_414 : vector<1x16xf32> to vector<16xf32>
      %mul3A_416 = arith.mulf %get3A_387, %get3A_415 : vector<16xf32>
      %add3A_417 = arith.addf %add3A_361, %mul3A_416 : vector<16xf32>
      %get3A_418 = arith.index_cast %add3A_383 : i32 to index
      %get3A_419 = arith.constant 80 : index
      %get3A_420 = tpu.vector_load %arg9[%get3A_418, %get3A_419] {strides = array<i32>} : memref<384x128xf32, #tpu.memory_space<vmem>>, vector<1x16xf32>,
      %get3A_421 = vector.shape_cast %get3A_420 : vector<1x16xf32> to vector<16xf32>
      %mul3A_422 = arith.mulf %get3A_387, %get3A_421 : vector<16xf32>
      %add3A_423 = arith.addf %add3A_367, %mul3A_422 : vector<16xf32>
      %get3A_424 = arith.index_cast %add3A_383 : i32 to index
      %get3A_425 = arith.constant 96 : index
      %get3A_426 = tpu.vector_load %arg9[%get3A_424, %get3A_425] {strides = array<i32>} : memref<384x128xf32, #tpu.memory_space<vmem>>, vector<1x16xf32>,
      %get3A_427 = vector.shape_cast %get3A_426 : vector<1x16xf32> to vector<16xf32>
      %mul3A_428 = arith.mulf %get3A_387, %get3A_427 : vector<16xf32>
      %add3A_429 = arith.addf %add3A_373, %mul3A_428 : vector<16xf32>
      %get3A_430 = arith.index_cast %add3A_383 : i32 to index
      %get3A_431 = arith.constant 112 : index
      %get3A_432 = tpu.vector_load %arg9[%get3A_430, %get3A_431] {strides = array<i32>} : memref<384x128xf32, #tpu.memory_space<vmem>>, vector<1x16xf32>,
      %get3A_433 = vector.shape_cast %get3A_432 : vector<1x16xf32> to vector<16xf32>
      %mul3A_434 = arith.mulf %get3A_387, %get3A_433 : vector<16xf32>
      %add3A_435 = arith.addf %add3A_379, %mul3A_434 : vector<16xf32>
      %mul3A_436 = arith.constant 6 : i32
      %mul3A_437 = arith.muli %scan3A_123, %mul3A_436 : i32
      %add3A_438 = arith.constant 5 : i32
      %add3A_439 = arith.addi %mul3A_437, %add3A_438 : i32
      %get3A_440 = arith.index_cast %add3A_439 : i32 to index
      %get3A_441 = arith.constant 0 : index
      %get3A_442 = tpu.vector_load %arg8[%get3A_440, %get3A_441] {strides = array<i32>} : memref<384x16xf32, #tpu.memory_space<vmem>>, vector<1x16xf32>,
      %get3A_443 = vector.shape_cast %get3A_442 : vector<1x16xf32> to vector<16xf32>
      %get3A_444 = arith.index_cast %add3A_439 : i32 to index
      %get3A_445 = arith.constant 0 : index
      %get3A_446 = tpu.vector_load %arg9[%get3A_444, %get3A_445] {strides = array<i32>} : memref<384x128xf32, #tpu.memory_space<vmem>>, vector<1x16xf32>,
      %get3A_447 = vector.shape_cast %get3A_446 : vector<1x16xf32> to vector<16xf32>
      %mul3A_448 = arith.mulf %get3A_443, %get3A_447 : vector<16xf32>
      %add3A_449 = arith.addf %add3A_393, %mul3A_448 : vector<16xf32>
      %get3A_450 = arith.index_cast %add3A_439 : i32 to index
      %get3A_451 = arith.constant 16 : index
      %get3A_452 = tpu.vector_load %arg9[%get3A_450, %get3A_451] {strides = array<i32>} : memref<384x128xf32, #tpu.memory_space<vmem>>, vector<1x16xf32>,
      %get3A_453 = vector.shape_cast %get3A_452 : vector<1x16xf32> to vector<16xf32>
      %mul3A_454 = arith.mulf %get3A_443, %get3A_453 : vector<16xf32>
      %add3A_455 = arith.addf %add3A_399, %mul3A_454 : vector<16xf32>
      %get3A_456 = arith.index_cast %add3A_439 : i32 to index
      %get3A_457 = arith.constant 32 : index
      %get3A_458 = tpu.vector_load %arg9[%get3A_456, %get3A_457] {strides = array<i32>} : memref<384x128xf32, #tpu.memory_space<vmem>>, vector<1x16xf32>,
      %get3A_459 = vector.shape_cast %get3A_458 : vector<1x16xf32> to vector<16xf32>
      %mul3A_460 = arith.mulf %get3A_443, %get3A_459 : vector<16xf32>
      %add3A_461 = arith.addf %add3A_405, %mul3A_460 : vector<16xf32>
      %get3A_462 = arith.index_cast %add3A_439 : i32 to index
      %get3A_463 = arith.constant 48 : index
      %get3A_464 = tpu.vector_load %arg9[%get3A_462, %get3A_463] {strides = array<i32>} : memref<384x128xf32, #tpu.memory_space<vmem>>, vector<1x16xf32>,
      %get3A_465 = vector.shape_cast %get3A_464 : vector<1x16xf32> to vector<16xf32>
      %mul3A_466 = arith.mulf %get3A_443, %get3A_465 : vector<16xf32>
      %add3A_467 = arith.addf %add3A_411, %mul3A_466 : vector<16xf32>
      %get3A_468 = arith.index_cast %add3A_439 : i32 to index
      %get3A_469 = arith.constant 64 : index
      %get3A_470 = tpu.vector_load %arg9[%get3A_468, %get3A_469] {strides = array<i32>} : memref<384x128xf32, #tpu.memory_space<vmem>>, vector<1x16xf32>,
      %get3A_471 = vector.shape_cast %get3A_470 : vector<1x16xf32> to vector<16xf32>
      %mul3A_472 = arith.mulf %get3A_443, %get3A_471 : vector<16xf32>
      %add3A_473 = arith.addf %add3A_417, %mul3A_472 : vector<16xf32>
      %get3A_474 = arith.index_cast %add3A_439 : i32 to index
      %get3A_475 = arith.constant 80 : index
      %get3A_476 = tpu.vector_load %arg9[%get3A_474, %get3A_475] {strides = array<i32>} : memref<384x128xf32, #tpu.memory_space<vmem>>, vector<1x16xf32>,
      %get3A_477 = vector.shape_cast %get3A_476 : vector<1x16xf32> to vector<16xf32>
      %mul3A_478 = arith.mulf %get3A_443, %get3A_477 : vector<16xf32>
      %add3A_479 = arith.addf %add3A_423, %mul3A_478 : vector<16xf32>
      %get3A_480 = arith.index_cast %add3A_439 : i32 to index
      %get3A_481 = arith.constant 96 : index
      %get3A_482 = tpu.vector_load %arg9[%get3A_480, %get3A_481] {strides = array<i32>} : memref<384x128xf32, #tpu.memory_space<vmem>>, vector<1x16xf32>,
      %get3A_483 = vector.shape_cast %get3A_482 : vector<1x16xf32> to vector<16xf32>
      %mul3A_484 = arith.mulf %get3A_443, %get3A_483 : vector<16xf32>
      %add3A_485 = arith.addf %add3A_429, %mul3A_484 : vector<16xf32>
      %get3A_486 = arith.index_cast %add3A_439 : i32 to index
      %get3A_487 = arith.constant 112 : index
      %get3A_488 = tpu.vector_load %arg9[%get3A_486, %get3A_487] {strides = array<i32>} : memref<384x128xf32, #tpu.memory_space<vmem>>, vector<1x16xf32>,
      %get3A_489 = vector.shape_cast %get3A_488 : vector<1x16xf32> to vector<16xf32>
      %mul3A_490 = arith.mulf %get3A_443, %get3A_489 : vector<16xf32>
      %add3A_491 = arith.addf %add3A_435, %mul3A_490 : vector<16xf32>
      %swap3A = arith.index_cast %scan3A_123 : i32 to index
      %swap3A_492 = arith.constant 0 : index
      %swap3A_493 = tpu.vector_load %arg10[%swap3A, %swap3A_492] {strides = array<i32>} : memref<64x128xf32, #tpu.memory_space<vmem>>, vector<1x16xf32>,
      %swap3A_494 = vector.shape_cast %swap3A_493 : vector<1x16xf32> to vector<16xf32>
      %swap3A_495 = vector.shape_cast %add3A_449 : vector<16xf32> to vector<1x16xf32>
      tpu.vector_store %arg10[%swap3A, %swap3A_492], %swap3A_495 {strides = array<i32>} : memref<64x128xf32, #tpu.memory_space<vmem>>, vector<1x16xf32>,
      %swap3A_496 = arith.index_cast %scan3A_123 : i32 to index
      %swap3A_497 = arith.constant 16 : index
      %swap3A_498 = tpu.vector_load %arg10[%swap3A_496, %swap3A_497] {strides = array<i32>} : memref<64x128xf32, #tpu.memory_space<vmem>>, vector<1x16xf32>,
      %swap3A_499 = vector.shape_cast %swap3A_498 : vector<1x16xf32> to vector<16xf32>
      %swap3A_500 = vector.shape_cast %add3A_455 : vector<16xf32> to vector<1x16xf32>
      tpu.vector_store %arg10[%swap3A_496, %swap3A_497], %swap3A_500 {strides = array<i32>} : memref<64x128xf32, #tpu.memory_space<vmem>>, vector<1x16xf32>,
      %swap3A_501 = arith.index_cast %scan3A_123 : i32 to index
      %swap3A_502 = arith.constant 32 : index
      %swap3A_503 = tpu.vector_load %arg10[%swap3A_501, %swap3A_502] {strides = array<i32>} : memref<64x128xf32, #tpu.memory_space<vmem>>, vector<1x16xf32>,
      %swap3A_504 = vector.shape_cast %swap3A_503 : vector<1x16xf32> to vector<16xf32>
      %swap3A_505 = vector.shape_cast %add3A_461 : vector<16xf32> to vector<1x16xf32>
      tpu.vector_store %arg10[%swap3A_501, %swap3A_502], %swap3A_505 {strides = array<i32>} : memref<64x128xf32, #tpu.memory_space<vmem>>, vector<1x16xf32>,
      %swap3A_506 = arith.index_cast %scan3A_123 : i32 to index
      %swap3A_507 = arith.constant 48 : index
      %swap3A_508 = tpu.vector_load %arg10[%swap3A_506, %swap3A_507] {strides = array<i32>} : memref<64x128xf32, #tpu.memory_space<vmem>>, vector<1x16xf32>,
      %swap3A_509 = vector.shape_cast %swap3A_508 : vector<1x16xf32> to vector<16xf32>
      %swap3A_510 = vector.shape_cast %add3A_467 : vector<16xf32> to vector<1x16xf32>
      tpu.vector_store %arg10[%swap3A_506, %swap3A_507], %swap3A_510 {strides = array<i32>} : memref<64x128xf32, #tpu.memory_space<vmem>>, vector<1x16xf32>,
      %swap3A_511 = arith.index_cast %scan3A_123 : i32 to index
      %swap3A_512 = arith.constant 64 : index
      %swap3A_513 = tpu.vector_load %arg10[%swap3A_511, %swap3A_512] {strides = array<i32>} : memref<64x128xf32, #tpu.memory_space<vmem>>, vector<1x16xf32>,
      %swap3A_514 = vector.shape_cast %swap3A_513 : vector<1x16xf32> to vector<16xf32>
      %swap3A_515 = vector.shape_cast %add3A_473 : vector<16xf32> to vector<1x16xf32>
      tpu.vector_store %arg10[%swap3A_511, %swap3A_512], %swap3A_515 {strides = array<i32>} : memref<64x128xf32, #tpu.memory_space<vmem>>, vector<1x16xf32>,
      %swap3A_516 = arith.index_cast %scan3A_123 : i32 to index
      %swap3A_517 = arith.constant 80 : index
      %swap3A_518 = tpu.vector_load %arg10[%swap3A_516, %swap3A_517] {strides = array<i32>} : memref<64x128xf32, #tpu.memory_space<vmem>>, vector<1x16xf32>,
      %swap3A_519 = vector.shape_cast %swap3A_518 : vector<1x16xf32> to vector<16xf32>
      %swap3A_520 = vector.shape_cast %add3A_479 : vector<16xf32> to vector<1x16xf32>
      tpu.vector_store %arg10[%swap3A_516, %swap3A_517], %swap3A_520 {strides = array<i32>} : memref<64x128xf32, #tpu.memory_space<vmem>>, vector<1x16xf32>,
      %swap3A_521 = arith.index_cast %scan3A_123 : i32 to index
      %swap3A_522 = arith.constant 96 : index
      %swap3A_523 = tpu.vector_load %arg10[%swap3A_521, %swap3A_522] {strides = array<i32>} : memref<64x128xf32, #tpu.memory_space<vmem>>, vector<1x16xf32>,
      %swap3A_524 = vector.shape_cast %swap3A_523 : vector<1x16xf32> to vector<16xf32>
      %swap3A_525 = vector.shape_cast %add3A_485 : vector<16xf32> to vector<1x16xf32>
      tpu.vector_store %arg10[%swap3A_521, %swap3A_522], %swap3A_525 {strides = array<i32>} : memref<64x128xf32, #tpu.memory_space<vmem>>, vector<1x16xf32>,
      %swap3A_526 = arith.index_cast %scan3A_123 : i32 to index
      %swap3A_527 = arith.constant 112 : index
      %swap3A_528 = tpu.vector_load %arg10[%swap3A_526, %swap3A_527] {strides = array<i32>} : memref<64x128xf32, #tpu.memory_space<vmem>>, vector<1x16xf32>,
      %swap3A_529 = vector.shape_cast %swap3A_528 : vector<1x16xf32> to vector<16xf32>
      %swap3A_530 = vector.shape_cast %add3A_491 : vector<16xf32> to vector<1x16xf32>
      tpu.vector_store %arg10[%swap3A_526, %swap3A_527], %swap3A_530 {strides = array<i32>} : memref<64x128xf32, #tpu.memory_space<vmem>>, vector<1x16xf32>,
      %scan3A_531 = arith.constant 0 : i32
      scf.yield %scan3A_531 : i32
    }
    %scan3A_86 = arith.constant 21 : i32
    %dma_wait3A_87 = arith.constant 1 : i32
    %dma_wait3A_88 = arith.constant 128 : i32
    %dma_wait3A_89 = arith.constant 0 : i32
    %dma_wait3A_90 = tpu.memref_slice %arg9[%dma_wait3A_88, %dma_wait3A_89] : memref<384x128xf32, #tpu.memory_space<vmem>> -> memref<128x128xf32, #tpu.memory_space<vmem>>
    %dma_wait3A_91 = arith.constant 0 : i32
    %dma_wait3A_92 = tpu.memref_slice %arg7[%dma_wait3A_87, %dma_wait3A_91] : memref<3x128xi32, #tpu.memory_space<vmem>> -> memref<1x128xi32, #tpu.memory_space<vmem>>
    %dma_wait3A_93 = tpu.memref_squeeze %dma_wait3A_92 : memref<1x128xi32, #tpu.memory_space<vmem>> -> memref<128xi32, #tpu.memory_space<vmem>>
    %dma_wait3A_94 = arith.constant 0 : i32
    %dma_wait3A_95 = arith.constant 0 : i32
    %dma_wait3A_96 = tpu.memref_slice %arg2[%dma_wait3A_94, %dma_wait3A_95] : memref<20480x128xf32, #tpu.memory_space<hbm>> -> memref<20480x128xf32, #tpu.memory_space<hbm>>
    tpu.wait_indirect_dma semaphore(%arg11 : memref<!tpu.dma_semaphore, #tpu.memory_space<semaphore_mem>>) src(%dma_wait3A_96 : memref<20480x128xf32, #tpu.memory_space<hbm>>) dst(%dma_wait3A_90 : memref<128x128xf32, #tpu.memory_space<vmem>>)
    %scan3A_97 = arith.constant 0 : i32
    %scan3A_98 = arith.constant 21 : i32
    %scan3A_99 = arith.constant 21 : i32
    %scan3A_100 = arith.addi %scan3A_98, %scan3A_99 : i32
    %scan3A_101 = arith.constant 1 : i32
    %scan3A_102 = scf.for %scan3A_123 = %scan3A_98 to %scan3A_100 step %scan3A_101 iter_args(%scan3A_124 = %scan3A_97) -> (i32)  : i32 {
      %get3A = arith.index_cast %scan3A_123 : i32 to index
      %get3A_125 = arith.constant 0 : index
      %get3A_126 = tpu.vector_load %arg10[%get3A, %get3A_125] {strides = array<i32>} : memref<64x128xf32, #tpu.memory_space<vmem>>, vector<1x16xf32>,
      %get3A_127 = vector.shape_cast %get3A_126 : vector<1x16xf32> to vector<16xf32>
      %get3A_128 = arith.index_cast %scan3A_123 : i32 to index
      %get3A_129 = arith.constant 16 : index
      %get3A_130 = tpu.vector_load %arg10[%get3A_128, %get3A_129] {strides = array<i32>} : memref<64x128xf32, #tpu.memory_space<vmem>>, vector<1x16xf32>,
      %get3A_131 = vector.shape_cast %get3A_130 : vector<1x16xf32> to vector<16xf32>
      %get3A_132 = arith.index_cast %scan3A_123 : i32 to index
      %get3A_133 = arith.constant 32 : index
      %get3A_134 = tpu.vector_load %arg10[%get3A_132, %get3A_133] {strides = array<i32>} : memref<64x128xf32, #tpu.memory_space<vmem>>, vector<1x16xf32>,
      %get3A_135 = vector.shape_cast %get3A_134 : vector<1x16xf32> to vector<16xf32>
      %get3A_136 = arith.index_cast %scan3A_123 : i32 to index
      %get3A_137 = arith.constant 48 : index
      %get3A_138 = tpu.vector_load %arg10[%get3A_136, %get3A_137] {strides = array<i32>} : memref<64x128xf32, #tpu.memory_space<vmem>>, vector<1x16xf32>,
      %get3A_139 = vector.shape_cast %get3A_138 : vector<1x16xf32> to vector<16xf32>
      %get3A_140 = arith.index_cast %scan3A_123 : i32 to index
      %get3A_141 = arith.constant 64 : index
      %get3A_142 = tpu.vector_load %arg10[%get3A_140, %get3A_141] {strides = array<i32>} : memref<64x128xf32, #tpu.memory_space<vmem>>, vector<1x16xf32>,
      %get3A_143 = vector.shape_cast %get3A_142 : vector<1x16xf32> to vector<16xf32>
      %get3A_144 = arith.index_cast %scan3A_123 : i32 to index
      %get3A_145 = arith.constant 80 : index
      %get3A_146 = tpu.vector_load %arg10[%get3A_144, %get3A_145] {strides = array<i32>} : memref<64x128xf32, #tpu.memory_space<vmem>>, vector<1x16xf32>,
      %get3A_147 = vector.shape_cast %get3A_146 : vector<1x16xf32> to vector<16xf32>
      %get3A_148 = arith.index_cast %scan3A_123 : i32 to index
      %get3A_149 = arith.constant 96 : index
      %get3A_150 = tpu.vector_load %arg10[%get3A_148, %get3A_149] {strides = array<i32>} : memref<64x128xf32, #tpu.memory_space<vmem>>, vector<1x16xf32>,
      %get3A_151 = vector.shape_cast %get3A_150 : vector<1x16xf32> to vector<16xf32>
      %get3A_152 = arith.index_cast %scan3A_123 : i32 to index
      %get3A_153 = arith.constant 112 : index
      %get3A_154 = tpu.vector_load %arg10[%get3A_152, %get3A_153] {strides = array<i32>} : memref<64x128xf32, #tpu.memory_space<vmem>>, vector<1x16xf32>,
      %get3A_155 = vector.shape_cast %get3A_154 : vector<1x16xf32> to vector<16xf32>
      %mul3A_156 = arith.constant 6 : i32
      %mul3A_157 = arith.muli %scan3A_123, %mul3A_156 : i32
      %add3A_158 = arith.constant 0 : i32
      %add3A_159 = arith.addi %mul3A_157, %add3A_158 : i32
      %get3A_160 = arith.index_cast %add3A_159 : i32 to index
      %get3A_161 = arith.constant 0 : index
      %get3A_162 = tpu.vector_load %arg8[%get3A_160, %get3A_161] {strides = array<i32>} : memref<384x16xf32, #tpu.memory_space<vmem>>, vector<1x16xf32>,
      %get3A_163 = vector.shape_cast %get3A_162 : vector<1x16xf32> to vector<16xf32>
      %get3A_164 = arith.index_cast %add3A_159 : i32 to index
      %get3A_165 = arith.constant 0 : index
      %get3A_166 = tpu.vector_load %arg9[%get3A_164, %get3A_165] {strides = array<i32>} : memref<384x128xf32, #tpu.memory_space<vmem>>, vector<1x16xf32>,
      %get3A_167 = vector.shape_cast %get3A_166 : vector<1x16xf32> to vector<16xf32>
      %mul3A_168 = arith.mulf %get3A_163, %get3A_167 : vector<16xf32>
      %add3A_169 = arith.addf %get3A_127, %mul3A_168 : vector<16xf32>
      %get3A_170 = arith.index_cast %add3A_159 : i32 to index
      %get3A_171 = arith.constant 16 : index
      %get3A_172 = tpu.vector_load %arg9[%get3A_170, %get3A_171] {strides = array<i32>} : memref<384x128xf32, #tpu.memory_space<vmem>>, vector<1x16xf32>,
      %get3A_173 = vector.shape_cast %get3A_172 : vector<1x16xf32> to vector<16xf32>
      %mul3A_174 = arith.mulf %get3A_163, %get3A_173 : vector<16xf32>
      %add3A_175 = arith.addf %get3A_131, %mul3A_174 : vector<16xf32>
      %get3A_176 = arith.index_cast %add3A_159 : i32 to index
      %get3A_177 = arith.constant 32 : index
      %get3A_178 = tpu.vector_load %arg9[%get3A_176, %get3A_177] {strides = array<i32>} : memref<384x128xf32, #tpu.memory_space<vmem>>, vector<1x16xf32>,
      %get3A_179 = vector.shape_cast %get3A_178 : vector<1x16xf32> to vector<16xf32>
      %mul3A_180 = arith.mulf %get3A_163, %get3A_179 : vector<16xf32>
      %add3A_181 = arith.addf %get3A_135, %mul3A_180 : vector<16xf32>
      %get3A_182 = arith.index_cast %add3A_159 : i32 to index
      %get3A_183 = arith.constant 48 : index
      %get3A_184 = tpu.vector_load %arg9[%get3A_182, %get3A_183] {strides = array<i32>} : memref<384x128xf32, #tpu.memory_space<vmem>>, vector<1x16xf32>,
      %get3A_185 = vector.shape_cast %get3A_184 : vector<1x16xf32> to vector<16xf32>
      %mul3A_186 = arith.mulf %get3A_163, %get3A_185 : vector<16xf32>
      %add3A_187 = arith.addf %get3A_139, %mul3A_186 : vector<16xf32>
      %get3A_188 = arith.index_cast %add3A_159 : i32 to index
      %get3A_189 = arith.constant 64 : index
      %get3A_190 = tpu.vector_load %arg9[%get3A_188, %get3A_189] {strides = array<i32>} : memref<384x128xf32, #tpu.memory_space<vmem>>, vector<1x16xf32>,
      %get3A_191 = vector.shape_cast %get3A_190 : vector<1x16xf32> to vector<16xf32>
      %mul3A_192 = arith.mulf %get3A_163, %get3A_191 : vector<16xf32>
      %add3A_193 = arith.addf %get3A_143, %mul3A_192 : vector<16xf32>
      %get3A_194 = arith.index_cast %add3A_159 : i32 to index
      %get3A_195 = arith.constant 80 : index
      %get3A_196 = tpu.vector_load %arg9[%get3A_194, %get3A_195] {strides = array<i32>} : memref<384x128xf32, #tpu.memory_space<vmem>>, vector<1x16xf32>,
      %get3A_197 = vector.shape_cast %get3A_196 : vector<1x16xf32> to vector<16xf32>
      %mul3A_198 = arith.mulf %get3A_163, %get3A_197 : vector<16xf32>
      %add3A_199 = arith.addf %get3A_147, %mul3A_198 : vector<16xf32>
      %get3A_200 = arith.index_cast %add3A_159 : i32 to index
      %get3A_201 = arith.constant 96 : index
      %get3A_202 = tpu.vector_load %arg9[%get3A_200, %get3A_201] {strides = array<i32>} : memref<384x128xf32, #tpu.memory_space<vmem>>, vector<1x16xf32>,
      %get3A_203 = vector.shape_cast %get3A_202 : vector<1x16xf32> to vector<16xf32>
      %mul3A_204 = arith.mulf %get3A_163, %get3A_203 : vector<16xf32>
      %add3A_205 = arith.addf %get3A_151, %mul3A_204 : vector<16xf32>
      %get3A_206 = arith.index_cast %add3A_159 : i32 to index
      %get3A_207 = arith.constant 112 : index
      %get3A_208 = tpu.vector_load %arg9[%get3A_206, %get3A_207] {strides = array<i32>} : memref<384x128xf32, #tpu.memory_space<vmem>>, vector<1x16xf32>,
      %get3A_209 = vector.shape_cast %get3A_208 : vector<1x16xf32> to vector<16xf32>
      %mul3A_210 = arith.mulf %get3A_163, %get3A_209 : vector<16xf32>
      %add3A_211 = arith.addf %get3A_155, %mul3A_210 : vector<16xf32>
      %mul3A_212 = arith.constant 6 : i32
      %mul3A_213 = arith.muli %scan3A_123, %mul3A_212 : i32
      %add3A_214 = arith.constant 1 : i32
      %add3A_215 = arith.addi %mul3A_213, %add3A_214 : i32
      %get3A_216 = arith.index_cast %add3A_215 : i32 to index
      %get3A_217 = arith.constant 0 : index
      %get3A_218 = tpu.vector_load %arg8[%get3A_216, %get3A_217] {strides = array<i32>} : memref<384x16xf32, #tpu.memory_space<vmem>>, vector<1x16xf32>,
      %get3A_219 = vector.shape_cast %get3A_218 : vector<1x16xf32> to vector<16xf32>
      %get3A_220 = arith.index_cast %add3A_215 : i32 to index
      %get3A_221 = arith.constant 0 : index
      %get3A_222 = tpu.vector_load %arg9[%get3A_220, %get3A_221] {strides = array<i32>} : memref<384x128xf32, #tpu.memory_space<vmem>>, vector<1x16xf32>,
      %get3A_223 = vector.shape_cast %get3A_222 : vector<1x16xf32> to vector<16xf32>
      %mul3A_224 = arith.mulf %get3A_219, %get3A_223 : vector<16xf32>
      %add3A_225 = arith.addf %add3A_169, %mul3A_224 : vector<16xf32>
      %get3A_226 = arith.index_cast %add3A_215 : i32 to index
      %get3A_227 = arith.constant 16 : index
      %get3A_228 = tpu.vector_load %arg9[%get3A_226, %get3A_227] {strides = array<i32>} : memref<384x128xf32, #tpu.memory_space<vmem>>, vector<1x16xf32>,
      %get3A_229 = vector.shape_cast %get3A_228 : vector<1x16xf32> to vector<16xf32>
      %mul3A_230 = arith.mulf %get3A_219, %get3A_229 : vector<16xf32>
      %add3A_231 = arith.addf %add3A_175, %mul3A_230 : vector<16xf32>
      %get3A_232 = arith.index_cast %add3A_215 : i32 to index
      %get3A_233 = arith.constant 32 : index
      %get3A_234 = tpu.vector_load %arg9[%get3A_232, %get3A_233] {strides = array<i32>} : memref<384x128xf32, #tpu.memory_space<vmem>>, vector<1x16xf32>,
      %get3A_235 = vector.shape_cast %get3A_234 : vector<1x16xf32> to vector<16xf32>
      %mul3A_236 = arith.mulf %get3A_219, %get3A_235 : vector<16xf32>
      %add3A_237 = arith.addf %add3A_181, %mul3A_236 : vector<16xf32>
      %get3A_238 = arith.index_cast %add3A_215 : i32 to index
      %get3A_239 = arith.constant 48 : index
      %get3A_240 = tpu.vector_load %arg9[%get3A_238, %get3A_239] {strides = array<i32>} : memref<384x128xf32, #tpu.memory_space<vmem>>, vector<1x16xf32>,
      %get3A_241 = vector.shape_cast %get3A_240 : vector<1x16xf32> to vector<16xf32>
      %mul3A_242 = arith.mulf %get3A_219, %get3A_241 : vector<16xf32>
      %add3A_243 = arith.addf %add3A_187, %mul3A_242 : vector<16xf32>
      %get3A_244 = arith.index_cast %add3A_215 : i32 to index
      %get3A_245 = arith.constant 64 : index
      %get3A_246 = tpu.vector_load %arg9[%get3A_244, %get3A_245] {strides = array<i32>} : memref<384x128xf32, #tpu.memory_space<vmem>>, vector<1x16xf32>,
      %get3A_247 = vector.shape_cast %get3A_246 : vector<1x16xf32> to vector<16xf32>
      %mul3A_248 = arith.mulf %get3A_219, %get3A_247 : vector<16xf32>
      %add3A_249 = arith.addf %add3A_193, %mul3A_248 : vector<16xf32>
      %get3A_250 = arith.index_cast %add3A_215 : i32 to index
      %get3A_251 = arith.constant 80 : index
      %get3A_252 = tpu.vector_load %arg9[%get3A_250, %get3A_251] {strides = array<i32>} : memref<384x128xf32, #tpu.memory_space<vmem>>, vector<1x16xf32>,
      %get3A_253 = vector.shape_cast %get3A_252 : vector<1x16xf32> to vector<16xf32>
      %mul3A_254 = arith.mulf %get3A_219, %get3A_253 : vector<16xf32>
      %add3A_255 = arith.addf %add3A_199, %mul3A_254 : vector<16xf32>
      %get3A_256 = arith.index_cast %add3A_215 : i32 to index
      %get3A_257 = arith.constant 96 : index
      %get3A_258 = tpu.vector_load %arg9[%get3A_256, %get3A_257] {strides = array<i32>} : memref<384x128xf32, #tpu.memory_space<vmem>>, vector<1x16xf32>,
      %get3A_259 = vector.shape_cast %get3A_258 : vector<1x16xf32> to vector<16xf32>
      %mul3A_260 = arith.mulf %get3A_219, %get3A_259 : vector<16xf32>
      %add3A_261 = arith.addf %add3A_205, %mul3A_260 : vector<16xf32>
      %get3A_262 = arith.index_cast %add3A_215 : i32 to index
      %get3A_263 = arith.constant 112 : index
      %get3A_264 = tpu.vector_load %arg9[%get3A_262, %get3A_263] {strides = array<i32>} : memref<384x128xf32, #tpu.memory_space<vmem>>, vector<1x16xf32>,
      %get3A_265 = vector.shape_cast %get3A_264 : vector<1x16xf32> to vector<16xf32>
      %mul3A_266 = arith.mulf %get3A_219, %get3A_265 : vector<16xf32>
      %add3A_267 = arith.addf %add3A_211, %mul3A_266 : vector<16xf32>
      %mul3A_268 = arith.constant 6 : i32
      %mul3A_269 = arith.muli %scan3A_123, %mul3A_268 : i32
      %add3A_270 = arith.constant 2 : i32
      %add3A_271 = arith.addi %mul3A_269, %add3A_270 : i32
      %get3A_272 = arith.index_cast %add3A_271 : i32 to index
      %get3A_273 = arith.constant 0 : index
      %get3A_274 = tpu.vector_load %arg8[%get3A_272, %get3A_273] {strides = array<i32>} : memref<384x16xf32, #tpu.memory_space<vmem>>, vector<1x16xf32>,
      %get3A_275 = vector.shape_cast %get3A_274 : vector<1x16xf32> to vector<16xf32>
      %get3A_276 = arith.index_cast %add3A_271 : i32 to index
      %get3A_277 = arith.constant 0 : index
      %get3A_278 = tpu.vector_load %arg9[%get3A_276, %get3A_277] {strides = array<i32>} : memref<384x128xf32, #tpu.memory_space<vmem>>, vector<1x16xf32>,
      %get3A_279 = vector.shape_cast %get3A_278 : vector<1x16xf32> to vector<16xf32>
      %mul3A_280 = arith.mulf %get3A_275, %get3A_279 : vector<16xf32>
      %add3A_281 = arith.addf %add3A_225, %mul3A_280 : vector<16xf32>
      %get3A_282 = arith.index_cast %add3A_271 : i32 to index
      %get3A_283 = arith.constant 16 : index
      %get3A_284 = tpu.vector_load %arg9[%get3A_282, %get3A_283] {strides = array<i32>} : memref<384x128xf32, #tpu.memory_space<vmem>>, vector<1x16xf32>,
      %get3A_285 = vector.shape_cast %get3A_284 : vector<1x16xf32> to vector<16xf32>
      %mul3A_286 = arith.mulf %get3A_275, %get3A_285 : vector<16xf32>
      %add3A_287 = arith.addf %add3A_231, %mul3A_286 : vector<16xf32>
      %get3A_288 = arith.index_cast %add3A_271 : i32 to index
      %get3A_289 = arith.constant 32 : index
      %get3A_290 = tpu.vector_load %arg9[%get3A_288, %get3A_289] {strides = array<i32>} : memref<384x128xf32, #tpu.memory_space<vmem>>, vector<1x16xf32>,
      %get3A_291 = vector.shape_cast %get3A_290 : vector<1x16xf32> to vector<16xf32>
      %mul3A_292 = arith.mulf %get3A_275, %get3A_291 : vector<16xf32>
      %add3A_293 = arith.addf %add3A_237, %mul3A_292 : vector<16xf32>
      %get3A_294 = arith.index_cast %add3A_271 : i32 to index
      %get3A_295 = arith.constant 48 : index
      %get3A_296 = tpu.vector_load %arg9[%get3A_294, %get3A_295] {strides = array<i32>} : memref<384x128xf32, #tpu.memory_space<vmem>>, vector<1x16xf32>,
      %get3A_297 = vector.shape_cast %get3A_296 : vector<1x16xf32> to vector<16xf32>
      %mul3A_298 = arith.mulf %get3A_275, %get3A_297 : vector<16xf32>
      %add3A_299 = arith.addf %add3A_243, %mul3A_298 : vector<16xf32>
      %get3A_300 = arith.index_cast %add3A_271 : i32 to index
      %get3A_301 = arith.constant 64 : index
      %get3A_302 = tpu.vector_load %arg9[%get3A_300, %get3A_301] {strides = array<i32>} : memref<384x128xf32, #tpu.memory_space<vmem>>, vector<1x16xf32>,
      %get3A_303 = vector.shape_cast %get3A_302 : vector<1x16xf32> to vector<16xf32>
      %mul3A_304 = arith.mulf %get3A_275, %get3A_303 : vector<16xf32>
      %add3A_305 = arith.addf %add3A_249, %mul3A_304 : vector<16xf32>
      %get3A_306 = arith.index_cast %add3A_271 : i32 to index
      %get3A_307 = arith.constant 80 : index
      %get3A_308 = tpu.vector_load %arg9[%get3A_306, %get3A_307] {strides = array<i32>} : memref<384x128xf32, #tpu.memory_space<vmem>>, vector<1x16xf32>,
      %get3A_309 = vector.shape_cast %get3A_308 : vector<1x16xf32> to vector<16xf32>
      %mul3A_310 = arith.mulf %get3A_275, %get3A_309 : vector<16xf32>
      %add3A_311 = arith.addf %add3A_255, %mul3A_310 : vector<16xf32>
      %get3A_312 = arith.index_cast %add3A_271 : i32 to index
      %get3A_313 = arith.constant 96 : index
      %get3A_314 = tpu.vector_load %arg9[%get3A_312, %get3A_313] {strides = array<i32>} : memref<384x128xf32, #tpu.memory_space<vmem>>, vector<1x16xf32>,
      %get3A_315 = vector.shape_cast %get3A_314 : vector<1x16xf32> to vector<16xf32>
      %mul3A_316 = arith.mulf %get3A_275, %get3A_315 : vector<16xf32>
      %add3A_317 = arith.addf %add3A_261, %mul3A_316 : vector<16xf32>
      %get3A_318 = arith.index_cast %add3A_271 : i32 to index
      %get3A_319 = arith.constant 112 : index
      %get3A_320 = tpu.vector_load %arg9[%get3A_318, %get3A_319] {strides = array<i32>} : memref<384x128xf32, #tpu.memory_space<vmem>>, vector<1x16xf32>,
      %get3A_321 = vector.shape_cast %get3A_320 : vector<1x16xf32> to vector<16xf32>
      %mul3A_322 = arith.mulf %get3A_275, %get3A_321 : vector<16xf32>
      %add3A_323 = arith.addf %add3A_267, %mul3A_322 : vector<16xf32>
      %mul3A_324 = arith.constant 6 : i32
      %mul3A_325 = arith.muli %scan3A_123, %mul3A_324 : i32
      %add3A_326 = arith.constant 3 : i32
      %add3A_327 = arith.addi %mul3A_325, %add3A_326 : i32
      %get3A_328 = arith.index_cast %add3A_327 : i32 to index
      %get3A_329 = arith.constant 0 : index
      %get3A_330 = tpu.vector_load %arg8[%get3A_328, %get3A_329] {strides = array<i32>} : memref<384x16xf32, #tpu.memory_space<vmem>>, vector<1x16xf32>,
      %get3A_331 = vector.shape_cast %get3A_330 : vector<1x16xf32> to vector<16xf32>
      %get3A_332 = arith.index_cast %add3A_327 : i32 to index
      %get3A_333 = arith.constant 0 : index
      %get3A_334 = tpu.vector_load %arg9[%get3A_332, %get3A_333] {strides = array<i32>} : memref<384x128xf32, #tpu.memory_space<vmem>>, vector<1x16xf32>,
      %get3A_335 = vector.shape_cast %get3A_334 : vector<1x16xf32> to vector<16xf32>
      %mul3A_336 = arith.mulf %get3A_331, %get3A_335 : vector<16xf32>
      %add3A_337 = arith.addf %add3A_281, %mul3A_336 : vector<16xf32>
      %get3A_338 = arith.index_cast %add3A_327 : i32 to index
      %get3A_339 = arith.constant 16 : index
      %get3A_340 = tpu.vector_load %arg9[%get3A_338, %get3A_339] {strides = array<i32>} : memref<384x128xf32, #tpu.memory_space<vmem>>, vector<1x16xf32>,
      %get3A_341 = vector.shape_cast %get3A_340 : vector<1x16xf32> to vector<16xf32>
      %mul3A_342 = arith.mulf %get3A_331, %get3A_341 : vector<16xf32>
      %add3A_343 = arith.addf %add3A_287, %mul3A_342 : vector<16xf32>
      %get3A_344 = arith.index_cast %add3A_327 : i32 to index
      %get3A_345 = arith.constant 32 : index
      %get3A_346 = tpu.vector_load %arg9[%get3A_344, %get3A_345] {strides = array<i32>} : memref<384x128xf32, #tpu.memory_space<vmem>>, vector<1x16xf32>,
      %get3A_347 = vector.shape_cast %get3A_346 : vector<1x16xf32> to vector<16xf32>
      %mul3A_348 = arith.mulf %get3A_331, %get3A_347 : vector<16xf32>
      %add3A_349 = arith.addf %add3A_293, %mul3A_348 : vector<16xf32>
      %get3A_350 = arith.index_cast %add3A_327 : i32 to index
      %get3A_351 = arith.constant 48 : index
      %get3A_352 = tpu.vector_load %arg9[%get3A_350, %get3A_351] {strides = array<i32>} : memref<384x128xf32, #tpu.memory_space<vmem>>, vector<1x16xf32>,
      %get3A_353 = vector.shape_cast %get3A_352 : vector<1x16xf32> to vector<16xf32>
      %mul3A_354 = arith.mulf %get3A_331, %get3A_353 : vector<16xf32>
      %add3A_355 = arith.addf %add3A_299, %mul3A_354 : vector<16xf32>
      %get3A_356 = arith.index_cast %add3A_327 : i32 to index
      %get3A_357 = arith.constant 64 : index
      %get3A_358 = tpu.vector_load %arg9[%get3A_356, %get3A_357] {strides = array<i32>} : memref<384x128xf32, #tpu.memory_space<vmem>>, vector<1x16xf32>,
      %get3A_359 = vector.shape_cast %get3A_358 : vector<1x16xf32> to vector<16xf32>
      %mul3A_360 = arith.mulf %get3A_331, %get3A_359 : vector<16xf32>
      %add3A_361 = arith.addf %add3A_305, %mul3A_360 : vector<16xf32>
      %get3A_362 = arith.index_cast %add3A_327 : i32 to index
      %get3A_363 = arith.constant 80 : index
      %get3A_364 = tpu.vector_load %arg9[%get3A_362, %get3A_363] {strides = array<i32>} : memref<384x128xf32, #tpu.memory_space<vmem>>, vector<1x16xf32>,
      %get3A_365 = vector.shape_cast %get3A_364 : vector<1x16xf32> to vector<16xf32>
      %mul3A_366 = arith.mulf %get3A_331, %get3A_365 : vector<16xf32>
      %add3A_367 = arith.addf %add3A_311, %mul3A_366 : vector<16xf32>
      %get3A_368 = arith.index_cast %add3A_327 : i32 to index
      %get3A_369 = arith.constant 96 : index
      %get3A_370 = tpu.vector_load %arg9[%get3A_368, %get3A_369] {strides = array<i32>} : memref<384x128xf32, #tpu.memory_space<vmem>>, vector<1x16xf32>,
      %get3A_371 = vector.shape_cast %get3A_370 : vector<1x16xf32> to vector<16xf32>
      %mul3A_372 = arith.mulf %get3A_331, %get3A_371 : vector<16xf32>
      %add3A_373 = arith.addf %add3A_317, %mul3A_372 : vector<16xf32>
      %get3A_374 = arith.index_cast %add3A_327 : i32 to index
      %get3A_375 = arith.constant 112 : index
      %get3A_376 = tpu.vector_load %arg9[%get3A_374, %get3A_375] {strides = array<i32>} : memref<384x128xf32, #tpu.memory_space<vmem>>, vector<1x16xf32>,
      %get3A_377 = vector.shape_cast %get3A_376 : vector<1x16xf32> to vector<16xf32>
      %mul3A_378 = arith.mulf %get3A_331, %get3A_377 : vector<16xf32>
      %add3A_379 = arith.addf %add3A_323, %mul3A_378 : vector<16xf32>
      %mul3A_380 = arith.constant 6 : i32
      %mul3A_381 = arith.muli %scan3A_123, %mul3A_380 : i32
      %add3A_382 = arith.constant 4 : i32
      %add3A_383 = arith.addi %mul3A_381, %add3A_382 : i32
      %get3A_384 = arith.index_cast %add3A_383 : i32 to index
      %get3A_385 = arith.constant 0 : index
      %get3A_386 = tpu.vector_load %arg8[%get3A_384, %get3A_385] {strides = array<i32>} : memref<384x16xf32, #tpu.memory_space<vmem>>, vector<1x16xf32>,
      %get3A_387 = vector.shape_cast %get3A_386 : vector<1x16xf32> to vector<16xf32>
      %get3A_388 = arith.index_cast %add3A_383 : i32 to index
      %get3A_389 = arith.constant 0 : index
      %get3A_390 = tpu.vector_load %arg9[%get3A_388, %get3A_389] {strides = array<i32>} : memref<384x128xf32, #tpu.memory_space<vmem>>, vector<1x16xf32>,
      %get3A_391 = vector.shape_cast %get3A_390 : vector<1x16xf32> to vector<16xf32>
      %mul3A_392 = arith.mulf %get3A_387, %get3A_391 : vector<16xf32>
      %add3A_393 = arith.addf %add3A_337, %mul3A_392 : vector<16xf32>
      %get3A_394 = arith.index_cast %add3A_383 : i32 to index
      %get3A_395 = arith.constant 16 : index
      %get3A_396 = tpu.vector_load %arg9[%get3A_394, %get3A_395] {strides = array<i32>} : memref<384x128xf32, #tpu.memory_space<vmem>>, vector<1x16xf32>,
      %get3A_397 = vector.shape_cast %get3A_396 : vector<1x16xf32> to vector<16xf32>
      %mul3A_398 = arith.mulf %get3A_387, %get3A_397 : vector<16xf32>
      %add3A_399 = arith.addf %add3A_343, %mul3A_398 : vector<16xf32>
      %get3A_400 = arith.index_cast %add3A_383 : i32 to index
      %get3A_401 = arith.constant 32 : index
      %get3A_402 = tpu.vector_load %arg9[%get3A_400, %get3A_401] {strides = array<i32>} : memref<384x128xf32, #tpu.memory_space<vmem>>, vector<1x16xf32>,
      %get3A_403 = vector.shape_cast %get3A_402 : vector<1x16xf32> to vector<16xf32>
      %mul3A_404 = arith.mulf %get3A_387, %get3A_403 : vector<16xf32>
      %add3A_405 = arith.addf %add3A_349, %mul3A_404 : vector<16xf32>
      %get3A_406 = arith.index_cast %add3A_383 : i32 to index
      %get3A_407 = arith.constant 48 : index
      %get3A_408 = tpu.vector_load %arg9[%get3A_406, %get3A_407] {strides = array<i32>} : memref<384x128xf32, #tpu.memory_space<vmem>>, vector<1x16xf32>,
      %get3A_409 = vector.shape_cast %get3A_408 : vector<1x16xf32> to vector<16xf32>
      %mul3A_410 = arith.mulf %get3A_387, %get3A_409 : vector<16xf32>
      %add3A_411 = arith.addf %add3A_355, %mul3A_410 : vector<16xf32>
      %get3A_412 = arith.index_cast %add3A_383 : i32 to index
      %get3A_413 = arith.constant 64 : index
      %get3A_414 = tpu.vector_load %arg9[%get3A_412, %get3A_413] {strides = array<i32>} : memref<384x128xf32, #tpu.memory_space<vmem>>, vector<1x16xf32>,
      %get3A_415 = vector.shape_cast %get3A_414 : vector<1x16xf32> to vector<16xf32>
      %mul3A_416 = arith.mulf %get3A_387, %get3A_415 : vector<16xf32>
      %add3A_417 = arith.addf %add3A_361, %mul3A_416 : vector<16xf32>
      %get3A_418 = arith.index_cast %add3A_383 : i32 to index
      %get3A_419 = arith.constant 80 : index
      %get3A_420 = tpu.vector_load %arg9[%get3A_418, %get3A_419] {strides = array<i32>} : memref<384x128xf32, #tpu.memory_space<vmem>>, vector<1x16xf32>,
      %get3A_421 = vector.shape_cast %get3A_420 : vector<1x16xf32> to vector<16xf32>
      %mul3A_422 = arith.mulf %get3A_387, %get3A_421 : vector<16xf32>
      %add3A_423 = arith.addf %add3A_367, %mul3A_422 : vector<16xf32>
      %get3A_424 = arith.index_cast %add3A_383 : i32 to index
      %get3A_425 = arith.constant 96 : index
      %get3A_426 = tpu.vector_load %arg9[%get3A_424, %get3A_425] {strides = array<i32>} : memref<384x128xf32, #tpu.memory_space<vmem>>, vector<1x16xf32>,
      %get3A_427 = vector.shape_cast %get3A_426 : vector<1x16xf32> to vector<16xf32>
      %mul3A_428 = arith.mulf %get3A_387, %get3A_427 : vector<16xf32>
      %add3A_429 = arith.addf %add3A_373, %mul3A_428 : vector<16xf32>
      %get3A_430 = arith.index_cast %add3A_383 : i32 to index
      %get3A_431 = arith.constant 112 : index
      %get3A_432 = tpu.vector_load %arg9[%get3A_430, %get3A_431] {strides = array<i32>} : memref<384x128xf32, #tpu.memory_space<vmem>>, vector<1x16xf32>,
      %get3A_433 = vector.shape_cast %get3A_432 : vector<1x16xf32> to vector<16xf32>
      %mul3A_434 = arith.mulf %get3A_387, %get3A_433 : vector<16xf32>
      %add3A_435 = arith.addf %add3A_379, %mul3A_434 : vector<16xf32>
      %mul3A_436 = arith.constant 6 : i32
      %mul3A_437 = arith.muli %scan3A_123, %mul3A_436 : i32
      %add3A_438 = arith.constant 5 : i32
      %add3A_439 = arith.addi %mul3A_437, %add3A_438 : i32
      %get3A_440 = arith.index_cast %add3A_439 : i32 to index
      %get3A_441 = arith.constant 0 : index
      %get3A_442 = tpu.vector_load %arg8[%get3A_440, %get3A_441] {strides = array<i32>} : memref<384x16xf32, #tpu.memory_space<vmem>>, vector<1x16xf32>,
      %get3A_443 = vector.shape_cast %get3A_442 : vector<1x16xf32> to vector<16xf32>
      %get3A_444 = arith.index_cast %add3A_439 : i32 to index
      %get3A_445 = arith.constant 0 : index
      %get3A_446 = tpu.vector_load %arg9[%get3A_444, %get3A_445] {strides = array<i32>} : memref<384x128xf32, #tpu.memory_space<vmem>>, vector<1x16xf32>,
      %get3A_447 = vector.shape_cast %get3A_446 : vector<1x16xf32> to vector<16xf32>
      %mul3A_448 = arith.mulf %get3A_443, %get3A_447 : vector<16xf32>
      %add3A_449 = arith.addf %add3A_393, %mul3A_448 : vector<16xf32>
      %get3A_450 = arith.index_cast %add3A_439 : i32 to index
      %get3A_451 = arith.constant 16 : index
      %get3A_452 = tpu.vector_load %arg9[%get3A_450, %get3A_451] {strides = array<i32>} : memref<384x128xf32, #tpu.memory_space<vmem>>, vector<1x16xf32>,
      %get3A_453 = vector.shape_cast %get3A_452 : vector<1x16xf32> to vector<16xf32>
      %mul3A_454 = arith.mulf %get3A_443, %get3A_453 : vector<16xf32>
      %add3A_455 = arith.addf %add3A_399, %mul3A_454 : vector<16xf32>
      %get3A_456 = arith.index_cast %add3A_439 : i32 to index
      %get3A_457 = arith.constant 32 : index
      %get3A_458 = tpu.vector_load %arg9[%get3A_456, %get3A_457] {strides = array<i32>} : memref<384x128xf32, #tpu.memory_space<vmem>>, vector<1x16xf32>,
      %get3A_459 = vector.shape_cast %get3A_458 : vector<1x16xf32> to vector<16xf32>
      %mul3A_460 = arith.mulf %get3A_443, %get3A_459 : vector<16xf32>
      %add3A_461 = arith.addf %add3A_405, %mul3A_460 : vector<16xf32>
      %get3A_462 = arith.index_cast %add3A_439 : i32 to index
      %get3A_463 = arith.constant 48 : index
      %get3A_464 = tpu.vector_load %arg9[%get3A_462, %get3A_463] {strides = array<i32>} : memref<384x128xf32, #tpu.memory_space<vmem>>, vector<1x16xf32>,
      %get3A_465 = vector.shape_cast %get3A_464 : vector<1x16xf32> to vector<16xf32>
      %mul3A_466 = arith.mulf %get3A_443, %get3A_465 : vector<16xf32>
      %add3A_467 = arith.addf %add3A_411, %mul3A_466 : vector<16xf32>
      %get3A_468 = arith.index_cast %add3A_439 : i32 to index
      %get3A_469 = arith.constant 64 : index
      %get3A_470 = tpu.vector_load %arg9[%get3A_468, %get3A_469] {strides = array<i32>} : memref<384x128xf32, #tpu.memory_space<vmem>>, vector<1x16xf32>,
      %get3A_471 = vector.shape_cast %get3A_470 : vector<1x16xf32> to vector<16xf32>
      %mul3A_472 = arith.mulf %get3A_443, %get3A_471 : vector<16xf32>
      %add3A_473 = arith.addf %add3A_417, %mul3A_472 : vector<16xf32>
      %get3A_474 = arith.index_cast %add3A_439 : i32 to index
      %get3A_475 = arith.constant 80 : index
      %get3A_476 = tpu.vector_load %arg9[%get3A_474, %get3A_475] {strides = array<i32>} : memref<384x128xf32, #tpu.memory_space<vmem>>, vector<1x16xf32>,
      %get3A_477 = vector.shape_cast %get3A_476 : vector<1x16xf32> to vector<16xf32>
      %mul3A_478 = arith.mulf %get3A_443, %get3A_477 : vector<16xf32>
      %add3A_479 = arith.addf %add3A_423, %mul3A_478 : vector<16xf32>
      %get3A_480 = arith.index_cast %add3A_439 : i32 to index
      %get3A_481 = arith.constant 96 : index
      %get3A_482 = tpu.vector_load %arg9[%get3A_480, %get3A_481] {strides = array<i32>} : memref<384x128xf32, #tpu.memory_space<vmem>>, vector<1x16xf32>,
      %get3A_483 = vector.shape_cast %get3A_482 : vector<1x16xf32> to vector<16xf32>
      %mul3A_484 = arith.mulf %get3A_443, %get3A_483 : vector<16xf32>
      %add3A_485 = arith.addf %add3A_429, %mul3A_484 : vector<16xf32>
      %get3A_486 = arith.index_cast %add3A_439 : i32 to index
      %get3A_487 = arith.constant 112 : index
      %get3A_488 = tpu.vector_load %arg9[%get3A_486, %get3A_487] {strides = array<i32>} : memref<384x128xf32, #tpu.memory_space<vmem>>, vector<1x16xf32>,
      %get3A_489 = vector.shape_cast %get3A_488 : vector<1x16xf32> to vector<16xf32>
      %mul3A_490 = arith.mulf %get3A_443, %get3A_489 : vector<16xf32>
      %add3A_491 = arith.addf %add3A_435, %mul3A_490 : vector<16xf32>
      %swap3A = arith.index_cast %scan3A_123 : i32 to index
      %swap3A_492 = arith.constant 0 : index
      %swap3A_493 = tpu.vector_load %arg10[%swap3A, %swap3A_492] {strides = array<i32>} : memref<64x128xf32, #tpu.memory_space<vmem>>, vector<1x16xf32>,
      %swap3A_494 = vector.shape_cast %swap3A_493 : vector<1x16xf32> to vector<16xf32>
      %swap3A_495 = vector.shape_cast %add3A_449 : vector<16xf32> to vector<1x16xf32>
      tpu.vector_store %arg10[%swap3A, %swap3A_492], %swap3A_495 {strides = array<i32>} : memref<64x128xf32, #tpu.memory_space<vmem>>, vector<1x16xf32>,
      %swap3A_496 = arith.index_cast %scan3A_123 : i32 to index
      %swap3A_497 = arith.constant 16 : index
      %swap3A_498 = tpu.vector_load %arg10[%swap3A_496, %swap3A_497] {strides = array<i32>} : memref<64x128xf32, #tpu.memory_space<vmem>>, vector<1x16xf32>,
      %swap3A_499 = vector.shape_cast %swap3A_498 : vector<1x16xf32> to vector<16xf32>
      %swap3A_500 = vector.shape_cast %add3A_455 : vector<16xf32> to vector<1x16xf32>
      tpu.vector_store %arg10[%swap3A_496, %swap3A_497], %swap3A_500 {strides = array<i32>} : memref<64x128xf32, #tpu.memory_space<vmem>>, vector<1x16xf32>,
      %swap3A_501 = arith.index_cast %scan3A_123 : i32 to index
      %swap3A_502 = arith.constant 32 : index
      %swap3A_503 = tpu.vector_load %arg10[%swap3A_501, %swap3A_502] {strides = array<i32>} : memref<64x128xf32, #tpu.memory_space<vmem>>, vector<1x16xf32>,
      %swap3A_504 = vector.shape_cast %swap3A_503 : vector<1x16xf32> to vector<16xf32>
      %swap3A_505 = vector.shape_cast %add3A_461 : vector<16xf32> to vector<1x16xf32>
      tpu.vector_store %arg10[%swap3A_501, %swap3A_502], %swap3A_505 {strides = array<i32>} : memref<64x128xf32, #tpu.memory_space<vmem>>, vector<1x16xf32>,
      %swap3A_506 = arith.index_cast %scan3A_123 : i32 to index
      %swap3A_507 = arith.constant 48 : index
      %swap3A_508 = tpu.vector_load %arg10[%swap3A_506, %swap3A_507] {strides = array<i32>} : memref<64x128xf32, #tpu.memory_space<vmem>>, vector<1x16xf32>,
      %swap3A_509 = vector.shape_cast %swap3A_508 : vector<1x16xf32> to vector<16xf32>
      %swap3A_510 = vector.shape_cast %add3A_467 : vector<16xf32> to vector<1x16xf32>
      tpu.vector_store %arg10[%swap3A_506, %swap3A_507], %swap3A_510 {strides = array<i32>} : memref<64x128xf32, #tpu.memory_space<vmem>>, vector<1x16xf32>,
      %swap3A_511 = arith.index_cast %scan3A_123 : i32 to index
      %swap3A_512 = arith.constant 64 : index
      %swap3A_513 = tpu.vector_load %arg10[%swap3A_511, %swap3A_512] {strides = array<i32>} : memref<64x128xf32, #tpu.memory_space<vmem>>, vector<1x16xf32>,
      %swap3A_514 = vector.shape_cast %swap3A_513 : vector<1x16xf32> to vector<16xf32>
      %swap3A_515 = vector.shape_cast %add3A_473 : vector<16xf32> to vector<1x16xf32>
      tpu.vector_store %arg10[%swap3A_511, %swap3A_512], %swap3A_515 {strides = array<i32>} : memref<64x128xf32, #tpu.memory_space<vmem>>, vector<1x16xf32>,
      %swap3A_516 = arith.index_cast %scan3A_123 : i32 to index
      %swap3A_517 = arith.constant 80 : index
      %swap3A_518 = tpu.vector_load %arg10[%swap3A_516, %swap3A_517] {strides = array<i32>} : memref<64x128xf32, #tpu.memory_space<vmem>>, vector<1x16xf32>,
      %swap3A_519 = vector.shape_cast %swap3A_518 : vector<1x16xf32> to vector<16xf32>
      %swap3A_520 = vector.shape_cast %add3A_479 : vector<16xf32> to vector<1x16xf32>
      tpu.vector_store %arg10[%swap3A_516, %swap3A_517], %swap3A_520 {strides = array<i32>} : memref<64x128xf32, #tpu.memory_space<vmem>>, vector<1x16xf32>,
      %swap3A_521 = arith.index_cast %scan3A_123 : i32 to index
      %swap3A_522 = arith.constant 96 : index
      %swap3A_523 = tpu.vector_load %arg10[%swap3A_521, %swap3A_522] {strides = array<i32>} : memref<64x128xf32, #tpu.memory_space<vmem>>, vector<1x16xf32>,
      %swap3A_524 = vector.shape_cast %swap3A_523 : vector<1x16xf32> to vector<16xf32>
      %swap3A_525 = vector.shape_cast %add3A_485 : vector<16xf32> to vector<1x16xf32>
      tpu.vector_store %arg10[%swap3A_521, %swap3A_522], %swap3A_525 {strides = array<i32>} : memref<64x128xf32, #tpu.memory_space<vmem>>, vector<1x16xf32>,
      %swap3A_526 = arith.index_cast %scan3A_123 : i32 to index
      %swap3A_527 = arith.constant 112 : index
      %swap3A_528 = tpu.vector_load %arg10[%swap3A_526, %swap3A_527] {strides = array<i32>} : memref<64x128xf32, #tpu.memory_space<vmem>>, vector<1x16xf32>,
      %swap3A_529 = vector.shape_cast %swap3A_528 : vector<1x16xf32> to vector<16xf32>
      %swap3A_530 = vector.shape_cast %add3A_491 : vector<16xf32> to vector<1x16xf32>
      tpu.vector_store %arg10[%swap3A_526, %swap3A_527], %swap3A_530 {strides = array<i32>} : memref<64x128xf32, #tpu.memory_space<vmem>>, vector<1x16xf32>,
      %scan3A_531 = arith.constant 0 : i32
      scf.yield %scan3A_531 : i32
    }
    %scan3A_103 = arith.constant 21 : i32
    %dma_wait3A_104 = arith.constant 2 : i32
    %dma_wait3A_105 = arith.constant 256 : i32
    %dma_wait3A_106 = arith.constant 0 : i32
    %dma_wait3A_107 = tpu.memref_slice %arg9[%dma_wait3A_105, %dma_wait3A_106] : memref<384x128xf32, #tpu.memory_space<vmem>> -> memref<128x128xf32, #tpu.memory_space<vmem>>
    %dma_wait3A_108 = arith.constant 0 : i32
    %dma_wait3A_109 = tpu.memref_slice %arg7[%dma_wait3A_104, %dma_wait3A_108] : memref<3x128xi32, #tpu.memory_space<vmem>> -> memref<1x128xi32, #tpu.memory_space<vmem>>
    %dma_wait3A_110 = tpu.memref_squeeze %dma_wait3A_109 : memref<1x128xi32, #tpu.memory_space<vmem>> -> memref<128xi32, #tpu.memory_space<vmem>>
    %dma_wait3A_111 = arith.constant 0 : i32
    %dma_wait3A_112 = arith.constant 0 : i32
    %dma_wait3A_113 = tpu.memref_slice %arg2[%dma_wait3A_111, %dma_wait3A_112] : memref<20480x128xf32, #tpu.memory_space<hbm>> -> memref<20480x128xf32, #tpu.memory_space<hbm>>
    tpu.wait_indirect_dma semaphore(%arg11 : memref<!tpu.dma_semaphore, #tpu.memory_space<semaphore_mem>>) src(%dma_wait3A_113 : memref<20480x128xf32, #tpu.memory_space<hbm>>) dst(%dma_wait3A_107 : memref<128x128xf32, #tpu.memory_space<vmem>>)
    %scan3A_114 = arith.constant 0 : i32
    %scan3A_115 = arith.constant 42 : i32
    %scan3A_116 = arith.constant 22 : i32
    %scan3A_117 = arith.addi %scan3A_115, %scan3A_116 : i32
    %scan3A_118 = arith.constant 1 : i32
    %scan3A_119 = scf.for %scan3A_123 = %scan3A_115 to %scan3A_117 step %scan3A_118 iter_args(%scan3A_124 = %scan3A_114) -> (i32)  : i32 {
      %get3A = arith.index_cast %scan3A_123 : i32 to index
      %get3A_125 = arith.constant 0 : index
      %get3A_126 = tpu.vector_load %arg10[%get3A, %get3A_125] {strides = array<i32>} : memref<64x128xf32, #tpu.memory_space<vmem>>, vector<1x16xf32>,
      %get3A_127 = vector.shape_cast %get3A_126 : vector<1x16xf32> to vector<16xf32>
      %get3A_128 = arith.index_cast %scan3A_123 : i32 to index
      %get3A_129 = arith.constant 16 : index
      %get3A_130 = tpu.vector_load %arg10[%get3A_128, %get3A_129] {strides = array<i32>} : memref<64x128xf32, #tpu.memory_space<vmem>>, vector<1x16xf32>,
      %get3A_131 = vector.shape_cast %get3A_130 : vector<1x16xf32> to vector<16xf32>
      %get3A_132 = arith.index_cast %scan3A_123 : i32 to index
      %get3A_133 = arith.constant 32 : index
      %get3A_134 = tpu.vector_load %arg10[%get3A_132, %get3A_133] {strides = array<i32>} : memref<64x128xf32, #tpu.memory_space<vmem>>, vector<1x16xf32>,
      %get3A_135 = vector.shape_cast %get3A_134 : vector<1x16xf32> to vector<16xf32>
      %get3A_136 = arith.index_cast %scan3A_123 : i32 to index
      %get3A_137 = arith.constant 48 : index
      %get3A_138 = tpu.vector_load %arg10[%get3A_136, %get3A_137] {strides = array<i32>} : memref<64x128xf32, #tpu.memory_space<vmem>>, vector<1x16xf32>,
      %get3A_139 = vector.shape_cast %get3A_138 : vector<1x16xf32> to vector<16xf32>
      %get3A_140 = arith.index_cast %scan3A_123 : i32 to index
      %get3A_141 = arith.constant 64 : index
      %get3A_142 = tpu.vector_load %arg10[%get3A_140, %get3A_141] {strides = array<i32>} : memref<64x128xf32, #tpu.memory_space<vmem>>, vector<1x16xf32>,
      %get3A_143 = vector.shape_cast %get3A_142 : vector<1x16xf32> to vector<16xf32>
      %get3A_144 = arith.index_cast %scan3A_123 : i32 to index
      %get3A_145 = arith.constant 80 : index
      %get3A_146 = tpu.vector_load %arg10[%get3A_144, %get3A_145] {strides = array<i32>} : memref<64x128xf32, #tpu.memory_space<vmem>>, vector<1x16xf32>,
      %get3A_147 = vector.shape_cast %get3A_146 : vector<1x16xf32> to vector<16xf32>
      %get3A_148 = arith.index_cast %scan3A_123 : i32 to index
      %get3A_149 = arith.constant 96 : index
      %get3A_150 = tpu.vector_load %arg10[%get3A_148, %get3A_149] {strides = array<i32>} : memref<64x128xf32, #tpu.memory_space<vmem>>, vector<1x16xf32>,
      %get3A_151 = vector.shape_cast %get3A_150 : vector<1x16xf32> to vector<16xf32>
      %get3A_152 = arith.index_cast %scan3A_123 : i32 to index
      %get3A_153 = arith.constant 112 : index
      %get3A_154 = tpu.vector_load %arg10[%get3A_152, %get3A_153] {strides = array<i32>} : memref<64x128xf32, #tpu.memory_space<vmem>>, vector<1x16xf32>,
      %get3A_155 = vector.shape_cast %get3A_154 : vector<1x16xf32> to vector<16xf32>
      %mul3A_156 = arith.constant 6 : i32
      %mul3A_157 = arith.muli %scan3A_123, %mul3A_156 : i32
      %add3A_158 = arith.constant 0 : i32
      %add3A_159 = arith.addi %mul3A_157, %add3A_158 : i32
      %get3A_160 = arith.index_cast %add3A_159 : i32 to index
      %get3A_161 = arith.constant 0 : index
      %get3A_162 = tpu.vector_load %arg8[%get3A_160, %get3A_161] {strides = array<i32>} : memref<384x16xf32, #tpu.memory_space<vmem>>, vector<1x16xf32>,
      %get3A_163 = vector.shape_cast %get3A_162 : vector<1x16xf32> to vector<16xf32>
      %get3A_164 = arith.index_cast %add3A_159 : i32 to index
      %get3A_165 = arith.constant 0 : index
      %get3A_166 = tpu.vector_load %arg9[%get3A_164, %get3A_165] {strides = array<i32>} : memref<384x128xf32, #tpu.memory_space<vmem>>, vector<1x16xf32>,
      %get3A_167 = vector.shape_cast %get3A_166 : vector<1x16xf32> to vector<16xf32>
      %mul3A_168 = arith.mulf %get3A_163, %get3A_167 : vector<16xf32>
      %add3A_169 = arith.addf %get3A_127, %mul3A_168 : vector<16xf32>
      %get3A_170 = arith.index_cast %add3A_159 : i32 to index
      %get3A_171 = arith.constant 16 : index
      %get3A_172 = tpu.vector_load %arg9[%get3A_170, %get3A_171] {strides = array<i32>} : memref<384x128xf32, #tpu.memory_space<vmem>>, vector<1x16xf32>,
      %get3A_173 = vector.shape_cast %get3A_172 : vector<1x16xf32> to vector<16xf32>
      %mul3A_174 = arith.mulf %get3A_163, %get3A_173 : vector<16xf32>
      %add3A_175 = arith.addf %get3A_131, %mul3A_174 : vector<16xf32>
      %get3A_176 = arith.index_cast %add3A_159 : i32 to index
      %get3A_177 = arith.constant 32 : index
      %get3A_178 = tpu.vector_load %arg9[%get3A_176, %get3A_177] {strides = array<i32>} : memref<384x128xf32, #tpu.memory_space<vmem>>, vector<1x16xf32>,
      %get3A_179 = vector.shape_cast %get3A_178 : vector<1x16xf32> to vector<16xf32>
      %mul3A_180 = arith.mulf %get3A_163, %get3A_179 : vector<16xf32>
      %add3A_181 = arith.addf %get3A_135, %mul3A_180 : vector<16xf32>
      %get3A_182 = arith.index_cast %add3A_159 : i32 to index
      %get3A_183 = arith.constant 48 : index
      %get3A_184 = tpu.vector_load %arg9[%get3A_182, %get3A_183] {strides = array<i32>} : memref<384x128xf32, #tpu.memory_space<vmem>>, vector<1x16xf32>,
      %get3A_185 = vector.shape_cast %get3A_184 : vector<1x16xf32> to vector<16xf32>
      %mul3A_186 = arith.mulf %get3A_163, %get3A_185 : vector<16xf32>
      %add3A_187 = arith.addf %get3A_139, %mul3A_186 : vector<16xf32>
      %get3A_188 = arith.index_cast %add3A_159 : i32 to index
      %get3A_189 = arith.constant 64 : index
      %get3A_190 = tpu.vector_load %arg9[%get3A_188, %get3A_189] {strides = array<i32>} : memref<384x128xf32, #tpu.memory_space<vmem>>, vector<1x16xf32>,
      %get3A_191 = vector.shape_cast %get3A_190 : vector<1x16xf32> to vector<16xf32>
      %mul3A_192 = arith.mulf %get3A_163, %get3A_191 : vector<16xf32>
      %add3A_193 = arith.addf %get3A_143, %mul3A_192 : vector<16xf32>
      %get3A_194 = arith.index_cast %add3A_159 : i32 to index
      %get3A_195 = arith.constant 80 : index
      %get3A_196 = tpu.vector_load %arg9[%get3A_194, %get3A_195] {strides = array<i32>} : memref<384x128xf32, #tpu.memory_space<vmem>>, vector<1x16xf32>,
      %get3A_197 = vector.shape_cast %get3A_196 : vector<1x16xf32> to vector<16xf32>
      %mul3A_198 = arith.mulf %get3A_163, %get3A_197 : vector<16xf32>
      %add3A_199 = arith.addf %get3A_147, %mul3A_198 : vector<16xf32>
      %get3A_200 = arith.index_cast %add3A_159 : i32 to index
      %get3A_201 = arith.constant 96 : index
      %get3A_202 = tpu.vector_load %arg9[%get3A_200, %get3A_201] {strides = array<i32>} : memref<384x128xf32, #tpu.memory_space<vmem>>, vector<1x16xf32>,
      %get3A_203 = vector.shape_cast %get3A_202 : vector<1x16xf32> to vector<16xf32>
      %mul3A_204 = arith.mulf %get3A_163, %get3A_203 : vector<16xf32>
      %add3A_205 = arith.addf %get3A_151, %mul3A_204 : vector<16xf32>
      %get3A_206 = arith.index_cast %add3A_159 : i32 to index
      %get3A_207 = arith.constant 112 : index
      %get3A_208 = tpu.vector_load %arg9[%get3A_206, %get3A_207] {strides = array<i32>} : memref<384x128xf32, #tpu.memory_space<vmem>>, vector<1x16xf32>,
      %get3A_209 = vector.shape_cast %get3A_208 : vector<1x16xf32> to vector<16xf32>
      %mul3A_210 = arith.mulf %get3A_163, %get3A_209 : vector<16xf32>
      %add3A_211 = arith.addf %get3A_155, %mul3A_210 : vector<16xf32>
      %mul3A_212 = arith.constant 6 : i32
      %mul3A_213 = arith.muli %scan3A_123, %mul3A_212 : i32
      %add3A_214 = arith.constant 1 : i32
      %add3A_215 = arith.addi %mul3A_213, %add3A_214 : i32
      %get3A_216 = arith.index_cast %add3A_215 : i32 to index
      %get3A_217 = arith.constant 0 : index
      %get3A_218 = tpu.vector_load %arg8[%get3A_216, %get3A_217] {strides = array<i32>} : memref<384x16xf32, #tpu.memory_space<vmem>>, vector<1x16xf32>,
      %get3A_219 = vector.shape_cast %get3A_218 : vector<1x16xf32> to vector<16xf32>
      %get3A_220 = arith.index_cast %add3A_215 : i32 to index
      %get3A_221 = arith.constant 0 : index
      %get3A_222 = tpu.vector_load %arg9[%get3A_220, %get3A_221] {strides = array<i32>} : memref<384x128xf32, #tpu.memory_space<vmem>>, vector<1x16xf32>,
      %get3A_223 = vector.shape_cast %get3A_222 : vector<1x16xf32> to vector<16xf32>
      %mul3A_224 = arith.mulf %get3A_219, %get3A_223 : vector<16xf32>
      %add3A_225 = arith.addf %add3A_169, %mul3A_224 : vector<16xf32>
      %get3A_226 = arith.index_cast %add3A_215 : i32 to index
      %get3A_227 = arith.constant 16 : index
      %get3A_228 = tpu.vector_load %arg9[%get3A_226, %get3A_227] {strides = array<i32>} : memref<384x128xf32, #tpu.memory_space<vmem>>, vector<1x16xf32>,
      %get3A_229 = vector.shape_cast %get3A_228 : vector<1x16xf32> to vector<16xf32>
      %mul3A_230 = arith.mulf %get3A_219, %get3A_229 : vector<16xf32>
      %add3A_231 = arith.addf %add3A_175, %mul3A_230 : vector<16xf32>
      %get3A_232 = arith.index_cast %add3A_215 : i32 to index
      %get3A_233 = arith.constant 32 : index
      %get3A_234 = tpu.vector_load %arg9[%get3A_232, %get3A_233] {strides = array<i32>} : memref<384x128xf32, #tpu.memory_space<vmem>>, vector<1x16xf32>,
      %get3A_235 = vector.shape_cast %get3A_234 : vector<1x16xf32> to vector<16xf32>
      %mul3A_236 = arith.mulf %get3A_219, %get3A_235 : vector<16xf32>
      %add3A_237 = arith.addf %add3A_181, %mul3A_236 : vector<16xf32>
      %get3A_238 = arith.index_cast %add3A_215 : i32 to index
      %get3A_239 = arith.constant 48 : index
      %get3A_240 = tpu.vector_load %arg9[%get3A_238, %get3A_239] {strides = array<i32>} : memref<384x128xf32, #tpu.memory_space<vmem>>, vector<1x16xf32>,
      %get3A_241 = vector.shape_cast %get3A_240 : vector<1x16xf32> to vector<16xf32>
      %mul3A_242 = arith.mulf %get3A_219, %get3A_241 : vector<16xf32>
      %add3A_243 = arith.addf %add3A_187, %mul3A_242 : vector<16xf32>
      %get3A_244 = arith.index_cast %add3A_215 : i32 to index
      %get3A_245 = arith.constant 64 : index
      %get3A_246 = tpu.vector_load %arg9[%get3A_244, %get3A_245] {strides = array<i32>} : memref<384x128xf32, #tpu.memory_space<vmem>>, vector<1x16xf32>,
      %get3A_247 = vector.shape_cast %get3A_246 : vector<1x16xf32> to vector<16xf32>
      %mul3A_248 = arith.mulf %get3A_219, %get3A_247 : vector<16xf32>
      %add3A_249 = arith.addf %add3A_193, %mul3A_248 : vector<16xf32>
      %get3A_250 = arith.index_cast %add3A_215 : i32 to index
      %get3A_251 = arith.constant 80 : index
      %get3A_252 = tpu.vector_load %arg9[%get3A_250, %get3A_251] {strides = array<i32>} : memref<384x128xf32, #tpu.memory_space<vmem>>, vector<1x16xf32>,
      %get3A_253 = vector.shape_cast %get3A_252 : vector<1x16xf32> to vector<16xf32>
      %mul3A_254 = arith.mulf %get3A_219, %get3A_253 : vector<16xf32>
      %add3A_255 = arith.addf %add3A_199, %mul3A_254 : vector<16xf32>
      %get3A_256 = arith.index_cast %add3A_215 : i32 to index
      %get3A_257 = arith.constant 96 : index
      %get3A_258 = tpu.vector_load %arg9[%get3A_256, %get3A_257] {strides = array<i32>} : memref<384x128xf32, #tpu.memory_space<vmem>>, vector<1x16xf32>,
      %get3A_259 = vector.shape_cast %get3A_258 : vector<1x16xf32> to vector<16xf32>
      %mul3A_260 = arith.mulf %get3A_219, %get3A_259 : vector<16xf32>
      %add3A_261 = arith.addf %add3A_205, %mul3A_260 : vector<16xf32>
      %get3A_262 = arith.index_cast %add3A_215 : i32 to index
      %get3A_263 = arith.constant 112 : index
      %get3A_264 = tpu.vector_load %arg9[%get3A_262, %get3A_263] {strides = array<i32>} : memref<384x128xf32, #tpu.memory_space<vmem>>, vector<1x16xf32>,
      %get3A_265 = vector.shape_cast %get3A_264 : vector<1x16xf32> to vector<16xf32>
      %mul3A_266 = arith.mulf %get3A_219, %get3A_265 : vector<16xf32>
      %add3A_267 = arith.addf %add3A_211, %mul3A_266 : vector<16xf32>
      %mul3A_268 = arith.constant 6 : i32
      %mul3A_269 = arith.muli %scan3A_123, %mul3A_268 : i32
      %add3A_270 = arith.constant 2 : i32
      %add3A_271 = arith.addi %mul3A_269, %add3A_270 : i32
      %get3A_272 = arith.index_cast %add3A_271 : i32 to index
      %get3A_273 = arith.constant 0 : index
      %get3A_274 = tpu.vector_load %arg8[%get3A_272, %get3A_273] {strides = array<i32>} : memref<384x16xf32, #tpu.memory_space<vmem>>, vector<1x16xf32>,
      %get3A_275 = vector.shape_cast %get3A_274 : vector<1x16xf32> to vector<16xf32>
      %get3A_276 = arith.index_cast %add3A_271 : i32 to index
      %get3A_277 = arith.constant 0 : index
      %get3A_278 = tpu.vector_load %arg9[%get3A_276, %get3A_277] {strides = array<i32>} : memref<384x128xf32, #tpu.memory_space<vmem>>, vector<1x16xf32>,
      %get3A_279 = vector.shape_cast %get3A_278 : vector<1x16xf32> to vector<16xf32>
      %mul3A_280 = arith.mulf %get3A_275, %get3A_279 : vector<16xf32>
      %add3A_281 = arith.addf %add3A_225, %mul3A_280 : vector<16xf32>
      %get3A_282 = arith.index_cast %add3A_271 : i32 to index
      %get3A_283 = arith.constant 16 : index
      %get3A_284 = tpu.vector_load %arg9[%get3A_282, %get3A_283] {strides = array<i32>} : memref<384x128xf32, #tpu.memory_space<vmem>>, vector<1x16xf32>,
      %get3A_285 = vector.shape_cast %get3A_284 : vector<1x16xf32> to vector<16xf32>
      %mul3A_286 = arith.mulf %get3A_275, %get3A_285 : vector<16xf32>
      %add3A_287 = arith.addf %add3A_231, %mul3A_286 : vector<16xf32>
      %get3A_288 = arith.index_cast %add3A_271 : i32 to index
      %get3A_289 = arith.constant 32 : index
      %get3A_290 = tpu.vector_load %arg9[%get3A_288, %get3A_289] {strides = array<i32>} : memref<384x128xf32, #tpu.memory_space<vmem>>, vector<1x16xf32>,
      %get3A_291 = vector.shape_cast %get3A_290 : vector<1x16xf32> to vector<16xf32>
      %mul3A_292 = arith.mulf %get3A_275, %get3A_291 : vector<16xf32>
      %add3A_293 = arith.addf %add3A_237, %mul3A_292 : vector<16xf32>
      %get3A_294 = arith.index_cast %add3A_271 : i32 to index
      %get3A_295 = arith.constant 48 : index
      %get3A_296 = tpu.vector_load %arg9[%get3A_294, %get3A_295] {strides = array<i32>} : memref<384x128xf32, #tpu.memory_space<vmem>>, vector<1x16xf32>,
      %get3A_297 = vector.shape_cast %get3A_296 : vector<1x16xf32> to vector<16xf32>
      %mul3A_298 = arith.mulf %get3A_275, %get3A_297 : vector<16xf32>
      %add3A_299 = arith.addf %add3A_243, %mul3A_298 : vector<16xf32>
      %get3A_300 = arith.index_cast %add3A_271 : i32 to index
      %get3A_301 = arith.constant 64 : index
      %get3A_302 = tpu.vector_load %arg9[%get3A_300, %get3A_301] {strides = array<i32>} : memref<384x128xf32, #tpu.memory_space<vmem>>, vector<1x16xf32>,
      %get3A_303 = vector.shape_cast %get3A_302 : vector<1x16xf32> to vector<16xf32>
      %mul3A_304 = arith.mulf %get3A_275, %get3A_303 : vector<16xf32>
      %add3A_305 = arith.addf %add3A_249, %mul3A_304 : vector<16xf32>
      %get3A_306 = arith.index_cast %add3A_271 : i32 to index
      %get3A_307 = arith.constant 80 : index
      %get3A_308 = tpu.vector_load %arg9[%get3A_306, %get3A_307] {strides = array<i32>} : memref<384x128xf32, #tpu.memory_space<vmem>>, vector<1x16xf32>,
      %get3A_309 = vector.shape_cast %get3A_308 : vector<1x16xf32> to vector<16xf32>
      %mul3A_310 = arith.mulf %get3A_275, %get3A_309 : vector<16xf32>
      %add3A_311 = arith.addf %add3A_255, %mul3A_310 : vector<16xf32>
      %get3A_312 = arith.index_cast %add3A_271 : i32 to index
      %get3A_313 = arith.constant 96 : index
      %get3A_314 = tpu.vector_load %arg9[%get3A_312, %get3A_313] {strides = array<i32>} : memref<384x128xf32, #tpu.memory_space<vmem>>, vector<1x16xf32>,
      %get3A_315 = vector.shape_cast %get3A_314 : vector<1x16xf32> to vector<16xf32>
      %mul3A_316 = arith.mulf %get3A_275, %get3A_315 : vector<16xf32>
      %add3A_317 = arith.addf %add3A_261, %mul3A_316 : vector<16xf32>
      %get3A_318 = arith.index_cast %add3A_271 : i32 to index
      %get3A_319 = arith.constant 112 : index
      %get3A_320 = tpu.vector_load %arg9[%get3A_318, %get3A_319] {strides = array<i32>} : memref<384x128xf32, #tpu.memory_space<vmem>>, vector<1x16xf32>,
      %get3A_321 = vector.shape_cast %get3A_320 : vector<1x16xf32> to vector<16xf32>
      %mul3A_322 = arith.mulf %get3A_275, %get3A_321 : vector<16xf32>
      %add3A_323 = arith.addf %add3A_267, %mul3A_322 : vector<16xf32>
      %mul3A_324 = arith.constant 6 : i32
      %mul3A_325 = arith.muli %scan3A_123, %mul3A_324 : i32
      %add3A_326 = arith.constant 3 : i32
      %add3A_327 = arith.addi %mul3A_325, %add3A_326 : i32
      %get3A_328 = arith.index_cast %add3A_327 : i32 to index
      %get3A_329 = arith.constant 0 : index
      %get3A_330 = tpu.vector_load %arg8[%get3A_328, %get3A_329] {strides = array<i32>} : memref<384x16xf32, #tpu.memory_space<vmem>>, vector<1x16xf32>,
      %get3A_331 = vector.shape_cast %get3A_330 : vector<1x16xf32> to vector<16xf32>
      %get3A_332 = arith.index_cast %add3A_327 : i32 to index
      %get3A_333 = arith.constant 0 : index
      %get3A_334 = tpu.vector_load %arg9[%get3A_332, %get3A_333] {strides = array<i32>} : memref<384x128xf32, #tpu.memory_space<vmem>>, vector<1x16xf32>,
      %get3A_335 = vector.shape_cast %get3A_334 : vector<1x16xf32> to vector<16xf32>
      %mul3A_336 = arith.mulf %get3A_331, %get3A_335 : vector<16xf32>
      %add3A_337 = arith.addf %add3A_281, %mul3A_336 : vector<16xf32>
      %get3A_338 = arith.index_cast %add3A_327 : i32 to index
      %get3A_339 = arith.constant 16 : index
      %get3A_340 = tpu.vector_load %arg9[%get3A_338, %get3A_339] {strides = array<i32>} : memref<384x128xf32, #tpu.memory_space<vmem>>, vector<1x16xf32>,
      %get3A_341 = vector.shape_cast %get3A_340 : vector<1x16xf32> to vector<16xf32>
      %mul3A_342 = arith.mulf %get3A_331, %get3A_341 : vector<16xf32>
      %add3A_343 = arith.addf %add3A_287, %mul3A_342 : vector<16xf32>
      %get3A_344 = arith.index_cast %add3A_327 : i32 to index
      %get3A_345 = arith.constant 32 : index
      %get3A_346 = tpu.vector_load %arg9[%get3A_344, %get3A_345] {strides = array<i32>} : memref<384x128xf32, #tpu.memory_space<vmem>>, vector<1x16xf32>,
      %get3A_347 = vector.shape_cast %get3A_346 : vector<1x16xf32> to vector<16xf32>
      %mul3A_348 = arith.mulf %get3A_331, %get3A_347 : vector<16xf32>
      %add3A_349 = arith.addf %add3A_293, %mul3A_348 : vector<16xf32>
      %get3A_350 = arith.index_cast %add3A_327 : i32 to index
      %get3A_351 = arith.constant 48 : index
      %get3A_352 = tpu.vector_load %arg9[%get3A_350, %get3A_351] {strides = array<i32>} : memref<384x128xf32, #tpu.memory_space<vmem>>, vector<1x16xf32>,
      %get3A_353 = vector.shape_cast %get3A_352 : vector<1x16xf32> to vector<16xf32>
      %mul3A_354 = arith.mulf %get3A_331, %get3A_353 : vector<16xf32>
      %add3A_355 = arith.addf %add3A_299, %mul3A_354 : vector<16xf32>
      %get3A_356 = arith.index_cast %add3A_327 : i32 to index
      %get3A_357 = arith.constant 64 : index
      %get3A_358 = tpu.vector_load %arg9[%get3A_356, %get3A_357] {strides = array<i32>} : memref<384x128xf32, #tpu.memory_space<vmem>>, vector<1x16xf32>,
      %get3A_359 = vector.shape_cast %get3A_358 : vector<1x16xf32> to vector<16xf32>
      %mul3A_360 = arith.mulf %get3A_331, %get3A_359 : vector<16xf32>
      %add3A_361 = arith.addf %add3A_305, %mul3A_360 : vector<16xf32>
      %get3A_362 = arith.index_cast %add3A_327 : i32 to index
      %get3A_363 = arith.constant 80 : index
      %get3A_364 = tpu.vector_load %arg9[%get3A_362, %get3A_363] {strides = array<i32>} : memref<384x128xf32, #tpu.memory_space<vmem>>, vector<1x16xf32>,
      %get3A_365 = vector.shape_cast %get3A_364 : vector<1x16xf32> to vector<16xf32>
      %mul3A_366 = arith.mulf %get3A_331, %get3A_365 : vector<16xf32>
      %add3A_367 = arith.addf %add3A_311, %mul3A_366 : vector<16xf32>
      %get3A_368 = arith.index_cast %add3A_327 : i32 to index
      %get3A_369 = arith.constant 96 : index
      %get3A_370 = tpu.vector_load %arg9[%get3A_368, %get3A_369] {strides = array<i32>} : memref<384x128xf32, #tpu.memory_space<vmem>>, vector<1x16xf32>,
      %get3A_371 = vector.shape_cast %get3A_370 : vector<1x16xf32> to vector<16xf32>
      %mul3A_372 = arith.mulf %get3A_331, %get3A_371 : vector<16xf32>
      %add3A_373 = arith.addf %add3A_317, %mul3A_372 : vector<16xf32>
      %get3A_374 = arith.index_cast %add3A_327 : i32 to index
      %get3A_375 = arith.constant 112 : index
      %get3A_376 = tpu.vector_load %arg9[%get3A_374, %get3A_375] {strides = array<i32>} : memref<384x128xf32, #tpu.memory_space<vmem>>, vector<1x16xf32>,
      %get3A_377 = vector.shape_cast %get3A_376 : vector<1x16xf32> to vector<16xf32>
      %mul3A_378 = arith.mulf %get3A_331, %get3A_377 : vector<16xf32>
      %add3A_379 = arith.addf %add3A_323, %mul3A_378 : vector<16xf32>
      %mul3A_380 = arith.constant 6 : i32
      %mul3A_381 = arith.muli %scan3A_123, %mul3A_380 : i32
      %add3A_382 = arith.constant 4 : i32
      %add3A_383 = arith.addi %mul3A_381, %add3A_382 : i32
      %get3A_384 = arith.index_cast %add3A_383 : i32 to index
      %get3A_385 = arith.constant 0 : index
      %get3A_386 = tpu.vector_load %arg8[%get3A_384, %get3A_385] {strides = array<i32>} : memref<384x16xf32, #tpu.memory_space<vmem>>, vector<1x16xf32>,
      %get3A_387 = vector.shape_cast %get3A_386 : vector<1x16xf32> to vector<16xf32>
      %get3A_388 = arith.index_cast %add3A_383 : i32 to index
      %get3A_389 = arith.constant 0 : index
      %get3A_390 = tpu.vector_load %arg9[%get3A_388, %get3A_389] {strides = array<i32>} : memref<384x128xf32, #tpu.memory_space<vmem>>, vector<1x16xf32>,
      %get3A_391 = vector.shape_cast %get3A_390 : vector<1x16xf32> to vector<16xf32>
      %mul3A_392 = arith.mulf %get3A_387, %get3A_391 : vector<16xf32>
      %add3A_393 = arith.addf %add3A_337, %mul3A_392 : vector<16xf32>
      %get3A_394 = arith.index_cast %add3A_383 : i32 to index
      %get3A_395 = arith.constant 16 : index
      %get3A_396 = tpu.vector_load %arg9[%get3A_394, %get3A_395] {strides = array<i32>} : memref<384x128xf32, #tpu.memory_space<vmem>>, vector<1x16xf32>,
      %get3A_397 = vector.shape_cast %get3A_396 : vector<1x16xf32> to vector<16xf32>
      %mul3A_398 = arith.mulf %get3A_387, %get3A_397 : vector<16xf32>
      %add3A_399 = arith.addf %add3A_343, %mul3A_398 : vector<16xf32>
      %get3A_400 = arith.index_cast %add3A_383 : i32 to index
      %get3A_401 = arith.constant 32 : index
      %get3A_402 = tpu.vector_load %arg9[%get3A_400, %get3A_401] {strides = array<i32>} : memref<384x128xf32, #tpu.memory_space<vmem>>, vector<1x16xf32>,
      %get3A_403 = vector.shape_cast %get3A_402 : vector<1x16xf32> to vector<16xf32>
      %mul3A_404 = arith.mulf %get3A_387, %get3A_403 : vector<16xf32>
      %add3A_405 = arith.addf %add3A_349, %mul3A_404 : vector<16xf32>
      %get3A_406 = arith.index_cast %add3A_383 : i32 to index
      %get3A_407 = arith.constant 48 : index
      %get3A_408 = tpu.vector_load %arg9[%get3A_406, %get3A_407] {strides = array<i32>} : memref<384x128xf32, #tpu.memory_space<vmem>>, vector<1x16xf32>,
      %get3A_409 = vector.shape_cast %get3A_408 : vector<1x16xf32> to vector<16xf32>
      %mul3A_410 = arith.mulf %get3A_387, %get3A_409 : vector<16xf32>
      %add3A_411 = arith.addf %add3A_355, %mul3A_410 : vector<16xf32>
      %get3A_412 = arith.index_cast %add3A_383 : i32 to index
      %get3A_413 = arith.constant 64 : index
      %get3A_414 = tpu.vector_load %arg9[%get3A_412, %get3A_413] {strides = array<i32>} : memref<384x128xf32, #tpu.memory_space<vmem>>, vector<1x16xf32>,
      %get3A_415 = vector.shape_cast %get3A_414 : vector<1x16xf32> to vector<16xf32>
      %mul3A_416 = arith.mulf %get3A_387, %get3A_415 : vector<16xf32>
      %add3A_417 = arith.addf %add3A_361, %mul3A_416 : vector<16xf32>
      %get3A_418 = arith.index_cast %add3A_383 : i32 to index
      %get3A_419 = arith.constant 80 : index
      %get3A_420 = tpu.vector_load %arg9[%get3A_418, %get3A_419] {strides = array<i32>} : memref<384x128xf32, #tpu.memory_space<vmem>>, vector<1x16xf32>,
      %get3A_421 = vector.shape_cast %get3A_420 : vector<1x16xf32> to vector<16xf32>
      %mul3A_422 = arith.mulf %get3A_387, %get3A_421 : vector<16xf32>
      %add3A_423 = arith.addf %add3A_367, %mul3A_422 : vector<16xf32>
      %get3A_424 = arith.index_cast %add3A_383 : i32 to index
      %get3A_425 = arith.constant 96 : index
      %get3A_426 = tpu.vector_load %arg9[%get3A_424, %get3A_425] {strides = array<i32>} : memref<384x128xf32, #tpu.memory_space<vmem>>, vector<1x16xf32>,
      %get3A_427 = vector.shape_cast %get3A_426 : vector<1x16xf32> to vector<16xf32>
      %mul3A_428 = arith.mulf %get3A_387, %get3A_427 : vector<16xf32>
      %add3A_429 = arith.addf %add3A_373, %mul3A_428 : vector<16xf32>
      %get3A_430 = arith.index_cast %add3A_383 : i32 to index
      %get3A_431 = arith.constant 112 : index
      %get3A_432 = tpu.vector_load %arg9[%get3A_430, %get3A_431] {strides = array<i32>} : memref<384x128xf32, #tpu.memory_space<vmem>>, vector<1x16xf32>,
      %get3A_433 = vector.shape_cast %get3A_432 : vector<1x16xf32> to vector<16xf32>
      %mul3A_434 = arith.mulf %get3A_387, %get3A_433 : vector<16xf32>
      %add3A_435 = arith.addf %add3A_379, %mul3A_434 : vector<16xf32>
      %mul3A_436 = arith.constant 6 : i32
      %mul3A_437 = arith.muli %scan3A_123, %mul3A_436 : i32
      %add3A_438 = arith.constant 5 : i32
      %add3A_439 = arith.addi %mul3A_437, %add3A_438 : i32
      %get3A_440 = arith.index_cast %add3A_439 : i32 to index
      %get3A_441 = arith.constant 0 : index
      %get3A_442 = tpu.vector_load %arg8[%get3A_440, %get3A_441] {strides = array<i32>} : memref<384x16xf32, #tpu.memory_space<vmem>>, vector<1x16xf32>,
      %get3A_443 = vector.shape_cast %get3A_442 : vector<1x16xf32> to vector<16xf32>
      %get3A_444 = arith.index_cast %add3A_439 : i32 to index
      %get3A_445 = arith.constant 0 : index
      %get3A_446 = tpu.vector_load %arg9[%get3A_444, %get3A_445] {strides = array<i32>} : memref<384x128xf32, #tpu.memory_space<vmem>>, vector<1x16xf32>,
      %get3A_447 = vector.shape_cast %get3A_446 : vector<1x16xf32> to vector<16xf32>
      %mul3A_448 = arith.mulf %get3A_443, %get3A_447 : vector<16xf32>
      %add3A_449 = arith.addf %add3A_393, %mul3A_448 : vector<16xf32>
      %get3A_450 = arith.index_cast %add3A_439 : i32 to index
      %get3A_451 = arith.constant 16 : index
      %get3A_452 = tpu.vector_load %arg9[%get3A_450, %get3A_451] {strides = array<i32>} : memref<384x128xf32, #tpu.memory_space<vmem>>, vector<1x16xf32>,
      %get3A_453 = vector.shape_cast %get3A_452 : vector<1x16xf32> to vector<16xf32>
      %mul3A_454 = arith.mulf %get3A_443, %get3A_453 : vector<16xf32>
      %add3A_455 = arith.addf %add3A_399, %mul3A_454 : vector<16xf32>
      %get3A_456 = arith.index_cast %add3A_439 : i32 to index
      %get3A_457 = arith.constant 32 : index
      %get3A_458 = tpu.vector_load %arg9[%get3A_456, %get3A_457] {strides = array<i32>} : memref<384x128xf32, #tpu.memory_space<vmem>>, vector<1x16xf32>,
      %get3A_459 = vector.shape_cast %get3A_458 : vector<1x16xf32> to vector<16xf32>
      %mul3A_460 = arith.mulf %get3A_443, %get3A_459 : vector<16xf32>
      %add3A_461 = arith.addf %add3A_405, %mul3A_460 : vector<16xf32>
      %get3A_462 = arith.index_cast %add3A_439 : i32 to index
      %get3A_463 = arith.constant 48 : index
      %get3A_464 = tpu.vector_load %arg9[%get3A_462, %get3A_463] {strides = array<i32>} : memref<384x128xf32, #tpu.memory_space<vmem>>, vector<1x16xf32>,
      %get3A_465 = vector.shape_cast %get3A_464 : vector<1x16xf32> to vector<16xf32>
      %mul3A_466 = arith.mulf %get3A_443, %get3A_465 : vector<16xf32>
      %add3A_467 = arith.addf %add3A_411, %mul3A_466 : vector<16xf32>
      %get3A_468 = arith.index_cast %add3A_439 : i32 to index
      %get3A_469 = arith.constant 64 : index
      %get3A_470 = tpu.vector_load %arg9[%get3A_468, %get3A_469] {strides = array<i32>} : memref<384x128xf32, #tpu.memory_space<vmem>>, vector<1x16xf32>,
      %get3A_471 = vector.shape_cast %get3A_470 : vector<1x16xf32> to vector<16xf32>
      %mul3A_472 = arith.mulf %get3A_443, %get3A_471 : vector<16xf32>
      %add3A_473 = arith.addf %add3A_417, %mul3A_472 : vector<16xf32>
      %get3A_474 = arith.index_cast %add3A_439 : i32 to index
      %get3A_475 = arith.constant 80 : index
      %get3A_476 = tpu.vector_load %arg9[%get3A_474, %get3A_475] {strides = array<i32>} : memref<384x128xf32, #tpu.memory_space<vmem>>, vector<1x16xf32>,
      %get3A_477 = vector.shape_cast %get3A_476 : vector<1x16xf32> to vector<16xf32>
      %mul3A_478 = arith.mulf %get3A_443, %get3A_477 : vector<16xf32>
      %add3A_479 = arith.addf %add3A_423, %mul3A_478 : vector<16xf32>
      %get3A_480 = arith.index_cast %add3A_439 : i32 to index
      %get3A_481 = arith.constant 96 : index
      %get3A_482 = tpu.vector_load %arg9[%get3A_480, %get3A_481] {strides = array<i32>} : memref<384x128xf32, #tpu.memory_space<vmem>>, vector<1x16xf32>,
      %get3A_483 = vector.shape_cast %get3A_482 : vector<1x16xf32> to vector<16xf32>
      %mul3A_484 = arith.mulf %get3A_443, %get3A_483 : vector<16xf32>
      %add3A_485 = arith.addf %add3A_429, %mul3A_484 : vector<16xf32>
      %get3A_486 = arith.index_cast %add3A_439 : i32 to index
      %get3A_487 = arith.constant 112 : index
      %get3A_488 = tpu.vector_load %arg9[%get3A_486, %get3A_487] {strides = array<i32>} : memref<384x128xf32, #tpu.memory_space<vmem>>, vector<1x16xf32>,
      %get3A_489 = vector.shape_cast %get3A_488 : vector<1x16xf32> to vector<16xf32>
      %mul3A_490 = arith.mulf %get3A_443, %get3A_489 : vector<16xf32>
      %add3A_491 = arith.addf %add3A_435, %mul3A_490 : vector<16xf32>
      %swap3A = arith.index_cast %scan3A_123 : i32 to index
      %swap3A_492 = arith.constant 0 : index
      %swap3A_493 = tpu.vector_load %arg10[%swap3A, %swap3A_492] {strides = array<i32>} : memref<64x128xf32, #tpu.memory_space<vmem>>, vector<1x16xf32>,
      %swap3A_494 = vector.shape_cast %swap3A_493 : vector<1x16xf32> to vector<16xf32>
      %swap3A_495 = vector.shape_cast %add3A_449 : vector<16xf32> to vector<1x16xf32>
      tpu.vector_store %arg10[%swap3A, %swap3A_492], %swap3A_495 {strides = array<i32>} : memref<64x128xf32, #tpu.memory_space<vmem>>, vector<1x16xf32>,
      %swap3A_496 = arith.index_cast %scan3A_123 : i32 to index
      %swap3A_497 = arith.constant 16 : index
      %swap3A_498 = tpu.vector_load %arg10[%swap3A_496, %swap3A_497] {strides = array<i32>} : memref<64x128xf32, #tpu.memory_space<vmem>>, vector<1x16xf32>,
      %swap3A_499 = vector.shape_cast %swap3A_498 : vector<1x16xf32> to vector<16xf32>
      %swap3A_500 = vector.shape_cast %add3A_455 : vector<16xf32> to vector<1x16xf32>
      tpu.vector_store %arg10[%swap3A_496, %swap3A_497], %swap3A_500 {strides = array<i32>} : memref<64x128xf32, #tpu.memory_space<vmem>>, vector<1x16xf32>,
      %swap3A_501 = arith.index_cast %scan3A_123 : i32 to index
      %swap3A_502 = arith.constant 32 : index
      %swap3A_503 = tpu.vector_load %arg10[%swap3A_501, %swap3A_502] {strides = array<i32>} : memref<64x128xf32, #tpu.memory_space<vmem>>, vector<1x16xf32>,
      %swap3A_504 = vector.shape_cast %swap3A_503 : vector<1x16xf32> to vector<16xf32>
      %swap3A_505 = vector.shape_cast %add3A_461 : vector<16xf32> to vector<1x16xf32>
      tpu.vector_store %arg10[%swap3A_501, %swap3A_502], %swap3A_505 {strides = array<i32>} : memref<64x128xf32, #tpu.memory_space<vmem>>, vector<1x16xf32>,
      %swap3A_506 = arith.index_cast %scan3A_123 : i32 to index
      %swap3A_507 = arith.constant 48 : index
      %swap3A_508 = tpu.vector_load %arg10[%swap3A_506, %swap3A_507] {strides = array<i32>} : memref<64x128xf32, #tpu.memory_space<vmem>>, vector<1x16xf32>,
      %swap3A_509 = vector.shape_cast %swap3A_508 : vector<1x16xf32> to vector<16xf32>
      %swap3A_510 = vector.shape_cast %add3A_467 : vector<16xf32> to vector<1x16xf32>
      tpu.vector_store %arg10[%swap3A_506, %swap3A_507], %swap3A_510 {strides = array<i32>} : memref<64x128xf32, #tpu.memory_space<vmem>>, vector<1x16xf32>,
      %swap3A_511 = arith.index_cast %scan3A_123 : i32 to index
      %swap3A_512 = arith.constant 64 : index
      %swap3A_513 = tpu.vector_load %arg10[%swap3A_511, %swap3A_512] {strides = array<i32>} : memref<64x128xf32, #tpu.memory_space<vmem>>, vector<1x16xf32>,
      %swap3A_514 = vector.shape_cast %swap3A_513 : vector<1x16xf32> to vector<16xf32>
      %swap3A_515 = vector.shape_cast %add3A_473 : vector<16xf32> to vector<1x16xf32>
      tpu.vector_store %arg10[%swap3A_511, %swap3A_512], %swap3A_515 {strides = array<i32>} : memref<64x128xf32, #tpu.memory_space<vmem>>, vector<1x16xf32>,
      %swap3A_516 = arith.index_cast %scan3A_123 : i32 to index
      %swap3A_517 = arith.constant 80 : index
      %swap3A_518 = tpu.vector_load %arg10[%swap3A_516, %swap3A_517] {strides = array<i32>} : memref<64x128xf32, #tpu.memory_space<vmem>>, vector<1x16xf32>,
      %swap3A_519 = vector.shape_cast %swap3A_518 : vector<1x16xf32> to vector<16xf32>
      %swap3A_520 = vector.shape_cast %add3A_479 : vector<16xf32> to vector<1x16xf32>
      tpu.vector_store %arg10[%swap3A_516, %swap3A_517], %swap3A_520 {strides = array<i32>} : memref<64x128xf32, #tpu.memory_space<vmem>>, vector<1x16xf32>,
      %swap3A_521 = arith.index_cast %scan3A_123 : i32 to index
      %swap3A_522 = arith.constant 96 : index
      %swap3A_523 = tpu.vector_load %arg10[%swap3A_521, %swap3A_522] {strides = array<i32>} : memref<64x128xf32, #tpu.memory_space<vmem>>, vector<1x16xf32>,
      %swap3A_524 = vector.shape_cast %swap3A_523 : vector<1x16xf32> to vector<16xf32>
      %swap3A_525 = vector.shape_cast %add3A_485 : vector<16xf32> to vector<1x16xf32>
      tpu.vector_store %arg10[%swap3A_521, %swap3A_522], %swap3A_525 {strides = array<i32>} : memref<64x128xf32, #tpu.memory_space<vmem>>, vector<1x16xf32>,
      %swap3A_526 = arith.index_cast %scan3A_123 : i32 to index
      %swap3A_527 = arith.constant 112 : index
      %swap3A_528 = tpu.vector_load %arg10[%swap3A_526, %swap3A_527] {strides = array<i32>} : memref<64x128xf32, #tpu.memory_space<vmem>>, vector<1x16xf32>,
      %swap3A_529 = vector.shape_cast %swap3A_528 : vector<1x16xf32> to vector<16xf32>
      %swap3A_530 = vector.shape_cast %add3A_491 : vector<16xf32> to vector<1x16xf32>
      tpu.vector_store %arg10[%swap3A_526, %swap3A_527], %swap3A_530 {strides = array<i32>} : memref<64x128xf32, #tpu.memory_space<vmem>>, vector<1x16xf32>,
      %scan3A_531 = arith.constant 0 : i32
      scf.yield %scan3A_531 : i32
    }
    %scan3A_120 = arith.constant 22 : i32
    %mul3A_121 = arith.constant 64 : i32
    %mul3A_122 = arith.muli %add3A, %mul3A_121 : i32
    "tpu.region"() ({
      %run_scoped3A = tpu.sem_alloc : memref<!tpu.dma_semaphore, #tpu.memory_space<semaphore_mem>>
      %dma_start3A_123 = arith.constant 0 : i32
      %dma_start3A_124 = tpu.memref_slice %arg6[%mul3A_122, %dma_start3A_123] : memref<2048x128xf32, #tpu.memory_space<hbm>> -> memref<64x128xf32, #tpu.memory_space<hbm>>
      %dma_start3A_125 = arith.constant 0 : i32
      %dma_start3A_126 = tpu.memref_slice %arg6[%mul3A_122, %dma_start3A_125] : memref<2048x128xf32, #tpu.memory_space<hbm>> -> memref<64x128xf32, #tpu.memory_space<hbm>>
      tpu.enqueue_dma source(%arg10 : memref<64x128xf32, #tpu.memory_space<vmem>>) target(%dma_start3A_126 : memref<64x128xf32, #tpu.memory_space<hbm>>) target_semaphore(%run_scoped3A : memref<!tpu.dma_semaphore, #tpu.memory_space<semaphore_mem>>)
      %dma_wait3A_127 = arith.constant 0 : i32
      %dma_wait3A_128 = tpu.memref_slice %arg6[%mul3A_122, %dma_wait3A_127] : memref<2048x128xf32, #tpu.memory_space<hbm>> -> memref<64x128xf32, #tpu.memory_space<hbm>>
      %dma_wait3A_129 = arith.constant 0 : i32
      %dma_wait3A_130 = tpu.memref_slice %arg6[%mul3A_122, %dma_wait3A_129] : memref<2048x128xf32, #tpu.memory_space<hbm>> -> memref<64x128xf32, #tpu.memory_space<hbm>>
      tpu.wait_dma2 semaphore(%run_scoped3A : memref<!tpu.dma_semaphore, #tpu.memory_space<semaphore_mem>>) src(%arg10 : memref<64x128xf32, #tpu.memory_space<vmem>>) dst(%dma_wait3A_130 : memref<64x128xf32, #tpu.memory_space<hbm>>)
      tpu.yield
    }) : () -> ()
    return
  }
}

module attributes {stable_mosaic.version = 14 : i64} {
  func.func @_gate_body(%arg0: memref<2048x128xf32, #tpu.memory_space<vmem>>, %arg1: memref<64x128xf32, #tpu.memory_space<vmem>>, %arg2: memref<2048x96xf32, #tpu.memory_space<vmem>>, %arg3: memref<2048x6xi32, #tpu.memory_space<vmem>>, %arg4: memref<8x128xi32, #tpu.memory_space<vmem>>) attributes {dimension_semantics = [], scalar_prefetch = 0 : i64, scratch_operands = 0 : i64, tpu.core_type = #tpu.core_type<tc>} {
    %get3A = arith.constant 0 : index
    %get3A_0 = arith.constant 0 : index
    %get3A_1 = vector.load %arg0[%get3A, %get3A_0] : memref<2048x128xf32, #tpu.memory_space<vmem>>, vector<2048x128xf32>
    %get3A_2 = arith.constant 0 : index
    %get3A_3 = arith.constant 0 : index
    %get3A_4 = vector.load %arg1[%get3A_2, %get3A_3] : memref<64x128xf32, #tpu.memory_space<vmem>>, vector<64x128xf32>
    %dot_general3A = arith.constant dense<0.000000e+00> : vector<2048x64xf32>
    %dot_general3A_5 = tpu.matmul %get3A_1, %get3A_4, %dot_general3A {dimension_numbers = #tpu.dot_dimension_numbers<[1], [1], [0], [0], [0, 0, 1, 0], [], []>, transpose_lhs_hint = false} : vector<2048x128xf32>, vector<64x128xf32>, vector<2048x64xf32> -> vector<2048x64xf32>
    %reduce_max3A = arith.constant dense<0xFF800000> : vector<2048xf32>
    %reduce_max3A_6 = vector.multi_reduction <maximumf>, %dot_general3A_5, %reduce_max3A [1] : vector<2048x64xf32> to vector<2048xf32>
    %broadcast_in_dim3A = vector.shape_cast %reduce_max3A_6 : vector<2048xf32> to vector<2048x1xf32>
    %sub3A = vector.broadcast %broadcast_in_dim3A : vector<2048x1xf32> to vector<2048x64xf32>
    %sub3A_7 = arith.subf %dot_general3A_5, %sub3A : vector<2048x64xf32>
    %exp3A = math.exp %sub3A_7 : vector<2048x64xf32>
    %reduce_sum3A = arith.constant dense<0.000000e+00> : vector<2048xf32>
    %reduce_sum3A_8 = vector.multi_reduction <add>, %exp3A, %reduce_sum3A [1] : vector<2048x64xf32> to vector<2048xf32>
    %broadcast_in_dim3A_9 = vector.shape_cast %reduce_sum3A_8 : vector<2048xf32> to vector<2048x1xf32>
    %div3A = vector.broadcast %broadcast_in_dim3A_9 : vector<2048x1xf32> to vector<2048x64xf32>
    %div3A_10 = arith.divf %exp3A, %div3A : vector<2048x64xf32>
    %iota3A = tpu.iota {dimensions = array<i32: 1>} : vector<2048x64xi32>
    %broadcast_in_dim3A_11 = arith.constant 0.000000e+00 : f32
    %broadcast_in_dim3A_12 = vector.broadcast %broadcast_in_dim3A_11 : f32 to vector<2048x1xf32>
    %reduce_max3A_13 = arith.constant dense<0xFF800000> : vector<2048xf32>
    %reduce_max3A_14 = vector.multi_reduction <maximumf>, %div3A_10, %reduce_max3A_13 [1] : vector<2048x64xf32> to vector<2048xf32>
    %broadcast_in_dim3A_15 = vector.shape_cast %reduce_max3A_14 : vector<2048xf32> to vector<2048x1xf32>
    %eq3A = vector.broadcast %broadcast_in_dim3A_15 : vector<2048x1xf32> to vector<2048x64xf32>
    %eq3A_16 = arith.cmpf oeq, %div3A_10, %eq3A : vector<2048x64xf32>
    %jit3A = arith.constant 64 : i32
    %broadcast_in_dim3A_17 = vector.broadcast %jit3A : i32 to vector<2048x64xi32>
    %select_n3A = arith.select %eq3A_16, %iota3A, %broadcast_in_dim3A_17 : vector<2048x64xi1>, vector<2048x64xi32>
    %reduce_min3A = arith.constant dense<2147483647> : vector<2048xi32>
    %reduce_min3A_18 = vector.multi_reduction <minsi>, %select_n3A, %reduce_min3A [1] : vector<2048x64xi32> to vector<2048xi32>
    %broadcast_in_dim3A_19 = vector.shape_cast %reduce_min3A_18 : vector<2048xi32> to vector<2048x1xi32>
    %eq3A_20 = vector.broadcast %broadcast_in_dim3A_19 : vector<2048x1xi32> to vector<2048x64xi32>
    %eq3A_21 = arith.cmpi eq, %iota3A, %eq3A_20 : vector<2048x64xi32>
    %add3A = arith.addf %broadcast_in_dim3A_12, %broadcast_in_dim3A_15 : vector<2048x1xf32>
    %jit3A_22 = arith.constant -1.000000e+00 : f32
    %broadcast_in_dim3A_23 = vector.broadcast %jit3A_22 : f32 to vector<2048x64xf32>
    %select_n3A_24 = arith.select %eq3A_21, %broadcast_in_dim3A_23, %div3A_10 : vector<2048x64xi1>, vector<2048x64xf32>
    %reduce_max3A_25 = arith.constant dense<0xFF800000> : vector<2048xf32>
    %reduce_max3A_26 = vector.multi_reduction <maximumf>, %select_n3A_24, %reduce_max3A_25 [1] : vector<2048x64xf32> to vector<2048xf32>
    %broadcast_in_dim3A_27 = vector.shape_cast %reduce_max3A_26 : vector<2048xf32> to vector<2048x1xf32>
    %eq3A_28 = vector.broadcast %broadcast_in_dim3A_27 : vector<2048x1xf32> to vector<2048x64xf32>
    %eq3A_29 = arith.cmpf oeq, %select_n3A_24, %eq3A_28 : vector<2048x64xf32>
    %jit3A_30 = arith.constant 64 : i32
    %broadcast_in_dim3A_31 = vector.broadcast %jit3A_30 : i32 to vector<2048x64xi32>
    %select_n3A_32 = arith.select %eq3A_29, %iota3A, %broadcast_in_dim3A_31 : vector<2048x64xi1>, vector<2048x64xi32>
    %reduce_min3A_33 = arith.constant dense<2147483647> : vector<2048xi32>
    %reduce_min3A_34 = vector.multi_reduction <minsi>, %select_n3A_32, %reduce_min3A_33 [1] : vector<2048x64xi32> to vector<2048xi32>
    %broadcast_in_dim3A_35 = vector.shape_cast %reduce_min3A_34 : vector<2048xi32> to vector<2048x1xi32>
    %eq3A_36 = vector.broadcast %broadcast_in_dim3A_35 : vector<2048x1xi32> to vector<2048x64xi32>
    %eq3A_37 = arith.cmpi eq, %iota3A, %eq3A_36 : vector<2048x64xi32>
    %add3A_38 = arith.addf %add3A, %broadcast_in_dim3A_27 : vector<2048x1xf32>
    %jit3A_39 = arith.constant -1.000000e+00 : f32
    %broadcast_in_dim3A_40 = vector.broadcast %jit3A_39 : f32 to vector<2048x64xf32>
    %select_n3A_41 = arith.select %eq3A_37, %broadcast_in_dim3A_40, %select_n3A_24 : vector<2048x64xi1>, vector<2048x64xf32>
    %reduce_max3A_42 = arith.constant dense<0xFF800000> : vector<2048xf32>
    %reduce_max3A_43 = vector.multi_reduction <maximumf>, %select_n3A_41, %reduce_max3A_42 [1] : vector<2048x64xf32> to vector<2048xf32>
    %broadcast_in_dim3A_44 = vector.shape_cast %reduce_max3A_43 : vector<2048xf32> to vector<2048x1xf32>
    %eq3A_45 = vector.broadcast %broadcast_in_dim3A_44 : vector<2048x1xf32> to vector<2048x64xf32>
    %eq3A_46 = arith.cmpf oeq, %select_n3A_41, %eq3A_45 : vector<2048x64xf32>
    %jit3A_47 = arith.constant 64 : i32
    %broadcast_in_dim3A_48 = vector.broadcast %jit3A_47 : i32 to vector<2048x64xi32>
    %select_n3A_49 = arith.select %eq3A_46, %iota3A, %broadcast_in_dim3A_48 : vector<2048x64xi1>, vector<2048x64xi32>
    %reduce_min3A_50 = arith.constant dense<2147483647> : vector<2048xi32>
    %reduce_min3A_51 = vector.multi_reduction <minsi>, %select_n3A_49, %reduce_min3A_50 [1] : vector<2048x64xi32> to vector<2048xi32>
    %broadcast_in_dim3A_52 = vector.shape_cast %reduce_min3A_51 : vector<2048xi32> to vector<2048x1xi32>
    %eq3A_53 = vector.broadcast %broadcast_in_dim3A_52 : vector<2048x1xi32> to vector<2048x64xi32>
    %eq3A_54 = arith.cmpi eq, %iota3A, %eq3A_53 : vector<2048x64xi32>
    %add3A_55 = arith.addf %add3A_38, %broadcast_in_dim3A_44 : vector<2048x1xf32>
    %jit3A_56 = arith.constant -1.000000e+00 : f32
    %broadcast_in_dim3A_57 = vector.broadcast %jit3A_56 : f32 to vector<2048x64xf32>
    %select_n3A_58 = arith.select %eq3A_54, %broadcast_in_dim3A_57, %select_n3A_41 : vector<2048x64xi1>, vector<2048x64xf32>
    %reduce_max3A_59 = arith.constant dense<0xFF800000> : vector<2048xf32>
    %reduce_max3A_60 = vector.multi_reduction <maximumf>, %select_n3A_58, %reduce_max3A_59 [1] : vector<2048x64xf32> to vector<2048xf32>
    %broadcast_in_dim3A_61 = vector.shape_cast %reduce_max3A_60 : vector<2048xf32> to vector<2048x1xf32>
    %eq3A_62 = vector.broadcast %broadcast_in_dim3A_61 : vector<2048x1xf32> to vector<2048x64xf32>
    %eq3A_63 = arith.cmpf oeq, %select_n3A_58, %eq3A_62 : vector<2048x64xf32>
    %jit3A_64 = arith.constant 64 : i32
    %broadcast_in_dim3A_65 = vector.broadcast %jit3A_64 : i32 to vector<2048x64xi32>
    %select_n3A_66 = arith.select %eq3A_63, %iota3A, %broadcast_in_dim3A_65 : vector<2048x64xi1>, vector<2048x64xi32>
    %reduce_min3A_67 = arith.constant dense<2147483647> : vector<2048xi32>
    %reduce_min3A_68 = vector.multi_reduction <minsi>, %select_n3A_66, %reduce_min3A_67 [1] : vector<2048x64xi32> to vector<2048xi32>
    %broadcast_in_dim3A_69 = vector.shape_cast %reduce_min3A_68 : vector<2048xi32> to vector<2048x1xi32>
    %eq3A_70 = vector.broadcast %broadcast_in_dim3A_69 : vector<2048x1xi32> to vector<2048x64xi32>
    %eq3A_71 = arith.cmpi eq, %iota3A, %eq3A_70 : vector<2048x64xi32>
    %add3A_72 = arith.addf %add3A_55, %broadcast_in_dim3A_61 : vector<2048x1xf32>
    %jit3A_73 = arith.constant -1.000000e+00 : f32
    %broadcast_in_dim3A_74 = vector.broadcast %jit3A_73 : f32 to vector<2048x64xf32>
    %select_n3A_75 = arith.select %eq3A_71, %broadcast_in_dim3A_74, %select_n3A_58 : vector<2048x64xi1>, vector<2048x64xf32>
    %reduce_max3A_76 = arith.constant dense<0xFF800000> : vector<2048xf32>
    %reduce_max3A_77 = vector.multi_reduction <maximumf>, %select_n3A_75, %reduce_max3A_76 [1] : vector<2048x64xf32> to vector<2048xf32>
    %broadcast_in_dim3A_78 = vector.shape_cast %reduce_max3A_77 : vector<2048xf32> to vector<2048x1xf32>
    %eq3A_79 = vector.broadcast %broadcast_in_dim3A_78 : vector<2048x1xf32> to vector<2048x64xf32>
    %eq3A_80 = arith.cmpf oeq, %select_n3A_75, %eq3A_79 : vector<2048x64xf32>
    %jit3A_81 = arith.constant 64 : i32
    %broadcast_in_dim3A_82 = vector.broadcast %jit3A_81 : i32 to vector<2048x64xi32>
    %select_n3A_83 = arith.select %eq3A_80, %iota3A, %broadcast_in_dim3A_82 : vector<2048x64xi1>, vector<2048x64xi32>
    %reduce_min3A_84 = arith.constant dense<2147483647> : vector<2048xi32>
    %reduce_min3A_85 = vector.multi_reduction <minsi>, %select_n3A_83, %reduce_min3A_84 [1] : vector<2048x64xi32> to vector<2048xi32>
    %broadcast_in_dim3A_86 = vector.shape_cast %reduce_min3A_85 : vector<2048xi32> to vector<2048x1xi32>
    %eq3A_87 = vector.broadcast %broadcast_in_dim3A_86 : vector<2048x1xi32> to vector<2048x64xi32>
    %eq3A_88 = arith.cmpi eq, %iota3A, %eq3A_87 : vector<2048x64xi32>
    %add3A_89 = arith.addf %add3A_72, %broadcast_in_dim3A_78 : vector<2048x1xf32>
    %jit3A_90 = arith.constant -1.000000e+00 : f32
    %broadcast_in_dim3A_91 = vector.broadcast %jit3A_90 : f32 to vector<2048x64xf32>
    %select_n3A_92 = arith.select %eq3A_88, %broadcast_in_dim3A_91, %select_n3A_75 : vector<2048x64xi1>, vector<2048x64xf32>
    %reduce_max3A_93 = arith.constant dense<0xFF800000> : vector<2048xf32>
    %reduce_max3A_94 = vector.multi_reduction <maximumf>, %select_n3A_92, %reduce_max3A_93 [1] : vector<2048x64xf32> to vector<2048xf32>
    %broadcast_in_dim3A_95 = vector.shape_cast %reduce_max3A_94 : vector<2048xf32> to vector<2048x1xf32>
    %eq3A_96 = vector.broadcast %broadcast_in_dim3A_95 : vector<2048x1xf32> to vector<2048x64xf32>
    %eq3A_97 = arith.cmpf oeq, %select_n3A_92, %eq3A_96 : vector<2048x64xf32>
    %jit3A_98 = arith.constant 64 : i32
    %broadcast_in_dim3A_99 = vector.broadcast %jit3A_98 : i32 to vector<2048x64xi32>
    %select_n3A_100 = arith.select %eq3A_97, %iota3A, %broadcast_in_dim3A_99 : vector<2048x64xi1>, vector<2048x64xi32>
    %reduce_min3A_101 = arith.constant dense<2147483647> : vector<2048xi32>
    %reduce_min3A_102 = vector.multi_reduction <minsi>, %select_n3A_100, %reduce_min3A_101 [1] : vector<2048x64xi32> to vector<2048xi32>
    %broadcast_in_dim3A_103 = vector.shape_cast %reduce_min3A_102 : vector<2048xi32> to vector<2048x1xi32>
    %eq3A_104 = vector.broadcast %broadcast_in_dim3A_103 : vector<2048x1xi32> to vector<2048x64xi32>
    %eq3A_105 = arith.cmpi eq, %iota3A, %eq3A_104 : vector<2048x64xi32>
    %add3A_106 = arith.addf %add3A_89, %broadcast_in_dim3A_95 : vector<2048x1xf32>
    %jit3A_107 = arith.constant -1.000000e+00 : f32
    %broadcast_in_dim3A_108 = vector.broadcast %jit3A_107 : f32 to vector<2048x64xf32>
    %select_n3A_109 = arith.select %eq3A_105, %broadcast_in_dim3A_108, %select_n3A_92 : vector<2048x64xi1>, vector<2048x64xf32>
    %lt3A = arith.constant 0.000000e+00 : f32
    %lt3A_110 = vector.broadcast %lt3A : f32 to vector<2048x64xf32>
    %lt3A_111 = arith.cmpf olt, %select_n3A_109, %lt3A_110 : vector<2048x64xf32>
    %jit3A_112 = arith.constant 1.000000e+00 : f32
    %jit3A_113 = arith.constant 0.000000e+00 : f32
    %broadcast_in_dim3A_114 = vector.broadcast %jit3A_112 : f32 to vector<2048x64xf32>
    %broadcast_in_dim3A_115 = vector.broadcast %jit3A_113 : f32 to vector<2048x64xf32>
    %select_n3A_116 = arith.select %lt3A_111, %broadcast_in_dim3A_114, %broadcast_in_dim3A_115 : vector<2048x64xi1>, vector<2048x64xf32>
    %add3A_117 = arith.constant 9.99999968E-21 : f32
    %add3A_118 = vector.broadcast %add3A_117 : f32 to vector<2048x1xf32>
    %add3A_119 = arith.addf %add3A_106, %add3A_118 : vector<2048x1xf32>
    %div3A_120 = arith.constant 1.000000e+00 : f32
    %div3A_121 = vector.broadcast %div3A_120 : f32 to vector<2048x1xf32>
    %div3A_122 = arith.divf %div3A_121, %add3A_119 : vector<2048x1xf32>
    %broadcast_in_dim3A_123 = arith.constant 1.000000e+00 : f32
    %broadcast_in_dim3A_124 = vector.broadcast %broadcast_in_dim3A_123 : f32 to vector<1x16xf32>
    %mul3A = arith.mulf %broadcast_in_dim3A_15, %div3A_122 : vector<2048x1xf32>
    %mul3A_125 = vector.broadcast %mul3A : vector<2048x1xf32> to vector<2048x16xf32>
    %mul3A_126 = vector.broadcast %broadcast_in_dim3A_124 : vector<1x16xf32> to vector<2048x16xf32>
    %mul3A_127 = arith.mulf %mul3A_125, %mul3A_126 : vector<2048x16xf32>
    %mul3A_128 = arith.mulf %broadcast_in_dim3A_27, %div3A_122 : vector<2048x1xf32>
    %mul3A_129 = vector.broadcast %mul3A_128 : vector<2048x1xf32> to vector<2048x16xf32>
    %mul3A_130 = vector.broadcast %broadcast_in_dim3A_124 : vector<1x16xf32> to vector<2048x16xf32>
    %mul3A_131 = arith.mulf %mul3A_129, %mul3A_130 : vector<2048x16xf32>
    %mul3A_132 = arith.mulf %broadcast_in_dim3A_44, %div3A_122 : vector<2048x1xf32>
    %mul3A_133 = vector.broadcast %mul3A_132 : vector<2048x1xf32> to vector<2048x16xf32>
    %mul3A_134 = vector.broadcast %broadcast_in_dim3A_124 : vector<1x16xf32> to vector<2048x16xf32>
    %mul3A_135 = arith.mulf %mul3A_133, %mul3A_134 : vector<2048x16xf32>
    %mul3A_136 = arith.mulf %broadcast_in_dim3A_61, %div3A_122 : vector<2048x1xf32>
    %mul3A_137 = vector.broadcast %mul3A_136 : vector<2048x1xf32> to vector<2048x16xf32>
    %mul3A_138 = vector.broadcast %broadcast_in_dim3A_124 : vector<1x16xf32> to vector<2048x16xf32>
    %mul3A_139 = arith.mulf %mul3A_137, %mul3A_138 : vector<2048x16xf32>
    %mul3A_140 = arith.mulf %broadcast_in_dim3A_78, %div3A_122 : vector<2048x1xf32>
    %mul3A_141 = vector.broadcast %mul3A_140 : vector<2048x1xf32> to vector<2048x16xf32>
    %mul3A_142 = vector.broadcast %broadcast_in_dim3A_124 : vector<1x16xf32> to vector<2048x16xf32>
    %mul3A_143 = arith.mulf %mul3A_141, %mul3A_142 : vector<2048x16xf32>
    %mul3A_144 = arith.mulf %broadcast_in_dim3A_95, %div3A_122 : vector<2048x1xf32>
    %mul3A_145 = vector.broadcast %mul3A_144 : vector<2048x1xf32> to vector<2048x16xf32>
    %mul3A_146 = vector.broadcast %broadcast_in_dim3A_124 : vector<1x16xf32> to vector<2048x16xf32>
    %mul3A_147 = arith.mulf %mul3A_145, %mul3A_146 : vector<2048x16xf32>
    %concatenate3A = tpu.concatenate %mul3A_127, %mul3A_131, %mul3A_135, %mul3A_139, %mul3A_143, %mul3A_147 in 1 : vector<2048x16xf32>, vector<2048x16xf32>, vector<2048x16xf32>, vector<2048x16xf32>, vector<2048x16xf32>, vector<2048x16xf32> -> vector<2048x96xf32>
    %swap3A = arith.constant 0 : index
    %swap3A_148 = arith.constant 0 : index
    %swap3A_149 = vector.load %arg2[%swap3A, %swap3A_148] : memref<2048x96xf32, #tpu.memory_space<vmem>>, vector<2048x96xf32>
    tpu.vector_store %arg2[%swap3A, %swap3A_148], %concatenate3A {strides = array<i32>} : memref<2048x96xf32, #tpu.memory_space<vmem>>, vector<2048x96xf32>,
    %broadcast_in_dim3A_150 = arith.constant 1.000000e+00 : f32
    %broadcast_in_dim3A_151 = vector.broadcast %broadcast_in_dim3A_150 : f32 to vector<8x2048xf32>
    %dot_general3A_152 = arith.constant dense<0.000000e+00> : vector<8x64xf32>
    %dot_general3A_153 = tpu.matmul %broadcast_in_dim3A_151, %select_n3A_116, %dot_general3A_152 {dimension_numbers = #tpu.dot_dimension_numbers<[1], [0], [0], [1], [0, 0, 1, 1], [], []>, transpose_lhs_hint = false} : vector<8x2048xf32>, vector<2048x64xf32>, vector<8x64xf32> -> vector<8x64xf32>
    %slice3A = vector.extract_strided_slice %dot_general3A_153 {offsets = [0, 0], sizes = [1, 64], strides = [1, 1]} : vector<8x64xf32> to vector<1x64xf32>
    %add3A_154 = arith.constant 1.270000e+02 : f32
    %add3A_155 = vector.broadcast %add3A_154 : f32 to vector<1x64xf32>
    %add3A_156 = arith.addf %slice3A, %add3A_155 : vector<1x64xf32>
    %mul3A_157 = arith.constant 7.812500e-03 : f32
    %mul3A_158 = vector.broadcast %mul3A_157 : f32 to vector<1x64xf32>
    %mul3A_159 = arith.mulf %add3A_156, %mul3A_158 : vector<1x64xf32>
    %floor3A = math.floor %mul3A_159 : vector<1x64xf32>
    %mul3A_160 = arith.constant 1.280000e+02 : f32
    %mul3A_161 = vector.broadcast %mul3A_160 : f32 to vector<1x64xf32>
    %mul3A_162 = arith.mulf %floor3A, %mul3A_161 : vector<1x64xf32>
    %iota3A_163 = tpu.iota {dimensions = array<i32: 0>} : vector<64x64xi32>
    %iota3A_164 = tpu.iota {dimensions = array<i32: 1>} : vector<64x64xi32>
    %lt3A_165 = arith.cmpi slt, %iota3A_163, %iota3A_164 : vector<64x64xi32>
    %jit3A_166 = arith.constant 1.000000e+00 : f32
    %jit3A_167 = arith.constant 0.000000e+00 : f32
    %broadcast_in_dim3A_168 = vector.broadcast %jit3A_166 : f32 to vector<64x64xf32>
    %broadcast_in_dim3A_169 = vector.broadcast %jit3A_167 : f32 to vector<64x64xf32>
    %select_n3A_170 = arith.select %lt3A_165, %broadcast_in_dim3A_168, %broadcast_in_dim3A_169 : vector<64x64xi1>, vector<64x64xf32>
    %dot_general3A_171 = arith.constant dense<0.000000e+00> : vector<1x64xf32>
    %dot_general3A_172 = tpu.matmul %mul3A_162, %select_n3A_170, %dot_general3A_171 {dimension_numbers = #tpu.dot_dimension_numbers<[1], [0], [0], [1], [0, 0, 1, 1], [], []>, transpose_lhs_hint = false} : vector<1x64xf32>, vector<64x64xf32>, vector<1x64xf32> -> vector<1x64xf32>
    %add3A_173 = arith.addf %dot_general3A_172, %mul3A_162 : vector<1x64xf32>
    %iota3A_174 = tpu.iota {dimensions = array<i32: 0>} : vector<128x128xi32>
    %iota3A_175 = tpu.iota {dimensions = array<i32: 1>} : vector<128x128xi32>
    %gt3A = arith.cmpi sgt, %iota3A_174, %iota3A_175 : vector<128x128xi32>
    %jit3A_176 = arith.constant 1.000000e+00 : f32
    %jit3A_177 = arith.constant 0.000000e+00 : f32
    %broadcast_in_dim3A_178 = vector.broadcast %jit3A_176 : f32 to vector<128x128xf32>
    %broadcast_in_dim3A_179 = vector.broadcast %jit3A_177 : f32 to vector<128x128xf32>
    %select_n3A_180 = arith.select %gt3A, %broadcast_in_dim3A_178, %broadcast_in_dim3A_179 : vector<128x128xi1>, vector<128x128xf32>
    %broadcast_in_dim3A_181 = arith.constant 0.000000e+00 : f32
    %broadcast_in_dim3A_182 = vector.broadcast %broadcast_in_dim3A_181 : f32 to vector<1x64xf32>
    %slice3A_183 = vector.extract_strided_slice %select_n3A_116 {offsets = [0, 0], sizes = [128, 64], strides = [1, 1]} : vector<2048x64xf32> to vector<128x64xf32>
    %dot_general3A_184 = arith.constant dense<0.000000e+00> : vector<128x64xf32>
    %dot_general3A_185 = tpu.matmul %select_n3A_180, %slice3A_183, %dot_general3A_184 {dimension_numbers = #tpu.dot_dimension_numbers<[1], [0], [0], [1], [0, 0, 1, 1], [], []>, transpose_lhs_hint = false} : vector<128x128xf32>, vector<128x64xf32>, vector<128x64xf32> -> vector<128x64xf32>
    %add3A_186 = vector.broadcast %broadcast_in_dim3A_182 : vector<1x64xf32> to vector<128x64xf32>
    %add3A_187 = arith.addf %dot_general3A_185, %add3A_186 : vector<128x64xf32>
    %broadcast_in_dim3A_188 = arith.constant 1.000000e+00 : f32
    %broadcast_in_dim3A_189 = vector.broadcast %broadcast_in_dim3A_188 : f32 to vector<1x128xf32>
    %dot_general3A_190 = arith.constant dense<0.000000e+00> : vector<1x64xf32>
    %dot_general3A_191 = tpu.matmul %broadcast_in_dim3A_189, %slice3A_183, %dot_general3A_190 {dimension_numbers = #tpu.dot_dimension_numbers<[1], [0], [0], [1], [0, 0, 1, 1], [], []>, transpose_lhs_hint = false} : vector<1x128xf32>, vector<128x64xf32>, vector<1x64xf32> -> vector<1x64xf32>
    %add3A_192 = arith.addf %broadcast_in_dim3A_182, %dot_general3A_191 : vector<1x64xf32>
    %slice3A_193 = vector.extract_strided_slice %select_n3A_116 {offsets = [128, 0], sizes = [128, 64], strides = [1, 1]} : vector<2048x64xf32> to vector<128x64xf32>
    %dot_general3A_194 = arith.constant dense<0.000000e+00> : vector<128x64xf32>
    %dot_general3A_195 = tpu.matmul %select_n3A_180, %slice3A_193, %dot_general3A_194 {dimension_numbers = #tpu.dot_dimension_numbers<[1], [0], [0], [1], [0, 0, 1, 1], [], []>, transpose_lhs_hint = false} : vector<128x128xf32>, vector<128x64xf32>, vector<128x64xf32> -> vector<128x64xf32>
    %add3A_196 = vector.broadcast %add3A_192 : vector<1x64xf32> to vector<128x64xf32>
    %add3A_197 = arith.addf %dot_general3A_195, %add3A_196 : vector<128x64xf32>
    %broadcast_in_dim3A_198 = arith.constant 1.000000e+00 : f32
    %broadcast_in_dim3A_199 = vector.broadcast %broadcast_in_dim3A_198 : f32 to vector<1x128xf32>
    %dot_general3A_200 = arith.constant dense<0.000000e+00> : vector<1x64xf32>
    %dot_general3A_201 = tpu.matmul %broadcast_in_dim3A_199, %slice3A_193, %dot_general3A_200 {dimension_numbers = #tpu.dot_dimension_numbers<[1], [0], [0], [1], [0, 0, 1, 1], [], []>, transpose_lhs_hint = false} : vector<1x128xf32>, vector<128x64xf32>, vector<1x64xf32> -> vector<1x64xf32>
    %add3A_202 = arith.addf %add3A_192, %dot_general3A_201 : vector<1x64xf32>
    %slice3A_203 = vector.extract_strided_slice %select_n3A_116 {offsets = [256, 0], sizes = [128, 64], strides = [1, 1]} : vector<2048x64xf32> to vector<128x64xf32>
    %dot_general3A_204 = arith.constant dense<0.000000e+00> : vector<128x64xf32>
    %dot_general3A_205 = tpu.matmul %select_n3A_180, %slice3A_203, %dot_general3A_204 {dimension_numbers = #tpu.dot_dimension_numbers<[1], [0], [0], [1], [0, 0, 1, 1], [], []>, transpose_lhs_hint = false} : vector<128x128xf32>, vector<128x64xf32>, vector<128x64xf32> -> vector<128x64xf32>
    %add3A_206 = vector.broadcast %add3A_202 : vector<1x64xf32> to vector<128x64xf32>
    %add3A_207 = arith.addf %dot_general3A_205, %add3A_206 : vector<128x64xf32>
    %broadcast_in_dim3A_208 = arith.constant 1.000000e+00 : f32
    %broadcast_in_dim3A_209 = vector.broadcast %broadcast_in_dim3A_208 : f32 to vector<1x128xf32>
    %dot_general3A_210 = arith.constant dense<0.000000e+00> : vector<1x64xf32>
    %dot_general3A_211 = tpu.matmul %broadcast_in_dim3A_209, %slice3A_203, %dot_general3A_210 {dimension_numbers = #tpu.dot_dimension_numbers<[1], [0], [0], [1], [0, 0, 1, 1], [], []>, transpose_lhs_hint = false} : vector<1x128xf32>, vector<128x64xf32>, vector<1x64xf32> -> vector<1x64xf32>
    %add3A_212 = arith.addf %add3A_202, %dot_general3A_211 : vector<1x64xf32>
    %slice3A_213 = vector.extract_strided_slice %select_n3A_116 {offsets = [384, 0], sizes = [128, 64], strides = [1, 1]} : vector<2048x64xf32> to vector<128x64xf32>
    %dot_general3A_214 = arith.constant dense<0.000000e+00> : vector<128x64xf32>
    %dot_general3A_215 = tpu.matmul %select_n3A_180, %slice3A_213, %dot_general3A_214 {dimension_numbers = #tpu.dot_dimension_numbers<[1], [0], [0], [1], [0, 0, 1, 1], [], []>, transpose_lhs_hint = false} : vector<128x128xf32>, vector<128x64xf32>, vector<128x64xf32> -> vector<128x64xf32>
    %add3A_216 = vector.broadcast %add3A_212 : vector<1x64xf32> to vector<128x64xf32>
    %add3A_217 = arith.addf %dot_general3A_215, %add3A_216 : vector<128x64xf32>
    %broadcast_in_dim3A_218 = arith.constant 1.000000e+00 : f32
    %broadcast_in_dim3A_219 = vector.broadcast %broadcast_in_dim3A_218 : f32 to vector<1x128xf32>
    %dot_general3A_220 = arith.constant dense<0.000000e+00> : vector<1x64xf32>
    %dot_general3A_221 = tpu.matmul %broadcast_in_dim3A_219, %slice3A_213, %dot_general3A_220 {dimension_numbers = #tpu.dot_dimension_numbers<[1], [0], [0], [1], [0, 0, 1, 1], [], []>, transpose_lhs_hint = false} : vector<1x128xf32>, vector<128x64xf32>, vector<1x64xf32> -> vector<1x64xf32>
    %add3A_222 = arith.addf %add3A_212, %dot_general3A_221 : vector<1x64xf32>
    %slice3A_223 = vector.extract_strided_slice %select_n3A_116 {offsets = [512, 0], sizes = [128, 64], strides = [1, 1]} : vector<2048x64xf32> to vector<128x64xf32>
    %dot_general3A_224 = arith.constant dense<0.000000e+00> : vector<128x64xf32>
    %dot_general3A_225 = tpu.matmul %select_n3A_180, %slice3A_223, %dot_general3A_224 {dimension_numbers = #tpu.dot_dimension_numbers<[1], [0], [0], [1], [0, 0, 1, 1], [], []>, transpose_lhs_hint = false} : vector<128x128xf32>, vector<128x64xf32>, vector<128x64xf32> -> vector<128x64xf32>
    %add3A_226 = vector.broadcast %add3A_222 : vector<1x64xf32> to vector<128x64xf32>
    %add3A_227 = arith.addf %dot_general3A_225, %add3A_226 : vector<128x64xf32>
    %broadcast_in_dim3A_228 = arith.constant 1.000000e+00 : f32
    %broadcast_in_dim3A_229 = vector.broadcast %broadcast_in_dim3A_228 : f32 to vector<1x128xf32>
    %dot_general3A_230 = arith.constant dense<0.000000e+00> : vector<1x64xf32>
    %dot_general3A_231 = tpu.matmul %broadcast_in_dim3A_229, %slice3A_223, %dot_general3A_230 {dimension_numbers = #tpu.dot_dimension_numbers<[1], [0], [0], [1], [0, 0, 1, 1], [], []>, transpose_lhs_hint = false} : vector<1x128xf32>, vector<128x64xf32>, vector<1x64xf32> -> vector<1x64xf32>
    %add3A_232 = arith.addf %add3A_222, %dot_general3A_231 : vector<1x64xf32>
    %slice3A_233 = vector.extract_strided_slice %select_n3A_116 {offsets = [640, 0], sizes = [128, 64], strides = [1, 1]} : vector<2048x64xf32> to vector<128x64xf32>
    %dot_general3A_234 = arith.constant dense<0.000000e+00> : vector<128x64xf32>
    %dot_general3A_235 = tpu.matmul %select_n3A_180, %slice3A_233, %dot_general3A_234 {dimension_numbers = #tpu.dot_dimension_numbers<[1], [0], [0], [1], [0, 0, 1, 1], [], []>, transpose_lhs_hint = false} : vector<128x128xf32>, vector<128x64xf32>, vector<128x64xf32> -> vector<128x64xf32>
    %add3A_236 = vector.broadcast %add3A_232 : vector<1x64xf32> to vector<128x64xf32>
    %add3A_237 = arith.addf %dot_general3A_235, %add3A_236 : vector<128x64xf32>
    %broadcast_in_dim3A_238 = arith.constant 1.000000e+00 : f32
    %broadcast_in_dim3A_239 = vector.broadcast %broadcast_in_dim3A_238 : f32 to vector<1x128xf32>
    %dot_general3A_240 = arith.constant dense<0.000000e+00> : vector<1x64xf32>
    %dot_general3A_241 = tpu.matmul %broadcast_in_dim3A_239, %slice3A_233, %dot_general3A_240 {dimension_numbers = #tpu.dot_dimension_numbers<[1], [0], [0], [1], [0, 0, 1, 1], [], []>, transpose_lhs_hint = false} : vector<1x128xf32>, vector<128x64xf32>, vector<1x64xf32> -> vector<1x64xf32>
    %add3A_242 = arith.addf %add3A_232, %dot_general3A_241 : vector<1x64xf32>
    %slice3A_243 = vector.extract_strided_slice %select_n3A_116 {offsets = [768, 0], sizes = [128, 64], strides = [1, 1]} : vector<2048x64xf32> to vector<128x64xf32>
    %dot_general3A_244 = arith.constant dense<0.000000e+00> : vector<128x64xf32>
    %dot_general3A_245 = tpu.matmul %select_n3A_180, %slice3A_243, %dot_general3A_244 {dimension_numbers = #tpu.dot_dimension_numbers<[1], [0], [0], [1], [0, 0, 1, 1], [], []>, transpose_lhs_hint = false} : vector<128x128xf32>, vector<128x64xf32>, vector<128x64xf32> -> vector<128x64xf32>
    %add3A_246 = vector.broadcast %add3A_242 : vector<1x64xf32> to vector<128x64xf32>
    %add3A_247 = arith.addf %dot_general3A_245, %add3A_246 : vector<128x64xf32>
    %broadcast_in_dim3A_248 = arith.constant 1.000000e+00 : f32
    %broadcast_in_dim3A_249 = vector.broadcast %broadcast_in_dim3A_248 : f32 to vector<1x128xf32>
    %dot_general3A_250 = arith.constant dense<0.000000e+00> : vector<1x64xf32>
    %dot_general3A_251 = tpu.matmul %broadcast_in_dim3A_249, %slice3A_243, %dot_general3A_250 {dimension_numbers = #tpu.dot_dimension_numbers<[1], [0], [0], [1], [0, 0, 1, 1], [], []>, transpose_lhs_hint = false} : vector<1x128xf32>, vector<128x64xf32>, vector<1x64xf32> -> vector<1x64xf32>
    %add3A_252 = arith.addf %add3A_242, %dot_general3A_251 : vector<1x64xf32>
    %slice3A_253 = vector.extract_strided_slice %select_n3A_116 {offsets = [896, 0], sizes = [128, 64], strides = [1, 1]} : vector<2048x64xf32> to vector<128x64xf32>
    %dot_general3A_254 = arith.constant dense<0.000000e+00> : vector<128x64xf32>
    %dot_general3A_255 = tpu.matmul %select_n3A_180, %slice3A_253, %dot_general3A_254 {dimension_numbers = #tpu.dot_dimension_numbers<[1], [0], [0], [1], [0, 0, 1, 1], [], []>, transpose_lhs_hint = false} : vector<128x128xf32>, vector<128x64xf32>, vector<128x64xf32> -> vector<128x64xf32>
    %add3A_256 = vector.broadcast %add3A_252 : vector<1x64xf32> to vector<128x64xf32>
    %add3A_257 = arith.addf %dot_general3A_255, %add3A_256 : vector<128x64xf32>
    %broadcast_in_dim3A_258 = arith.constant 1.000000e+00 : f32
    %broadcast_in_dim3A_259 = vector.broadcast %broadcast_in_dim3A_258 : f32 to vector<1x128xf32>
    %dot_general3A_260 = arith.constant dense<0.000000e+00> : vector<1x64xf32>
    %dot_general3A_261 = tpu.matmul %broadcast_in_dim3A_259, %slice3A_253, %dot_general3A_260 {dimension_numbers = #tpu.dot_dimension_numbers<[1], [0], [0], [1], [0, 0, 1, 1], [], []>, transpose_lhs_hint = false} : vector<1x128xf32>, vector<128x64xf32>, vector<1x64xf32> -> vector<1x64xf32>
    %add3A_262 = arith.addf %add3A_252, %dot_general3A_261 : vector<1x64xf32>
    %slice3A_263 = vector.extract_strided_slice %select_n3A_116 {offsets = [1024, 0], sizes = [128, 64], strides = [1, 1]} : vector<2048x64xf32> to vector<128x64xf32>
    %dot_general3A_264 = arith.constant dense<0.000000e+00> : vector<128x64xf32>
    %dot_general3A_265 = tpu.matmul %select_n3A_180, %slice3A_263, %dot_general3A_264 {dimension_numbers = #tpu.dot_dimension_numbers<[1], [0], [0], [1], [0, 0, 1, 1], [], []>, transpose_lhs_hint = false} : vector<128x128xf32>, vector<128x64xf32>, vector<128x64xf32> -> vector<128x64xf32>
    %add3A_266 = vector.broadcast %add3A_262 : vector<1x64xf32> to vector<128x64xf32>
    %add3A_267 = arith.addf %dot_general3A_265, %add3A_266 : vector<128x64xf32>
    %broadcast_in_dim3A_268 = arith.constant 1.000000e+00 : f32
    %broadcast_in_dim3A_269 = vector.broadcast %broadcast_in_dim3A_268 : f32 to vector<1x128xf32>
    %dot_general3A_270 = arith.constant dense<0.000000e+00> : vector<1x64xf32>
    %dot_general3A_271 = tpu.matmul %broadcast_in_dim3A_269, %slice3A_263, %dot_general3A_270 {dimension_numbers = #tpu.dot_dimension_numbers<[1], [0], [0], [1], [0, 0, 1, 1], [], []>, transpose_lhs_hint = false} : vector<1x128xf32>, vector<128x64xf32>, vector<1x64xf32> -> vector<1x64xf32>
    %add3A_272 = arith.addf %add3A_262, %dot_general3A_271 : vector<1x64xf32>
    %slice3A_273 = vector.extract_strided_slice %select_n3A_116 {offsets = [1152, 0], sizes = [128, 64], strides = [1, 1]} : vector<2048x64xf32> to vector<128x64xf32>
    %dot_general3A_274 = arith.constant dense<0.000000e+00> : vector<128x64xf32>
    %dot_general3A_275 = tpu.matmul %select_n3A_180, %slice3A_273, %dot_general3A_274 {dimension_numbers = #tpu.dot_dimension_numbers<[1], [0], [0], [1], [0, 0, 1, 1], [], []>, transpose_lhs_hint = false} : vector<128x128xf32>, vector<128x64xf32>, vector<128x64xf32> -> vector<128x64xf32>
    %add3A_276 = vector.broadcast %add3A_272 : vector<1x64xf32> to vector<128x64xf32>
    %add3A_277 = arith.addf %dot_general3A_275, %add3A_276 : vector<128x64xf32>
    %broadcast_in_dim3A_278 = arith.constant 1.000000e+00 : f32
    %broadcast_in_dim3A_279 = vector.broadcast %broadcast_in_dim3A_278 : f32 to vector<1x128xf32>
    %dot_general3A_280 = arith.constant dense<0.000000e+00> : vector<1x64xf32>
    %dot_general3A_281 = tpu.matmul %broadcast_in_dim3A_279, %slice3A_273, %dot_general3A_280 {dimension_numbers = #tpu.dot_dimension_numbers<[1], [0], [0], [1], [0, 0, 1, 1], [], []>, transpose_lhs_hint = false} : vector<1x128xf32>, vector<128x64xf32>, vector<1x64xf32> -> vector<1x64xf32>
    %add3A_282 = arith.addf %add3A_272, %dot_general3A_281 : vector<1x64xf32>
    %slice3A_283 = vector.extract_strided_slice %select_n3A_116 {offsets = [1280, 0], sizes = [128, 64], strides = [1, 1]} : vector<2048x64xf32> to vector<128x64xf32>
    %dot_general3A_284 = arith.constant dense<0.000000e+00> : vector<128x64xf32>
    %dot_general3A_285 = tpu.matmul %select_n3A_180, %slice3A_283, %dot_general3A_284 {dimension_numbers = #tpu.dot_dimension_numbers<[1], [0], [0], [1], [0, 0, 1, 1], [], []>, transpose_lhs_hint = false} : vector<128x128xf32>, vector<128x64xf32>, vector<128x64xf32> -> vector<128x64xf32>
    %add3A_286 = vector.broadcast %add3A_282 : vector<1x64xf32> to vector<128x64xf32>
    %add3A_287 = arith.addf %dot_general3A_285, %add3A_286 : vector<128x64xf32>
    %broadcast_in_dim3A_288 = arith.constant 1.000000e+00 : f32
    %broadcast_in_dim3A_289 = vector.broadcast %broadcast_in_dim3A_288 : f32 to vector<1x128xf32>
    %dot_general3A_290 = arith.constant dense<0.000000e+00> : vector<1x64xf32>
    %dot_general3A_291 = tpu.matmul %broadcast_in_dim3A_289, %slice3A_283, %dot_general3A_290 {dimension_numbers = #tpu.dot_dimension_numbers<[1], [0], [0], [1], [0, 0, 1, 1], [], []>, transpose_lhs_hint = false} : vector<1x128xf32>, vector<128x64xf32>, vector<1x64xf32> -> vector<1x64xf32>
    %add3A_292 = arith.addf %add3A_282, %dot_general3A_291 : vector<1x64xf32>
    %slice3A_293 = vector.extract_strided_slice %select_n3A_116 {offsets = [1408, 0], sizes = [128, 64], strides = [1, 1]} : vector<2048x64xf32> to vector<128x64xf32>
    %dot_general3A_294 = arith.constant dense<0.000000e+00> : vector<128x64xf32>
    %dot_general3A_295 = tpu.matmul %select_n3A_180, %slice3A_293, %dot_general3A_294 {dimension_numbers = #tpu.dot_dimension_numbers<[1], [0], [0], [1], [0, 0, 1, 1], [], []>, transpose_lhs_hint = false} : vector<128x128xf32>, vector<128x64xf32>, vector<128x64xf32> -> vector<128x64xf32>
    %add3A_296 = vector.broadcast %add3A_292 : vector<1x64xf32> to vector<128x64xf32>
    %add3A_297 = arith.addf %dot_general3A_295, %add3A_296 : vector<128x64xf32>
    %broadcast_in_dim3A_298 = arith.constant 1.000000e+00 : f32
    %broadcast_in_dim3A_299 = vector.broadcast %broadcast_in_dim3A_298 : f32 to vector<1x128xf32>
    %dot_general3A_300 = arith.constant dense<0.000000e+00> : vector<1x64xf32>
    %dot_general3A_301 = tpu.matmul %broadcast_in_dim3A_299, %slice3A_293, %dot_general3A_300 {dimension_numbers = #tpu.dot_dimension_numbers<[1], [0], [0], [1], [0, 0, 1, 1], [], []>, transpose_lhs_hint = false} : vector<1x128xf32>, vector<128x64xf32>, vector<1x64xf32> -> vector<1x64xf32>
    %add3A_302 = arith.addf %add3A_292, %dot_general3A_301 : vector<1x64xf32>
    %slice3A_303 = vector.extract_strided_slice %select_n3A_116 {offsets = [1536, 0], sizes = [128, 64], strides = [1, 1]} : vector<2048x64xf32> to vector<128x64xf32>
    %dot_general3A_304 = arith.constant dense<0.000000e+00> : vector<128x64xf32>
    %dot_general3A_305 = tpu.matmul %select_n3A_180, %slice3A_303, %dot_general3A_304 {dimension_numbers = #tpu.dot_dimension_numbers<[1], [0], [0], [1], [0, 0, 1, 1], [], []>, transpose_lhs_hint = false} : vector<128x128xf32>, vector<128x64xf32>, vector<128x64xf32> -> vector<128x64xf32>
    %add3A_306 = vector.broadcast %add3A_302 : vector<1x64xf32> to vector<128x64xf32>
    %add3A_307 = arith.addf %dot_general3A_305, %add3A_306 : vector<128x64xf32>
    %broadcast_in_dim3A_308 = arith.constant 1.000000e+00 : f32
    %broadcast_in_dim3A_309 = vector.broadcast %broadcast_in_dim3A_308 : f32 to vector<1x128xf32>
    %dot_general3A_310 = arith.constant dense<0.000000e+00> : vector<1x64xf32>
    %dot_general3A_311 = tpu.matmul %broadcast_in_dim3A_309, %slice3A_303, %dot_general3A_310 {dimension_numbers = #tpu.dot_dimension_numbers<[1], [0], [0], [1], [0, 0, 1, 1], [], []>, transpose_lhs_hint = false} : vector<1x128xf32>, vector<128x64xf32>, vector<1x64xf32> -> vector<1x64xf32>
    %add3A_312 = arith.addf %add3A_302, %dot_general3A_311 : vector<1x64xf32>
    %slice3A_313 = vector.extract_strided_slice %select_n3A_116 {offsets = [1664, 0], sizes = [128, 64], strides = [1, 1]} : vector<2048x64xf32> to vector<128x64xf32>
    %dot_general3A_314 = arith.constant dense<0.000000e+00> : vector<128x64xf32>
    %dot_general3A_315 = tpu.matmul %select_n3A_180, %slice3A_313, %dot_general3A_314 {dimension_numbers = #tpu.dot_dimension_numbers<[1], [0], [0], [1], [0, 0, 1, 1], [], []>, transpose_lhs_hint = false} : vector<128x128xf32>, vector<128x64xf32>, vector<128x64xf32> -> vector<128x64xf32>
    %add3A_316 = vector.broadcast %add3A_312 : vector<1x64xf32> to vector<128x64xf32>
    %add3A_317 = arith.addf %dot_general3A_315, %add3A_316 : vector<128x64xf32>
    %broadcast_in_dim3A_318 = arith.constant 1.000000e+00 : f32
    %broadcast_in_dim3A_319 = vector.broadcast %broadcast_in_dim3A_318 : f32 to vector<1x128xf32>
    %dot_general3A_320 = arith.constant dense<0.000000e+00> : vector<1x64xf32>
    %dot_general3A_321 = tpu.matmul %broadcast_in_dim3A_319, %slice3A_313, %dot_general3A_320 {dimension_numbers = #tpu.dot_dimension_numbers<[1], [0], [0], [1], [0, 0, 1, 1], [], []>, transpose_lhs_hint = false} : vector<1x128xf32>, vector<128x64xf32>, vector<1x64xf32> -> vector<1x64xf32>
    %add3A_322 = arith.addf %add3A_312, %dot_general3A_321 : vector<1x64xf32>
    %slice3A_323 = vector.extract_strided_slice %select_n3A_116 {offsets = [1792, 0], sizes = [128, 64], strides = [1, 1]} : vector<2048x64xf32> to vector<128x64xf32>
    %dot_general3A_324 = arith.constant dense<0.000000e+00> : vector<128x64xf32>
    %dot_general3A_325 = tpu.matmul %select_n3A_180, %slice3A_323, %dot_general3A_324 {dimension_numbers = #tpu.dot_dimension_numbers<[1], [0], [0], [1], [0, 0, 1, 1], [], []>, transpose_lhs_hint = false} : vector<128x128xf32>, vector<128x64xf32>, vector<128x64xf32> -> vector<128x64xf32>
    %add3A_326 = vector.broadcast %add3A_322 : vector<1x64xf32> to vector<128x64xf32>
    %add3A_327 = arith.addf %dot_general3A_325, %add3A_326 : vector<128x64xf32>
    %broadcast_in_dim3A_328 = arith.constant 1.000000e+00 : f32
    %broadcast_in_dim3A_329 = vector.broadcast %broadcast_in_dim3A_328 : f32 to vector<1x128xf32>
    %dot_general3A_330 = arith.constant dense<0.000000e+00> : vector<1x64xf32>
    %dot_general3A_331 = tpu.matmul %broadcast_in_dim3A_329, %slice3A_323, %dot_general3A_330 {dimension_numbers = #tpu.dot_dimension_numbers<[1], [0], [0], [1], [0, 0, 1, 1], [], []>, transpose_lhs_hint = false} : vector<1x128xf32>, vector<128x64xf32>, vector<1x64xf32> -> vector<1x64xf32>
    %add3A_332 = arith.addf %add3A_322, %dot_general3A_331 : vector<1x64xf32>
    %slice3A_333 = vector.extract_strided_slice %select_n3A_116 {offsets = [1920, 0], sizes = [128, 64], strides = [1, 1]} : vector<2048x64xf32> to vector<128x64xf32>
    %dot_general3A_334 = arith.constant dense<0.000000e+00> : vector<128x64xf32>
    %dot_general3A_335 = tpu.matmul %select_n3A_180, %slice3A_333, %dot_general3A_334 {dimension_numbers = #tpu.dot_dimension_numbers<[1], [0], [0], [1], [0, 0, 1, 1], [], []>, transpose_lhs_hint = false} : vector<128x128xf32>, vector<128x64xf32>, vector<128x64xf32> -> vector<128x64xf32>
    %add3A_336 = vector.broadcast %add3A_332 : vector<1x64xf32> to vector<128x64xf32>
    %add3A_337 = arith.addf %dot_general3A_335, %add3A_336 : vector<128x64xf32>
    %concatenate3A_338 = tpu.concatenate %add3A_187, %add3A_197, %add3A_207, %add3A_217, %add3A_227, %add3A_237, %add3A_247, %add3A_257, %add3A_267, %add3A_277, %add3A_287, %add3A_297, %add3A_307, %add3A_317, %add3A_327, %add3A_337 in 0 : vector<128x64xf32>, vector<128x64xf32>, vector<128x64xf32>, vector<128x64xf32>, vector<128x64xf32>, vector<128x64xf32>, vector<128x64xf32>, vector<128x64xf32>, vector<128x64xf32>, vector<128x64xf32>, vector<128x64xf32>, vector<128x64xf32>, vector<128x64xf32>, vector<128x64xf32>, vector<128x64xf32>, vector<128x64xf32> -> vector<2048x64xf32>
    %add3A_339 = vector.broadcast %dot_general3A_172 : vector<1x64xf32> to vector<2048x64xf32>
    %add3A_340 = arith.addf %add3A_339, %concatenate3A_338 : vector<2048x64xf32>
    %jit3A_341 = arith.constant 0.000000e+00 : f32
    %broadcast_in_dim3A_342 = vector.broadcast %jit3A_341 : f32 to vector<2048x64xf32>
    %select_n3A_343 = arith.select %eq3A_21, %add3A_340, %broadcast_in_dim3A_342 : vector<2048x64xi1>, vector<2048x64xf32>
    %reduce_sum3A_344 = arith.constant dense<0.000000e+00> : vector<2048xf32>
    %reduce_sum3A_345 = vector.multi_reduction <add>, %select_n3A_343, %reduce_sum3A_344 [1] : vector<2048x64xf32> to vector<2048xf32>
    %broadcast_in_dim3A_346 = vector.shape_cast %reduce_sum3A_345 : vector<2048xf32> to vector<2048x1xf32>
    %jit3A_347 = arith.constant 0.000000e+00 : f32
    %broadcast_in_dim3A_348 = vector.broadcast %jit3A_347 : f32 to vector<2048x64xf32>
    %select_n3A_349 = arith.select %eq3A_37, %add3A_340, %broadcast_in_dim3A_348 : vector<2048x64xi1>, vector<2048x64xf32>
    %reduce_sum3A_350 = arith.constant dense<0.000000e+00> : vector<2048xf32>
    %reduce_sum3A_351 = vector.multi_reduction <add>, %select_n3A_349, %reduce_sum3A_350 [1] : vector<2048x64xf32> to vector<2048xf32>
    %broadcast_in_dim3A_352 = vector.shape_cast %reduce_sum3A_351 : vector<2048xf32> to vector<2048x1xf32>
    %jit3A_353 = arith.constant 0.000000e+00 : f32
    %broadcast_in_dim3A_354 = vector.broadcast %jit3A_353 : f32 to vector<2048x64xf32>
    %select_n3A_355 = arith.select %eq3A_54, %add3A_340, %broadcast_in_dim3A_354 : vector<2048x64xi1>, vector<2048x64xf32>
    %reduce_sum3A_356 = arith.constant dense<0.000000e+00> : vector<2048xf32>
    %reduce_sum3A_357 = vector.multi_reduction <add>, %select_n3A_355, %reduce_sum3A_356 [1] : vector<2048x64xf32> to vector<2048xf32>
    %broadcast_in_dim3A_358 = vector.shape_cast %reduce_sum3A_357 : vector<2048xf32> to vector<2048x1xf32>
    %jit3A_359 = arith.constant 0.000000e+00 : f32
    %broadcast_in_dim3A_360 = vector.broadcast %jit3A_359 : f32 to vector<2048x64xf32>
    %select_n3A_361 = arith.select %eq3A_71, %add3A_340, %broadcast_in_dim3A_360 : vector<2048x64xi1>, vector<2048x64xf32>
    %reduce_sum3A_362 = arith.constant dense<0.000000e+00> : vector<2048xf32>
    %reduce_sum3A_363 = vector.multi_reduction <add>, %select_n3A_361, %reduce_sum3A_362 [1] : vector<2048x64xf32> to vector<2048xf32>
    %broadcast_in_dim3A_364 = vector.shape_cast %reduce_sum3A_363 : vector<2048xf32> to vector<2048x1xf32>
    %jit3A_365 = arith.constant 0.000000e+00 : f32
    %broadcast_in_dim3A_366 = vector.broadcast %jit3A_365 : f32 to vector<2048x64xf32>
    %select_n3A_367 = arith.select %eq3A_88, %add3A_340, %broadcast_in_dim3A_366 : vector<2048x64xi1>, vector<2048x64xf32>
    %reduce_sum3A_368 = arith.constant dense<0.000000e+00> : vector<2048xf32>
    %reduce_sum3A_369 = vector.multi_reduction <add>, %select_n3A_367, %reduce_sum3A_368 [1] : vector<2048x64xf32> to vector<2048xf32>
    %broadcast_in_dim3A_370 = vector.shape_cast %reduce_sum3A_369 : vector<2048xf32> to vector<2048x1xf32>
    %jit3A_371 = arith.constant 0.000000e+00 : f32
    %broadcast_in_dim3A_372 = vector.broadcast %jit3A_371 : f32 to vector<2048x64xf32>
    %select_n3A_373 = arith.select %eq3A_105, %add3A_340, %broadcast_in_dim3A_372 : vector<2048x64xi1>, vector<2048x64xf32>
    %reduce_sum3A_374 = arith.constant dense<0.000000e+00> : vector<2048xf32>
    %reduce_sum3A_375 = vector.multi_reduction <add>, %select_n3A_373, %reduce_sum3A_374 [1] : vector<2048x64xf32> to vector<2048xf32>
    %broadcast_in_dim3A_376 = vector.shape_cast %reduce_sum3A_375 : vector<2048xf32> to vector<2048x1xf32>
    %concatenate3A_377 = tpu.concatenate %broadcast_in_dim3A_346, %broadcast_in_dim3A_352, %broadcast_in_dim3A_358, %broadcast_in_dim3A_364, %broadcast_in_dim3A_370, %broadcast_in_dim3A_376 in 1 : vector<2048x1xf32>, vector<2048x1xf32>, vector<2048x1xf32>, vector<2048x1xf32>, vector<2048x1xf32>, vector<2048x1xf32> -> vector<2048x6xf32>
    %convert_element_type3A = arith.fptosi %concatenate3A_377 : vector<2048x6xf32> to vector<2048x6xi32>
    %swap3A_378 = arith.constant 0 : index
    %swap3A_379 = arith.constant 0 : index
    %swap3A_380 = vector.load %arg3[%swap3A_378, %swap3A_379] : memref<2048x6xi32, #tpu.memory_space<vmem>>, vector<2048x6xi32>
    tpu.vector_store %arg3[%swap3A_378, %swap3A_379], %convert_element_type3A {strides = array<i32>} : memref<2048x6xi32, #tpu.memory_space<vmem>>, vector<2048x6xi32>,
    %iota3A_381 = tpu.iota {dimensions = array<i32: 0>} : vector<8x128xi32>
    %mul3A_382 = arith.constant 128 : i32
    %mul3A_383 = vector.broadcast %mul3A_382 : i32 to vector<8x128xi32>
    %mul3A_384 = arith.muli %iota3A_381, %mul3A_383 : vector<8x128xi32>
    %iota3A_385 = tpu.iota {dimensions = array<i32: 1>} : vector<8x128xi32>
    %add3A_386 = arith.addi %mul3A_384, %iota3A_385 : vector<8x128xi32>
    %convert_element_type3A_387 = arith.sitofp %add3A_386 : vector<8x128xi32> to vector<8x128xf32>
    %mul3A_388 = arith.constant 1.280000e+02 : f32
    %mul3A_389 = vector.broadcast %mul3A_388 : f32 to vector<8x128xf32>
    %mul3A_390 = arith.mulf %convert_element_type3A_387, %mul3A_389 : vector<8x128xf32>
    %broadcast_in_dim3A_391 = arith.constant 0 : i32
    %broadcast_in_dim3A_392 = vector.broadcast %broadcast_in_dim3A_391 : i32 to vector<8x128xi32>
    %slice3A_393 = vector.extract_strided_slice %add3A_173 {offsets = [0, 0], sizes = [1, 1], strides = [1, 1]} : vector<1x64xf32> to vector<1x1xf32>
    %squeeze3A = vector.extract %slice3A_393[0, 0] : f32 from vector<1x1xf32>
    %ge3A = vector.broadcast %squeeze3A : f32 to vector<8x128xf32>
    %ge3A_394 = arith.cmpf oge, %mul3A_390, %ge3A : vector<8x128xf32>
    %jit3A_395 = arith.constant 1 : i32
    %jit3A_396 = arith.constant 0 : i32
    %broadcast_in_dim3A_397 = vector.broadcast %jit3A_395 : i32 to vector<8x128xi32>
    %broadcast_in_dim3A_398 = vector.broadcast %jit3A_396 : i32 to vector<8x128xi32>
    %select_n3A_399 = arith.select %ge3A_394, %broadcast_in_dim3A_397, %broadcast_in_dim3A_398 : vector<8x128xi1>, vector<8x128xi32>
    %add3A_400 = arith.addi %broadcast_in_dim3A_392, %select_n3A_399 : vector<8x128xi32>
    %slice3A_401 = vector.extract_strided_slice %add3A_173 {offsets = [0, 1], sizes = [1, 1], strides = [1, 1]} : vector<1x64xf32> to vector<1x1xf32>
    %squeeze3A_402 = vector.extract %slice3A_401[0, 0] : f32 from vector<1x1xf32>
    %ge3A_403 = vector.broadcast %squeeze3A_402 : f32 to vector<8x128xf32>
    %ge3A_404 = arith.cmpf oge, %mul3A_390, %ge3A_403 : vector<8x128xf32>
    %jit3A_405 = arith.constant 1 : i32
    %jit3A_406 = arith.constant 0 : i32
    %broadcast_in_dim3A_407 = vector.broadcast %jit3A_405 : i32 to vector<8x128xi32>
    %broadcast_in_dim3A_408 = vector.broadcast %jit3A_406 : i32 to vector<8x128xi32>
    %select_n3A_409 = arith.select %ge3A_404, %broadcast_in_dim3A_407, %broadcast_in_dim3A_408 : vector<8x128xi1>, vector<8x128xi32>
    %add3A_410 = arith.addi %add3A_400, %select_n3A_409 : vector<8x128xi32>
    %slice3A_411 = vector.extract_strided_slice %add3A_173 {offsets = [0, 2], sizes = [1, 1], strides = [1, 1]} : vector<1x64xf32> to vector<1x1xf32>
    %squeeze3A_412 = vector.extract %slice3A_411[0, 0] : f32 from vector<1x1xf32>
    %ge3A_413 = vector.broadcast %squeeze3A_412 : f32 to vector<8x128xf32>
    %ge3A_414 = arith.cmpf oge, %mul3A_390, %ge3A_413 : vector<8x128xf32>
    %jit3A_415 = arith.constant 1 : i32
    %jit3A_416 = arith.constant 0 : i32
    %broadcast_in_dim3A_417 = vector.broadcast %jit3A_415 : i32 to vector<8x128xi32>
    %broadcast_in_dim3A_418 = vector.broadcast %jit3A_416 : i32 to vector<8x128xi32>
    %select_n3A_419 = arith.select %ge3A_414, %broadcast_in_dim3A_417, %broadcast_in_dim3A_418 : vector<8x128xi1>, vector<8x128xi32>
    %add3A_420 = arith.addi %add3A_410, %select_n3A_419 : vector<8x128xi32>
    %slice3A_421 = vector.extract_strided_slice %add3A_173 {offsets = [0, 3], sizes = [1, 1], strides = [1, 1]} : vector<1x64xf32> to vector<1x1xf32>
    %squeeze3A_422 = vector.extract %slice3A_421[0, 0] : f32 from vector<1x1xf32>
    %ge3A_423 = vector.broadcast %squeeze3A_422 : f32 to vector<8x128xf32>
    %ge3A_424 = arith.cmpf oge, %mul3A_390, %ge3A_423 : vector<8x128xf32>
    %jit3A_425 = arith.constant 1 : i32
    %jit3A_426 = arith.constant 0 : i32
    %broadcast_in_dim3A_427 = vector.broadcast %jit3A_425 : i32 to vector<8x128xi32>
    %broadcast_in_dim3A_428 = vector.broadcast %jit3A_426 : i32 to vector<8x128xi32>
    %select_n3A_429 = arith.select %ge3A_424, %broadcast_in_dim3A_427, %broadcast_in_dim3A_428 : vector<8x128xi1>, vector<8x128xi32>
    %add3A_430 = arith.addi %add3A_420, %select_n3A_429 : vector<8x128xi32>
    %slice3A_431 = vector.extract_strided_slice %add3A_173 {offsets = [0, 4], sizes = [1, 1], strides = [1, 1]} : vector<1x64xf32> to vector<1x1xf32>
    %squeeze3A_432 = vector.extract %slice3A_431[0, 0] : f32 from vector<1x1xf32>
    %ge3A_433 = vector.broadcast %squeeze3A_432 : f32 to vector<8x128xf32>
    %ge3A_434 = arith.cmpf oge, %mul3A_390, %ge3A_433 : vector<8x128xf32>
    %jit3A_435 = arith.constant 1 : i32
    %jit3A_436 = arith.constant 0 : i32
    %broadcast_in_dim3A_437 = vector.broadcast %jit3A_435 : i32 to vector<8x128xi32>
    %broadcast_in_dim3A_438 = vector.broadcast %jit3A_436 : i32 to vector<8x128xi32>
    %select_n3A_439 = arith.select %ge3A_434, %broadcast_in_dim3A_437, %broadcast_in_dim3A_438 : vector<8x128xi1>, vector<8x128xi32>
    %add3A_440 = arith.addi %add3A_430, %select_n3A_439 : vector<8x128xi32>
    %slice3A_441 = vector.extract_strided_slice %add3A_173 {offsets = [0, 5], sizes = [1, 1], strides = [1, 1]} : vector<1x64xf32> to vector<1x1xf32>
    %squeeze3A_442 = vector.extract %slice3A_441[0, 0] : f32 from vector<1x1xf32>
    %ge3A_443 = vector.broadcast %squeeze3A_442 : f32 to vector<8x128xf32>
    %ge3A_444 = arith.cmpf oge, %mul3A_390, %ge3A_443 : vector<8x128xf32>
    %jit3A_445 = arith.constant 1 : i32
    %jit3A_446 = arith.constant 0 : i32
    %broadcast_in_dim3A_447 = vector.broadcast %jit3A_445 : i32 to vector<8x128xi32>
    %broadcast_in_dim3A_448 = vector.broadcast %jit3A_446 : i32 to vector<8x128xi32>
    %select_n3A_449 = arith.select %ge3A_444, %broadcast_in_dim3A_447, %broadcast_in_dim3A_448 : vector<8x128xi1>, vector<8x128xi32>
    %add3A_450 = arith.addi %add3A_440, %select_n3A_449 : vector<8x128xi32>
    %slice3A_451 = vector.extract_strided_slice %add3A_173 {offsets = [0, 6], sizes = [1, 1], strides = [1, 1]} : vector<1x64xf32> to vector<1x1xf32>
    %squeeze3A_452 = vector.extract %slice3A_451[0, 0] : f32 from vector<1x1xf32>
    %ge3A_453 = vector.broadcast %squeeze3A_452 : f32 to vector<8x128xf32>
    %ge3A_454 = arith.cmpf oge, %mul3A_390, %ge3A_453 : vector<8x128xf32>
    %jit3A_455 = arith.constant 1 : i32
    %jit3A_456 = arith.constant 0 : i32
    %broadcast_in_dim3A_457 = vector.broadcast %jit3A_455 : i32 to vector<8x128xi32>
    %broadcast_in_dim3A_458 = vector.broadcast %jit3A_456 : i32 to vector<8x128xi32>
    %select_n3A_459 = arith.select %ge3A_454, %broadcast_in_dim3A_457, %broadcast_in_dim3A_458 : vector<8x128xi1>, vector<8x128xi32>
    %add3A_460 = arith.addi %add3A_450, %select_n3A_459 : vector<8x128xi32>
    %slice3A_461 = vector.extract_strided_slice %add3A_173 {offsets = [0, 7], sizes = [1, 1], strides = [1, 1]} : vector<1x64xf32> to vector<1x1xf32>
    %squeeze3A_462 = vector.extract %slice3A_461[0, 0] : f32 from vector<1x1xf32>
    %ge3A_463 = vector.broadcast %squeeze3A_462 : f32 to vector<8x128xf32>
    %ge3A_464 = arith.cmpf oge, %mul3A_390, %ge3A_463 : vector<8x128xf32>
    %jit3A_465 = arith.constant 1 : i32
    %jit3A_466 = arith.constant 0 : i32
    %broadcast_in_dim3A_467 = vector.broadcast %jit3A_465 : i32 to vector<8x128xi32>
    %broadcast_in_dim3A_468 = vector.broadcast %jit3A_466 : i32 to vector<8x128xi32>
    %select_n3A_469 = arith.select %ge3A_464, %broadcast_in_dim3A_467, %broadcast_in_dim3A_468 : vector<8x128xi1>, vector<8x128xi32>
    %add3A_470 = arith.addi %add3A_460, %select_n3A_469 : vector<8x128xi32>
    %slice3A_471 = vector.extract_strided_slice %add3A_173 {offsets = [0, 8], sizes = [1, 1], strides = [1, 1]} : vector<1x64xf32> to vector<1x1xf32>
    %squeeze3A_472 = vector.extract %slice3A_471[0, 0] : f32 from vector<1x1xf32>
    %ge3A_473 = vector.broadcast %squeeze3A_472 : f32 to vector<8x128xf32>
    %ge3A_474 = arith.cmpf oge, %mul3A_390, %ge3A_473 : vector<8x128xf32>
    %jit3A_475 = arith.constant 1 : i32
    %jit3A_476 = arith.constant 0 : i32
    %broadcast_in_dim3A_477 = vector.broadcast %jit3A_475 : i32 to vector<8x128xi32>
    %broadcast_in_dim3A_478 = vector.broadcast %jit3A_476 : i32 to vector<8x128xi32>
    %select_n3A_479 = arith.select %ge3A_474, %broadcast_in_dim3A_477, %broadcast_in_dim3A_478 : vector<8x128xi1>, vector<8x128xi32>
    %add3A_480 = arith.addi %add3A_470, %select_n3A_479 : vector<8x128xi32>
    %slice3A_481 = vector.extract_strided_slice %add3A_173 {offsets = [0, 9], sizes = [1, 1], strides = [1, 1]} : vector<1x64xf32> to vector<1x1xf32>
    %squeeze3A_482 = vector.extract %slice3A_481[0, 0] : f32 from vector<1x1xf32>
    %ge3A_483 = vector.broadcast %squeeze3A_482 : f32 to vector<8x128xf32>
    %ge3A_484 = arith.cmpf oge, %mul3A_390, %ge3A_483 : vector<8x128xf32>
    %jit3A_485 = arith.constant 1 : i32
    %jit3A_486 = arith.constant 0 : i32
    %broadcast_in_dim3A_487 = vector.broadcast %jit3A_485 : i32 to vector<8x128xi32>
    %broadcast_in_dim3A_488 = vector.broadcast %jit3A_486 : i32 to vector<8x128xi32>
    %select_n3A_489 = arith.select %ge3A_484, %broadcast_in_dim3A_487, %broadcast_in_dim3A_488 : vector<8x128xi1>, vector<8x128xi32>
    %add3A_490 = arith.addi %add3A_480, %select_n3A_489 : vector<8x128xi32>
    %slice3A_491 = vector.extract_strided_slice %add3A_173 {offsets = [0, 10], sizes = [1, 1], strides = [1, 1]} : vector<1x64xf32> to vector<1x1xf32>
    %squeeze3A_492 = vector.extract %slice3A_491[0, 0] : f32 from vector<1x1xf32>
    %ge3A_493 = vector.broadcast %squeeze3A_492 : f32 to vector<8x128xf32>
    %ge3A_494 = arith.cmpf oge, %mul3A_390, %ge3A_493 : vector<8x128xf32>
    %jit3A_495 = arith.constant 1 : i32
    %jit3A_496 = arith.constant 0 : i32
    %broadcast_in_dim3A_497 = vector.broadcast %jit3A_495 : i32 to vector<8x128xi32>
    %broadcast_in_dim3A_498 = vector.broadcast %jit3A_496 : i32 to vector<8x128xi32>
    %select_n3A_499 = arith.select %ge3A_494, %broadcast_in_dim3A_497, %broadcast_in_dim3A_498 : vector<8x128xi1>, vector<8x128xi32>
    %add3A_500 = arith.addi %add3A_490, %select_n3A_499 : vector<8x128xi32>
    %slice3A_501 = vector.extract_strided_slice %add3A_173 {offsets = [0, 11], sizes = [1, 1], strides = [1, 1]} : vector<1x64xf32> to vector<1x1xf32>
    %squeeze3A_502 = vector.extract %slice3A_501[0, 0] : f32 from vector<1x1xf32>
    %ge3A_503 = vector.broadcast %squeeze3A_502 : f32 to vector<8x128xf32>
    %ge3A_504 = arith.cmpf oge, %mul3A_390, %ge3A_503 : vector<8x128xf32>
    %jit3A_505 = arith.constant 1 : i32
    %jit3A_506 = arith.constant 0 : i32
    %broadcast_in_dim3A_507 = vector.broadcast %jit3A_505 : i32 to vector<8x128xi32>
    %broadcast_in_dim3A_508 = vector.broadcast %jit3A_506 : i32 to vector<8x128xi32>
    %select_n3A_509 = arith.select %ge3A_504, %broadcast_in_dim3A_507, %broadcast_in_dim3A_508 : vector<8x128xi1>, vector<8x128xi32>
    %add3A_510 = arith.addi %add3A_500, %select_n3A_509 : vector<8x128xi32>
    %slice3A_511 = vector.extract_strided_slice %add3A_173 {offsets = [0, 12], sizes = [1, 1], strides = [1, 1]} : vector<1x64xf32> to vector<1x1xf32>
    %squeeze3A_512 = vector.extract %slice3A_511[0, 0] : f32 from vector<1x1xf32>
    %ge3A_513 = vector.broadcast %squeeze3A_512 : f32 to vector<8x128xf32>
    %ge3A_514 = arith.cmpf oge, %mul3A_390, %ge3A_513 : vector<8x128xf32>
    %jit3A_515 = arith.constant 1 : i32
    %jit3A_516 = arith.constant 0 : i32
    %broadcast_in_dim3A_517 = vector.broadcast %jit3A_515 : i32 to vector<8x128xi32>
    %broadcast_in_dim3A_518 = vector.broadcast %jit3A_516 : i32 to vector<8x128xi32>
    %select_n3A_519 = arith.select %ge3A_514, %broadcast_in_dim3A_517, %broadcast_in_dim3A_518 : vector<8x128xi1>, vector<8x128xi32>
    %add3A_520 = arith.addi %add3A_510, %select_n3A_519 : vector<8x128xi32>
    %slice3A_521 = vector.extract_strided_slice %add3A_173 {offsets = [0, 13], sizes = [1, 1], strides = [1, 1]} : vector<1x64xf32> to vector<1x1xf32>
    %squeeze3A_522 = vector.extract %slice3A_521[0, 0] : f32 from vector<1x1xf32>
    %ge3A_523 = vector.broadcast %squeeze3A_522 : f32 to vector<8x128xf32>
    %ge3A_524 = arith.cmpf oge, %mul3A_390, %ge3A_523 : vector<8x128xf32>
    %jit3A_525 = arith.constant 1 : i32
    %jit3A_526 = arith.constant 0 : i32
    %broadcast_in_dim3A_527 = vector.broadcast %jit3A_525 : i32 to vector<8x128xi32>
    %broadcast_in_dim3A_528 = vector.broadcast %jit3A_526 : i32 to vector<8x128xi32>
    %select_n3A_529 = arith.select %ge3A_524, %broadcast_in_dim3A_527, %broadcast_in_dim3A_528 : vector<8x128xi1>, vector<8x128xi32>
    %add3A_530 = arith.addi %add3A_520, %select_n3A_529 : vector<8x128xi32>
    %slice3A_531 = vector.extract_strided_slice %add3A_173 {offsets = [0, 14], sizes = [1, 1], strides = [1, 1]} : vector<1x64xf32> to vector<1x1xf32>
    %squeeze3A_532 = vector.extract %slice3A_531[0, 0] : f32 from vector<1x1xf32>
    %ge3A_533 = vector.broadcast %squeeze3A_532 : f32 to vector<8x128xf32>
    %ge3A_534 = arith.cmpf oge, %mul3A_390, %ge3A_533 : vector<8x128xf32>
    %jit3A_535 = arith.constant 1 : i32
    %jit3A_536 = arith.constant 0 : i32
    %broadcast_in_dim3A_537 = vector.broadcast %jit3A_535 : i32 to vector<8x128xi32>
    %broadcast_in_dim3A_538 = vector.broadcast %jit3A_536 : i32 to vector<8x128xi32>
    %select_n3A_539 = arith.select %ge3A_534, %broadcast_in_dim3A_537, %broadcast_in_dim3A_538 : vector<8x128xi1>, vector<8x128xi32>
    %add3A_540 = arith.addi %add3A_530, %select_n3A_539 : vector<8x128xi32>
    %slice3A_541 = vector.extract_strided_slice %add3A_173 {offsets = [0, 15], sizes = [1, 1], strides = [1, 1]} : vector<1x64xf32> to vector<1x1xf32>
    %squeeze3A_542 = vector.extract %slice3A_541[0, 0] : f32 from vector<1x1xf32>
    %ge3A_543 = vector.broadcast %squeeze3A_542 : f32 to vector<8x128xf32>
    %ge3A_544 = arith.cmpf oge, %mul3A_390, %ge3A_543 : vector<8x128xf32>
    %jit3A_545 = arith.constant 1 : i32
    %jit3A_546 = arith.constant 0 : i32
    %broadcast_in_dim3A_547 = vector.broadcast %jit3A_545 : i32 to vector<8x128xi32>
    %broadcast_in_dim3A_548 = vector.broadcast %jit3A_546 : i32 to vector<8x128xi32>
    %select_n3A_549 = arith.select %ge3A_544, %broadcast_in_dim3A_547, %broadcast_in_dim3A_548 : vector<8x128xi1>, vector<8x128xi32>
    %add3A_550 = arith.addi %add3A_540, %select_n3A_549 : vector<8x128xi32>
    %slice3A_551 = vector.extract_strided_slice %add3A_173 {offsets = [0, 16], sizes = [1, 1], strides = [1, 1]} : vector<1x64xf32> to vector<1x1xf32>
    %squeeze3A_552 = vector.extract %slice3A_551[0, 0] : f32 from vector<1x1xf32>
    %ge3A_553 = vector.broadcast %squeeze3A_552 : f32 to vector<8x128xf32>
    %ge3A_554 = arith.cmpf oge, %mul3A_390, %ge3A_553 : vector<8x128xf32>
    %jit3A_555 = arith.constant 1 : i32
    %jit3A_556 = arith.constant 0 : i32
    %broadcast_in_dim3A_557 = vector.broadcast %jit3A_555 : i32 to vector<8x128xi32>
    %broadcast_in_dim3A_558 = vector.broadcast %jit3A_556 : i32 to vector<8x128xi32>
    %select_n3A_559 = arith.select %ge3A_554, %broadcast_in_dim3A_557, %broadcast_in_dim3A_558 : vector<8x128xi1>, vector<8x128xi32>
    %add3A_560 = arith.addi %add3A_550, %select_n3A_559 : vector<8x128xi32>
    %slice3A_561 = vector.extract_strided_slice %add3A_173 {offsets = [0, 17], sizes = [1, 1], strides = [1, 1]} : vector<1x64xf32> to vector<1x1xf32>
    %squeeze3A_562 = vector.extract %slice3A_561[0, 0] : f32 from vector<1x1xf32>
    %ge3A_563 = vector.broadcast %squeeze3A_562 : f32 to vector<8x128xf32>
    %ge3A_564 = arith.cmpf oge, %mul3A_390, %ge3A_563 : vector<8x128xf32>
    %jit3A_565 = arith.constant 1 : i32
    %jit3A_566 = arith.constant 0 : i32
    %broadcast_in_dim3A_567 = vector.broadcast %jit3A_565 : i32 to vector<8x128xi32>
    %broadcast_in_dim3A_568 = vector.broadcast %jit3A_566 : i32 to vector<8x128xi32>
    %select_n3A_569 = arith.select %ge3A_564, %broadcast_in_dim3A_567, %broadcast_in_dim3A_568 : vector<8x128xi1>, vector<8x128xi32>
    %add3A_570 = arith.addi %add3A_560, %select_n3A_569 : vector<8x128xi32>
    %slice3A_571 = vector.extract_strided_slice %add3A_173 {offsets = [0, 18], sizes = [1, 1], strides = [1, 1]} : vector<1x64xf32> to vector<1x1xf32>
    %squeeze3A_572 = vector.extract %slice3A_571[0, 0] : f32 from vector<1x1xf32>
    %ge3A_573 = vector.broadcast %squeeze3A_572 : f32 to vector<8x128xf32>
    %ge3A_574 = arith.cmpf oge, %mul3A_390, %ge3A_573 : vector<8x128xf32>
    %jit3A_575 = arith.constant 1 : i32
    %jit3A_576 = arith.constant 0 : i32
    %broadcast_in_dim3A_577 = vector.broadcast %jit3A_575 : i32 to vector<8x128xi32>
    %broadcast_in_dim3A_578 = vector.broadcast %jit3A_576 : i32 to vector<8x128xi32>
    %select_n3A_579 = arith.select %ge3A_574, %broadcast_in_dim3A_577, %broadcast_in_dim3A_578 : vector<8x128xi1>, vector<8x128xi32>
    %add3A_580 = arith.addi %add3A_570, %select_n3A_579 : vector<8x128xi32>
    %slice3A_581 = vector.extract_strided_slice %add3A_173 {offsets = [0, 19], sizes = [1, 1], strides = [1, 1]} : vector<1x64xf32> to vector<1x1xf32>
    %squeeze3A_582 = vector.extract %slice3A_581[0, 0] : f32 from vector<1x1xf32>
    %ge3A_583 = vector.broadcast %squeeze3A_582 : f32 to vector<8x128xf32>
    %ge3A_584 = arith.cmpf oge, %mul3A_390, %ge3A_583 : vector<8x128xf32>
    %jit3A_585 = arith.constant 1 : i32
    %jit3A_586 = arith.constant 0 : i32
    %broadcast_in_dim3A_587 = vector.broadcast %jit3A_585 : i32 to vector<8x128xi32>
    %broadcast_in_dim3A_588 = vector.broadcast %jit3A_586 : i32 to vector<8x128xi32>
    %select_n3A_589 = arith.select %ge3A_584, %broadcast_in_dim3A_587, %broadcast_in_dim3A_588 : vector<8x128xi1>, vector<8x128xi32>
    %add3A_590 = arith.addi %add3A_580, %select_n3A_589 : vector<8x128xi32>
    %slice3A_591 = vector.extract_strided_slice %add3A_173 {offsets = [0, 20], sizes = [1, 1], strides = [1, 1]} : vector<1x64xf32> to vector<1x1xf32>
    %squeeze3A_592 = vector.extract %slice3A_591[0, 0] : f32 from vector<1x1xf32>
    %ge3A_593 = vector.broadcast %squeeze3A_592 : f32 to vector<8x128xf32>
    %ge3A_594 = arith.cmpf oge, %mul3A_390, %ge3A_593 : vector<8x128xf32>
    %jit3A_595 = arith.constant 1 : i32
    %jit3A_596 = arith.constant 0 : i32
    %broadcast_in_dim3A_597 = vector.broadcast %jit3A_595 : i32 to vector<8x128xi32>
    %broadcast_in_dim3A_598 = vector.broadcast %jit3A_596 : i32 to vector<8x128xi32>
    %select_n3A_599 = arith.select %ge3A_594, %broadcast_in_dim3A_597, %broadcast_in_dim3A_598 : vector<8x128xi1>, vector<8x128xi32>
    %add3A_600 = arith.addi %add3A_590, %select_n3A_599 : vector<8x128xi32>
    %slice3A_601 = vector.extract_strided_slice %add3A_173 {offsets = [0, 21], sizes = [1, 1], strides = [1, 1]} : vector<1x64xf32> to vector<1x1xf32>
    %squeeze3A_602 = vector.extract %slice3A_601[0, 0] : f32 from vector<1x1xf32>
    %ge3A_603 = vector.broadcast %squeeze3A_602 : f32 to vector<8x128xf32>
    %ge3A_604 = arith.cmpf oge, %mul3A_390, %ge3A_603 : vector<8x128xf32>
    %jit3A_605 = arith.constant 1 : i32
    %jit3A_606 = arith.constant 0 : i32
    %broadcast_in_dim3A_607 = vector.broadcast %jit3A_605 : i32 to vector<8x128xi32>
    %broadcast_in_dim3A_608 = vector.broadcast %jit3A_606 : i32 to vector<8x128xi32>
    %select_n3A_609 = arith.select %ge3A_604, %broadcast_in_dim3A_607, %broadcast_in_dim3A_608 : vector<8x128xi1>, vector<8x128xi32>
    %add3A_610 = arith.addi %add3A_600, %select_n3A_609 : vector<8x128xi32>
    %slice3A_611 = vector.extract_strided_slice %add3A_173 {offsets = [0, 22], sizes = [1, 1], strides = [1, 1]} : vector<1x64xf32> to vector<1x1xf32>
    %squeeze3A_612 = vector.extract %slice3A_611[0, 0] : f32 from vector<1x1xf32>
    %ge3A_613 = vector.broadcast %squeeze3A_612 : f32 to vector<8x128xf32>
    %ge3A_614 = arith.cmpf oge, %mul3A_390, %ge3A_613 : vector<8x128xf32>
    %jit3A_615 = arith.constant 1 : i32
    %jit3A_616 = arith.constant 0 : i32
    %broadcast_in_dim3A_617 = vector.broadcast %jit3A_615 : i32 to vector<8x128xi32>
    %broadcast_in_dim3A_618 = vector.broadcast %jit3A_616 : i32 to vector<8x128xi32>
    %select_n3A_619 = arith.select %ge3A_614, %broadcast_in_dim3A_617, %broadcast_in_dim3A_618 : vector<8x128xi1>, vector<8x128xi32>
    %add3A_620 = arith.addi %add3A_610, %select_n3A_619 : vector<8x128xi32>
    %slice3A_621 = vector.extract_strided_slice %add3A_173 {offsets = [0, 23], sizes = [1, 1], strides = [1, 1]} : vector<1x64xf32> to vector<1x1xf32>
    %squeeze3A_622 = vector.extract %slice3A_621[0, 0] : f32 from vector<1x1xf32>
    %ge3A_623 = vector.broadcast %squeeze3A_622 : f32 to vector<8x128xf32>
    %ge3A_624 = arith.cmpf oge, %mul3A_390, %ge3A_623 : vector<8x128xf32>
    %jit3A_625 = arith.constant 1 : i32
    %jit3A_626 = arith.constant 0 : i32
    %broadcast_in_dim3A_627 = vector.broadcast %jit3A_625 : i32 to vector<8x128xi32>
    %broadcast_in_dim3A_628 = vector.broadcast %jit3A_626 : i32 to vector<8x128xi32>
    %select_n3A_629 = arith.select %ge3A_624, %broadcast_in_dim3A_627, %broadcast_in_dim3A_628 : vector<8x128xi1>, vector<8x128xi32>
    %add3A_630 = arith.addi %add3A_620, %select_n3A_629 : vector<8x128xi32>
    %slice3A_631 = vector.extract_strided_slice %add3A_173 {offsets = [0, 24], sizes = [1, 1], strides = [1, 1]} : vector<1x64xf32> to vector<1x1xf32>
    %squeeze3A_632 = vector.extract %slice3A_631[0, 0] : f32 from vector<1x1xf32>
    %ge3A_633 = vector.broadcast %squeeze3A_632 : f32 to vector<8x128xf32>
    %ge3A_634 = arith.cmpf oge, %mul3A_390, %ge3A_633 : vector<8x128xf32>
    %jit3A_635 = arith.constant 1 : i32
    %jit3A_636 = arith.constant 0 : i32
    %broadcast_in_dim3A_637 = vector.broadcast %jit3A_635 : i32 to vector<8x128xi32>
    %broadcast_in_dim3A_638 = vector.broadcast %jit3A_636 : i32 to vector<8x128xi32>
    %select_n3A_639 = arith.select %ge3A_634, %broadcast_in_dim3A_637, %broadcast_in_dim3A_638 : vector<8x128xi1>, vector<8x128xi32>
    %add3A_640 = arith.addi %add3A_630, %select_n3A_639 : vector<8x128xi32>
    %slice3A_641 = vector.extract_strided_slice %add3A_173 {offsets = [0, 25], sizes = [1, 1], strides = [1, 1]} : vector<1x64xf32> to vector<1x1xf32>
    %squeeze3A_642 = vector.extract %slice3A_641[0, 0] : f32 from vector<1x1xf32>
    %ge3A_643 = vector.broadcast %squeeze3A_642 : f32 to vector<8x128xf32>
    %ge3A_644 = arith.cmpf oge, %mul3A_390, %ge3A_643 : vector<8x128xf32>
    %jit3A_645 = arith.constant 1 : i32
    %jit3A_646 = arith.constant 0 : i32
    %broadcast_in_dim3A_647 = vector.broadcast %jit3A_645 : i32 to vector<8x128xi32>
    %broadcast_in_dim3A_648 = vector.broadcast %jit3A_646 : i32 to vector<8x128xi32>
    %select_n3A_649 = arith.select %ge3A_644, %broadcast_in_dim3A_647, %broadcast_in_dim3A_648 : vector<8x128xi1>, vector<8x128xi32>
    %add3A_650 = arith.addi %add3A_640, %select_n3A_649 : vector<8x128xi32>
    %slice3A_651 = vector.extract_strided_slice %add3A_173 {offsets = [0, 26], sizes = [1, 1], strides = [1, 1]} : vector<1x64xf32> to vector<1x1xf32>
    %squeeze3A_652 = vector.extract %slice3A_651[0, 0] : f32 from vector<1x1xf32>
    %ge3A_653 = vector.broadcast %squeeze3A_652 : f32 to vector<8x128xf32>
    %ge3A_654 = arith.cmpf oge, %mul3A_390, %ge3A_653 : vector<8x128xf32>
    %jit3A_655 = arith.constant 1 : i32
    %jit3A_656 = arith.constant 0 : i32
    %broadcast_in_dim3A_657 = vector.broadcast %jit3A_655 : i32 to vector<8x128xi32>
    %broadcast_in_dim3A_658 = vector.broadcast %jit3A_656 : i32 to vector<8x128xi32>
    %select_n3A_659 = arith.select %ge3A_654, %broadcast_in_dim3A_657, %broadcast_in_dim3A_658 : vector<8x128xi1>, vector<8x128xi32>
    %add3A_660 = arith.addi %add3A_650, %select_n3A_659 : vector<8x128xi32>
    %slice3A_661 = vector.extract_strided_slice %add3A_173 {offsets = [0, 27], sizes = [1, 1], strides = [1, 1]} : vector<1x64xf32> to vector<1x1xf32>
    %squeeze3A_662 = vector.extract %slice3A_661[0, 0] : f32 from vector<1x1xf32>
    %ge3A_663 = vector.broadcast %squeeze3A_662 : f32 to vector<8x128xf32>
    %ge3A_664 = arith.cmpf oge, %mul3A_390, %ge3A_663 : vector<8x128xf32>
    %jit3A_665 = arith.constant 1 : i32
    %jit3A_666 = arith.constant 0 : i32
    %broadcast_in_dim3A_667 = vector.broadcast %jit3A_665 : i32 to vector<8x128xi32>
    %broadcast_in_dim3A_668 = vector.broadcast %jit3A_666 : i32 to vector<8x128xi32>
    %select_n3A_669 = arith.select %ge3A_664, %broadcast_in_dim3A_667, %broadcast_in_dim3A_668 : vector<8x128xi1>, vector<8x128xi32>
    %add3A_670 = arith.addi %add3A_660, %select_n3A_669 : vector<8x128xi32>
    %slice3A_671 = vector.extract_strided_slice %add3A_173 {offsets = [0, 28], sizes = [1, 1], strides = [1, 1]} : vector<1x64xf32> to vector<1x1xf32>
    %squeeze3A_672 = vector.extract %slice3A_671[0, 0] : f32 from vector<1x1xf32>
    %ge3A_673 = vector.broadcast %squeeze3A_672 : f32 to vector<8x128xf32>
    %ge3A_674 = arith.cmpf oge, %mul3A_390, %ge3A_673 : vector<8x128xf32>
    %jit3A_675 = arith.constant 1 : i32
    %jit3A_676 = arith.constant 0 : i32
    %broadcast_in_dim3A_677 = vector.broadcast %jit3A_675 : i32 to vector<8x128xi32>
    %broadcast_in_dim3A_678 = vector.broadcast %jit3A_676 : i32 to vector<8x128xi32>
    %select_n3A_679 = arith.select %ge3A_674, %broadcast_in_dim3A_677, %broadcast_in_dim3A_678 : vector<8x128xi1>, vector<8x128xi32>
    %add3A_680 = arith.addi %add3A_670, %select_n3A_679 : vector<8x128xi32>
    %slice3A_681 = vector.extract_strided_slice %add3A_173 {offsets = [0, 29], sizes = [1, 1], strides = [1, 1]} : vector<1x64xf32> to vector<1x1xf32>
    %squeeze3A_682 = vector.extract %slice3A_681[0, 0] : f32 from vector<1x1xf32>
    %ge3A_683 = vector.broadcast %squeeze3A_682 : f32 to vector<8x128xf32>
    %ge3A_684 = arith.cmpf oge, %mul3A_390, %ge3A_683 : vector<8x128xf32>
    %jit3A_685 = arith.constant 1 : i32
    %jit3A_686 = arith.constant 0 : i32
    %broadcast_in_dim3A_687 = vector.broadcast %jit3A_685 : i32 to vector<8x128xi32>
    %broadcast_in_dim3A_688 = vector.broadcast %jit3A_686 : i32 to vector<8x128xi32>
    %select_n3A_689 = arith.select %ge3A_684, %broadcast_in_dim3A_687, %broadcast_in_dim3A_688 : vector<8x128xi1>, vector<8x128xi32>
    %add3A_690 = arith.addi %add3A_680, %select_n3A_689 : vector<8x128xi32>
    %slice3A_691 = vector.extract_strided_slice %add3A_173 {offsets = [0, 30], sizes = [1, 1], strides = [1, 1]} : vector<1x64xf32> to vector<1x1xf32>
    %squeeze3A_692 = vector.extract %slice3A_691[0, 0] : f32 from vector<1x1xf32>
    %ge3A_693 = vector.broadcast %squeeze3A_692 : f32 to vector<8x128xf32>
    %ge3A_694 = arith.cmpf oge, %mul3A_390, %ge3A_693 : vector<8x128xf32>
    %jit3A_695 = arith.constant 1 : i32
    %jit3A_696 = arith.constant 0 : i32
    %broadcast_in_dim3A_697 = vector.broadcast %jit3A_695 : i32 to vector<8x128xi32>
    %broadcast_in_dim3A_698 = vector.broadcast %jit3A_696 : i32 to vector<8x128xi32>
    %select_n3A_699 = arith.select %ge3A_694, %broadcast_in_dim3A_697, %broadcast_in_dim3A_698 : vector<8x128xi1>, vector<8x128xi32>
    %add3A_700 = arith.addi %add3A_690, %select_n3A_699 : vector<8x128xi32>
    %slice3A_701 = vector.extract_strided_slice %add3A_173 {offsets = [0, 31], sizes = [1, 1], strides = [1, 1]} : vector<1x64xf32> to vector<1x1xf32>
    %squeeze3A_702 = vector.extract %slice3A_701[0, 0] : f32 from vector<1x1xf32>
    %ge3A_703 = vector.broadcast %squeeze3A_702 : f32 to vector<8x128xf32>
    %ge3A_704 = arith.cmpf oge, %mul3A_390, %ge3A_703 : vector<8x128xf32>
    %jit3A_705 = arith.constant 1 : i32
    %jit3A_706 = arith.constant 0 : i32
    %broadcast_in_dim3A_707 = vector.broadcast %jit3A_705 : i32 to vector<8x128xi32>
    %broadcast_in_dim3A_708 = vector.broadcast %jit3A_706 : i32 to vector<8x128xi32>
    %select_n3A_709 = arith.select %ge3A_704, %broadcast_in_dim3A_707, %broadcast_in_dim3A_708 : vector<8x128xi1>, vector<8x128xi32>
    %add3A_710 = arith.addi %add3A_700, %select_n3A_709 : vector<8x128xi32>
    %slice3A_711 = vector.extract_strided_slice %add3A_173 {offsets = [0, 32], sizes = [1, 1], strides = [1, 1]} : vector<1x64xf32> to vector<1x1xf32>
    %squeeze3A_712 = vector.extract %slice3A_711[0, 0] : f32 from vector<1x1xf32>
    %ge3A_713 = vector.broadcast %squeeze3A_712 : f32 to vector<8x128xf32>
    %ge3A_714 = arith.cmpf oge, %mul3A_390, %ge3A_713 : vector<8x128xf32>
    %jit3A_715 = arith.constant 1 : i32
    %jit3A_716 = arith.constant 0 : i32
    %broadcast_in_dim3A_717 = vector.broadcast %jit3A_715 : i32 to vector<8x128xi32>
    %broadcast_in_dim3A_718 = vector.broadcast %jit3A_716 : i32 to vector<8x128xi32>
    %select_n3A_719 = arith.select %ge3A_714, %broadcast_in_dim3A_717, %broadcast_in_dim3A_718 : vector<8x128xi1>, vector<8x128xi32>
    %add3A_720 = arith.addi %add3A_710, %select_n3A_719 : vector<8x128xi32>
    %slice3A_721 = vector.extract_strided_slice %add3A_173 {offsets = [0, 33], sizes = [1, 1], strides = [1, 1]} : vector<1x64xf32> to vector<1x1xf32>
    %squeeze3A_722 = vector.extract %slice3A_721[0, 0] : f32 from vector<1x1xf32>
    %ge3A_723 = vector.broadcast %squeeze3A_722 : f32 to vector<8x128xf32>
    %ge3A_724 = arith.cmpf oge, %mul3A_390, %ge3A_723 : vector<8x128xf32>
    %jit3A_725 = arith.constant 1 : i32
    %jit3A_726 = arith.constant 0 : i32
    %broadcast_in_dim3A_727 = vector.broadcast %jit3A_725 : i32 to vector<8x128xi32>
    %broadcast_in_dim3A_728 = vector.broadcast %jit3A_726 : i32 to vector<8x128xi32>
    %select_n3A_729 = arith.select %ge3A_724, %broadcast_in_dim3A_727, %broadcast_in_dim3A_728 : vector<8x128xi1>, vector<8x128xi32>
    %add3A_730 = arith.addi %add3A_720, %select_n3A_729 : vector<8x128xi32>
    %slice3A_731 = vector.extract_strided_slice %add3A_173 {offsets = [0, 34], sizes = [1, 1], strides = [1, 1]} : vector<1x64xf32> to vector<1x1xf32>
    %squeeze3A_732 = vector.extract %slice3A_731[0, 0] : f32 from vector<1x1xf32>
    %ge3A_733 = vector.broadcast %squeeze3A_732 : f32 to vector<8x128xf32>
    %ge3A_734 = arith.cmpf oge, %mul3A_390, %ge3A_733 : vector<8x128xf32>
    %jit3A_735 = arith.constant 1 : i32
    %jit3A_736 = arith.constant 0 : i32
    %broadcast_in_dim3A_737 = vector.broadcast %jit3A_735 : i32 to vector<8x128xi32>
    %broadcast_in_dim3A_738 = vector.broadcast %jit3A_736 : i32 to vector<8x128xi32>
    %select_n3A_739 = arith.select %ge3A_734, %broadcast_in_dim3A_737, %broadcast_in_dim3A_738 : vector<8x128xi1>, vector<8x128xi32>
    %add3A_740 = arith.addi %add3A_730, %select_n3A_739 : vector<8x128xi32>
    %slice3A_741 = vector.extract_strided_slice %add3A_173 {offsets = [0, 35], sizes = [1, 1], strides = [1, 1]} : vector<1x64xf32> to vector<1x1xf32>
    %squeeze3A_742 = vector.extract %slice3A_741[0, 0] : f32 from vector<1x1xf32>
    %ge3A_743 = vector.broadcast %squeeze3A_742 : f32 to vector<8x128xf32>
    %ge3A_744 = arith.cmpf oge, %mul3A_390, %ge3A_743 : vector<8x128xf32>
    %jit3A_745 = arith.constant 1 : i32
    %jit3A_746 = arith.constant 0 : i32
    %broadcast_in_dim3A_747 = vector.broadcast %jit3A_745 : i32 to vector<8x128xi32>
    %broadcast_in_dim3A_748 = vector.broadcast %jit3A_746 : i32 to vector<8x128xi32>
    %select_n3A_749 = arith.select %ge3A_744, %broadcast_in_dim3A_747, %broadcast_in_dim3A_748 : vector<8x128xi1>, vector<8x128xi32>
    %add3A_750 = arith.addi %add3A_740, %select_n3A_749 : vector<8x128xi32>
    %slice3A_751 = vector.extract_strided_slice %add3A_173 {offsets = [0, 36], sizes = [1, 1], strides = [1, 1]} : vector<1x64xf32> to vector<1x1xf32>
    %squeeze3A_752 = vector.extract %slice3A_751[0, 0] : f32 from vector<1x1xf32>
    %ge3A_753 = vector.broadcast %squeeze3A_752 : f32 to vector<8x128xf32>
    %ge3A_754 = arith.cmpf oge, %mul3A_390, %ge3A_753 : vector<8x128xf32>
    %jit3A_755 = arith.constant 1 : i32
    %jit3A_756 = arith.constant 0 : i32
    %broadcast_in_dim3A_757 = vector.broadcast %jit3A_755 : i32 to vector<8x128xi32>
    %broadcast_in_dim3A_758 = vector.broadcast %jit3A_756 : i32 to vector<8x128xi32>
    %select_n3A_759 = arith.select %ge3A_754, %broadcast_in_dim3A_757, %broadcast_in_dim3A_758 : vector<8x128xi1>, vector<8x128xi32>
    %add3A_760 = arith.addi %add3A_750, %select_n3A_759 : vector<8x128xi32>
    %slice3A_761 = vector.extract_strided_slice %add3A_173 {offsets = [0, 37], sizes = [1, 1], strides = [1, 1]} : vector<1x64xf32> to vector<1x1xf32>
    %squeeze3A_762 = vector.extract %slice3A_761[0, 0] : f32 from vector<1x1xf32>
    %ge3A_763 = vector.broadcast %squeeze3A_762 : f32 to vector<8x128xf32>
    %ge3A_764 = arith.cmpf oge, %mul3A_390, %ge3A_763 : vector<8x128xf32>
    %jit3A_765 = arith.constant 1 : i32
    %jit3A_766 = arith.constant 0 : i32
    %broadcast_in_dim3A_767 = vector.broadcast %jit3A_765 : i32 to vector<8x128xi32>
    %broadcast_in_dim3A_768 = vector.broadcast %jit3A_766 : i32 to vector<8x128xi32>
    %select_n3A_769 = arith.select %ge3A_764, %broadcast_in_dim3A_767, %broadcast_in_dim3A_768 : vector<8x128xi1>, vector<8x128xi32>
    %add3A_770 = arith.addi %add3A_760, %select_n3A_769 : vector<8x128xi32>
    %slice3A_771 = vector.extract_strided_slice %add3A_173 {offsets = [0, 38], sizes = [1, 1], strides = [1, 1]} : vector<1x64xf32> to vector<1x1xf32>
    %squeeze3A_772 = vector.extract %slice3A_771[0, 0] : f32 from vector<1x1xf32>
    %ge3A_773 = vector.broadcast %squeeze3A_772 : f32 to vector<8x128xf32>
    %ge3A_774 = arith.cmpf oge, %mul3A_390, %ge3A_773 : vector<8x128xf32>
    %jit3A_775 = arith.constant 1 : i32
    %jit3A_776 = arith.constant 0 : i32
    %broadcast_in_dim3A_777 = vector.broadcast %jit3A_775 : i32 to vector<8x128xi32>
    %broadcast_in_dim3A_778 = vector.broadcast %jit3A_776 : i32 to vector<8x128xi32>
    %select_n3A_779 = arith.select %ge3A_774, %broadcast_in_dim3A_777, %broadcast_in_dim3A_778 : vector<8x128xi1>, vector<8x128xi32>
    %add3A_780 = arith.addi %add3A_770, %select_n3A_779 : vector<8x128xi32>
    %slice3A_781 = vector.extract_strided_slice %add3A_173 {offsets = [0, 39], sizes = [1, 1], strides = [1, 1]} : vector<1x64xf32> to vector<1x1xf32>
    %squeeze3A_782 = vector.extract %slice3A_781[0, 0] : f32 from vector<1x1xf32>
    %ge3A_783 = vector.broadcast %squeeze3A_782 : f32 to vector<8x128xf32>
    %ge3A_784 = arith.cmpf oge, %mul3A_390, %ge3A_783 : vector<8x128xf32>
    %jit3A_785 = arith.constant 1 : i32
    %jit3A_786 = arith.constant 0 : i32
    %broadcast_in_dim3A_787 = vector.broadcast %jit3A_785 : i32 to vector<8x128xi32>
    %broadcast_in_dim3A_788 = vector.broadcast %jit3A_786 : i32 to vector<8x128xi32>
    %select_n3A_789 = arith.select %ge3A_784, %broadcast_in_dim3A_787, %broadcast_in_dim3A_788 : vector<8x128xi1>, vector<8x128xi32>
    %add3A_790 = arith.addi %add3A_780, %select_n3A_789 : vector<8x128xi32>
    %slice3A_791 = vector.extract_strided_slice %add3A_173 {offsets = [0, 40], sizes = [1, 1], strides = [1, 1]} : vector<1x64xf32> to vector<1x1xf32>
    %squeeze3A_792 = vector.extract %slice3A_791[0, 0] : f32 from vector<1x1xf32>
    %ge3A_793 = vector.broadcast %squeeze3A_792 : f32 to vector<8x128xf32>
    %ge3A_794 = arith.cmpf oge, %mul3A_390, %ge3A_793 : vector<8x128xf32>
    %jit3A_795 = arith.constant 1 : i32
    %jit3A_796 = arith.constant 0 : i32
    %broadcast_in_dim3A_797 = vector.broadcast %jit3A_795 : i32 to vector<8x128xi32>
    %broadcast_in_dim3A_798 = vector.broadcast %jit3A_796 : i32 to vector<8x128xi32>
    %select_n3A_799 = arith.select %ge3A_794, %broadcast_in_dim3A_797, %broadcast_in_dim3A_798 : vector<8x128xi1>, vector<8x128xi32>
    %add3A_800 = arith.addi %add3A_790, %select_n3A_799 : vector<8x128xi32>
    %slice3A_801 = vector.extract_strided_slice %add3A_173 {offsets = [0, 41], sizes = [1, 1], strides = [1, 1]} : vector<1x64xf32> to vector<1x1xf32>
    %squeeze3A_802 = vector.extract %slice3A_801[0, 0] : f32 from vector<1x1xf32>
    %ge3A_803 = vector.broadcast %squeeze3A_802 : f32 to vector<8x128xf32>
    %ge3A_804 = arith.cmpf oge, %mul3A_390, %ge3A_803 : vector<8x128xf32>
    %jit3A_805 = arith.constant 1 : i32
    %jit3A_806 = arith.constant 0 : i32
    %broadcast_in_dim3A_807 = vector.broadcast %jit3A_805 : i32 to vector<8x128xi32>
    %broadcast_in_dim3A_808 = vector.broadcast %jit3A_806 : i32 to vector<8x128xi32>
    %select_n3A_809 = arith.select %ge3A_804, %broadcast_in_dim3A_807, %broadcast_in_dim3A_808 : vector<8x128xi1>, vector<8x128xi32>
    %add3A_810 = arith.addi %add3A_800, %select_n3A_809 : vector<8x128xi32>
    %slice3A_811 = vector.extract_strided_slice %add3A_173 {offsets = [0, 42], sizes = [1, 1], strides = [1, 1]} : vector<1x64xf32> to vector<1x1xf32>
    %squeeze3A_812 = vector.extract %slice3A_811[0, 0] : f32 from vector<1x1xf32>
    %ge3A_813 = vector.broadcast %squeeze3A_812 : f32 to vector<8x128xf32>
    %ge3A_814 = arith.cmpf oge, %mul3A_390, %ge3A_813 : vector<8x128xf32>
    %jit3A_815 = arith.constant 1 : i32
    %jit3A_816 = arith.constant 0 : i32
    %broadcast_in_dim3A_817 = vector.broadcast %jit3A_815 : i32 to vector<8x128xi32>
    %broadcast_in_dim3A_818 = vector.broadcast %jit3A_816 : i32 to vector<8x128xi32>
    %select_n3A_819 = arith.select %ge3A_814, %broadcast_in_dim3A_817, %broadcast_in_dim3A_818 : vector<8x128xi1>, vector<8x128xi32>
    %add3A_820 = arith.addi %add3A_810, %select_n3A_819 : vector<8x128xi32>
    %slice3A_821 = vector.extract_strided_slice %add3A_173 {offsets = [0, 43], sizes = [1, 1], strides = [1, 1]} : vector<1x64xf32> to vector<1x1xf32>
    %squeeze3A_822 = vector.extract %slice3A_821[0, 0] : f32 from vector<1x1xf32>
    %ge3A_823 = vector.broadcast %squeeze3A_822 : f32 to vector<8x128xf32>
    %ge3A_824 = arith.cmpf oge, %mul3A_390, %ge3A_823 : vector<8x128xf32>
    %jit3A_825 = arith.constant 1 : i32
    %jit3A_826 = arith.constant 0 : i32
    %broadcast_in_dim3A_827 = vector.broadcast %jit3A_825 : i32 to vector<8x128xi32>
    %broadcast_in_dim3A_828 = vector.broadcast %jit3A_826 : i32 to vector<8x128xi32>
    %select_n3A_829 = arith.select %ge3A_824, %broadcast_in_dim3A_827, %broadcast_in_dim3A_828 : vector<8x128xi1>, vector<8x128xi32>
    %add3A_830 = arith.addi %add3A_820, %select_n3A_829 : vector<8x128xi32>
    %slice3A_831 = vector.extract_strided_slice %add3A_173 {offsets = [0, 44], sizes = [1, 1], strides = [1, 1]} : vector<1x64xf32> to vector<1x1xf32>
    %squeeze3A_832 = vector.extract %slice3A_831[0, 0] : f32 from vector<1x1xf32>
    %ge3A_833 = vector.broadcast %squeeze3A_832 : f32 to vector<8x128xf32>
    %ge3A_834 = arith.cmpf oge, %mul3A_390, %ge3A_833 : vector<8x128xf32>
    %jit3A_835 = arith.constant 1 : i32
    %jit3A_836 = arith.constant 0 : i32
    %broadcast_in_dim3A_837 = vector.broadcast %jit3A_835 : i32 to vector<8x128xi32>
    %broadcast_in_dim3A_838 = vector.broadcast %jit3A_836 : i32 to vector<8x128xi32>
    %select_n3A_839 = arith.select %ge3A_834, %broadcast_in_dim3A_837, %broadcast_in_dim3A_838 : vector<8x128xi1>, vector<8x128xi32>
    %add3A_840 = arith.addi %add3A_830, %select_n3A_839 : vector<8x128xi32>
    %slice3A_841 = vector.extract_strided_slice %add3A_173 {offsets = [0, 45], sizes = [1, 1], strides = [1, 1]} : vector<1x64xf32> to vector<1x1xf32>
    %squeeze3A_842 = vector.extract %slice3A_841[0, 0] : f32 from vector<1x1xf32>
    %ge3A_843 = vector.broadcast %squeeze3A_842 : f32 to vector<8x128xf32>
    %ge3A_844 = arith.cmpf oge, %mul3A_390, %ge3A_843 : vector<8x128xf32>
    %jit3A_845 = arith.constant 1 : i32
    %jit3A_846 = arith.constant 0 : i32
    %broadcast_in_dim3A_847 = vector.broadcast %jit3A_845 : i32 to vector<8x128xi32>
    %broadcast_in_dim3A_848 = vector.broadcast %jit3A_846 : i32 to vector<8x128xi32>
    %select_n3A_849 = arith.select %ge3A_844, %broadcast_in_dim3A_847, %broadcast_in_dim3A_848 : vector<8x128xi1>, vector<8x128xi32>
    %add3A_850 = arith.addi %add3A_840, %select_n3A_849 : vector<8x128xi32>
    %slice3A_851 = vector.extract_strided_slice %add3A_173 {offsets = [0, 46], sizes = [1, 1], strides = [1, 1]} : vector<1x64xf32> to vector<1x1xf32>
    %squeeze3A_852 = vector.extract %slice3A_851[0, 0] : f32 from vector<1x1xf32>
    %ge3A_853 = vector.broadcast %squeeze3A_852 : f32 to vector<8x128xf32>
    %ge3A_854 = arith.cmpf oge, %mul3A_390, %ge3A_853 : vector<8x128xf32>
    %jit3A_855 = arith.constant 1 : i32
    %jit3A_856 = arith.constant 0 : i32
    %broadcast_in_dim3A_857 = vector.broadcast %jit3A_855 : i32 to vector<8x128xi32>
    %broadcast_in_dim3A_858 = vector.broadcast %jit3A_856 : i32 to vector<8x128xi32>
    %select_n3A_859 = arith.select %ge3A_854, %broadcast_in_dim3A_857, %broadcast_in_dim3A_858 : vector<8x128xi1>, vector<8x128xi32>
    %add3A_860 = arith.addi %add3A_850, %select_n3A_859 : vector<8x128xi32>
    %slice3A_861 = vector.extract_strided_slice %add3A_173 {offsets = [0, 47], sizes = [1, 1], strides = [1, 1]} : vector<1x64xf32> to vector<1x1xf32>
    %squeeze3A_862 = vector.extract %slice3A_861[0, 0] : f32 from vector<1x1xf32>
    %ge3A_863 = vector.broadcast %squeeze3A_862 : f32 to vector<8x128xf32>
    %ge3A_864 = arith.cmpf oge, %mul3A_390, %ge3A_863 : vector<8x128xf32>
    %jit3A_865 = arith.constant 1 : i32
    %jit3A_866 = arith.constant 0 : i32
    %broadcast_in_dim3A_867 = vector.broadcast %jit3A_865 : i32 to vector<8x128xi32>
    %broadcast_in_dim3A_868 = vector.broadcast %jit3A_866 : i32 to vector<8x128xi32>
    %select_n3A_869 = arith.select %ge3A_864, %broadcast_in_dim3A_867, %broadcast_in_dim3A_868 : vector<8x128xi1>, vector<8x128xi32>
    %add3A_870 = arith.addi %add3A_860, %select_n3A_869 : vector<8x128xi32>
    %slice3A_871 = vector.extract_strided_slice %add3A_173 {offsets = [0, 48], sizes = [1, 1], strides = [1, 1]} : vector<1x64xf32> to vector<1x1xf32>
    %squeeze3A_872 = vector.extract %slice3A_871[0, 0] : f32 from vector<1x1xf32>
    %ge3A_873 = vector.broadcast %squeeze3A_872 : f32 to vector<8x128xf32>
    %ge3A_874 = arith.cmpf oge, %mul3A_390, %ge3A_873 : vector<8x128xf32>
    %jit3A_875 = arith.constant 1 : i32
    %jit3A_876 = arith.constant 0 : i32
    %broadcast_in_dim3A_877 = vector.broadcast %jit3A_875 : i32 to vector<8x128xi32>
    %broadcast_in_dim3A_878 = vector.broadcast %jit3A_876 : i32 to vector<8x128xi32>
    %select_n3A_879 = arith.select %ge3A_874, %broadcast_in_dim3A_877, %broadcast_in_dim3A_878 : vector<8x128xi1>, vector<8x128xi32>
    %add3A_880 = arith.addi %add3A_870, %select_n3A_879 : vector<8x128xi32>
    %slice3A_881 = vector.extract_strided_slice %add3A_173 {offsets = [0, 49], sizes = [1, 1], strides = [1, 1]} : vector<1x64xf32> to vector<1x1xf32>
    %squeeze3A_882 = vector.extract %slice3A_881[0, 0] : f32 from vector<1x1xf32>
    %ge3A_883 = vector.broadcast %squeeze3A_882 : f32 to vector<8x128xf32>
    %ge3A_884 = arith.cmpf oge, %mul3A_390, %ge3A_883 : vector<8x128xf32>
    %jit3A_885 = arith.constant 1 : i32
    %jit3A_886 = arith.constant 0 : i32
    %broadcast_in_dim3A_887 = vector.broadcast %jit3A_885 : i32 to vector<8x128xi32>
    %broadcast_in_dim3A_888 = vector.broadcast %jit3A_886 : i32 to vector<8x128xi32>
    %select_n3A_889 = arith.select %ge3A_884, %broadcast_in_dim3A_887, %broadcast_in_dim3A_888 : vector<8x128xi1>, vector<8x128xi32>
    %add3A_890 = arith.addi %add3A_880, %select_n3A_889 : vector<8x128xi32>
    %slice3A_891 = vector.extract_strided_slice %add3A_173 {offsets = [0, 50], sizes = [1, 1], strides = [1, 1]} : vector<1x64xf32> to vector<1x1xf32>
    %squeeze3A_892 = vector.extract %slice3A_891[0, 0] : f32 from vector<1x1xf32>
    %ge3A_893 = vector.broadcast %squeeze3A_892 : f32 to vector<8x128xf32>
    %ge3A_894 = arith.cmpf oge, %mul3A_390, %ge3A_893 : vector<8x128xf32>
    %jit3A_895 = arith.constant 1 : i32
    %jit3A_896 = arith.constant 0 : i32
    %broadcast_in_dim3A_897 = vector.broadcast %jit3A_895 : i32 to vector<8x128xi32>
    %broadcast_in_dim3A_898 = vector.broadcast %jit3A_896 : i32 to vector<8x128xi32>
    %select_n3A_899 = arith.select %ge3A_894, %broadcast_in_dim3A_897, %broadcast_in_dim3A_898 : vector<8x128xi1>, vector<8x128xi32>
    %add3A_900 = arith.addi %add3A_890, %select_n3A_899 : vector<8x128xi32>
    %slice3A_901 = vector.extract_strided_slice %add3A_173 {offsets = [0, 51], sizes = [1, 1], strides = [1, 1]} : vector<1x64xf32> to vector<1x1xf32>
    %squeeze3A_902 = vector.extract %slice3A_901[0, 0] : f32 from vector<1x1xf32>
    %ge3A_903 = vector.broadcast %squeeze3A_902 : f32 to vector<8x128xf32>
    %ge3A_904 = arith.cmpf oge, %mul3A_390, %ge3A_903 : vector<8x128xf32>
    %jit3A_905 = arith.constant 1 : i32
    %jit3A_906 = arith.constant 0 : i32
    %broadcast_in_dim3A_907 = vector.broadcast %jit3A_905 : i32 to vector<8x128xi32>
    %broadcast_in_dim3A_908 = vector.broadcast %jit3A_906 : i32 to vector<8x128xi32>
    %select_n3A_909 = arith.select %ge3A_904, %broadcast_in_dim3A_907, %broadcast_in_dim3A_908 : vector<8x128xi1>, vector<8x128xi32>
    %add3A_910 = arith.addi %add3A_900, %select_n3A_909 : vector<8x128xi32>
    %slice3A_911 = vector.extract_strided_slice %add3A_173 {offsets = [0, 52], sizes = [1, 1], strides = [1, 1]} : vector<1x64xf32> to vector<1x1xf32>
    %squeeze3A_912 = vector.extract %slice3A_911[0, 0] : f32 from vector<1x1xf32>
    %ge3A_913 = vector.broadcast %squeeze3A_912 : f32 to vector<8x128xf32>
    %ge3A_914 = arith.cmpf oge, %mul3A_390, %ge3A_913 : vector<8x128xf32>
    %jit3A_915 = arith.constant 1 : i32
    %jit3A_916 = arith.constant 0 : i32
    %broadcast_in_dim3A_917 = vector.broadcast %jit3A_915 : i32 to vector<8x128xi32>
    %broadcast_in_dim3A_918 = vector.broadcast %jit3A_916 : i32 to vector<8x128xi32>
    %select_n3A_919 = arith.select %ge3A_914, %broadcast_in_dim3A_917, %broadcast_in_dim3A_918 : vector<8x128xi1>, vector<8x128xi32>
    %add3A_920 = arith.addi %add3A_910, %select_n3A_919 : vector<8x128xi32>
    %slice3A_921 = vector.extract_strided_slice %add3A_173 {offsets = [0, 53], sizes = [1, 1], strides = [1, 1]} : vector<1x64xf32> to vector<1x1xf32>
    %squeeze3A_922 = vector.extract %slice3A_921[0, 0] : f32 from vector<1x1xf32>
    %ge3A_923 = vector.broadcast %squeeze3A_922 : f32 to vector<8x128xf32>
    %ge3A_924 = arith.cmpf oge, %mul3A_390, %ge3A_923 : vector<8x128xf32>
    %jit3A_925 = arith.constant 1 : i32
    %jit3A_926 = arith.constant 0 : i32
    %broadcast_in_dim3A_927 = vector.broadcast %jit3A_925 : i32 to vector<8x128xi32>
    %broadcast_in_dim3A_928 = vector.broadcast %jit3A_926 : i32 to vector<8x128xi32>
    %select_n3A_929 = arith.select %ge3A_924, %broadcast_in_dim3A_927, %broadcast_in_dim3A_928 : vector<8x128xi1>, vector<8x128xi32>
    %add3A_930 = arith.addi %add3A_920, %select_n3A_929 : vector<8x128xi32>
    %slice3A_931 = vector.extract_strided_slice %add3A_173 {offsets = [0, 54], sizes = [1, 1], strides = [1, 1]} : vector<1x64xf32> to vector<1x1xf32>
    %squeeze3A_932 = vector.extract %slice3A_931[0, 0] : f32 from vector<1x1xf32>
    %ge3A_933 = vector.broadcast %squeeze3A_932 : f32 to vector<8x128xf32>
    %ge3A_934 = arith.cmpf oge, %mul3A_390, %ge3A_933 : vector<8x128xf32>
    %jit3A_935 = arith.constant 1 : i32
    %jit3A_936 = arith.constant 0 : i32
    %broadcast_in_dim3A_937 = vector.broadcast %jit3A_935 : i32 to vector<8x128xi32>
    %broadcast_in_dim3A_938 = vector.broadcast %jit3A_936 : i32 to vector<8x128xi32>
    %select_n3A_939 = arith.select %ge3A_934, %broadcast_in_dim3A_937, %broadcast_in_dim3A_938 : vector<8x128xi1>, vector<8x128xi32>
    %add3A_940 = arith.addi %add3A_930, %select_n3A_939 : vector<8x128xi32>
    %slice3A_941 = vector.extract_strided_slice %add3A_173 {offsets = [0, 55], sizes = [1, 1], strides = [1, 1]} : vector<1x64xf32> to vector<1x1xf32>
    %squeeze3A_942 = vector.extract %slice3A_941[0, 0] : f32 from vector<1x1xf32>
    %ge3A_943 = vector.broadcast %squeeze3A_942 : f32 to vector<8x128xf32>
    %ge3A_944 = arith.cmpf oge, %mul3A_390, %ge3A_943 : vector<8x128xf32>
    %jit3A_945 = arith.constant 1 : i32
    %jit3A_946 = arith.constant 0 : i32
    %broadcast_in_dim3A_947 = vector.broadcast %jit3A_945 : i32 to vector<8x128xi32>
    %broadcast_in_dim3A_948 = vector.broadcast %jit3A_946 : i32 to vector<8x128xi32>
    %select_n3A_949 = arith.select %ge3A_944, %broadcast_in_dim3A_947, %broadcast_in_dim3A_948 : vector<8x128xi1>, vector<8x128xi32>
    %add3A_950 = arith.addi %add3A_940, %select_n3A_949 : vector<8x128xi32>
    %slice3A_951 = vector.extract_strided_slice %add3A_173 {offsets = [0, 56], sizes = [1, 1], strides = [1, 1]} : vector<1x64xf32> to vector<1x1xf32>
    %squeeze3A_952 = vector.extract %slice3A_951[0, 0] : f32 from vector<1x1xf32>
    %ge3A_953 = vector.broadcast %squeeze3A_952 : f32 to vector<8x128xf32>
    %ge3A_954 = arith.cmpf oge, %mul3A_390, %ge3A_953 : vector<8x128xf32>
    %jit3A_955 = arith.constant 1 : i32
    %jit3A_956 = arith.constant 0 : i32
    %broadcast_in_dim3A_957 = vector.broadcast %jit3A_955 : i32 to vector<8x128xi32>
    %broadcast_in_dim3A_958 = vector.broadcast %jit3A_956 : i32 to vector<8x128xi32>
    %select_n3A_959 = arith.select %ge3A_954, %broadcast_in_dim3A_957, %broadcast_in_dim3A_958 : vector<8x128xi1>, vector<8x128xi32>
    %add3A_960 = arith.addi %add3A_950, %select_n3A_959 : vector<8x128xi32>
    %slice3A_961 = vector.extract_strided_slice %add3A_173 {offsets = [0, 57], sizes = [1, 1], strides = [1, 1]} : vector<1x64xf32> to vector<1x1xf32>
    %squeeze3A_962 = vector.extract %slice3A_961[0, 0] : f32 from vector<1x1xf32>
    %ge3A_963 = vector.broadcast %squeeze3A_962 : f32 to vector<8x128xf32>
    %ge3A_964 = arith.cmpf oge, %mul3A_390, %ge3A_963 : vector<8x128xf32>
    %jit3A_965 = arith.constant 1 : i32
    %jit3A_966 = arith.constant 0 : i32
    %broadcast_in_dim3A_967 = vector.broadcast %jit3A_965 : i32 to vector<8x128xi32>
    %broadcast_in_dim3A_968 = vector.broadcast %jit3A_966 : i32 to vector<8x128xi32>
    %select_n3A_969 = arith.select %ge3A_964, %broadcast_in_dim3A_967, %broadcast_in_dim3A_968 : vector<8x128xi1>, vector<8x128xi32>
    %add3A_970 = arith.addi %add3A_960, %select_n3A_969 : vector<8x128xi32>
    %slice3A_971 = vector.extract_strided_slice %add3A_173 {offsets = [0, 58], sizes = [1, 1], strides = [1, 1]} : vector<1x64xf32> to vector<1x1xf32>
    %squeeze3A_972 = vector.extract %slice3A_971[0, 0] : f32 from vector<1x1xf32>
    %ge3A_973 = vector.broadcast %squeeze3A_972 : f32 to vector<8x128xf32>
    %ge3A_974 = arith.cmpf oge, %mul3A_390, %ge3A_973 : vector<8x128xf32>
    %jit3A_975 = arith.constant 1 : i32
    %jit3A_976 = arith.constant 0 : i32
    %broadcast_in_dim3A_977 = vector.broadcast %jit3A_975 : i32 to vector<8x128xi32>
    %broadcast_in_dim3A_978 = vector.broadcast %jit3A_976 : i32 to vector<8x128xi32>
    %select_n3A_979 = arith.select %ge3A_974, %broadcast_in_dim3A_977, %broadcast_in_dim3A_978 : vector<8x128xi1>, vector<8x128xi32>
    %add3A_980 = arith.addi %add3A_970, %select_n3A_979 : vector<8x128xi32>
    %slice3A_981 = vector.extract_strided_slice %add3A_173 {offsets = [0, 59], sizes = [1, 1], strides = [1, 1]} : vector<1x64xf32> to vector<1x1xf32>
    %squeeze3A_982 = vector.extract %slice3A_981[0, 0] : f32 from vector<1x1xf32>
    %ge3A_983 = vector.broadcast %squeeze3A_982 : f32 to vector<8x128xf32>
    %ge3A_984 = arith.cmpf oge, %mul3A_390, %ge3A_983 : vector<8x128xf32>
    %jit3A_985 = arith.constant 1 : i32
    %jit3A_986 = arith.constant 0 : i32
    %broadcast_in_dim3A_987 = vector.broadcast %jit3A_985 : i32 to vector<8x128xi32>
    %broadcast_in_dim3A_988 = vector.broadcast %jit3A_986 : i32 to vector<8x128xi32>
    %select_n3A_989 = arith.select %ge3A_984, %broadcast_in_dim3A_987, %broadcast_in_dim3A_988 : vector<8x128xi1>, vector<8x128xi32>
    %add3A_990 = arith.addi %add3A_980, %select_n3A_989 : vector<8x128xi32>
    %slice3A_991 = vector.extract_strided_slice %add3A_173 {offsets = [0, 60], sizes = [1, 1], strides = [1, 1]} : vector<1x64xf32> to vector<1x1xf32>
    %squeeze3A_992 = vector.extract %slice3A_991[0, 0] : f32 from vector<1x1xf32>
    %ge3A_993 = vector.broadcast %squeeze3A_992 : f32 to vector<8x128xf32>
    %ge3A_994 = arith.cmpf oge, %mul3A_390, %ge3A_993 : vector<8x128xf32>
    %jit3A_995 = arith.constant 1 : i32
    %jit3A_996 = arith.constant 0 : i32
    %broadcast_in_dim3A_997 = vector.broadcast %jit3A_995 : i32 to vector<8x128xi32>
    %broadcast_in_dim3A_998 = vector.broadcast %jit3A_996 : i32 to vector<8x128xi32>
    %select_n3A_999 = arith.select %ge3A_994, %broadcast_in_dim3A_997, %broadcast_in_dim3A_998 : vector<8x128xi1>, vector<8x128xi32>
    %add3A_1000 = arith.addi %add3A_990, %select_n3A_999 : vector<8x128xi32>
    %slice3A_1001 = vector.extract_strided_slice %add3A_173 {offsets = [0, 61], sizes = [1, 1], strides = [1, 1]} : vector<1x64xf32> to vector<1x1xf32>
    %squeeze3A_1002 = vector.extract %slice3A_1001[0, 0] : f32 from vector<1x1xf32>
    %ge3A_1003 = vector.broadcast %squeeze3A_1002 : f32 to vector<8x128xf32>
    %ge3A_1004 = arith.cmpf oge, %mul3A_390, %ge3A_1003 : vector<8x128xf32>
    %jit3A_1005 = arith.constant 1 : i32
    %jit3A_1006 = arith.constant 0 : i32
    %broadcast_in_dim3A_1007 = vector.broadcast %jit3A_1005 : i32 to vector<8x128xi32>
    %broadcast_in_dim3A_1008 = vector.broadcast %jit3A_1006 : i32 to vector<8x128xi32>
    %select_n3A_1009 = arith.select %ge3A_1004, %broadcast_in_dim3A_1007, %broadcast_in_dim3A_1008 : vector<8x128xi1>, vector<8x128xi32>
    %add3A_1010 = arith.addi %add3A_1000, %select_n3A_1009 : vector<8x128xi32>
    %slice3A_1011 = vector.extract_strided_slice %add3A_173 {offsets = [0, 62], sizes = [1, 1], strides = [1, 1]} : vector<1x64xf32> to vector<1x1xf32>
    %squeeze3A_1012 = vector.extract %slice3A_1011[0, 0] : f32 from vector<1x1xf32>
    %ge3A_1013 = vector.broadcast %squeeze3A_1012 : f32 to vector<8x128xf32>
    %ge3A_1014 = arith.cmpf oge, %mul3A_390, %ge3A_1013 : vector<8x128xf32>
    %jit3A_1015 = arith.constant 1 : i32
    %jit3A_1016 = arith.constant 0 : i32
    %broadcast_in_dim3A_1017 = vector.broadcast %jit3A_1015 : i32 to vector<8x128xi32>
    %broadcast_in_dim3A_1018 = vector.broadcast %jit3A_1016 : i32 to vector<8x128xi32>
    %select_n3A_1019 = arith.select %ge3A_1014, %broadcast_in_dim3A_1017, %broadcast_in_dim3A_1018 : vector<8x128xi1>, vector<8x128xi32>
    %add3A_1020 = arith.addi %add3A_1010, %select_n3A_1019 : vector<8x128xi32>
    %slice3A_1021 = vector.extract_strided_slice %add3A_173 {offsets = [0, 63], sizes = [1, 1], strides = [1, 1]} : vector<1x64xf32> to vector<1x1xf32>
    %squeeze3A_1022 = vector.extract %slice3A_1021[0, 0] : f32 from vector<1x1xf32>
    %ge3A_1023 = vector.broadcast %squeeze3A_1022 : f32 to vector<8x128xf32>
    %ge3A_1024 = arith.cmpf oge, %mul3A_390, %ge3A_1023 : vector<8x128xf32>
    %jit3A_1025 = arith.constant 1 : i32
    %jit3A_1026 = arith.constant 0 : i32
    %broadcast_in_dim3A_1027 = vector.broadcast %jit3A_1025 : i32 to vector<8x128xi32>
    %broadcast_in_dim3A_1028 = vector.broadcast %jit3A_1026 : i32 to vector<8x128xi32>
    %select_n3A_1029 = arith.select %ge3A_1024, %broadcast_in_dim3A_1027, %broadcast_in_dim3A_1028 : vector<8x128xi1>, vector<8x128xi32>
    %add3A_1030 = arith.addi %add3A_1020, %select_n3A_1029 : vector<8x128xi32>
    %slice3A_1031 = vector.extract_strided_slice %add3A_173 {offsets = [0, 63], sizes = [1, 1], strides = [1, 1]} : vector<1x64xf32> to vector<1x1xf32>
    %squeeze3A_1032 = vector.extract %slice3A_1031[0, 0] : f32 from vector<1x1xf32>
    %mul3A_1033 = arith.constant 7.812500e-03 : f32
    %mul3A_1034 = arith.mulf %squeeze3A_1032, %mul3A_1033 : f32
    %convert_element_type3A_1035 = arith.fptosi %mul3A_1034 : f32 to i32
    %eq3A_1036 = arith.constant 1023 : i32
    %eq3A_1037 = vector.broadcast %eq3A_1036 : i32 to vector<8x128xi32>
    %eq3A_1038 = arith.cmpi eq, %add3A_386, %eq3A_1037 : vector<8x128xi32>
    %min3A = arith.constant 63 : i32
    %min3A_1039 = vector.broadcast %min3A : i32 to vector<8x128xi32>
    %min3A_1040 = arith.minsi %add3A_1030, %min3A_1039 : vector<8x128xi32>
    %broadcast_in_dim3A_1041 = vector.broadcast %convert_element_type3A_1035 : i32 to vector<8x128xi32>
    %select_n3A_1042 = arith.select %eq3A_1038, %broadcast_in_dim3A_1041, %min3A_1040 : vector<8x128xi1>, vector<8x128xi32>
    %swap3A_1043 = arith.constant 0 : index
    %swap3A_1044 = arith.constant 0 : index
    %swap3A_1045 = vector.load %arg4[%swap3A_1043, %swap3A_1044] : memref<8x128xi32, #tpu.memory_space<vmem>>, vector<8x128xi32>
    tpu.vector_store %arg4[%swap3A_1043, %swap3A_1044], %select_n3A_1042 {strides = array<i32>} : memref<8x128xi32, #tpu.memory_space<vmem>>, vector<8x128xi32>,
    return
  }
}

module attributes {stable_mosaic.version = 14 : i64} {
  func.func @_shared_body(%arg0: memref<2048x128xf32, #tpu.memory_space<vmem>>, %arg1: memref<128x160xf32, #tpu.memory_space<vmem>>, %arg2: memref<128x160xf32, #tpu.memory_space<vmem>>, %arg3: memref<160x128xf32, #tpu.memory_space<vmem>>, %arg4: memref<2048x128xf32, #tpu.memory_space<vmem>>) attributes {dimension_semantics = [], scalar_prefetch = 0 : i64, scratch_operands = 0 : i64, tpu.core_type = #tpu.core_type<tc>} {
    %get3A = arith.constant 0 : index
    %get3A_0 = arith.constant 0 : index
    %get3A_1 = vector.load %arg0[%get3A, %get3A_0] : memref<2048x128xf32, #tpu.memory_space<vmem>>, vector<2048x128xf32>
    %convert_element_type3A = arith.truncf %get3A_1 : vector<2048x128xf32> to vector<2048x128xbf16>
    %get3A_2 = arith.constant 0 : index
    %get3A_3 = arith.constant 0 : index
    %get3A_4 = vector.load %arg1[%get3A_2, %get3A_3] : memref<128x160xf32, #tpu.memory_space<vmem>>, vector<128x160xf32>
    %convert_element_type3A_5 = arith.truncf %get3A_4 : vector<128x160xf32> to vector<128x160xbf16>
    %dot_general3A = arith.constant dense<0.000000e+00> : vector<2048x160xf32>
    %dot_general3A_6 = tpu.matmul %convert_element_type3A, %convert_element_type3A_5, %dot_general3A {dimension_numbers = #tpu.dot_dimension_numbers<[1], [0], [0], [1], [0, 0, 1, 1], [], []>, transpose_lhs_hint = false} : vector<2048x128xbf16>, vector<128x160xbf16>, vector<2048x160xf32> -> vector<2048x160xf32>
    %get3A_7 = arith.constant 0 : index
    %get3A_8 = arith.constant 0 : index
    %get3A_9 = vector.load %arg2[%get3A_7, %get3A_8] : memref<128x160xf32, #tpu.memory_space<vmem>>, vector<128x160xf32>
    %convert_element_type3A_10 = arith.truncf %get3A_9 : vector<128x160xf32> to vector<128x160xbf16>
    %dot_general3A_11 = arith.constant dense<0.000000e+00> : vector<2048x160xf32>
    %dot_general3A_12 = tpu.matmul %convert_element_type3A, %convert_element_type3A_10, %dot_general3A_11 {dimension_numbers = #tpu.dot_dimension_numbers<[1], [0], [0], [1], [0, 0, 1, 1], [], []>, transpose_lhs_hint = false} : vector<2048x128xbf16>, vector<128x160xbf16>, vector<2048x160xf32> -> vector<2048x160xf32>
    %logistic3A = arith.negf %dot_general3A_6 : vector<2048x160xf32>
    %logistic3A_13 = math.exp %logistic3A : vector<2048x160xf32>
    %logistic3A_14 = arith.constant 1.000000e+00 : f32
    %logistic3A_15 = vector.broadcast %logistic3A_14 : f32 to vector<2048x160xf32>
    %logistic3A_16 = arith.addf %logistic3A_15, %logistic3A_13 : vector<2048x160xf32>
    %logistic3A_17 = arith.divf %logistic3A_15, %logistic3A_16 : vector<2048x160xf32>
    %mul3A = arith.mulf %dot_general3A_6, %logistic3A_17 : vector<2048x160xf32>
    %mul3A_18 = arith.mulf %mul3A, %dot_general3A_12 : vector<2048x160xf32>
    %convert_element_type3A_19 = arith.truncf %mul3A_18 : vector<2048x160xf32> to vector<2048x160xbf16>
    %get3A_20 = arith.constant 0 : index
    %get3A_21 = arith.constant 0 : index
    %get3A_22 = vector.load %arg3[%get3A_20, %get3A_21] : memref<160x128xf32, #tpu.memory_space<vmem>>, vector<160x128xf32>
    %convert_element_type3A_23 = arith.truncf %get3A_22 : vector<160x128xf32> to vector<160x128xbf16>
    %dot_general3A_24 = arith.constant dense<0.000000e+00> : vector<2048x128xf32>
    %dot_general3A_25 = tpu.matmul %convert_element_type3A_19, %convert_element_type3A_23, %dot_general3A_24 {dimension_numbers = #tpu.dot_dimension_numbers<[1], [0], [0], [1], [0, 0, 1, 1], [], []>, transpose_lhs_hint = false} : vector<2048x160xbf16>, vector<160x128xbf16>, vector<2048x128xf32> -> vector<2048x128xf32>
    %swap3A = arith.constant 0 : index
    %swap3A_26 = arith.constant 0 : index
    %swap3A_27 = vector.load %arg4[%swap3A, %swap3A_26] : memref<2048x128xf32, #tpu.memory_space<vmem>>, vector<2048x128xf32>
    tpu.vector_store %arg4[%swap3A, %swap3A_26], %dot_general3A_25 {strides = array<i32>} : memref<2048x128xf32, #tpu.memory_space<vmem>>, vector<2048x128xf32>,
    return
  }
}

module attributes {stable_mosaic.version = 14 : i64} {
  func.func @_gemm_body(%arg0: i32, %arg1: memref<1024xi32, #tpu.memory_space<smem>>, %arg2: memref<1024x128xf32, #tpu.memory_space<vmem>>, %arg3: memref<64x128x80xbf16, #tpu.memory_space<vmem>>, %arg4: memref<64x128x80xbf16, #tpu.memory_space<vmem>>, %arg5: memref<64x80x128xbf16, #tpu.memory_space<vmem>>, %arg6: memref<1024x128xf32, #tpu.memory_space<vmem>>) attributes {dimension_semantics = [#tpu.dimension_semantics<arbitrary>], iteration_bounds = array<i64: 20>, scalar_prefetch = 1 : i64, scratch_operands = 0 : i64, tpu.core_type = #tpu.core_type<tc>, window_params = [{transform_indices = @transform_0, window_bounds = array<i64: 1024, 128>}, {pipeline_mode = #tpu.pipeline_mode<synchronous>, transform_indices = @transform_1, window_bounds = array<i64: 64, 128, 80>}, {pipeline_mode = #tpu.pipeline_mode<synchronous>, transform_indices = @transform_2, window_bounds = array<i64: 64, 128, 80>}, {pipeline_mode = #tpu.pipeline_mode<synchronous>, transform_indices = @transform_3, window_bounds = array<i64: 64, 80, 128>}, {transform_indices = @transform_4, window_bounds = array<i64: 1024, 128>}]} {
    %mul3A = arith.constant 8 : i32
    %mul3A_0 = arith.muli %arg0, %mul3A : i32
    %get3A = arith.constant 1023 : index
    %get3A_1 = memref.load %arg1[%get3A] : memref<1024xi32, #tpu.memory_space<smem>>
    %lt3A = arith.cmpi slt, %mul3A_0, %get3A_1 : i32
    %convert_element_type3A = arith.extui %lt3A : i1 to i32
    %cond3A = arith.constant 0 : i32
    %cond3A_2 = arith.cmpi ne, %convert_element_type3A, %cond3A : i32
    scf.if %cond3A_2 {
      %get3A_3 = arith.constant 0 : index
      %get3A_4 = arith.constant 0 : index
      %get3A_5 = vector.load %arg2[%get3A_3, %get3A_4] : memref<1024x128xf32, #tpu.memory_space<vmem>>, vector<1024x128xf32>
      %convert_element_type3A_6 = arith.truncf %get3A_5 : vector<1024x128xf32> to vector<1024x128xbf16>
      %mul3A_7 = arith.constant 8 : i32
      %mul3A_8 = arith.muli %arg0, %mul3A_7 : i32
      %add3A = arith.constant 0 : i32
      %add3A_9 = arith.addi %mul3A_8, %add3A : i32
      %get3A_10 = arith.index_cast %add3A_9 : i32 to index
      %get3A_11 = memref.load %arg1[%get3A_10] : memref<1024xi32, #tpu.memory_space<smem>>
      %slice3A = vector.extract_strided_slice %convert_element_type3A_6 {offsets = [0, 0], sizes = [128, 128], strides = [1, 1]} : vector<1024x128xbf16> to vector<128x128xbf16>
      %get3A_12 = arith.index_cast %get3A_11 : i32 to index
      %get3A_13 = arith.constant 0 : index
      %get3A_14 = arith.constant 0 : index
      %get3A_15 = vector.load %arg3[%get3A_12, %get3A_13, %get3A_14] : memref<64x128x80xbf16, #tpu.memory_space<vmem>>, vector<1x128x80xbf16>
      %get3A_16 = vector.shape_cast %get3A_15 : vector<1x128x80xbf16> to vector<128x80xbf16>
      %dot_general3A = arith.constant dense<0.000000e+00> : vector<128x80xf32>
      %dot_general3A_17 = tpu.matmul %slice3A, %get3A_16, %dot_general3A {dimension_numbers = #tpu.dot_dimension_numbers<[1], [0], [0], [1], [0, 0, 1, 1], [], []>, transpose_lhs_hint = false} : vector<128x128xbf16>, vector<128x80xbf16>, vector<128x80xf32> -> vector<128x80xf32>
      %get3A_18 = arith.index_cast %get3A_11 : i32 to index
      %get3A_19 = arith.constant 0 : index
      %get3A_20 = arith.constant 0 : index
      %get3A_21 = vector.load %arg4[%get3A_18, %get3A_19, %get3A_20] : memref<64x128x80xbf16, #tpu.memory_space<vmem>>, vector<1x128x80xbf16>
      %get3A_22 = vector.shape_cast %get3A_21 : vector<1x128x80xbf16> to vector<128x80xbf16>
      %dot_general3A_23 = arith.constant dense<0.000000e+00> : vector<128x80xf32>
      %dot_general3A_24 = tpu.matmul %slice3A, %get3A_22, %dot_general3A_23 {dimension_numbers = #tpu.dot_dimension_numbers<[1], [0], [0], [1], [0, 0, 1, 1], [], []>, transpose_lhs_hint = false} : vector<128x128xbf16>, vector<128x80xbf16>, vector<128x80xf32> -> vector<128x80xf32>
      %mul3A_25 = arith.constant 8 : i32
      %mul3A_26 = arith.muli %arg0, %mul3A_25 : i32
      %add3A_27 = arith.constant 1 : i32
      %add3A_28 = arith.addi %mul3A_26, %add3A_27 : i32
      %get3A_29 = arith.index_cast %add3A_28 : i32 to index
      %get3A_30 = memref.load %arg1[%get3A_29] : memref<1024xi32, #tpu.memory_space<smem>>
      %slice3A_31 = vector.extract_strided_slice %convert_element_type3A_6 {offsets = [128, 0], sizes = [128, 128], strides = [1, 1]} : vector<1024x128xbf16> to vector<128x128xbf16>
      %get3A_32 = arith.index_cast %get3A_30 : i32 to index
      %get3A_33 = arith.constant 0 : index
      %get3A_34 = arith.constant 0 : index
      %get3A_35 = vector.load %arg3[%get3A_32, %get3A_33, %get3A_34] : memref<64x128x80xbf16, #tpu.memory_space<vmem>>, vector<1x128x80xbf16>
      %get3A_36 = vector.shape_cast %get3A_35 : vector<1x128x80xbf16> to vector<128x80xbf16>
      %dot_general3A_37 = arith.constant dense<0.000000e+00> : vector<128x80xf32>
      %dot_general3A_38 = tpu.matmul %slice3A_31, %get3A_36, %dot_general3A_37 {dimension_numbers = #tpu.dot_dimension_numbers<[1], [0], [0], [1], [0, 0, 1, 1], [], []>, transpose_lhs_hint = false} : vector<128x128xbf16>, vector<128x80xbf16>, vector<128x80xf32> -> vector<128x80xf32>
      %get3A_39 = arith.index_cast %get3A_30 : i32 to index
      %get3A_40 = arith.constant 0 : index
      %get3A_41 = arith.constant 0 : index
      %get3A_42 = vector.load %arg4[%get3A_39, %get3A_40, %get3A_41] : memref<64x128x80xbf16, #tpu.memory_space<vmem>>, vector<1x128x80xbf16>
      %get3A_43 = vector.shape_cast %get3A_42 : vector<1x128x80xbf16> to vector<128x80xbf16>
      %dot_general3A_44 = arith.constant dense<0.000000e+00> : vector<128x80xf32>
      %dot_general3A_45 = tpu.matmul %slice3A_31, %get3A_43, %dot_general3A_44 {dimension_numbers = #tpu.dot_dimension_numbers<[1], [0], [0], [1], [0, 0, 1, 1], [], []>, transpose_lhs_hint = false} : vector<128x128xbf16>, vector<128x80xbf16>, vector<128x80xf32> -> vector<128x80xf32>
      %mul3A_46 = arith.constant 8 : i32
      %mul3A_47 = arith.muli %arg0, %mul3A_46 : i32
      %add3A_48 = arith.constant 2 : i32
      %add3A_49 = arith.addi %mul3A_47, %add3A_48 : i32
      %get3A_50 = arith.index_cast %add3A_49 : i32 to index
      %get3A_51 = memref.load %arg1[%get3A_50] : memref<1024xi32, #tpu.memory_space<smem>>
      %slice3A_52 = vector.extract_strided_slice %convert_element_type3A_6 {offsets = [256, 0], sizes = [128, 128], strides = [1, 1]} : vector<1024x128xbf16> to vector<128x128xbf16>
      %get3A_53 = arith.index_cast %get3A_51 : i32 to index
      %get3A_54 = arith.constant 0 : index
      %get3A_55 = arith.constant 0 : index
      %get3A_56 = vector.load %arg3[%get3A_53, %get3A_54, %get3A_55] : memref<64x128x80xbf16, #tpu.memory_space<vmem>>, vector<1x128x80xbf16>
      %get3A_57 = vector.shape_cast %get3A_56 : vector<1x128x80xbf16> to vector<128x80xbf16>
      %dot_general3A_58 = arith.constant dense<0.000000e+00> : vector<128x80xf32>
      %dot_general3A_59 = tpu.matmul %slice3A_52, %get3A_57, %dot_general3A_58 {dimension_numbers = #tpu.dot_dimension_numbers<[1], [0], [0], [1], [0, 0, 1, 1], [], []>, transpose_lhs_hint = false} : vector<128x128xbf16>, vector<128x80xbf16>, vector<128x80xf32> -> vector<128x80xf32>
      %get3A_60 = arith.index_cast %get3A_51 : i32 to index
      %get3A_61 = arith.constant 0 : index
      %get3A_62 = arith.constant 0 : index
      %get3A_63 = vector.load %arg4[%get3A_60, %get3A_61, %get3A_62] : memref<64x128x80xbf16, #tpu.memory_space<vmem>>, vector<1x128x80xbf16>
      %get3A_64 = vector.shape_cast %get3A_63 : vector<1x128x80xbf16> to vector<128x80xbf16>
      %dot_general3A_65 = arith.constant dense<0.000000e+00> : vector<128x80xf32>
      %dot_general3A_66 = tpu.matmul %slice3A_52, %get3A_64, %dot_general3A_65 {dimension_numbers = #tpu.dot_dimension_numbers<[1], [0], [0], [1], [0, 0, 1, 1], [], []>, transpose_lhs_hint = false} : vector<128x128xbf16>, vector<128x80xbf16>, vector<128x80xf32> -> vector<128x80xf32>
      %mul3A_67 = arith.constant 8 : i32
      %mul3A_68 = arith.muli %arg0, %mul3A_67 : i32
      %add3A_69 = arith.constant 3 : i32
      %add3A_70 = arith.addi %mul3A_68, %add3A_69 : i32
      %get3A_71 = arith.index_cast %add3A_70 : i32 to index
      %get3A_72 = memref.load %arg1[%get3A_71] : memref<1024xi32, #tpu.memory_space<smem>>
      %slice3A_73 = vector.extract_strided_slice %convert_element_type3A_6 {offsets = [384, 0], sizes = [128, 128], strides = [1, 1]} : vector<1024x128xbf16> to vector<128x128xbf16>
      %get3A_74 = arith.index_cast %get3A_72 : i32 to index
      %get3A_75 = arith.constant 0 : index
      %get3A_76 = arith.constant 0 : index
      %get3A_77 = vector.load %arg3[%get3A_74, %get3A_75, %get3A_76] : memref<64x128x80xbf16, #tpu.memory_space<vmem>>, vector<1x128x80xbf16>
      %get3A_78 = vector.shape_cast %get3A_77 : vector<1x128x80xbf16> to vector<128x80xbf16>
      %dot_general3A_79 = arith.constant dense<0.000000e+00> : vector<128x80xf32>
      %dot_general3A_80 = tpu.matmul %slice3A_73, %get3A_78, %dot_general3A_79 {dimension_numbers = #tpu.dot_dimension_numbers<[1], [0], [0], [1], [0, 0, 1, 1], [], []>, transpose_lhs_hint = false} : vector<128x128xbf16>, vector<128x80xbf16>, vector<128x80xf32> -> vector<128x80xf32>
      %get3A_81 = arith.index_cast %get3A_72 : i32 to index
      %get3A_82 = arith.constant 0 : index
      %get3A_83 = arith.constant 0 : index
      %get3A_84 = vector.load %arg4[%get3A_81, %get3A_82, %get3A_83] : memref<64x128x80xbf16, #tpu.memory_space<vmem>>, vector<1x128x80xbf16>
      %get3A_85 = vector.shape_cast %get3A_84 : vector<1x128x80xbf16> to vector<128x80xbf16>
      %dot_general3A_86 = arith.constant dense<0.000000e+00> : vector<128x80xf32>
      %dot_general3A_87 = tpu.matmul %slice3A_73, %get3A_85, %dot_general3A_86 {dimension_numbers = #tpu.dot_dimension_numbers<[1], [0], [0], [1], [0, 0, 1, 1], [], []>, transpose_lhs_hint = false} : vector<128x128xbf16>, vector<128x80xbf16>, vector<128x80xf32> -> vector<128x80xf32>
      %mul3A_88 = arith.constant 8 : i32
      %mul3A_89 = arith.muli %arg0, %mul3A_88 : i32
      %add3A_90 = arith.constant 4 : i32
      %add3A_91 = arith.addi %mul3A_89, %add3A_90 : i32
      %get3A_92 = arith.index_cast %add3A_91 : i32 to index
      %get3A_93 = memref.load %arg1[%get3A_92] : memref<1024xi32, #tpu.memory_space<smem>>
      %slice3A_94 = vector.extract_strided_slice %convert_element_type3A_6 {offsets = [512, 0], sizes = [128, 128], strides = [1, 1]} : vector<1024x128xbf16> to vector<128x128xbf16>
      %get3A_95 = arith.index_cast %get3A_93 : i32 to index
      %get3A_96 = arith.constant 0 : index
      %get3A_97 = arith.constant 0 : index
      %get3A_98 = vector.load %arg3[%get3A_95, %get3A_96, %get3A_97] : memref<64x128x80xbf16, #tpu.memory_space<vmem>>, vector<1x128x80xbf16>
      %get3A_99 = vector.shape_cast %get3A_98 : vector<1x128x80xbf16> to vector<128x80xbf16>
      %dot_general3A_100 = arith.constant dense<0.000000e+00> : vector<128x80xf32>
      %dot_general3A_101 = tpu.matmul %slice3A_94, %get3A_99, %dot_general3A_100 {dimension_numbers = #tpu.dot_dimension_numbers<[1], [0], [0], [1], [0, 0, 1, 1], [], []>, transpose_lhs_hint = false} : vector<128x128xbf16>, vector<128x80xbf16>, vector<128x80xf32> -> vector<128x80xf32>
      %get3A_102 = arith.index_cast %get3A_93 : i32 to index
      %get3A_103 = arith.constant 0 : index
      %get3A_104 = arith.constant 0 : index
      %get3A_105 = vector.load %arg4[%get3A_102, %get3A_103, %get3A_104] : memref<64x128x80xbf16, #tpu.memory_space<vmem>>, vector<1x128x80xbf16>
      %get3A_106 = vector.shape_cast %get3A_105 : vector<1x128x80xbf16> to vector<128x80xbf16>
      %dot_general3A_107 = arith.constant dense<0.000000e+00> : vector<128x80xf32>
      %dot_general3A_108 = tpu.matmul %slice3A_94, %get3A_106, %dot_general3A_107 {dimension_numbers = #tpu.dot_dimension_numbers<[1], [0], [0], [1], [0, 0, 1, 1], [], []>, transpose_lhs_hint = false} : vector<128x128xbf16>, vector<128x80xbf16>, vector<128x80xf32> -> vector<128x80xf32>
      %mul3A_109 = arith.constant 8 : i32
      %mul3A_110 = arith.muli %arg0, %mul3A_109 : i32
      %add3A_111 = arith.constant 5 : i32
      %add3A_112 = arith.addi %mul3A_110, %add3A_111 : i32
      %get3A_113 = arith.index_cast %add3A_112 : i32 to index
      %get3A_114 = memref.load %arg1[%get3A_113] : memref<1024xi32, #tpu.memory_space<smem>>
      %slice3A_115 = vector.extract_strided_slice %convert_element_type3A_6 {offsets = [640, 0], sizes = [128, 128], strides = [1, 1]} : vector<1024x128xbf16> to vector<128x128xbf16>
      %get3A_116 = arith.index_cast %get3A_114 : i32 to index
      %get3A_117 = arith.constant 0 : index
      %get3A_118 = arith.constant 0 : index
      %get3A_119 = vector.load %arg3[%get3A_116, %get3A_117, %get3A_118] : memref<64x128x80xbf16, #tpu.memory_space<vmem>>, vector<1x128x80xbf16>
      %get3A_120 = vector.shape_cast %get3A_119 : vector<1x128x80xbf16> to vector<128x80xbf16>
      %dot_general3A_121 = arith.constant dense<0.000000e+00> : vector<128x80xf32>
      %dot_general3A_122 = tpu.matmul %slice3A_115, %get3A_120, %dot_general3A_121 {dimension_numbers = #tpu.dot_dimension_numbers<[1], [0], [0], [1], [0, 0, 1, 1], [], []>, transpose_lhs_hint = false} : vector<128x128xbf16>, vector<128x80xbf16>, vector<128x80xf32> -> vector<128x80xf32>
      %get3A_123 = arith.index_cast %get3A_114 : i32 to index
      %get3A_124 = arith.constant 0 : index
      %get3A_125 = arith.constant 0 : index
      %get3A_126 = vector.load %arg4[%get3A_123, %get3A_124, %get3A_125] : memref<64x128x80xbf16, #tpu.memory_space<vmem>>, vector<1x128x80xbf16>
      %get3A_127 = vector.shape_cast %get3A_126 : vector<1x128x80xbf16> to vector<128x80xbf16>
      %dot_general3A_128 = arith.constant dense<0.000000e+00> : vector<128x80xf32>
      %dot_general3A_129 = tpu.matmul %slice3A_115, %get3A_127, %dot_general3A_128 {dimension_numbers = #tpu.dot_dimension_numbers<[1], [0], [0], [1], [0, 0, 1, 1], [], []>, transpose_lhs_hint = false} : vector<128x128xbf16>, vector<128x80xbf16>, vector<128x80xf32> -> vector<128x80xf32>
      %mul3A_130 = arith.constant 8 : i32
      %mul3A_131 = arith.muli %arg0, %mul3A_130 : i32
      %add3A_132 = arith.constant 6 : i32
      %add3A_133 = arith.addi %mul3A_131, %add3A_132 : i32
      %get3A_134 = arith.index_cast %add3A_133 : i32 to index
      %get3A_135 = memref.load %arg1[%get3A_134] : memref<1024xi32, #tpu.memory_space<smem>>
      %slice3A_136 = vector.extract_strided_slice %convert_element_type3A_6 {offsets = [768, 0], sizes = [128, 128], strides = [1, 1]} : vector<1024x128xbf16> to vector<128x128xbf16>
      %get3A_137 = arith.index_cast %get3A_135 : i32 to index
      %get3A_138 = arith.constant 0 : index
      %get3A_139 = arith.constant 0 : index
      %get3A_140 = vector.load %arg3[%get3A_137, %get3A_138, %get3A_139] : memref<64x128x80xbf16, #tpu.memory_space<vmem>>, vector<1x128x80xbf16>
      %get3A_141 = vector.shape_cast %get3A_140 : vector<1x128x80xbf16> to vector<128x80xbf16>
      %dot_general3A_142 = arith.constant dense<0.000000e+00> : vector<128x80xf32>
      %dot_general3A_143 = tpu.matmul %slice3A_136, %get3A_141, %dot_general3A_142 {dimension_numbers = #tpu.dot_dimension_numbers<[1], [0], [0], [1], [0, 0, 1, 1], [], []>, transpose_lhs_hint = false} : vector<128x128xbf16>, vector<128x80xbf16>, vector<128x80xf32> -> vector<128x80xf32>
      %get3A_144 = arith.index_cast %get3A_135 : i32 to index
      %get3A_145 = arith.constant 0 : index
      %get3A_146 = arith.constant 0 : index
      %get3A_147 = vector.load %arg4[%get3A_144, %get3A_145, %get3A_146] : memref<64x128x80xbf16, #tpu.memory_space<vmem>>, vector<1x128x80xbf16>
      %get3A_148 = vector.shape_cast %get3A_147 : vector<1x128x80xbf16> to vector<128x80xbf16>
      %dot_general3A_149 = arith.constant dense<0.000000e+00> : vector<128x80xf32>
      %dot_general3A_150 = tpu.matmul %slice3A_136, %get3A_148, %dot_general3A_149 {dimension_numbers = #tpu.dot_dimension_numbers<[1], [0], [0], [1], [0, 0, 1, 1], [], []>, transpose_lhs_hint = false} : vector<128x128xbf16>, vector<128x80xbf16>, vector<128x80xf32> -> vector<128x80xf32>
      %mul3A_151 = arith.constant 8 : i32
      %mul3A_152 = arith.muli %arg0, %mul3A_151 : i32
      %add3A_153 = arith.constant 7 : i32
      %add3A_154 = arith.addi %mul3A_152, %add3A_153 : i32
      %get3A_155 = arith.index_cast %add3A_154 : i32 to index
      %get3A_156 = memref.load %arg1[%get3A_155] : memref<1024xi32, #tpu.memory_space<smem>>
      %slice3A_157 = vector.extract_strided_slice %convert_element_type3A_6 {offsets = [896, 0], sizes = [128, 128], strides = [1, 1]} : vector<1024x128xbf16> to vector<128x128xbf16>
      %get3A_158 = arith.index_cast %get3A_156 : i32 to index
      %get3A_159 = arith.constant 0 : index
      %get3A_160 = arith.constant 0 : index
      %get3A_161 = vector.load %arg3[%get3A_158, %get3A_159, %get3A_160] : memref<64x128x80xbf16, #tpu.memory_space<vmem>>, vector<1x128x80xbf16>
      %get3A_162 = vector.shape_cast %get3A_161 : vector<1x128x80xbf16> to vector<128x80xbf16>
      %dot_general3A_163 = arith.constant dense<0.000000e+00> : vector<128x80xf32>
      %dot_general3A_164 = tpu.matmul %slice3A_157, %get3A_162, %dot_general3A_163 {dimension_numbers = #tpu.dot_dimension_numbers<[1], [0], [0], [1], [0, 0, 1, 1], [], []>, transpose_lhs_hint = false} : vector<128x128xbf16>, vector<128x80xbf16>, vector<128x80xf32> -> vector<128x80xf32>
      %get3A_165 = arith.index_cast %get3A_156 : i32 to index
      %get3A_166 = arith.constant 0 : index
      %get3A_167 = arith.constant 0 : index
      %get3A_168 = vector.load %arg4[%get3A_165, %get3A_166, %get3A_167] : memref<64x128x80xbf16, #tpu.memory_space<vmem>>, vector<1x128x80xbf16>
      %get3A_169 = vector.shape_cast %get3A_168 : vector<1x128x80xbf16> to vector<128x80xbf16>
      %dot_general3A_170 = arith.constant dense<0.000000e+00> : vector<128x80xf32>
      %dot_general3A_171 = tpu.matmul %slice3A_157, %get3A_169, %dot_general3A_170 {dimension_numbers = #tpu.dot_dimension_numbers<[1], [0], [0], [1], [0, 0, 1, 1], [], []>, transpose_lhs_hint = false} : vector<128x128xbf16>, vector<128x80xbf16>, vector<128x80xf32> -> vector<128x80xf32>
      %logistic3A = arith.negf %dot_general3A_17 : vector<128x80xf32>
      %logistic3A_172 = math.exp %logistic3A : vector<128x80xf32>
      %logistic3A_173 = arith.constant 1.000000e+00 : f32
      %logistic3A_174 = vector.broadcast %logistic3A_173 : f32 to vector<128x80xf32>
      %logistic3A_175 = arith.addf %logistic3A_174, %logistic3A_172 : vector<128x80xf32>
      %logistic3A_176 = arith.divf %logistic3A_174, %logistic3A_175 : vector<128x80xf32>
      %mul3A_177 = arith.mulf %dot_general3A_17, %logistic3A_176 : vector<128x80xf32>
      %mul3A_178 = arith.mulf %mul3A_177, %dot_general3A_24 : vector<128x80xf32>
      %convert_element_type3A_179 = arith.truncf %mul3A_178 : vector<128x80xf32> to vector<128x80xbf16>
      %get3A_180 = arith.index_cast %get3A_11 : i32 to index
      %get3A_181 = arith.constant 0 : index
      %get3A_182 = arith.constant 0 : index
      %get3A_183 = vector.load %arg5[%get3A_180, %get3A_181, %get3A_182] : memref<64x80x128xbf16, #tpu.memory_space<vmem>>, vector<1x80x128xbf16>
      %get3A_184 = vector.shape_cast %get3A_183 : vector<1x80x128xbf16> to vector<80x128xbf16>
      %dot_general3A_185 = arith.constant dense<0.000000e+00> : vector<128x128xf32>
      %dot_general3A_186 = tpu.matmul %convert_element_type3A_179, %get3A_184, %dot_general3A_185 {dimension_numbers = #tpu.dot_dimension_numbers<[1], [0], [0], [1], [0, 0, 1, 1], [], []>, transpose_lhs_hint = false} : vector<128x80xbf16>, vector<80x128xbf16>, vector<128x128xf32> -> vector<128x128xf32>
      %swap3A = arith.constant 0 : index
      %swap3A_187 = arith.constant 0 : index
      %swap3A_188 = vector.load %arg6[%swap3A, %swap3A_187] : memref<1024x128xf32, #tpu.memory_space<vmem>>, vector<128x128xf32>
      tpu.vector_store %arg6[%swap3A, %swap3A_187], %dot_general3A_186 {strides = array<i32>} : memref<1024x128xf32, #tpu.memory_space<vmem>>, vector<128x128xf32>,
      %logistic3A_189 = arith.negf %dot_general3A_38 : vector<128x80xf32>
      %logistic3A_190 = math.exp %logistic3A_189 : vector<128x80xf32>
      %logistic3A_191 = arith.constant 1.000000e+00 : f32
      %logistic3A_192 = vector.broadcast %logistic3A_191 : f32 to vector<128x80xf32>
      %logistic3A_193 = arith.addf %logistic3A_192, %logistic3A_190 : vector<128x80xf32>
      %logistic3A_194 = arith.divf %logistic3A_192, %logistic3A_193 : vector<128x80xf32>
      %mul3A_195 = arith.mulf %dot_general3A_38, %logistic3A_194 : vector<128x80xf32>
      %mul3A_196 = arith.mulf %mul3A_195, %dot_general3A_45 : vector<128x80xf32>
      %convert_element_type3A_197 = arith.truncf %mul3A_196 : vector<128x80xf32> to vector<128x80xbf16>
      %get3A_198 = arith.index_cast %get3A_30 : i32 to index
      %get3A_199 = arith.constant 0 : index
      %get3A_200 = arith.constant 0 : index
      %get3A_201 = vector.load %arg5[%get3A_198, %get3A_199, %get3A_200] : memref<64x80x128xbf16, #tpu.memory_space<vmem>>, vector<1x80x128xbf16>
      %get3A_202 = vector.shape_cast %get3A_201 : vector<1x80x128xbf16> to vector<80x128xbf16>
      %dot_general3A_203 = arith.constant dense<0.000000e+00> : vector<128x128xf32>
      %dot_general3A_204 = tpu.matmul %convert_element_type3A_197, %get3A_202, %dot_general3A_203 {dimension_numbers = #tpu.dot_dimension_numbers<[1], [0], [0], [1], [0, 0, 1, 1], [], []>, transpose_lhs_hint = false} : vector<128x80xbf16>, vector<80x128xbf16>, vector<128x128xf32> -> vector<128x128xf32>
      %swap3A_205 = arith.constant 128 : index
      %swap3A_206 = arith.constant 0 : index
      %swap3A_207 = vector.load %arg6[%swap3A_205, %swap3A_206] : memref<1024x128xf32, #tpu.memory_space<vmem>>, vector<128x128xf32>
      tpu.vector_store %arg6[%swap3A_205, %swap3A_206], %dot_general3A_204 {strides = array<i32>} : memref<1024x128xf32, #tpu.memory_space<vmem>>, vector<128x128xf32>,
      %logistic3A_208 = arith.negf %dot_general3A_59 : vector<128x80xf32>
      %logistic3A_209 = math.exp %logistic3A_208 : vector<128x80xf32>
      %logistic3A_210 = arith.constant 1.000000e+00 : f32
      %logistic3A_211 = vector.broadcast %logistic3A_210 : f32 to vector<128x80xf32>
      %logistic3A_212 = arith.addf %logistic3A_211, %logistic3A_209 : vector<128x80xf32>
      %logistic3A_213 = arith.divf %logistic3A_211, %logistic3A_212 : vector<128x80xf32>
      %mul3A_214 = arith.mulf %dot_general3A_59, %logistic3A_213 : vector<128x80xf32>
      %mul3A_215 = arith.mulf %mul3A_214, %dot_general3A_66 : vector<128x80xf32>
      %convert_element_type3A_216 = arith.truncf %mul3A_215 : vector<128x80xf32> to vector<128x80xbf16>
      %get3A_217 = arith.index_cast %get3A_51 : i32 to index
      %get3A_218 = arith.constant 0 : index
      %get3A_219 = arith.constant 0 : index
      %get3A_220 = vector.load %arg5[%get3A_217, %get3A_218, %get3A_219] : memref<64x80x128xbf16, #tpu.memory_space<vmem>>, vector<1x80x128xbf16>
      %get3A_221 = vector.shape_cast %get3A_220 : vector<1x80x128xbf16> to vector<80x128xbf16>
      %dot_general3A_222 = arith.constant dense<0.000000e+00> : vector<128x128xf32>
      %dot_general3A_223 = tpu.matmul %convert_element_type3A_216, %get3A_221, %dot_general3A_222 {dimension_numbers = #tpu.dot_dimension_numbers<[1], [0], [0], [1], [0, 0, 1, 1], [], []>, transpose_lhs_hint = false} : vector<128x80xbf16>, vector<80x128xbf16>, vector<128x128xf32> -> vector<128x128xf32>
      %swap3A_224 = arith.constant 256 : index
      %swap3A_225 = arith.constant 0 : index
      %swap3A_226 = vector.load %arg6[%swap3A_224, %swap3A_225] : memref<1024x128xf32, #tpu.memory_space<vmem>>, vector<128x128xf32>
      tpu.vector_store %arg6[%swap3A_224, %swap3A_225], %dot_general3A_223 {strides = array<i32>} : memref<1024x128xf32, #tpu.memory_space<vmem>>, vector<128x128xf32>,
      %logistic3A_227 = arith.negf %dot_general3A_80 : vector<128x80xf32>
      %logistic3A_228 = math.exp %logistic3A_227 : vector<128x80xf32>
      %logistic3A_229 = arith.constant 1.000000e+00 : f32
      %logistic3A_230 = vector.broadcast %logistic3A_229 : f32 to vector<128x80xf32>
      %logistic3A_231 = arith.addf %logistic3A_230, %logistic3A_228 : vector<128x80xf32>
      %logistic3A_232 = arith.divf %logistic3A_230, %logistic3A_231 : vector<128x80xf32>
      %mul3A_233 = arith.mulf %dot_general3A_80, %logistic3A_232 : vector<128x80xf32>
      %mul3A_234 = arith.mulf %mul3A_233, %dot_general3A_87 : vector<128x80xf32>
      %convert_element_type3A_235 = arith.truncf %mul3A_234 : vector<128x80xf32> to vector<128x80xbf16>
      %get3A_236 = arith.index_cast %get3A_72 : i32 to index
      %get3A_237 = arith.constant 0 : index
      %get3A_238 = arith.constant 0 : index
      %get3A_239 = vector.load %arg5[%get3A_236, %get3A_237, %get3A_238] : memref<64x80x128xbf16, #tpu.memory_space<vmem>>, vector<1x80x128xbf16>
      %get3A_240 = vector.shape_cast %get3A_239 : vector<1x80x128xbf16> to vector<80x128xbf16>
      %dot_general3A_241 = arith.constant dense<0.000000e+00> : vector<128x128xf32>
      %dot_general3A_242 = tpu.matmul %convert_element_type3A_235, %get3A_240, %dot_general3A_241 {dimension_numbers = #tpu.dot_dimension_numbers<[1], [0], [0], [1], [0, 0, 1, 1], [], []>, transpose_lhs_hint = false} : vector<128x80xbf16>, vector<80x128xbf16>, vector<128x128xf32> -> vector<128x128xf32>
      %swap3A_243 = arith.constant 384 : index
      %swap3A_244 = arith.constant 0 : index
      %swap3A_245 = vector.load %arg6[%swap3A_243, %swap3A_244] : memref<1024x128xf32, #tpu.memory_space<vmem>>, vector<128x128xf32>
      tpu.vector_store %arg6[%swap3A_243, %swap3A_244], %dot_general3A_242 {strides = array<i32>} : memref<1024x128xf32, #tpu.memory_space<vmem>>, vector<128x128xf32>,
      %logistic3A_246 = arith.negf %dot_general3A_101 : vector<128x80xf32>
      %logistic3A_247 = math.exp %logistic3A_246 : vector<128x80xf32>
      %logistic3A_248 = arith.constant 1.000000e+00 : f32
      %logistic3A_249 = vector.broadcast %logistic3A_248 : f32 to vector<128x80xf32>
      %logistic3A_250 = arith.addf %logistic3A_249, %logistic3A_247 : vector<128x80xf32>
      %logistic3A_251 = arith.divf %logistic3A_249, %logistic3A_250 : vector<128x80xf32>
      %mul3A_252 = arith.mulf %dot_general3A_101, %logistic3A_251 : vector<128x80xf32>
      %mul3A_253 = arith.mulf %mul3A_252, %dot_general3A_108 : vector<128x80xf32>
      %convert_element_type3A_254 = arith.truncf %mul3A_253 : vector<128x80xf32> to vector<128x80xbf16>
      %get3A_255 = arith.index_cast %get3A_93 : i32 to index
      %get3A_256 = arith.constant 0 : index
      %get3A_257 = arith.constant 0 : index
      %get3A_258 = vector.load %arg5[%get3A_255, %get3A_256, %get3A_257] : memref<64x80x128xbf16, #tpu.memory_space<vmem>>, vector<1x80x128xbf16>
      %get3A_259 = vector.shape_cast %get3A_258 : vector<1x80x128xbf16> to vector<80x128xbf16>
      %dot_general3A_260 = arith.constant dense<0.000000e+00> : vector<128x128xf32>
      %dot_general3A_261 = tpu.matmul %convert_element_type3A_254, %get3A_259, %dot_general3A_260 {dimension_numbers = #tpu.dot_dimension_numbers<[1], [0], [0], [1], [0, 0, 1, 1], [], []>, transpose_lhs_hint = false} : vector<128x80xbf16>, vector<80x128xbf16>, vector<128x128xf32> -> vector<128x128xf32>
      %swap3A_262 = arith.constant 512 : index
      %swap3A_263 = arith.constant 0 : index
      %swap3A_264 = vector.load %arg6[%swap3A_262, %swap3A_263] : memref<1024x128xf32, #tpu.memory_space<vmem>>, vector<128x128xf32>
      tpu.vector_store %arg6[%swap3A_262, %swap3A_263], %dot_general3A_261 {strides = array<i32>} : memref<1024x128xf32, #tpu.memory_space<vmem>>, vector<128x128xf32>,
      %logistic3A_265 = arith.negf %dot_general3A_122 : vector<128x80xf32>
      %logistic3A_266 = math.exp %logistic3A_265 : vector<128x80xf32>
      %logistic3A_267 = arith.constant 1.000000e+00 : f32
      %logistic3A_268 = vector.broadcast %logistic3A_267 : f32 to vector<128x80xf32>
      %logistic3A_269 = arith.addf %logistic3A_268, %logistic3A_266 : vector<128x80xf32>
      %logistic3A_270 = arith.divf %logistic3A_268, %logistic3A_269 : vector<128x80xf32>
      %mul3A_271 = arith.mulf %dot_general3A_122, %logistic3A_270 : vector<128x80xf32>
      %mul3A_272 = arith.mulf %mul3A_271, %dot_general3A_129 : vector<128x80xf32>
      %convert_element_type3A_273 = arith.truncf %mul3A_272 : vector<128x80xf32> to vector<128x80xbf16>
      %get3A_274 = arith.index_cast %get3A_114 : i32 to index
      %get3A_275 = arith.constant 0 : index
      %get3A_276 = arith.constant 0 : index
      %get3A_277 = vector.load %arg5[%get3A_274, %get3A_275, %get3A_276] : memref<64x80x128xbf16, #tpu.memory_space<vmem>>, vector<1x80x128xbf16>
      %get3A_278 = vector.shape_cast %get3A_277 : vector<1x80x128xbf16> to vector<80x128xbf16>
      %dot_general3A_279 = arith.constant dense<0.000000e+00> : vector<128x128xf32>
      %dot_general3A_280 = tpu.matmul %convert_element_type3A_273, %get3A_278, %dot_general3A_279 {dimension_numbers = #tpu.dot_dimension_numbers<[1], [0], [0], [1], [0, 0, 1, 1], [], []>, transpose_lhs_hint = false} : vector<128x80xbf16>, vector<80x128xbf16>, vector<128x128xf32> -> vector<128x128xf32>
      %swap3A_281 = arith.constant 640 : index
      %swap3A_282 = arith.constant 0 : index
      %swap3A_283 = vector.load %arg6[%swap3A_281, %swap3A_282] : memref<1024x128xf32, #tpu.memory_space<vmem>>, vector<128x128xf32>
      tpu.vector_store %arg6[%swap3A_281, %swap3A_282], %dot_general3A_280 {strides = array<i32>} : memref<1024x128xf32, #tpu.memory_space<vmem>>, vector<128x128xf32>,
      %logistic3A_284 = arith.negf %dot_general3A_143 : vector<128x80xf32>
      %logistic3A_285 = math.exp %logistic3A_284 : vector<128x80xf32>
      %logistic3A_286 = arith.constant 1.000000e+00 : f32
      %logistic3A_287 = vector.broadcast %logistic3A_286 : f32 to vector<128x80xf32>
      %logistic3A_288 = arith.addf %logistic3A_287, %logistic3A_285 : vector<128x80xf32>
      %logistic3A_289 = arith.divf %logistic3A_287, %logistic3A_288 : vector<128x80xf32>
      %mul3A_290 = arith.mulf %dot_general3A_143, %logistic3A_289 : vector<128x80xf32>
      %mul3A_291 = arith.mulf %mul3A_290, %dot_general3A_150 : vector<128x80xf32>
      %convert_element_type3A_292 = arith.truncf %mul3A_291 : vector<128x80xf32> to vector<128x80xbf16>
      %get3A_293 = arith.index_cast %get3A_135 : i32 to index
      %get3A_294 = arith.constant 0 : index
      %get3A_295 = arith.constant 0 : index
      %get3A_296 = vector.load %arg5[%get3A_293, %get3A_294, %get3A_295] : memref<64x80x128xbf16, #tpu.memory_space<vmem>>, vector<1x80x128xbf16>
      %get3A_297 = vector.shape_cast %get3A_296 : vector<1x80x128xbf16> to vector<80x128xbf16>
      %dot_general3A_298 = arith.constant dense<0.000000e+00> : vector<128x128xf32>
      %dot_general3A_299 = tpu.matmul %convert_element_type3A_292, %get3A_297, %dot_general3A_298 {dimension_numbers = #tpu.dot_dimension_numbers<[1], [0], [0], [1], [0, 0, 1, 1], [], []>, transpose_lhs_hint = false} : vector<128x80xbf16>, vector<80x128xbf16>, vector<128x128xf32> -> vector<128x128xf32>
      %swap3A_300 = arith.constant 768 : index
      %swap3A_301 = arith.constant 0 : index
      %swap3A_302 = vector.load %arg6[%swap3A_300, %swap3A_301] : memref<1024x128xf32, #tpu.memory_space<vmem>>, vector<128x128xf32>
      tpu.vector_store %arg6[%swap3A_300, %swap3A_301], %dot_general3A_299 {strides = array<i32>} : memref<1024x128xf32, #tpu.memory_space<vmem>>, vector<128x128xf32>,
      %logistic3A_303 = arith.negf %dot_general3A_164 : vector<128x80xf32>
      %logistic3A_304 = math.exp %logistic3A_303 : vector<128x80xf32>
      %logistic3A_305 = arith.constant 1.000000e+00 : f32
      %logistic3A_306 = vector.broadcast %logistic3A_305 : f32 to vector<128x80xf32>
      %logistic3A_307 = arith.addf %logistic3A_306, %logistic3A_304 : vector<128x80xf32>
      %logistic3A_308 = arith.divf %logistic3A_306, %logistic3A_307 : vector<128x80xf32>
      %mul3A_309 = arith.mulf %dot_general3A_164, %logistic3A_308 : vector<128x80xf32>
      %mul3A_310 = arith.mulf %mul3A_309, %dot_general3A_171 : vector<128x80xf32>
      %convert_element_type3A_311 = arith.truncf %mul3A_310 : vector<128x80xf32> to vector<128x80xbf16>
      %get3A_312 = arith.index_cast %get3A_156 : i32 to index
      %get3A_313 = arith.constant 0 : index
      %get3A_314 = arith.constant 0 : index
      %get3A_315 = vector.load %arg5[%get3A_312, %get3A_313, %get3A_314] : memref<64x80x128xbf16, #tpu.memory_space<vmem>>, vector<1x80x128xbf16>
      %get3A_316 = vector.shape_cast %get3A_315 : vector<1x80x128xbf16> to vector<80x128xbf16>
      %dot_general3A_317 = arith.constant dense<0.000000e+00> : vector<128x128xf32>
      %dot_general3A_318 = tpu.matmul %convert_element_type3A_311, %get3A_316, %dot_general3A_317 {dimension_numbers = #tpu.dot_dimension_numbers<[1], [0], [0], [1], [0, 0, 1, 1], [], []>, transpose_lhs_hint = false} : vector<128x80xbf16>, vector<80x128xbf16>, vector<128x128xf32> -> vector<128x128xf32>
      %swap3A_319 = arith.constant 896 : index
      %swap3A_320 = arith.constant 0 : index
      %swap3A_321 = vector.load %arg6[%swap3A_319, %swap3A_320] : memref<1024x128xf32, #tpu.memory_space<vmem>>, vector<128x128xf32>
      tpu.vector_store %arg6[%swap3A_319, %swap3A_320], %dot_general3A_318 {strides = array<i32>} : memref<1024x128xf32, #tpu.memory_space<vmem>>, vector<128x128xf32>,
    } else {
    }
    return
  }
  func.func @transform_0(%arg0: i32, %arg1: memref<1024xi32, #tpu.memory_space<smem>>) -> (i32, i32) {
    %c0_i32 = arith.constant 0 : i32
    %c0_i32_0 = arith.constant 0 : i32
    return %arg0, %c0_i32 : i32, i32
  }
  func.func @transform_1(%arg0: i32, %arg1: memref<1024xi32, #tpu.memory_space<smem>>) -> (i32, i32, i32) {
    %c0_i32 = arith.constant 0 : i32
    %c0_i32_0 = arith.constant 0 : i32
    %c0_i32_1 = arith.constant 0 : i32
    %c0_i32_2 = arith.constant 0 : i32
    return %c0_i32, %c0_i32_0, %c0_i32_1 : i32, i32, i32
  }
  func.func @transform_2(%arg0: i32, %arg1: memref<1024xi32, #tpu.memory_space<smem>>) -> (i32, i32, i32) {
    %c0_i32 = arith.constant 0 : i32
    %c0_i32_0 = arith.constant 0 : i32
    %c0_i32_1 = arith.constant 0 : i32
    %c0_i32_2 = arith.constant 0 : i32
    return %c0_i32, %c0_i32_0, %c0_i32_1 : i32, i32, i32
  }
  func.func @transform_3(%arg0: i32, %arg1: memref<1024xi32, #tpu.memory_space<smem>>) -> (i32, i32, i32) {
    %c0_i32 = arith.constant 0 : i32
    %c0_i32_0 = arith.constant 0 : i32
    %c0_i32_1 = arith.constant 0 : i32
    %c0_i32_2 = arith.constant 0 : i32
    return %c0_i32, %c0_i32_0, %c0_i32_1 : i32, i32, i32
  }
  func.func @transform_4(%arg0: i32, %arg1: memref<1024xi32, #tpu.memory_space<smem>>) -> (i32, i32) {
    %c0_i32 = arith.constant 0 : i32
    %c0_i32_0 = arith.constant 0 : i32
    return %arg0, %c0_i32 : i32, i32
  }
}

</mosaic_0001>

<sc_bundles>
// kernel: kernel.10.cloned.1.call-start
scs
__scs_entry_jumppad:
0x0: {  	(pc) =	sbr.rel $0x88, $3  }
0x1: {  	(tag) =	ssettag $0x0;
	lr =	simm.s32 $0x1  }
0x2: {  	[smem:$0x3F99] =	sst lr;
	_ =	strace $0xD0000000  }
0x3: {  	_ = 	snop  }
0x4: {  	_ = 	snop  }
0x5: {  	_ = 	snop  }
0x6: {  	_ = 	snop  }
0x7: {  	_ = 	snop  }
__scs_overlays_trampoline_lowered:
0x8: {  	[smem:$0x3FA8] =	sst s0  }
0x9: {  	[smem:$0x3FA9] =	sst s1  }
0xa: {  	[smem:$0x3FAA] =	sst s2  }
0xb: {  	[smem:$0x3FAB] =	sst s3  }
0xc: {  	[smem:$0x3FAC] =	sst s4  }
0xd: {  	[smem:$0x3FAD] =	sst s5  }
0xe: {  	[smem:$0x3FAE] =	sst s6  }
0xf: {  	[smem:$0x3FAF] =	sst s7  }
0x10: {  	[smem:$0x3FB0] =	sst s8  }
0x11: {  	[smem:$0x3FB1] =	sst s9;
	s0 =	simm.s32 @!p0 $0x0  }
0x12: {  	s1 =	sld [smem:$0x3F97];
	s0 =	simm.s32 @p0 $0x1  }
0x13: {  	[smem:$0x3FB2] =	sst s0;
	s0 =	simm.s32 @!p1 $0x0  }
0x14: {  	s2 =	sld [smem:$0x3F96];
	s0 =	simm.s32 @p1 $0x1  }
0x15: {  	[smem:$0x3FB3] =	sst s0;
	s0 =	simm.s32 @!p2 $0x0  }
0x16: {  	s3 =	sld [smem:$0x3FDB];
	s0 =	simm.s32 @p2 $0x1  }
0x17: {  	s4 =	simm.s32 $0x1BF5;
	[smem:$0x3FB5] =	sst s0  }
0x18: {  	s0 =	sld [smem:$0x3F98];
	_ =	swait.ge [sflag:s4], $0x0  }
0x19: {  	s7 =	sld [smem:$0x3F99]  }
0x1a: {  	s8 =	sadd.s32 $0xFFFFE003, lr  }
0x1b: {  	s9 =	sadd.s32 $0xFFFFFEF7, lr;
	s5 =	simm.s32 $0xFFFFFFFF;
	p2 =	slt.u32 s8, $0xFFFFF086  }
0x1c: {  	p1 =	slt.u32 s9, $0xF7A;
	s5 =	simm.s32 @!p2 $0x0  }
0x1d: {  	s5 =	simm.s32 @p1 $0x1;
	p0 =	seq.s32 s7, s2  }
0x1e: {  	s7 =	smul.u32 @!p0 $0xF7A, s2;
	p2 =	seq.s32 @!p0 s5, $0x0  }
0x1f: {  	s9 =	smul.u32 $0xF7A, s1;
	s8 =	simm.s32 @!p0 $0x1BF5;
	p2 =	por !p2, p0  }
0x20: {  	[sflag:s8] =	ssyncset.s32 @!p0 $0xFFFFF086;
	s6 =	sadd.s32 @!p0 s3, s7;
	s7 =	simm.s32 @!p0 $0x108  }
0x21: {  	s3 =	sadd.s32 s3, s9;
	s6 =	sadd.s32 @!p0 $0x88, s6;
	s7 =	simm.s32 @p2 $0x1082  }
0x22: {  	[simem:s7], [sflag:s8] =	dma.local @!p0 [hbm:s6], $0xF7A  }
0x23: {  	s9 =	sor.u32 $0xD0000000, s2;
	s6 =	simm.s32 $0x108;
	_ =	swait.ge @!p0 [sflag:s8], $0x0  }
0x24: {  	s3 =	sadd.s32 $0x88, s3;
	s6 =	simm.s32 @!p1 $0x1082;
	[sflag:s4] =	ssyncset.s32 $0xFFFFF086  }
0x25: {  	[simem:s6], [sflag:s4] =	dma.local [hbm:s3], $0xF7A  }
0x26: {  	[smem:$0x3F99] =	sst s1;
	(tag) =	ssettag s2;
	_ =	strace s9  }
0x27: {  	s1 =	sld [smem:$0x3FA9]  }
0x28: {  	s2 =	sld [smem:$0x3FAA]  }
0x29: {  	s4 =	sld [smem:$0x3FAC]  }
0x2a: {  	p0 =	seq.s32 s5, $0x0;
	s5 =	sld [smem:$0x3FAD]  }
0x2b: {  	s6 =	sld [smem:$0x3FAE]  }
0x2c: {  	s7 =	sld [smem:$0x3FAF]  }
0x2d: {  	s3 =	simm.s32 $0x108;
	s8 =	sld [smem:$0x3FB0]  }
0x2e: {  	s3 =	simm.s32 @!p0 $0x1082;
	s9 =	sld [smem:$0x3FB1]  }
0x2f: {  	lr =	sadd.s32 s0, s3;
	s0 =	sld [smem:$0x3FA8]  }
0x30: {  	s3 =	sld [smem:$0x3FAB]  }
0x31: {  	[smem:$0x3FB4] =	sst s10  }
0x32: {  	s10 =	sld [smem:$0x3FB2];
	_ =	sdelay $0x3  }
0x33: {  	p0 =	seq.s32 s10, $0x1;
	s10 =	sld [smem:$0x3FB4];
	_ =	sdelay $0x3  }
0x34: {  	[smem:$0x3FB4] =	sst s10  }
0x35: {  	s10 =	sld [smem:$0x3FB3];
	_ =	sdelay $0x3  }
0x36: {  	p1 =	seq.s32 s10, $0x1;
	s10 =	sld [smem:$0x3FB4];
	_ =	sdelay $0x3  }
0x37: {  	[smem:$0x3FB4] =	sst s10  }
0x38: {  	s10 =	sld [smem:$0x3FB5]  }
0x39: {  	_ = 	snop;
	(pc) =	sbr.ind lr, $3  }
0x3a: {  	_ = 	snop  }
0x3b: {  	_ = 	snop  }
0x3c: {  	p2 =	seq.s32 s10, $0x1;
	s10 =	sld [smem:$0x3FB4]  }
0x3d: {  	_ =	shalt  }
0x3e: {  	_ =	shalt  }
0x3f: {  	_ =	shalt  }
0x40: {  	_ =	shalt  }
0x41: {  	_ =	shalt  }
0x42: {  	_ =	shalt  }
0x43: {  	_ =	shalt  }
0x44: {  	_ =	shalt  }
0x45: {  	_ =	shalt  }
0x46: {  	_ =	shalt  }
0x47: {  	_ =	shalt  }
0x48: {  	_ =	shalt  }
0x49: {  	_ =	shalt  }
0x4a: {  	_ =	shalt  }
0x4b: {  	_ =	shalt  }
0x4c: {  	_ =	shalt  }
0x4d: {  	_ =	shalt  }
0x4e: {  	_ =	shalt  }
0x4f: {  	_ =	shalt  }
0x50: {  	_ =	shalt  }
0x51: {  	_ =	shalt  }
0x52: {  	_ =	shalt  }
0x53: {  	_ =	shalt  }
0x54: {  	_ =	shalt  }
0x55: {  	_ =	shalt  }
0x56: {  	_ =	shalt  }
0x57: {  	_ =	shalt  }
0x58: {  	_ =	shalt  }
0x59: {  	_ =	shalt  }
0x5a: {  	_ =	shalt  }
0x5b: {  	_ =	shalt  }
0x5c: {  	_ =	shalt  }
0x5d: {  	_ =	shalt  }
0x5e: {  	_ =	shalt  }
0x5f: {  	_ =	shalt  }
0x60: {  	_ =	shalt  }
0x61: {  	_ =	shalt  }
0x62: {  	_ =	shalt  }
0x63: {  	_ =	shalt  }
0x64: {  	_ =	shalt  }
0x65: {  	_ =	shalt  }
0x66: {  	_ =	shalt  }
0x67: {  	_ =	shalt  }
0x68: {  	_ =	shalt  }
0x69: {  	_ =	shalt  }
0x6a: {  	_ =	shalt  }
0x6b: {  	_ =	shalt  }
0x6c: {  	_ =	shalt  }
0x6d: {  	_ =	shalt  }
0x6e: {  	_ =	shalt  }
0x6f: {  	_ =	shalt  }
0x70: {  	_ =	shalt  }
0x71: {  	_ =	shalt  }
0x72: {  	_ =	shalt  }
0x73: {  	_ =	shalt  }
0x74: {  	_ =	shalt  }
0x75: {  	_ =	shalt  }
0x76: {  	_ =	shalt  }
0x77: {  	_ =	shalt  }
0x78: {  	_ =	shalt  }
0x79: {  	_ =	shalt  }
0x7a: {  	_ =	shalt  }
0x7b: {  	_ =	shalt  }
0x7c: {  	_ =	shalt  }
0x7d: {  	_ =	shalt  }
0x7e: {  	_ =	shalt  }
0x7f: {  	_ =	shalt  }
0x80: {  	_ =	shalt  }
0x81: {  	_ =	shalt  }
0x82: {  	_ =	shalt  }
0x83: {  	_ =	shalt  }
0x84: {  	_ =	shalt  }
0x85: {  	_ =	shalt  }
0x86: {  	_ =	shalt  }
0x87: {  	_ =	shalt  }
.Lfunc_end0:
.L_simem_size_0:
called_computation.1_lowered:
.L_overlay_start_0:
0x88: {  	s2 =	sld [smem:$0x3FD9]  }
0x89: {  	s3 =	sld [smem:$0x3FFE];
	_ =	sdelay $0x1  }
0x8a: {  	s1 =	srdreg.scid  }
0x8b: {  	s0 =	sand.u32 $0x1, s1  }
0x8c: {  	s17 =	sshll.u32 s0, $0xA;
	s2 =	sadd.s32 s3, s2  }
0x8d: {  	s2 =	sadd.s32 s2, s17  }
0x8e: {  	[smem:$0x3FC0] =	sst s2  }
0x8f: {  	_ = 	snop  }
0x90: {  	s2 =	sld [smem:$0x3FD0];
	(tm) =	ssettm $0x1  }
0x91: {  	s18 =	sld [smem:$0x3FFB];
	_ =	sdelay $0x3  }
0x92: {  	_ =	strace s18  }
0x93: {  	s3 =	sld [smem:$0x3FFC];
	_ =	sdelay $0x3  }
0x94: {  	_ =	strace s3  }
0x95: {  	s3 =	sld [smem:$0x3FFD];
	_ =	sdelay $0x3  }
0x96: {  	_ =	strace s3  }
0x97: {  	_ =	strace $0x8FFFFFFF  }
0x98: {  	s19 =	sld [smem:$0x3FDB];
	_ =	sdelay $0x1  }
0x99: {  	s4 =	simm.s32 $_scs_section_size  }
0x9a: {  	s5 =	simm.s32 $_size__tile_overlayer_lowered;
	s6 =	simm.s32 $_tile_overlayer_lowered  }
0x9b: {  	s22 =	simm.s32 $0x1BFF;
	s21 =	sshll.u32 s6, $0x1;
	s3 =	sadd.s32 s4, s19  }
0x9c: {  	s7 =	simm.s32 $0x0;
	s20 =	sshll.u32 s5, $0x1;
	s5 =	sadd.s32 s21, s3  }
0x9d: {  	[timem:s7], [sflag:s22] =	dma.local [hbm:s5], s20  }
0x9e: {  	_ =	swait.ge [sflag:s22], s20  }
0x9f: {  	s4 =	ssub.s32 $0x0, s20;
	[sflag:s22] =	ssyncset.done $0x0  }
0xa0: {  	[sflag:s22] =	ssyncadd.s32 s4;
	_ =	sdelay $0x1  }
0xa1: {  	s23 =	simm.s32 $0x1B8B  }
0xa2: {  	_ =	swait.ge [sflag:s23], $0x1  }
0xa3: {  	[sflag:s23] =	ssyncset.done $0x0  }
0xa4: {  	s25 =	simm.s32 $0x1B8E;
	s24 =	sld [smem:$0x3FFE];
	[sflag:s23] =	ssyncadd.s32 $0xFFFFFFFF  }
0xa5: {  	s26 =	simm.s32 $execute0_lowered;
	[smem:$0x3FD2] =	sst s25  }
0xa6: {  	s5 =	sshll.u32 s26, $0x1;
	_ =	strace $0x80000049;
	[dreg:$0x1] =	wrdreg $0xFFFFFFFF  }
0xa7: {  	s28 =	simm.s32 $_size_execute0_lowered;
	s3 =	sadd.s32 s3, s5;
	[dreg:$0x0] =	wrdreg $0x0  }
0xa8: {  	s5 =	sshll.u32 s28, $0x1;
	[dreg:$0x2] =	wrdreg s3  }
0xa9: {  	[dreg:$0x3] =	wrdreg s5  }
0xaa: {  	[dreg:$0x4] =	wrdreg $0xC0  }
0xab: {  	_ =	task [dreg:s7], $0x5FFFF  }
0xac: {  	[dreg:$0x1] =	wrdreg $0xFFFFFFFF  }
0xad: {  	[dreg:$0x0] =	wrdreg $0x60  }
0xae: {  	[dreg:$0x2] =	wrdreg s24  }
0xaf: {  	[dreg:$0x3] =	wrdreg s2  }
0xb0: {  	[dreg:$0x4] =	wrdreg $0x9  }
0xb1: {  	_ =	task.clear_ibuf [dreg:s7], $0x5FFFF;
	_ =	strace $0x90000049  }
0xb2: {  	s29 =	simm.s32 $0x9;
	_ =	strace $0x8000004B  }
0xb3: {  	_ =	swait.ge [sflag:s29], $0x1  }
0xb4: {  	[sflag:s29] =	ssyncadd.s32 $0xFFFFFFFF  }
0xb5: {  	_ =	strace $0x9000004B  }
0xb6: {  	_ =	sfence  }
0xb7: {  	s30 =	sld [smem:$0x0];
	_ =	sdelay $0x2  }
0xb8: {  	s31 =	sshll.u32 s1, $0xD;
	s1 =	sshrl.u32 s1, $0x2  }
0xb9: {  	s3 =	sand.u32 $0x4000, s31;
	s1 =	sadd.s32 s1, s30  }
0xba: {  	s0 =	sor.u32 s3, s0;
	s1 =	sshll.u32 s1, $0x11  }
0xbb: {  	s0 =	sor.u32 s1, s0  }
0xbc: {  	s0 =	sadd.s32 $0x8F2B, s0  }
0xbd: {  	[sflag:s0] =	ssyncadd.remote.s32 $0x1  }
0xbe: {  	_ =	sfence.sel $0xFFFF  }
0xbf: {  	[dreg:$0x0] =	wrdreg $0xFFFFFFFF;
	(pc) =	sbr.abs _section_cstart, $3  }
0xc0: {  	[dreg:$0x1] =	wrdreg $0xFFFFFFFF  }
0xc1: {  	_ =	task.clear_ibuf [dreg:s7], $0x2FFFF;
	_ =	strace $0x9FFFFFFF  }
0xc2: {  	(tm) =	ssettm $0x7FFFFFFF  }
0xc3: {  	_ =	shalt  }
tec
execute0_lowered:
.L_overlay_start_1:
0x0: {  	(tag) =	ssettag $0x1  }
0x1: {  	s4 =	rddreg [dreg:$0x0]  }
0x2: {  	s7 =	rddreg [dreg:$0x1]  }
0x3: {  	s0 =	rddreg [dreg:$0x2]  }
0x4: {  	s2 =	simm.s32 $0x0;
	s3 =	srdreg.scid;
	s1 =	stileid.u32  }
0x5: {  	s13 =	simm.s32 $0xC200;
	s14 =	simm.s32 $0x10200;
	s15 =	simm.s32 $0x100  }
0x6: {  	s16 =	simm.s32 $0x14200;
	s17 =	simm.s32 $0x2;
	s18 =	simm.s32 $0x0  }
0x7: {  	[smem:$0x7FF] =	sst s2;
	s5 =	sand.u32 $0x1, s3;
	s6 =	sshll.u32 s1, $0x1  }
0x8: {  	s3 =	sadd.s32 $0x2800, s4;
	_ =	strace $0x8000004A;
	s6 =	sor.u32 s5, s6  }
0x9: {  	s5 =	ssub.s32 $0x2, s5;
	s8 =	sshll.u32 s6, $0x6;
	s9 =	smul.u32 $0x1800, s6  }
0xa: {  	s10 =	sshll.u32 s6, $0xA;
	s31 =	sshrl.u32 s5, $0x1;
	s8 =	sadd.s32 s8, s4  }
0xb: {  	s11 =	sadd.s32 s10, s4;
	s12 =	ssub.s32 s5, s31;
	s7 =	sadd.s32 s7, s10  }
0xc: {  	s10 =	simm.s32 $0x18200;
	s9 =	sadd.s32 s9, s4;
	s4 =	sadd.s32 $0x2000, s8  }
0xd: {  	s6 =	sadd.s32 $0x82800, s11;
	s8 =	smax.u32 s12, $0x1;
	s11 =	simm.s32 $0x1  }
0xe: {  	s12 =	simm.s32 $0x80;
	s5 =	sadd.s32 $0x52800, s9;
	s9 =	simm.s32 $0x200  }
.LBB2_1:
0xf: {  	[tilespmem:s2], [sflag:$0x1] =	stream.linear.gather [hbm4b:s4+s2], $0x180, $0x38;
	[tilespmem:$0x1A200] =	vst v63  }
0x10: {  	_ = 	snop  }
0x11: {  	[tilespmem:s9], [sflag:$0x1] =	stream.linear.gather [hbm4b:s5+s2], $0xC000, $0x38;
	[tilespmem:$0x1A200] =	vst v63  }
0x12: {  	_ = 	snop  }
0x13: {  	[tilespmem:s10], [sflag:$0x1] =	stream.linear.gather [hbm4b:s6+s2], $0x2000, $0x38;
	[tilespmem:$0x1A200] =	vst v63  }
0x14: {  	_ =	swait.ge [sflag:s11], $0x180  }
0x15: {  	[sflag:s11] =	ssyncset.done $0x0  }
0x16: {  	[sflag:s11] =	ssyncadd.s32 $0xFFFFFE80  }
0x17: {  	_ =	swait.ge [sflag:s11], $0xC000  }
0x18: {  	[sflag:s11] =	ssyncset.done $0x0  }
0x19: {  	[sflag:s11] =	ssyncadd.s32 $0xFFFF4000  }
0x1a: {  	_ =	swait.ge [sflag:s11], $0x2000  }
0x1b: {  	[sflag:s11] =	ssyncset.done $0x0  }
0x1c: {  	[sflag:s11] =	ssyncadd.s32 $0xFFFFE000  }
0x1d: {  	[tilespmem:s13], [sflag:$0x1] =	stream.indirect.gather [hbm4b:s3+s12], $0x80, s2, s12, $0xb8;
	[tilespmem:$0x1A200] =	vst v63  }
0x1e: {  	_ = 	snop  }
0x1f: {  	[tilespmem:s14], [sflag:$0x1] =	stream.indirect.gather [hbm4b:s3+s12], $0x80, s12, s12, $0xb8;
	[tilespmem:$0x1A200] =	vst v63  }
0x20: {  	_ = 	snop  }
0x21: {  	[tilespmem:s16], [sflag:$0x1] =	stream.indirect.gather [hbm4b:s3+s12], $0x80, s15, s12, $0xb8;
	[tilespmem:$0x1A200] =	vst v63  }
0x22: {  	_ =	swait.ge [sflag:s11], $0x4000  }
0x23: {  	[sflag:s11] =	ssyncset.done $0x0  }
0x24: {  	s19 =	simm.s32 $0x18240;
	s20 =	simm.s32 $0x0;
	[sflag:s11] =	ssyncadd.s32 $0xFFFFC000  }
.LBB2_2:
0x25: {  	v0 =	vld [tilespmem:s19+$0xFFFFFFC0]  }
0x26: {  	v1 =	vld [tilespmem:s19+$0xFFFFFFD0]  }
0x27: {  	v2 =	vld [tilespmem:s19+$0xFFFFFFE0]  }
0x28: {  	v3 =	vld [tilespmem:s19+$0xFFFFFFF0]  }
0x29: {  	v4 =	vld [tilespmem:s19+$0x0]  }
0x2a: {  	v5 =	vld [tilespmem:s19+$0x10]  }
0x2b: {  	v6 =	vld [tilespmem:s19+$0x20]  }
0x2c: {  	v7 =	vld [tilespmem:s19+$0x30];
	s21 =	sshra.s32 s20, $0x2  }
0x2d: {  	v8 =	vld [tilespmem:s21+$0x200]  }
0x2e: {  	v9 =	vld [tilespmem:s21+$0xC200]  }
0x2f: {  	v10 =	vld [tilespmem:s21+$0xC210]  }
0x30: {  	v11 =	vld [tilespmem:s21+$0xC220]  }
0x31: {  	v12 =	vld [tilespmem:s21+$0xC230]  }
0x32: {  	v13 =	vld [tilespmem:s21+$0xC240]  }
0x33: {  	v14 =	vld [tilespmem:s21+$0xC250]  }
0x34: {  	v15 =	vld [tilespmem:s21+$0xC260]  }
0x35: {  	v16 =	vld [tilespmem:s21+$0xC270]  }
0x36: {  	v17 =	vld [tilespmem:s21+$0x280]  }
0x37: {  	v18 =	vld [tilespmem:s21+$0xC280]  }
0x38: {  	v19 =	vld [tilespmem:s21+$0xC290]  }
0x39: {  	v20 =	vld [tilespmem:s21+$0xC2A0]  }
0x3a: {  	v21 =	vld [tilespmem:s21+$0xC2B0]  }
0x3b: {  	v22 =	vld [tilespmem:s21+$0xC2C0]  }
0x3c: {  	v23 =	vld [tilespmem:s21+$0xC2D0]  }
0x3d: {  	v24 =	vld [tilespmem:s21+$0xC2E0]  }
0x3e: {  	v25 =	vld [tilespmem:s21+$0xC2F0]  }
0x3f: {  	v26 =	vld [tilespmem:s21+$0x300]  }
0x40: {  	v27 =	vld [tilespmem:s21+$0xC300]  }
0x41: {  	v28 =	vld [tilespmem:s21+$0xC310]  }
0x42: {  	v29 =	vld [tilespmem:s21+$0xC320]  }
0x43: {  	v30 =	vld [tilespmem:s21+$0xC330]  }
0x44: {  	v31 =	vld [tilespmem:s21+$0xC340]  }
0x45: {  	v32 =	vld [tilespmem:s21+$0xC350];
	v9 =	vmul.f32 v9, v8;
	v10 =	vmul.f32 v10, v8  }
0x46: {  	v33 =	vld [tilespmem:s21+$0xC360];
	v11 =	vmul.f32 v11, v8;
	v12 =	vmul.f32 v12, v8  }
0x47: {  	v34 =	vld [tilespmem:s21+$0xC370];
	v63 =	vmul.f32 v13, v8;
	v37 =	vmul.f32 v14, v8  }
0x48: {  	v35 =	vld [tilespmem:s21+$0x380];
	v39 =	vmul.f32 v15, v8;
	v8 =	vmul.f32 v16, v8  }
0x49: {  	v36 =	vld [tilespmem:s21+$0xC380];
	v41 =	vmul.f32 v18, v17;
	v42 =	vmul.f32 v19, v17  }
0x4a: {  	v38 =	vld [tilespmem:s21+$0xC3A0];
	v44 =	vmul.f32 v20, v17;
	v46 =	vmul.f32 v21, v17  }
0x4b: {  	v40 =	vld [tilespmem:s21+$0xC3B0];
	v48 =	vmul.f32 v22, v17;
	v49 =	vmul.f32 v23, v17  }
0x4c: {  	v43 =	vld [tilespmem:s21+$0xC3C0];
	v51 =	vmul.f32 v24, v17;
	v17 =	vmul.f32 v25, v17  }
0x4d: {  	v45 =	vld [tilespmem:s21+$0xC3D0];
	v52 =	vmul.f32 v27, v26;
	v54 =	vmul.f32 v28, v26  }
0x4e: {  	v47 =	vld [tilespmem:s21+$0xC3E0];
	v56 =	vmul.f32 v29, v26;
	v57 =	vmul.f32 v30, v26  }
0x4f: {  	v50 =	vld [tilespmem:s21+$0xC3F0];
	v59 =	vmul.f32 v31, v26;
	v60 =	vmul.f32 v32, v26  }
0x50: {  	v53 =	vld [tilespmem:s21+$0xC400];
	v62 =	vmul.f32 v33, v26;
	v28 =	vmul.f32 v34, v26;
	v0 =	vadd.f32 v9, v0  }
0x51: {  	v55 =	vld [tilespmem:s21+$0xC410];
	v30 =	vmul.f32 v36, v35;
	v1 =	vadd.f32 v10, v1;
	v2 =	vadd.f32 v11, v2  }
0x52: {  	v58 =	vld [tilespmem:s21+$0xC420];
	v32 =	vmul.f32 v38, v35;
	v3 =	vadd.f32 v12, v3;
	v4 =	vadd.f32 v63, v4  }
0x53: {  	v19 =	vld [tilespmem:s21+$0x400];
	v33 =	vmul.f32 v40, v35;
	v5 =	vadd.f32 v37, v5;
	v6 =	vadd.f32 v39, v6  }
0x54: {  	v61 =	vld [tilespmem:s21+$0xC430];
	v36 =	vmul.f32 v43, v35;
	v7 =	vadd.f32 v8, v7;
	v0 =	vadd.f32 v41, v0  }
0x55: {  	v29 =	vld [tilespmem:s21+$0xC450];
	v40 =	vmul.f32 v50, v35;
	v1 =	vadd.f32 v42, v1;
	v2 =	vadd.f32 v44, v2  }
0x56: {  	v31 =	vld [tilespmem:s21+$0xC460];
	v9 =	vmul.f32 v45, v35;
	v3 =	vadd.f32 v46, v3;
	v4 =	vadd.f32 v48, v4  }
0x57: {  	v34 =	vld [tilespmem:s21+$0xC470];
	v39 =	vmul.f32 v47, v35;
	v5 =	vadd.f32 v49, v5;
	v6 =	vadd.f32 v51, v6  }
0x58: {  	v38 =	vld [tilespmem:s21+$0xC480];
	v7 =	vadd.f32 v17, v7;
	v42 =	vmul.f32 v53, v19;
	v43 =	vmul.f32 v55, v19  }
0x59: {  	v10 =	vld [tilespmem:s21+$0xC390];
	v45 =	vmul.f32 v58, v19;
	v0 =	vadd.f32 v52, v0;
	v1 =	vadd.f32 v54, v1  }
0x5a: {  	v63 =	vld [tilespmem:s21+$0xC440];
	v47 =	vmul.f32 v61, v19;
	v2 =	vadd.f32 v56, v2;
	v3 =	vadd.f32 v57, v3  }
0x5b: {  	v37 =	vld [tilespmem:s21+$0x480];
	v51 =	vmul.f32 v29, v19;
	v4 =	vadd.f32 v59, v4;
	v5 =	vadd.f32 v60, v5  }
0x5c: {  	v44 =	vld [tilespmem:s21+$0xC4A0];
	v58 =	vmul.f32 v34, v19;
	v6 =	vadd.f32 v62, v6;
	v7 =	vadd.f32 v28, v7  }
0x5d: {  	v46 =	vld [tilespmem:s21+$0xC4B0];
	v56 =	vmul.f32 v31, v19;
	v0 =	vadd.f32 v30, v0;
	v2 =	vadd.f32 v32, v2  }
0x5e: {  	v48 =	vld [tilespmem:s21+$0xC4C0];
	v10 =	vmul.f32 v10, v35;
	v3 =	vadd.f32 v33, v3;
	v4 =	vadd.f32 v36, v4  }
0x5f: {  	v41 =	vld [tilespmem:s21+$0xC490];
	v49 =	vmul.f32 v63, v19;
	v5 =	vadd.f32 v9, v5;
	v6 =	vadd.f32 v39, v6  }
0x60: {  	v54 =	vld [tilespmem:s21+$0xC4F0];
	v11 =	vmul.f32 v38, v37;
	v7 =	vadd.f32 v40, v7;
	v0 =	vadd.f32 v42, v0  }
0x61: {  	v50 =	vld [tilespmem:s21+$0xC4D0];
	v1 =	vadd.f32 v10, v1;
	v53 =	vmul.f32 v44, v37;
	v2 =	vadd.f32 v45, v2  }
0x62: {  	v52 =	vld [tilespmem:s21+$0xC4E0];
	v55 =	vmul.f32 v46, v37;
	v3 =	vadd.f32 v47, v3;
	v0 =	vadd.f32 v11, v0  }
0x63: {  	v57 =	vmul.f32 v48, v37;
	v4 =	vadd.f32 v49, v4;
	v2 =	vadd.f32 v53, v2  }
0x64: {  	v14 =	vmul.f32 v41, v37;
	v1 =	vadd.f32 v43, v1;
	v3 =	vadd.f32 v55, v3;
	[tilespmem:s19+$0xFFFFFFC0] =	vst v0  }
0x65: {  	v61 =	vadd.f32 v58, v7;
	v62 =	vmul.f32 v54, v37;
	v4 =	vadd.f32 v57, v4;
	[tilespmem:s19+$0xFFFFFFE0] =	vst v2  }
0x66: {  	p0 =	sne.s32 s20, $0xF000;
	v59 =	vmul.f32 v50, v37;
	v5 =	vadd.f32 v51, v5;
	v1 =	vadd.f32 v14, v1;
	[tilespmem:s19+$0xFFFFFFF0] =	vst v3  }
.Ltmp0:
0x67: {  	v60 =	vmul.f32 v52, v37;
	v63 =	vadd.f32 v62, v61;
	v0 =	vadd.f32 v56, v6;
	[tilespmem:s19+$0x0] =	vst v4;
	(pc) =	sbr.rel @p0 .LBB2_2-.Ltmp0, $4  }
0x68: {  	[tilespmem:s19+$0xFFFFFFD0] =	vst v1;
	v1 =	vadd.f32 v59, v5  }
0x69: {  	[tilespmem:s19+$0x30] =	vst v63;
	v0 =	vadd.f32 v60, v0  }
0x6a: {  	[tilespmem:s19+$0x10] =	vst v1  }
0x6b: {  	s20 =	sadd.s32 $0xC00, s20;
	[tilespmem:s19+$0x20] =	vst v0;
	s19 =	sadd.s32 $0x80, s19  }
0x6c: {  	_ =	swait.ge [sflag:s11], $0x4000  }
0x6d: {  	[sflag:s11] =	ssyncset.done $0x0  }
0x6e: {  	s19 =	simm.s32 $0x0;
	s20 =	simm.s32 $0x18CF0;
	[sflag:s11] =	ssyncadd.s32 $0xFFFFC000  }
.LBB2_4:
0x6f: {  	v0 =	vld [tilespmem:s20+$0xFFFFFF90]  }
0x70: {  	v1 =	vld [tilespmem:s20+$0xFFFFFFA0]  }
0x71: {  	v2 =	vld [tilespmem:s20+$0xFFFFFFB0]  }
0x72: {  	v3 =	vld [tilespmem:s20+$0xFFFFFFC0]  }
0x73: {  	v4 =	vld [tilespmem:s20+$0xFFFFFFD0]  }
0x74: {  	v5 =	vld [tilespmem:s20+$0xFFFFFFE0]  }
0x75: {  	v6 =	vld [tilespmem:s20+$0xFFFFFFF0]  }
0x76: {  	v7 =	vld [tilespmem:s20+$0x0];
	s21 =	sshra.s32 s19, $0x2  }
0x77: {  	v8 =	vld [tilespmem:s21+$0x4100]  }
0x78: {  	v9 =	vld [tilespmem:s21+$0x10100]  }
0x79: {  	v10 =	vld [tilespmem:s21+$0x10110]  }
0x7a: {  	v11 =	vld [tilespmem:s21+$0x10120]  }
0x7b: {  	v12 =	vld [tilespmem:s21+$0x10130]  }
0x7c: {  	v13 =	vld [tilespmem:s21+$0x10140]  }
0x7d: {  	v14 =	vld [tilespmem:s21+$0x10150]  }
0x7e: {  	v15 =	vld [tilespmem:s21+$0x10160]  }
0x7f: {  	v16 =	vld [tilespmem:s21+$0x10170]  }
0x80: {  	v17 =	vld [tilespmem:s21+$0x4180]  }
0x81: {  	v18 =	vld [tilespmem:s21+$0x10180]  }
0x82: {  	v19 =	vld [tilespmem:s21+$0x10190]  }
0x83: {  	v20 =	vld [tilespmem:s21+$0x101A0]  }
0x84: {  	v21 =	vld [tilespmem:s21+$0x101B0]  }
0x85: {  	v22 =	vld [tilespmem:s21+$0x101C0]  }
0x86: {  	v23 =	vld [tilespmem:s21+$0x101D0]  }
0x87: {  	v24 =	vld [tilespmem:s21+$0x101E0]  }
0x88: {  	v25 =	vld [tilespmem:s21+$0x101F0]  }
0x89: {  	v26 =	vld [tilespmem:s21+$0x4200]  }
0x8a: {  	v27 =	vld [tilespmem:s21+$0x10200]  }
0x8b: {  	v28 =	vld [tilespmem:s21+$0x10210]  }
0x8c: {  	v29 =	vld [tilespmem:s21+$0x10220]  }
0x8d: {  	v30 =	vld [tilespmem:s21+$0x10230]  }
0x8e: {  	v31 =	vld [tilespmem:s21+$0x10240]  }
0x8f: {  	v32 =	vld [tilespmem:s21+$0x10250];
	v9 =	vmul.f32 v9, v8;
	v10 =	vmul.f32 v10, v8  }
0x90: {  	v33 =	vld [tilespmem:s21+$0x10260];
	v11 =	vmul.f32 v11, v8;
	v12 =	vmul.f32 v12, v8  }
0x91: {  	v34 =	vld [tilespmem:s21+$0x10270];
	v63 =	vmul.f32 v13, v8;
	v37 =	vmul.f32 v14, v8  }
0x92: {  	v35 =	vld [tilespmem:s21+$0x4280];
	v39 =	vmul.f32 v15, v8;
	v8 =	vmul.f32 v16, v8  }
0x93: {  	v36 =	vld [tilespmem:s21+$0x10280];
	v41 =	vmul.f32 v18, v17;
	v42 =	vmul.f32 v19, v17  }
0x94: {  	v38 =	vld [tilespmem:s21+$0x102A0];
	v44 =	vmul.f32 v20, v17;
	v46 =	vmul.f32 v21, v17  }
0x95: {  	v40 =	vld [tilespmem:s21+$0x102B0];
	v48 =	vmul.f32 v22, v17;
	v49 =	vmul.f32 v23, v17  }
0x96: {  	v43 =	vld [tilespmem:s21+$0x102C0];
	v51 =	vmul.f32 v24, v17;
	v17 =	vmul.f32 v25, v17  }
0x97: {  	v45 =	vld [tilespmem:s21+$0x102D0];
	v52 =	vmul.f32 v27, v26;
	v54 =	vmul.f32 v28, v26  }
0x98: {  	v47 =	vld [tilespmem:s21+$0x102E0];
	v56 =	vmul.f32 v29, v26;
	v57 =	vmul.f32 v30, v26  }
0x99: {  	v50 =	vld [tilespmem:s21+$0x102F0];
	v59 =	vmul.f32 v31, v26;
	v60 =	vmul.f32 v32, v26  }
0x9a: {  	v53 =	vld [tilespmem:s21+$0x10300];
	v62 =	vmul.f32 v33, v26;
	v28 =	vmul.f32 v34, v26;
	v0 =	vadd.f32 v9, v0  }
0x9b: {  	v55 =	vld [tilespmem:s21+$0x10310];
	v30 =	vmul.f32 v36, v35;
	v1 =	vadd.f32 v10, v1;
	v2 =	vadd.f32 v11, v2  }
0x9c: {  	v58 =	vld [tilespmem:s21+$0x10320];
	v32 =	vmul.f32 v38, v35;
	v3 =	vadd.f32 v12, v3;
	v4 =	vadd.f32 v63, v4  }
0x9d: {  	v19 =	vld [tilespmem:s21+$0x4300];
	v33 =	vmul.f32 v40, v35;
	v5 =	vadd.f32 v37, v5;
	v6 =	vadd.f32 v39, v6  }
0x9e: {  	v61 =	vld [tilespmem:s21+$0x10330];
	v36 =	vmul.f32 v43, v35;
	v7 =	vadd.f32 v8, v7;
	v0 =	vadd.f32 v41, v0  }
0x9f: {  	v29 =	vld [tilespmem:s21+$0x10350];
	v40 =	vmul.f32 v50, v35;
	v1 =	vadd.f32 v42, v1;
	v2 =	vadd.f32 v44, v2  }
0xa0: {  	v31 =	vld [tilespmem:s21+$0x10360];
	v9 =	vmul.f32 v45, v35;
	v3 =	vadd.f32 v46, v3;
	v4 =	vadd.f32 v48, v4  }
0xa1: {  	v34 =	vld [tilespmem:s21+$0x10370];
	v39 =	vmul.f32 v47, v35;
	v5 =	vadd.f32 v49, v5;
	v6 =	vadd.f32 v51, v6  }
0xa2: {  	v38 =	vld [tilespmem:s21+$0x10380];
	v7 =	vadd.f32 v17, v7;
	v42 =	vmul.f32 v53, v19;
	v43 =	vmul.f32 v55, v19  }
0xa3: {  	v10 =	vld [tilespmem:s21+$0x10290];
	v45 =	vmul.f32 v58, v19;
	v0 =	vadd.f32 v52, v0;
	v1 =	vadd.f32 v54, v1  }
0xa4: {  	v63 =	vld [tilespmem:s21+$0x10340];
	v47 =	vmul.f32 v61, v19;
	v2 =	vadd.f32 v56, v2;
	v3 =	vadd.f32 v57, v3  }
0xa5: {  	v37 =	vld [tilespmem:s21+$0x4380];
	v51 =	vmul.f32 v29, v19;
	v4 =	vadd.f32 v59, v4;
	v5 =	vadd.f32 v60, v5  }
0xa6: {  	v44 =	vld [tilespmem:s21+$0x103A0];
	v58 =	vmul.f32 v34, v19;
	v6 =	vadd.f32 v62, v6;
	v7 =	vadd.f32 v28, v7  }
0xa7: {  	v46 =	vld [tilespmem:s21+$0x103B0];
	v56 =	vmul.f32 v31, v19;
	v0 =	vadd.f32 v30, v0;
	v2 =	vadd.f32 v32, v2  }
0xa8: {  	v48 =	vld [tilespmem:s21+$0x103C0];
	v10 =	vmul.f32 v10, v35;
	v3 =	vadd.f32 v33, v3;
	v4 =	vadd.f32 v36, v4  }
0xa9: {  	v41 =	vld [tilespmem:s21+$0x10390];
	v49 =	vmul.f32 v63, v19;
	v5 =	vadd.f32 v9, v5;
	v6 =	vadd.f32 v39, v6  }
0xaa: {  	v54 =	vld [tilespmem:s21+$0x103F0];
	v11 =	vmul.f32 v38, v37;
	v7 =	vadd.f32 v40, v7;
	v0 =	vadd.f32 v42, v0  }
0xab: {  	v50 =	vld [tilespmem:s21+$0x103D0];
	v1 =	vadd.f32 v10, v1;
	v53 =	vmul.f32 v44, v37;
	v2 =	vadd.f32 v45, v2  }
0xac: {  	v52 =	vld [tilespmem:s21+$0x103E0];
	v55 =	vmul.f32 v46, v37;
	v3 =	vadd.f32 v47, v3;
	v0 =	vadd.f32 v11, v0  }
0xad: {  	v57 =	vmul.f32 v48, v37;
	v4 =	vadd.f32 v49, v4;
	v2 =	vadd.f32 v53, v2  }
0xae: {  	v14 =	vmul.f32 v41, v37;
	v1 =	vadd.f32 v43, v1;
	v3 =	vadd.f32 v55, v3;
	[tilespmem:s20+$0xFFFFFF90] =	vst v0  }
0xaf: {  	v61 =	vadd.f32 v58, v7;
	v62 =	vmul.f32 v54, v37;
	v4 =	vadd.f32 v57, v4;
	[tilespmem:s20+$0xFFFFFFB0] =	vst v2  }
0xb0: {  	p0 =	sne.s32 s19, $0xF000;
	v59 =	vmul.f32 v50, v37;
	v5 =	vadd.f32 v51, v5;
	v1 =	vadd.f32 v14, v1;
	[tilespmem:s20+$0xFFFFFFC0] =	vst v3  }
.Ltmp1:
0xb1: {  	v60 =	vmul.f32 v52, v37;
	v63 =	vadd.f32 v62, v61;
	v0 =	vadd.f32 v56, v6;
	[tilespmem:s20+$0xFFFFFFD0] =	vst v4;
	(pc) =	sbr.rel @p0 .LBB2_4-.Ltmp1, $4  }
0xb2: {  	[tilespmem:s20+$0xFFFFFFA0] =	vst v1;
	v1 =	vadd.f32 v59, v5  }
0xb3: {  	[tilespmem:s20+$0x0] =	vst v63;
	v0 =	vadd.f32 v60, v0  }
0xb4: {  	[tilespmem:s20+$0xFFFFFFE0] =	vst v1  }
0xb5: {  	s19 =	sadd.s32 $0xC00, s19;
	[tilespmem:s20+$0xFFFFFFF0] =	vst v0;
	s20 =	sadd.s32 $0x80, s20  }
0xb6: {  	_ =	swait.ge [sflag:s11], $0x4000  }
0xb7: {  	[sflag:s11] =	ssyncset.done $0x0  }
0xb8: {  	s19 =	simm.s32 $0x0;
	s20 =	simm.s32 $0x19770;
	[sflag:s11] =	ssyncadd.s32 $0xFFFFC000  }
.LBB2_6:
0xb9: {  	v0 =	vld [tilespmem:s20+$0xFFFFFF90]  }
0xba: {  	v1 =	vld [tilespmem:s20+$0xFFFFFFA0]  }
0xbb: {  	v2 =	vld [tilespmem:s20+$0xFFFFFFB0]  }
0xbc: {  	v3 =	vld [tilespmem:s20+$0xFFFFFFC0]  }
0xbd: {  	v4 =	vld [tilespmem:s20+$0xFFFFFFD0]  }
0xbe: {  	v5 =	vld [tilespmem:s20+$0xFFFFFFE0]  }
0xbf: {  	v6 =	vld [tilespmem:s20+$0xFFFFFFF0]  }
0xc0: {  	v7 =	vld [tilespmem:s20+$0x0];
	s21 =	sshra.s32 s19, $0x2  }
0xc1: {  	v8 =	vld [tilespmem:s21+$0x8000]  }
0xc2: {  	v9 =	vld [tilespmem:s21+$0x14000]  }
0xc3: {  	v10 =	vld [tilespmem:s21+$0x14010]  }
0xc4: {  	v11 =	vld [tilespmem:s21+$0x14020]  }
0xc5: {  	v12 =	vld [tilespmem:s21+$0x14030]  }
0xc6: {  	v13 =	vld [tilespmem:s21+$0x14040]  }
0xc7: {  	v14 =	vld [tilespmem:s21+$0x14050]  }
0xc8: {  	v15 =	vld [tilespmem:s21+$0x14060]  }
0xc9: {  	v16 =	vld [tilespmem:s21+$0x14070]  }
0xca: {  	v17 =	vld [tilespmem:s21+$0x8080]  }
0xcb: {  	v18 =	vld [tilespmem:s21+$0x14080]  }
0xcc: {  	v19 =	vld [tilespmem:s21+$0x14090]  }
0xcd: {  	v20 =	vld [tilespmem:s21+$0x140A0]  }
0xce: {  	v21 =	vld [tilespmem:s21+$0x140B0]  }
0xcf: {  	v22 =	vld [tilespmem:s21+$0x140C0]  }
0xd0: {  	v23 =	vld [tilespmem:s21+$0x140D0]  }
0xd1: {  	v24 =	vld [tilespmem:s21+$0x140E0]  }
0xd2: {  	v25 =	vld [tilespmem:s21+$0x140F0]  }
0xd3: {  	v26 =	vld [tilespmem:s21+$0x8100]  }
0xd4: {  	v27 =	vld [tilespmem:s21+$0x14100]  }
0xd5: {  	v28 =	vld [tilespmem:s21+$0x14110]  }
0xd6: {  	v29 =	vld [tilespmem:s21+$0x14120]  }
0xd7: {  	v30 =	vld [tilespmem:s21+$0x14130]  }
0xd8: {  	v31 =	vld [tilespmem:s21+$0x14140]  }
0xd9: {  	v32 =	vld [tilespmem:s21+$0x14150];
	v9 =	vmul.f32 v9, v8;
	v10 =	vmul.f32 v10, v8  }
0xda: {  	v33 =	vld [tilespmem:s21+$0x14160];
	v11 =	vmul.f32 v11, v8;
	v12 =	vmul.f32 v12, v8  }
0xdb: {  	v34 =	vld [tilespmem:s21+$0x14170];
	v63 =	vmul.f32 v13, v8;
	v37 =	vmul.f32 v14, v8  }
0xdc: {  	v35 =	vld [tilespmem:s21+$0x8180];
	v39 =	vmul.f32 v15, v8;
	v8 =	vmul.f32 v16, v8  }
0xdd: {  	v36 =	vld [tilespmem:s21+$0x14180];
	v41 =	vmul.f32 v18, v17;
	v42 =	vmul.f32 v19, v17  }
0xde: {  	v38 =	vld [tilespmem:s21+$0x141A0];
	v44 =	vmul.f32 v20, v17;
	v46 =	vmul.f32 v21, v17  }
0xdf: {  	v40 =	vld [tilespmem:s21+$0x141B0];
	v48 =	vmul.f32 v22, v17;
	v49 =	vmul.f32 v23, v17  }
0xe0: {  	v43 =	vld [tilespmem:s21+$0x141C0];
	v51 =	vmul.f32 v24, v17;
	v17 =	vmul.f32 v25, v17  }
0xe1: {  	v45 =	vld [tilespmem:s21+$0x141D0];
	v52 =	vmul.f32 v27, v26;
	v54 =	vmul.f32 v28, v26  }
0xe2: {  	v47 =	vld [tilespmem:s21+$0x141E0];
	v56 =	vmul.f32 v29, v26;
	v57 =	vmul.f32 v30, v26  }
0xe3: {  	v50 =	vld [tilespmem:s21+$0x141F0];
	v59 =	vmul.f32 v31, v26;
	v60 =	vmul.f32 v32, v26  }
0xe4: {  	v53 =	vld [tilespmem:s21+$0x14200];
	v62 =	vmul.f32 v33, v26;
	v28 =	vmul.f32 v34, v26;
	v0 =	vadd.f32 v9, v0  }
0xe5: {  	v55 =	vld [tilespmem:s21+$0x14210];
	v30 =	vmul.f32 v36, v35;
	v1 =	vadd.f32 v10, v1;
	v2 =	vadd.f32 v11, v2  }
0xe6: {  	v58 =	vld [tilespmem:s21+$0x14220];
	v32 =	vmul.f32 v38, v35;
	v3 =	vadd.f32 v12, v3;
	v4 =	vadd.f32 v63, v4  }
0xe7: {  	v19 =	vld [tilespmem:s21+$0x8200];
	v33 =	vmul.f32 v40, v35;
	v5 =	vadd.f32 v37, v5;
	v6 =	vadd.f32 v39, v6  }
0xe8: {  	v61 =	vld [tilespmem:s21+$0x14230];
	v36 =	vmul.f32 v43, v35;
	v7 =	vadd.f32 v8, v7;
	v0 =	vadd.f32 v41, v0  }
0xe9: {  	v29 =	vld [tilespmem:s21+$0x14250];
	v40 =	vmul.f32 v50, v35;
	v1 =	vadd.f32 v42, v1;
	v2 =	vadd.f32 v44, v2  }
0xea: {  	v31 =	vld [tilespmem:s21+$0x14260];
	v9 =	vmul.f32 v45, v35;
	v3 =	vadd.f32 v46, v3;
	v4 =	vadd.f32 v48, v4  }
0xeb: {  	v34 =	vld [tilespmem:s21+$0x14270];
	v39 =	vmul.f32 v47, v35;
	v5 =	vadd.f32 v49, v5;
	v6 =	vadd.f32 v51, v6  }
0xec: {  	v38 =	vld [tilespmem:s21+$0x14280];
	v7 =	vadd.f32 v17, v7;
	v42 =	vmul.f32 v53, v19;
	v43 =	vmul.f32 v55, v19  }
0xed: {  	v10 =	vld [tilespmem:s21+$0x14190];
	v45 =	vmul.f32 v58, v19;
	v0 =	vadd.f32 v52, v0;
	v1 =	vadd.f32 v54, v1  }
0xee: {  	v63 =	vld [tilespmem:s21+$0x14240];
	v47 =	vmul.f32 v61, v19;
	v2 =	vadd.f32 v56, v2;
	v3 =	vadd.f32 v57, v3  }
0xef: {  	v37 =	vld [tilespmem:s21+$0x8280];
	v51 =	vmul.f32 v29, v19;
	v4 =	vadd.f32 v59, v4;
	v5 =	vadd.f32 v60, v5  }
0xf0: {  	v44 =	vld [tilespmem:s21+$0x142A0];
	v58 =	vmul.f32 v34, v19;
	v6 =	vadd.f32 v62, v6;
	v7 =	vadd.f32 v28, v7  }
0xf1: {  	v46 =	vld [tilespmem:s21+$0x142B0];
	v56 =	vmul.f32 v31, v19;
	v0 =	vadd.f32 v30, v0;
	v2 =	vadd.f32 v32, v2  }
0xf2: {  	v48 =	vld [tilespmem:s21+$0x142C0];
	v10 =	vmul.f32 v10, v35;
	v3 =	vadd.f32 v33, v3;
	v4 =	vadd.f32 v36, v4  }
0xf3: {  	v41 =	vld [tilespmem:s21+$0x14290];
	v49 =	vmul.f32 v63, v19;
	v5 =	vadd.f32 v9, v5;
	v6 =	vadd.f32 v39, v6  }
0xf4: {  	v54 =	vld [tilespmem:s21+$0x142F0];
	v11 =	vmul.f32 v38, v37;
	v7 =	vadd.f32 v40, v7;
	v0 =	vadd.f32 v42, v0  }
0xf5: {  	v50 =	vld [tilespmem:s21+$0x142D0];
	v1 =	vadd.f32 v10, v1;
	v53 =	vmul.f32 v44, v37;
	v2 =	vadd.f32 v45, v2  }
0xf6: {  	v52 =	vld [tilespmem:s21+$0x142E0];
	v55 =	vmul.f32 v46, v37;
	v3 =	vadd.f32 v47, v3;
	v0 =	vadd.f32 v11, v0  }
0xf7: {  	v57 =	vmul.f32 v48, v37;
	v4 =	vadd.f32 v49, v4;
	v2 =	vadd.f32 v53, v2  }
0xf8: {  	v14 =	vmul.f32 v41, v37;
	v1 =	vadd.f32 v43, v1;
	v3 =	vadd.f32 v55, v3;
	[tilespmem:s20+$0xFFFFFF90] =	vst v0  }
0xf9: {  	v61 =	vadd.f32 v58, v7;
	v62 =	vmul.f32 v54, v37;
	v4 =	vadd.f32 v57, v4;
	[tilespmem:s20+$0xFFFFFFB0] =	vst v2  }
0xfa: {  	p0 =	sne.s32 s19, $0xFC00;
	v59 =	vmul.f32 v50, v37;
	v5 =	vadd.f32 v51, v5;
	v1 =	vadd.f32 v14, v1;
	[tilespmem:s20+$0xFFFFFFC0] =	vst v3  }
.Ltmp2:
0xfb: {  	v60 =	vmul.f32 v52, v37;
	v63 =	vadd.f32 v62, v61;
	v0 =	vadd.f32 v56, v6;
	[tilespmem:s20+$0xFFFFFFD0] =	vst v4;
	(pc) =	sbr.rel @p0 .LBB2_6-.Ltmp2, $4  }
0xfc: {  	[tilespmem:s20+$0xFFFFFFA0] =	vst v1;
	v1 =	vadd.f32 v59, v5  }
0xfd: {  	[tilespmem:s20+$0x0] =	vst v63;
	v0 =	vadd.f32 v60, v0  }
0xfe: {  	[tilespmem:s20+$0xFFFFFFE0] =	vst v1  }
0xff: {  	s19 =	sadd.s32 $0xC00, s19;
	[tilespmem:s20+$0xFFFFFFF0] =	vst v0;
	s20 =	sadd.s32 $0x80, s20  }
0x100: {  	s18 =	sadd.s32 $0x1, s18  }
0x101: {  	p0 =	sne.s32 s18, s8  }
.Ltmp3:
0x102: {  	_ = 	snop;
	(pc) =	sbr.rel @p0 .LBB2_1-.Ltmp3, $4  }
0x103: {  	[hbm4b:s7+s2] =	stream.linear.scatter [tilespmem:s10], [sflag:$0x2], $0x2000, $0x38;
	[tilespmem:$0x1A200] =	vst v63  }
0x104: {  	_ =	swait.ge [sflag:s17], $0x2000  }
0x105: {  	[sflag:s17] =	ssyncset.done $0x0  }
0x106: {  	[sflag:s17] =	ssyncadd.s32 $0xFFFFE000  }
0x107: {  	_ =	sfence.sel $0x180000  }
0x108: {  	[bflag:$0x0] =	sbarrier.arrive $0xFFFF  }
0x109: {  	p0 =	sne.s32 s1, $0x0;
	_ =	strace $0x9000004A  }
0x10a: {  	s0 =	sadd.s32 @!p0 $0x100000, s0;
	[bflag:$0x2] =	sbarrier.arrive $0xFFFF  }
0x10b: {  	[sflag:s0] =	ssyncadd.tile.s32 @!p0 $0x1;
	_ =	shalt  }
.Lfunc_end2:
_tile_overlayer_lowered:
.L_overlay_start_2:
0x10c: {  	(tag) =	ssettag $0x2  }
0x10d: {  	s0 =	rddreg [dreg:$0x0];
	s2 =	stileid.u32  }
0x10e: {  	s1 =	rddreg [dreg:$0x1];
	p0 =	sne.s32 s2, $0x0  }
0x10f: {  	s3 =	rddreg [dreg:$0x2];
	[bflag:$0x3] =	sbarrier.arrive $0xFFFF;
	s2 =	simm.s32 @!p0 $0x1C02  }
0x110: {  	[timem:s3], [sflag:s2] =	dma.local @!p0 [hbm:s0], s1  }
0x111: {  	s0 =	simm.s32 @!p0 $0x2  }
0x112: {  	_ =	swait.ge @!p0 [sflag:s0], s1  }
0x113: {  	s1 =	ssub.s32 @!p0 $0x0, s1;
	[sflag:s0] =	ssyncset.done @!p0 $0x0  }
0x114: {  	[sflag:s0] =	ssyncadd.s32 @!p0 s1  }
0x115: {  	[bflag:$0x3] =	sbarrier.arrive $0xFFFF  }
0x116: {  	_ =	shalt  }

// kernel: kernel.7.cloned.1.call-start
scs
__scs_entry_jumppad:
0x0: {  	(pc) =	sbr.rel $0x88, $3  }
0x1: {  	(tag) =	ssettag $0x0;
	lr =	simm.s32 $0x1  }
0x2: {  	[smem:$0x3F99] =	sst lr;
	_ =	strace $0xD0000000  }
0x3: {  	_ = 	snop  }
0x4: {  	_ = 	snop  }
0x5: {  	_ = 	snop  }
0x6: {  	_ = 	snop  }
0x7: {  	_ = 	snop  }
__scs_overlays_trampoline_lowered:
0x8: {  	[smem:$0x3FA8] =	sst s0  }
0x9: {  	[smem:$0x3FA9] =	sst s1  }
0xa: {  	[smem:$0x3FAA] =	sst s2  }
0xb: {  	[smem:$0x3FAB] =	sst s3  }
0xc: {  	[smem:$0x3FAC] =	sst s4  }
0xd: {  	[smem:$0x3FAD] =	sst s5  }
0xe: {  	[smem:$0x3FAE] =	sst s6  }
0xf: {  	[smem:$0x3FAF] =	sst s7  }
0x10: {  	[smem:$0x3FB0] =	sst s8  }
0x11: {  	[smem:$0x3FB1] =	sst s9;
	s0 =	simm.s32 @!p0 $0x0  }
0x12: {  	s1 =	sld [smem:$0x3F97];
	s0 =	simm.s32 @p0 $0x1  }
0x13: {  	[smem:$0x3FB2] =	sst s0;
	s0 =	simm.s32 @!p1 $0x0  }
0x14: {  	s2 =	sld [smem:$0x3F96];
	s0 =	simm.s32 @p1 $0x1  }
0x15: {  	[smem:$0x3FB3] =	sst s0;
	s0 =	simm.s32 @!p2 $0x0  }
0x16: {  	s3 =	sld [smem:$0x3FDB];
	s0 =	simm.s32 @p2 $0x1  }
0x17: {  	s4 =	simm.s32 $0x1BF5;
	[smem:$0x3FB5] =	sst s0  }
0x18: {  	s0 =	sld [smem:$0x3F98];
	_ =	swait.ge [sflag:s4], $0x0  }
0x19: {  	s7 =	sld [smem:$0x3F99]  }
0x1a: {  	s8 =	sadd.s32 $0xFFFFE003, lr  }
0x1b: {  	s9 =	sadd.s32 $0xFFFFFEF7, lr;
	s5 =	simm.s32 $0xFFFFFFFF;
	p2 =	slt.u32 s8, $0xFFFFF086  }
0x1c: {  	p1 =	slt.u32 s9, $0xF7A;
	s5 =	simm.s32 @!p2 $0x0  }
0x1d: {  	s5 =	simm.s32 @p1 $0x1;
	p0 =	seq.s32 s7, s2  }
0x1e: {  	s7 =	smul.u32 @!p0 $0xF7A, s2;
	p2 =	seq.s32 @!p0 s5, $0x0  }
0x1f: {  	s9 =	smul.u32 $0xF7A, s1;
	s8 =	simm.s32 @!p0 $0x1BF5;
	p2 =	por !p2, p0  }
0x20: {  	[sflag:s8] =	ssyncset.s32 @!p0 $0xFFFFF086;
	s6 =	sadd.s32 @!p0 s3, s7;
	s7 =	simm.s32 @!p0 $0x108  }
0x21: {  	s3 =	sadd.s32 s3, s9;
	s6 =	sadd.s32 @!p0 $0x88, s6;
	s7 =	simm.s32 @p2 $0x1082  }
0x22: {  	[simem:s7], [sflag:s8] =	dma.local @!p0 [hbm:s6], $0xF7A  }
0x23: {  	s9 =	sor.u32 $0xD0000000, s2;
	s6 =	simm.s32 $0x108;
	_ =	swait.ge @!p0 [sflag:s8], $0x0  }
0x24: {  	s3 =	sadd.s32 $0x88, s3;
	s6 =	simm.s32 @!p1 $0x1082;
	[sflag:s4] =	ssyncset.s32 $0xFFFFF086  }
0x25: {  	[simem:s6], [sflag:s4] =	dma.local [hbm:s3], $0xF7A  }
0x26: {  	[smem:$0x3F99] =	sst s1;
	(tag) =	ssettag s2;
	_ =	strace s9  }
0x27: {  	s1 =	sld [smem:$0x3FA9]  }
0x28: {  	s2 =	sld [smem:$0x3FAA]  }
0x29: {  	s4 =	sld [smem:$0x3FAC]  }
0x2a: {  	p0 =	seq.s32 s5, $0x0;
	s5 =	sld [smem:$0x3FAD]  }
0x2b: {  	s6 =	sld [smem:$0x3FAE]  }
0x2c: {  	s7 =	sld [smem:$0x3FAF]  }
0x2d: {  	s3 =	simm.s32 $0x108;
	s8 =	sld [smem:$0x3FB0]  }
0x2e: {  	s3 =	simm.s32 @!p0 $0x1082;
	s9 =	sld [smem:$0x3FB1]  }
0x2f: {  	lr =	sadd.s32 s0, s3;
	s0 =	sld [smem:$0x3FA8]  }
0x30: {  	s3 =	sld [smem:$0x3FAB]  }
0x31: {  	[smem:$0x3FB4] =	sst s10  }
0x32: {  	s10 =	sld [smem:$0x3FB2];
	_ =	sdelay $0x3  }
0x33: {  	p0 =	seq.s32 s10, $0x1;
	s10 =	sld [smem:$0x3FB4];
	_ =	sdelay $0x3  }
0x34: {  	[smem:$0x3FB4] =	sst s10  }
0x35: {  	s10 =	sld [smem:$0x3FB3];
	_ =	sdelay $0x3  }
0x36: {  	p1 =	seq.s32 s10, $0x1;
	s10 =	sld [smem:$0x3FB4];
	_ =	sdelay $0x3  }
0x37: {  	[smem:$0x3FB4] =	sst s10  }
0x38: {  	s10 =	sld [smem:$0x3FB5]  }
0x39: {  	_ = 	snop;
	(pc) =	sbr.ind lr, $3  }
0x3a: {  	_ = 	snop  }
0x3b: {  	_ = 	snop  }
0x3c: {  	p2 =	seq.s32 s10, $0x1;
	s10 =	sld [smem:$0x3FB4]  }
0x3d: {  	_ =	shalt  }
0x3e: {  	_ =	shalt  }
0x3f: {  	_ =	shalt  }
0x40: {  	_ =	shalt  }
0x41: {  	_ =	shalt  }
0x42: {  	_ =	shalt  }
0x43: {  	_ =	shalt  }
0x44: {  	_ =	shalt  }
0x45: {  	_ =	shalt  }
0x46: {  	_ =	shalt  }
0x47: {  	_ =	shalt  }
0x48: {  	_ =	shalt  }
0x49: {  	_ =	shalt  }
0x4a: {  	_ =	shalt  }
0x4b: {  	_ =	shalt  }
0x4c: {  	_ =	shalt  }
0x4d: {  	_ =	shalt  }
0x4e: {  	_ =	shalt  }
0x4f: {  	_ =	shalt  }
0x50: {  	_ =	shalt  }
0x51: {  	_ =	shalt  }
0x52: {  	_ =	shalt  }
0x53: {  	_ =	shalt  }
0x54: {  	_ =	shalt  }
0x55: {  	_ =	shalt  }
0x56: {  	_ =	shalt  }
0x57: {  	_ =	shalt  }
0x58: {  	_ =	shalt  }
0x59: {  	_ =	shalt  }
0x5a: {  	_ =	shalt  }
0x5b: {  	_ =	shalt  }
0x5c: {  	_ =	shalt  }
0x5d: {  	_ =	shalt  }
0x5e: {  	_ =	shalt  }
0x5f: {  	_ =	shalt  }
0x60: {  	_ =	shalt  }
0x61: {  	_ =	shalt  }
0x62: {  	_ =	shalt  }
0x63: {  	_ =	shalt  }
0x64: {  	_ =	shalt  }
0x65: {  	_ =	shalt  }
0x66: {  	_ =	shalt  }
0x67: {  	_ =	shalt  }
0x68: {  	_ =	shalt  }
0x69: {  	_ =	shalt  }
0x6a: {  	_ =	shalt  }
0x6b: {  	_ =	shalt  }
0x6c: {  	_ =	shalt  }
0x6d: {  	_ =	shalt  }
0x6e: {  	_ =	shalt  }
0x6f: {  	_ =	shalt  }
0x70: {  	_ =	shalt  }
0x71: {  	_ =	shalt  }
0x72: {  	_ =	shalt  }
0x73: {  	_ =	shalt  }
0x74: {  	_ =	shalt  }
0x75: {  	_ =	shalt  }
0x76: {  	_ =	shalt  }
0x77: {  	_ =	shalt  }
0x78: {  	_ =	shalt  }
0x79: {  	_ =	shalt  }
0x7a: {  	_ =	shalt  }
0x7b: {  	_ =	shalt  }
0x7c: {  	_ =	shalt  }
0x7d: {  	_ =	shalt  }
0x7e: {  	_ =	shalt  }
0x7f: {  	_ =	shalt  }
0x80: {  	_ =	shalt  }
0x81: {  	_ =	shalt  }
0x82: {  	_ =	shalt  }
0x83: {  	_ =	shalt  }
0x84: {  	_ =	shalt  }
0x85: {  	_ =	shalt  }
0x86: {  	_ =	shalt  }
0x87: {  	_ =	shalt  }
.Lfunc_end0:
.L_simem_size_0:
called_computation_lowered:
.L_overlay_start_0:
0x88: {  	s2 =	sld [smem:$0x3FD9]  }
0x89: {  	s3 =	sld [smem:$0x3FFE];
	_ =	sdelay $0x1  }
0x8a: {  	s1 =	srdreg.scid  }
0x8b: {  	s0 =	sand.u32 $0x1, s1  }
0x8c: {  	s17 =	sshll.u32 s0, $0xA;
	s2 =	sadd.s32 s3, s2  }
0x8d: {  	s2 =	sadd.s32 s2, s17  }
0x8e: {  	[smem:$0x3FC0] =	sst s2  }
0x8f: {  	_ = 	snop  }
0x90: {  	s2 =	sld [smem:$0x3FC9]  }
0x91: {  	s18 =	sld [smem:$0x3FD0];
	(tm) =	ssettm $0x1  }
0x92: {  	s4 =	sld [smem:$0x3FFB];
	_ =	sdelay $0x3  }
0x93: {  	_ =	strace s4  }
0x94: {  	s4 =	sld [smem:$0x3FFC];
	_ =	sdelay $0x3  }
0x95: {  	_ =	strace s4  }
0x96: {  	s4 =	sld [smem:$0x3FFD];
	_ =	sdelay $0x3  }
0x97: {  	_ =	strace s4  }
0x98: {  	_ =	strace $0x8FFFFFFF  }
0x99: {  	s19 =	sld [smem:$0x3FDB];
	_ =	sdelay $0x1  }
0x9a: {  	s5 =	simm.s32 $_scs_section_size  }
0x9b: {  	s6 =	simm.s32 $_size__tile_overlayer_lowered;
	s7 =	simm.s32 $_tile_overlayer_lowered  }
0x9c: {  	s22 =	simm.s32 $0x1BFF;
	s21 =	sshll.u32 s7, $0x1;
	s4 =	sadd.s32 s5, s19  }
0x9d: {  	s8 =	simm.s32 $0x0;
	s20 =	sshll.u32 s6, $0x1;
	s6 =	sadd.s32 s21, s4  }
0x9e: {  	[timem:s8], [sflag:s22] =	dma.local [hbm:s6], s20  }
0x9f: {  	_ =	swait.ge [sflag:s22], s20  }
0xa0: {  	s5 =	ssub.s32 $0x0, s20;
	[sflag:s22] =	ssyncset.done $0x0  }
0xa1: {  	[sflag:s22] =	ssyncadd.s32 s5;
	_ =	sdelay $0x1  }
0xa2: {  	s23 =	simm.s32 $0x1B8B  }
0xa3: {  	_ =	swait.ge [sflag:s23], $0x1  }
0xa4: {  	[sflag:s23] =	ssyncset.done $0x0  }
0xa5: {  	s25 =	simm.s32 $0x1B8E;
	s24 =	sld [smem:$0x3FFE];
	[sflag:s23] =	ssyncadd.s32 $0xFFFFFFFF  }
0xa6: {  	s26 =	simm.s32 $execute0_lowered;
	[smem:$0x3FD2] =	sst s25  }
0xa7: {  	s6 =	sshll.u32 s26, $0x1;
	_ =	strace $0x80000046;
	[dreg:$0x1] =	wrdreg $0xFFFFFFFF  }
0xa8: {  	s28 =	simm.s32 $_size_execute0_lowered;
	s4 =	sadd.s32 s4, s6;
	[dreg:$0x0] =	wrdreg $0x0  }
0xa9: {  	s6 =	sshll.u32 s28, $0x1;
	[dreg:$0x2] =	wrdreg s4  }
0xaa: {  	[dreg:$0x3] =	wrdreg s6  }
0xab: {  	[dreg:$0x4] =	wrdreg $0xC0  }
0xac: {  	_ =	task [dreg:s8], $0x5FFFF  }
0xad: {  	[dreg:$0x1] =	wrdreg $0xFFFFFFFF  }
0xae: {  	[dreg:$0x0] =	wrdreg $0x60  }
0xaf: {  	[dreg:$0x2] =	wrdreg s2  }
0xb0: {  	[dreg:$0x3] =	wrdreg s18  }
0xb1: {  	[dreg:$0x4] =	wrdreg s24  }
0xb2: {  	[dreg:$0x5] =	wrdreg $0x9  }
0xb3: {  	_ =	task.clear_ibuf [dreg:s8], $0x6FFFF;
	_ =	strace $0x90000046  }
0xb4: {  	s29 =	simm.s32 $0x9;
	_ =	strace $0x80000048  }
0xb5: {  	_ =	swait.ge [sflag:s29], $0x1  }
0xb6: {  	[sflag:s29] =	ssyncadd.s32 $0xFFFFFFFF  }
0xb7: {  	_ =	strace $0x90000048  }
0xb8: {  	_ =	sfence  }
0xb9: {  	s30 =	sld [smem:$0x0];
	_ =	sdelay $0x2  }
0xba: {  	s31 =	sshll.u32 s1, $0xD;
	s1 =	sshrl.u32 s1, $0x2  }
0xbb: {  	s3 =	sand.u32 $0x4000, s31;
	s1 =	sadd.s32 s1, s30  }
0xbc: {  	s0 =	sor.u32 s3, s0;
	s1 =	sshll.u32 s1, $0x11  }
0xbd: {  	s0 =	sor.u32 s1, s0  }
0xbe: {  	s0 =	sadd.s32 $0x8F2B, s0  }
0xbf: {  	[sflag:s0] =	ssyncadd.remote.s32 $0x1  }
0xc0: {  	_ =	sfence.sel $0xFFFF  }
0xc1: {  	[dreg:$0x0] =	wrdreg $0xFFFFFFFF;
	(pc) =	sbr.abs _section_cstart, $3  }
0xc2: {  	[dreg:$0x1] =	wrdreg $0xFFFFFFFF  }
0xc3: {  	_ =	task.clear_ibuf [dreg:s8], $0x2FFFF;
	_ =	strace $0x9FFFFFFF  }
0xc4: {  	(tm) =	ssettm $0x7FFFFFFF  }
0xc5: {  	_ =	shalt  }
tec
execute0_lowered:
.L_overlay_start_1:
0x0: {  	(tag) =	ssettag $0x1  }
0x1: {  	s2 =	rddreg [dreg:$0x0]  }
0x2: {  	s4 =	rddreg [dreg:$0x1]  }
0x3: {  	s14 =	rddreg [dreg:$0x2];
	s3 =	srdreg.scid  }
0x4: {  	s0 =	rddreg [dreg:$0x3];
	s1 =	stileid.u32;
	s17 =	sand.u32 $0x1, s3  }
0x5: {  	s3 =	simm.s32 $0x0;
	s5 =	sshll.u32 s1, $0x7;
	s6 =	sshll.u32 s17, $0x6  }
0x6: {  	[smem:$0x7FF] =	sst s3;
	s5 =	sor.u32 s6, s5  }
0x7: {  	_ =	strace $0x80000047;
	s6 =	sadd.s32 s5, s14;
	s4 =	sadd.s32 s4, s5  }
0x8: {  	[tilespmem:s3], [sflag:$0x2] =	stream.linear.gather [hbm4b:s4+s3], $0x180, $0x38;
	[tilespmem:$0xC400] =	vst v63  }
0x9: {  	s7 =	simm.s32 $0x200;
	s5 =	sadd.s32 $0x2000, s6;
	s6 =	simm.s32 $0x2  }
0xa: {  	[tilespmem:s7], [sflag:$0x2] =	stream.linear.gather [hbm4b:s5+s3], $0x180, $0x38;
	[tilespmem:$0xC400] =	vst v63  }
0xb: {  	_ =	swait.ge [sflag:s6], $0x180  }
0xc: {  	[sflag:s6] =	ssyncset.done $0x0  }
0xd: {  	[sflag:s6] =	ssyncadd.s32 $0xFFFFFE80  }
0xe: {  	_ =	swait.ge [sflag:s6], $0x180  }
0xf: {  	[sflag:s6] =	ssyncset.done $0x0  }
0x10: {  	s8 =	simm.s32 $0x80;
	s9 =	simm.s32 $0x400;
	[sflag:s6] =	ssyncadd.s32 $0xFFFFFE80  }
0x11: {  	[tilespmem:s9], [sflag:$0x1] =	stream.indirect.gather [hbm4b:s2+s8], $0x80, s3, s8, $0xb8;
	[tilespmem:$0xC400] =	vst v63  }
0x12: {  	s10 =	simm.s32 $0x4400  }
0x13: {  	[tilespmem:s10], [sflag:$0x1] =	stream.indirect.gather [hbm4b:s2+s8], $0x80, s8, s8, $0xb8;
	[tilespmem:$0xC400] =	vst v63  }
0x14: {  	s11 =	simm.s32 $0x100;
	s12 =	simm.s32 $0x8400;
	s13 =	simm.s32 $0x1  }
0x15: {  	[tilespmem:s12], [sflag:$0x1] =	stream.indirect.gather [hbm4b:s2+s8], $0x80, s11, s8, $0xb8;
	[tilespmem:$0xC400] =	vst v63  }
0x16: {  	_ =	swait.ge [sflag:s13], $0x4000  }
0x17: {  	[sflag:s13] =	ssyncset.done $0x0  }
0x18: {  	s14 =	sadd.s32 $0x2800, s14;
	[sflag:s13] =	ssyncadd.s32 $0xFFFFC000  }
0x19: {  	[hbm4b:s14+s8] =	stream.indirect.scatter [tilespmem:s9], [sflag:$0x2], $0x80, s7, s8, $0xb8;
	[tilespmem:$0xC400] =	vst v63  }
0x1a: {  	_ =	swait.ge [sflag:s13], $0x4000  }
0x1b: {  	[sflag:s13] =	ssyncset.done $0x0  }
0x1c: {  	s15 =	simm.s32 $0x280;
	[sflag:s13] =	ssyncadd.s32 $0xFFFFC000  }
0x1d: {  	[hbm4b:s14+s8] =	stream.indirect.scatter [tilespmem:s10], [sflag:$0x2], $0x80, s15, s8, $0xb8;
	[tilespmem:$0xC400] =	vst v63  }
0x1e: {  	_ =	swait.ge [sflag:s13], $0x4000  }
0x1f: {  	s17 =	ssub.s32 $0x2, s17;
	[sflag:s13] =	ssyncset.done $0x0  }
0x20: {  	s16 =	simm.s32 $0x300;
	s18 =	sshrl.u32 s17, $0x1;
	[sflag:s13] =	ssyncadd.s32 $0xFFFFC000  }
0x21: {  	[hbm4b:s14+s8] =	stream.indirect.scatter [tilespmem:s12], [sflag:$0x2], $0x80, s16, s8, $0xb8;
	[tilespmem:$0xC400] =	vst v63  }
0x22: {  	s17 =	ssub.s32 s17, s18;
	_ =	swait.ge [sflag:s6], $0x4000  }
0x23: {  	s17 =	smax.u32 s17, $0x1;
	[sflag:s6] =	ssyncset.done $0x0  }
0x24: {  	p0 =	sne.s32 s17, $0x1;
	[sflag:s6] =	ssyncadd.s32 $0xFFFFC000  }
.Ltmp0:
0x25: {  	_ =	swait.ge [sflag:s6], $0x4000;
	(pc) =	sbr.rel @!p0 .LBB2_2-.Ltmp0, $4  }
0x26: {  	[sflag:s6] =	ssyncset.done $0x0  }
0x27: {  	[sflag:s6] =	ssyncadd.s32 $0xFFFFC000  }
0x28: {  	_ =	swait.ge [sflag:s6], $0x4000  }
0x29: {  	s17 =	sadd.s32 $0xFFFFFFFF, s17;
	[sflag:s6] =	ssyncset.done $0x0  }
.LBB2_1:
0x2a: {  	p0 =	sne.s32 s17, $0x1;
	s17 =	sadd.s32 $0xFFFFFFFF, s17;
	[sflag:s6] =	ssyncadd.s32 $0xFFFFC000  }
0x2b: {  	[tilespmem:s3], [sflag:$0x2] =	stream.linear.gather [hbm4b:s4+s3], $0x180, $0x38;
	[tilespmem:$0xC400] =	vst v63  }
0x2c: {  	_ = 	snop  }
0x2d: {  	[tilespmem:s7], [sflag:$0x2] =	stream.linear.gather [hbm4b:s5+s3], $0x180, $0x38;
	[tilespmem:$0xC400] =	vst v63  }
0x2e: {  	_ =	swait.ge [sflag:s6], $0x180  }
0x2f: {  	[sflag:s6] =	ssyncset.done $0x0  }
0x30: {  	[sflag:s6] =	ssyncadd.s32 $0xFFFFFE80  }
0x31: {  	_ =	swait.ge [sflag:s6], $0x180  }
0x32: {  	[sflag:s6] =	ssyncset.done $0x0  }
0x33: {  	[sflag:s6] =	ssyncadd.s32 $0xFFFFFE80  }
0x34: {  	[tilespmem:s9], [sflag:$0x1] =	stream.indirect.gather [hbm4b:s2+s8], $0x80, s3, s8, $0xb8;
	[tilespmem:$0xC400] =	vst v63  }
0x35: {  	_ = 	snop  }
0x36: {  	[tilespmem:s10], [sflag:$0x1] =	stream.indirect.gather [hbm4b:s2+s8], $0x80, s8, s8, $0xb8;
	[tilespmem:$0xC400] =	vst v63  }
0x37: {  	_ = 	snop  }
0x38: {  	[tilespmem:s12], [sflag:$0x1] =	stream.indirect.gather [hbm4b:s2+s8], $0x80, s11, s8, $0xb8;
	[tilespmem:$0xC400] =	vst v63  }
0x39: {  	_ =	swait.ge [sflag:s13], $0x4000  }
0x3a: {  	[sflag:s13] =	ssyncset.done $0x0  }
0x3b: {  	[sflag:s13] =	ssyncadd.s32 $0xFFFFC000  }
0x3c: {  	[hbm4b:s14+s8] =	stream.indirect.scatter [tilespmem:s9], [sflag:$0x2], $0x80, s7, s8, $0xb8;
	[tilespmem:$0xC400] =	vst v63  }
0x3d: {  	_ =	swait.ge [sflag:s13], $0x4000  }
0x3e: {  	[sflag:s13] =	ssyncset.done $0x0  }
0x3f: {  	[sflag:s13] =	ssyncadd.s32 $0xFFFFC000  }
0x40: {  	[hbm4b:s14+s8] =	stream.indirect.scatter [tilespmem:s10], [sflag:$0x2], $0x80, s15, s8, $0xb8;
	[tilespmem:$0xC400] =	vst v63  }
0x41: {  	_ =	swait.ge [sflag:s13], $0x4000  }
0x42: {  	[sflag:s13] =	ssyncset.done $0x0  }
0x43: {  	[sflag:s13] =	ssyncadd.s32 $0xFFFFC000  }
0x44: {  	[hbm4b:s14+s8] =	stream.indirect.scatter [tilespmem:s12], [sflag:$0x2], $0x80, s16, s8, $0xb8;
	[tilespmem:$0xC400] =	vst v63  }
0x45: {  	_ =	swait.ge [sflag:s6], $0x4000  }
0x46: {  	[sflag:s6] =	ssyncset.done $0x0  }
0x47: {  	[sflag:s6] =	ssyncadd.s32 $0xFFFFC000  }
.Ltmp1:
0x48: {  	_ =	swait.ge [sflag:s6], $0x4000;
	(pc) =	sbr.rel @p0 .LBB2_1-.Ltmp1, $4  }
0x49: {  	[sflag:s6] =	ssyncset.done $0x0  }
0x4a: {  	[sflag:s6] =	ssyncadd.s32 $0xFFFFC000  }
0x4b: {  	_ =	swait.ge [sflag:s6], $0x4000  }
0x4c: {  	[sflag:s6] =	ssyncset.done $0x0  }
.LBB2_2:
0x4d: {  	[sflag:s6] =	ssyncadd.s32 $0xFFFFC000  }
0x4e: {  	_ =	sfence.sel $0x180000  }
0x4f: {  	[bflag:$0x0] =	sbarrier.arrive $0xFFFF  }
0x50: {  	p0 =	sne.s32 s1, $0x0;
	_ =	strace $0x90000047  }
0x51: {  	s0 =	sadd.s32 @!p0 $0x100000, s0;
	[bflag:$0x2] =	sbarrier.arrive $0xFFFF  }
0x52: {  	[sflag:s0] =	ssyncadd.tile.s32 @!p0 $0x1;
	_ =	shalt  }
.Lfunc_end2:
_tile_overlayer_lowered:
.L_overlay_start_2:
0x53: {  	(tag) =	ssettag $0x2  }
0x54: {  	s0 =	rddreg [dreg:$0x0];
	s2 =	stileid.u32  }
0x55: {  	s1 =	rddreg [dreg:$0x1];
	p0 =	sne.s32 s2, $0x0  }
0x56: {  	s3 =	rddreg [dreg:$0x2];
	[bflag:$0x3] =	sbarrier.arrive $0xFFFF;
	s2 =	simm.s32 @!p0 $0x1C03  }
0x57: {  	[timem:s3], [sflag:s2] =	dma.local @!p0 [hbm:s0], s1  }
0x58: {  	s0 =	simm.s32 @!p0 $0x3  }
0x59: {  	_ =	swait.ge @!p0 [sflag:s0], s1  }
0x5a: {  	s1 =	ssub.s32 @!p0 $0x0, s1;
	[sflag:s0] =	ssyncset.done @!p0 $0x0  }
0x5b: {  	[sflag:s0] =	ssyncadd.s32 @!p0 s1  }
0x5c: {  	[bflag:$0x3] =	sbarrier.arrive $0xFFFF  }
0x5d: {  	_ =	shalt  }

</sc_bundles>
